<compile_context>
chip_gen: v7x
topology: tpu7x:2x2x1
jax: 0.10.2.dev20260603
libtpu: 0.0.44.dev20260713+nightly
codegen_flags: <defaults>
</compile_context>

<pallas_src>
import functools

import jax
import jax.numpy as jnp
from jax import lax
from jax.experimental import pallas as pl
from jax.experimental.pallas import tpu as pltpu
from jax.experimental.pallas import tpu_sc as plsc

B, S, NODE, DEP, REL, L, K = 8, 2048, 128, 64, 48, 8, 128
CAT = NODE + DEP
RD = REL * DEP
BK = B * K
NW = 32
EPW = BK // NW

_mesh = plsc.VectorSubcoreMesh(
    core_axis_name="c", subcore_axis_name="s", num_cores=2, num_subcores=16)


def _wid():
    return lax.axis_index("s") * 2 + lax.axis_index("c")


@functools.partial(
    pl.kernel,
    out_type=[jax.ShapeDtypeStruct((BK, NODE), jnp.float32),
              jax.ShapeDtypeStruct((BK, NODE), jnp.float32)],
    mesh=_mesh,
    scratch_types=[pltpu.VMEM((EPW,), jnp.int32),
                   pltpu.VMEM((EPW,), jnp.int32),
                   pltpu.VMEM((EPW, NODE), jnp.float32),
                   pltpu.VMEM((EPW, NODE), jnp.float32),
                   pltpu.SemaphoreType.DMA],
)
def _sc_gather(t_hbm, ctx_hbm, child_hbm, ctxt_out, cht_out,
               t_v, idx_v, crow_v, hrow_v, sem):
    w = _wid()
    base = w * EPW
    b = w // (K // EPW)
    pltpu.sync_copy(t_hbm.at[pl.ds(base, EPW)], t_v)
    for j in range(EPW // 16):
        t16 = t_v[pl.ds(j * 16, 16)]
        idx_v[pl.ds(j * 16, 16)] = t16 + b * S
    pltpu.async_copy(ctx_hbm.at[idx_v], crow_v, sem).wait()
    pltpu.async_copy(child_hbm.at[idx_v], hrow_v, sem).wait()
    pltpu.sync_copy(crow_v, ctxt_out.at[pl.ds(base, EPW)])
    pltpu.sync_copy(hrow_v, cht_out.at[pl.ds(base, EPW)])


@functools.partial(
    pl.kernel,
    out_type=[],
    mesh=_mesh,
    scratch_types=[pltpu.VMEM((EPW,), jnp.int32),
                   pltpu.VMEM((EPW,), jnp.int32),
                   pltpu.VMEM((EPW, NODE), jnp.float32),
                   pltpu.SemaphoreType.DMA],
)
def _sc_scatter(h_hbm, msg_hbm, child_hbm, h_v, idx_v, m_v, sem):
    w = _wid()
    base = w * EPW
    b = w // (K // EPW)
    pltpu.sync_copy(h_hbm.at[pl.ds(base, EPW)], h_v)
    pltpu.sync_copy(msg_hbm.at[pl.ds(base, EPW)], m_v)
    for j in range(EPW // 16):
        h16 = h_v[pl.ds(j * 16, 16)]
        idx_v[pl.ds(j * 16, 16)] = h16 + b * S
    pltpu.async_copy(m_v, child_hbm.at[idx_v], sem).wait()


def _tc_body(ctxt_ref, cht_ref, rcol_ref, w_ref, msg_ref):
    rel_of_col = jax.lax.broadcasted_iota(jnp.int32, (BK, RD), 1) // DEP
    blocksum = ((jax.lax.broadcasted_iota(jnp.int32, (RD, NODE), 0) % DEP
                 == jax.lax.broadcasted_iota(jnp.int32, (RD, NODE), 1))
                & (jax.lax.broadcasted_iota(jnp.int32, (RD, NODE), 1) < DEP)
                ).astype(jnp.float32)
    p = (jnp.dot(ctxt_ref[...], w_ref[:NODE, :],
                 preferred_element_type=jnp.float32)
         + jnp.dot(cht_ref[...], w_ref[NODE:, :],
                   preferred_element_type=jnp.float32))
    pm = jnp.where(rel_of_col == rcol_ref[...], p, 0.0)
    msg_ref[...] = jnp.dot(pm, blocksum, preferred_element_type=jnp.float32)


_tc_compute = pl.pallas_call(
    _tc_body,
    in_specs=[pl.BlockSpec((BK, NODE), lambda: (0, 0)),
              pl.BlockSpec((BK, NODE), lambda: (0, 0)),
              pl.BlockSpec((BK, 1), lambda: (0, 0)),
              pl.BlockSpec((2 * NODE, RD), lambda: (0, 0))],
    out_specs=pl.BlockSpec((BK, NODE), lambda: (0, 0)),
    out_shape=jax.ShapeDtypeStruct((BK, NODE), jnp.float32),
)


def kernel(context, heads, tails, rels, dep_W):
    f32 = jnp.float32
    wflat = dep_W.reshape(RD, CAT).T
    w_pad = jnp.concatenate([wflat, jnp.zeros((DEP, RD), f32)], axis=0)
    tails_el = tails.transpose(0, 2, 1).reshape(BK, L)
    heads_el = heads.transpose(0, 2, 1).reshape(BK, L)
    rels_el = rels.transpose(0, 2, 1).reshape(BK, L)

    ctx_tab = context.reshape(B * S, NODE)
    child0 = jnp.zeros((B * S, NODE), f32)

    def run(child0, ctx_tab, tails_el, heads_el, rels_el, w_pad):
        child = jax.new_ref(child0)
        for l in range(L - 1, -1, -1):
            ctxt, cht = _sc_gather(tails_el[:, l], ctx_tab, child)
            msg = _tc_compute(ctxt, cht, rels_el[:, l:l + 1], w_pad)
            _sc_scatter(heads_el[:, l], msg, child)
        return child[...]

    child_fin = jax.jit(run)(child0, ctx_tab, tails_el, heads_el, rels_el,
                             w_pad)
    return jnp.concatenate(
        [context, child_fin[:, :DEP].reshape(B, S, DEP)], axis=-1)

# --- scband reference (transcript-rebuilt; emitter-appended) ---
"""Pipeline reference for scband-dep-st-rnn-56160992362627 (READ-ONLY COPY).

The authoritative reference and input builder live on the scoring server;
editing this copy changes nothing except your own understanding.
"""

import jax, jax.numpy as jnp
import numpy as np

B, S, NODE, DEP, REL, L, K = 8, 2048, 128, 64, 48, 8, 128


def setup_inputs(seed: int = 0) -> dict:
    key = jax.random.key(seed)
    k1, k2, k3, k4, k5 = jax.random.split(key, 5)
    context = jax.random.normal(k1, (B, S, NODE), dtype=jnp.float32)
    # heads are unique within each (batch, layer) so the original's
    # overwrite-then-normalize semantics are well defined
    pk = jax.random.split(k2, B * L)
    heads = jax.vmap(lambda k: jax.random.permutation(k, S)[:K])(pk).reshape(B, L, K)
    tails = jax.random.randint(k3, (B, L, K), 0, S)
    rels = jax.random.randint(k4, (B, L, K), 0, REL)
    # learned params: one [dep_size, node_size+dep_size] matrix per relation (torch.rand init)
    dep_W = jax.random.uniform(k5, (REL, DEP, NODE + DEP), dtype=jnp.float32)
    return {"context": context, "heads": heads, "tails": tails, "rels": rels, "dep_W": dep_W}


def reference(context, heads, tails, rels, dep_W):
    Bv, Sv, _ = context.shape
    Lv = heads.shape[1]
    dep = dep_W.shape[1]
    child = jnp.zeros((Bv, Sv, dep), dtype=context.dtype)
    b_idx = jnp.arange(Bv)[:, None]
    # process tree layers from deepest to shallowest (matches range(len(tree), 0, -1))
    for layer in range(Lv - 1, -1, -1):
        h = heads[:, layer]  # [B, K]
        t = tails[:, layer]
        r = rels[:, layer]
        # gather tail node context and accumulated child state
        ctx_t = jnp.take_along_axis(context, t[:, :, None], axis=1)  # [B, K, NODE]
        ch_t = jnp.take_along_axis(child, t[:, :, None], axis=1)     # [B, K, DEP]
        cat = jnp.concatenate([ctx_t, ch_t], axis=-1)                # [B, K, NODE+DEP]
        # gather per-relation weight and compute sum(W[rel] * cat, dim=1) == matvec
        W = jnp.take(dep_W, r, axis=0)                               # [B, K, DEP, NODE+DEP]
        msg = jnp.einsum('bkdc,bkc->bkd', W, cat)                    # [B, K, DEP]
        # scatter-overwrite into child at head positions
        child = child.at[b_idx, h].set(msg)
        # divide updated heads by the number of children seen this layer
        counts = jnp.zeros((Bv, Sv), dtype=jnp.int32).at[b_idx, h].add(1)
        child = child / jnp.maximum(counts, 1)[..., None].astype(child.dtype)
    return jnp.concatenate([context, child], axis=-1)

if __name__ == "__main__":
    import jax
    _d = setup_inputs()
    print(jax.jit(kernel)(*tuple(_d.values())))

</pallas_src>

<mosaic_0001>
#map = affine_map<(d0, d1) -> (0)>
#map1 = affine_map<(d0, d1) -> (0, 0)>
module attributes {stable_mosaic.version = 14 : i64} {
  func.func @new_body(%arg0: i32, %arg1: i32, %arg2: memref<1024xi32, #tpu.memory_space<hbm>>, %arg3: memref<1024x128xf32, #tpu.memory_space<hbm>>, %arg4: memref<16384x128xf32, #tpu.memory_space<hbm>>, %arg5: memref<16384x128xf32, #tpu.memory_space<hbm>>, %arg6: memref<32xi32, #tpu.memory_space<vmem>>, %arg7: memref<32xi32, #tpu.memory_space<vmem>>, %arg8: memref<32x128xf32, #tpu.memory_space<vmem>>, %arg9: memref<!tpu.dma_semaphore, #tpu.memory_space<semaphore_mem>>) attributes {dimension_semantics = [#tpu.dimension_semantics<core_parallel>, #tpu.dimension_semantics<subcore_parallel>], iteration_bounds = array<i64: 2, 16>, scalar_prefetch = 0 : i64, scratch_operands = 4 : i64, tpu.core_type = #tpu.core_type<sc_vector_subcore>, window_params = [{transform_indices = #map}, {transform_indices = #map1}, {transform_indices = #map1}, {transform_indices = #map1}]} {
    %mul3A = arith.constant 2 : i32
    %mul3A_0 = arith.muli %arg1, %mul3A : i32
    %add3A = arith.addi %mul3A_0, %arg0 : i32
    %mul3A_1 = arith.constant 32 : i32
    %mul3A_2 = arith.muli %add3A, %mul3A_1 : i32
    %jit3A = arith.constant 4 : i32
    %div3A = arith.divsi %add3A, %jit3A : i32
    %sign3A = arith.constant 0 : i32
    %sign3A_3 = arith.cmpi sgt, %add3A, %sign3A : i32
    %sign3A_4 = arith.extui %sign3A_3 : i1 to i32
    %sign3A_5 = arith.constant 0 : i32
    %sign3A_6 = arith.cmpi slt, %add3A, %sign3A_5 : i32
    %sign3A_7 = arith.extui %sign3A_6 : i1 to i32
    %sign3A_8 = arith.subi %sign3A_4, %sign3A_7 : i32
    %sign3A_9 = arith.constant 0 : i32
    %sign3A_10 = arith.cmpi sgt, %jit3A, %sign3A_9 : i32
    %sign3A_11 = arith.extui %sign3A_10 : i1 to i32
    %sign3A_12 = arith.constant 0 : i32
    %sign3A_13 = arith.cmpi slt, %jit3A, %sign3A_12 : i32
    %sign3A_14 = arith.extui %sign3A_13 : i1 to i32
    %sign3A_15 = arith.subi %sign3A_11, %sign3A_14 : i32
    %ne3A = arith.cmpi ne, %sign3A_8, %sign3A_15 : i32
    %rem3A = arith.remsi %add3A, %jit3A : i32
    %ne3A_16 = arith.constant 0 : i32
    %ne3A_17 = arith.cmpi ne, %rem3A, %ne3A_16 : i32
    %and3A = arith.andi %ne3A, %ne3A_17 : i1
    %sub3A = arith.constant 1 : i32
    %sub3A_18 = arith.subi %div3A, %sub3A : i32
    %select_n3A = arith.select %and3A, %sub3A_18, %div3A : i32
    "tpu.region"() ({
      %run_scoped3A = tpu.sem_alloc : memref<!tpu.dma_semaphore, #tpu.memory_space<semaphore_mem>>
      %dma_start3A_43 = tpu.memref_slice %arg2[%mul3A_2] : memref<1024xi32, #tpu.memory_space<hbm>> -> memref<32xi32, #tpu.memory_space<hbm>>
      %dma_start3A_44 = tpu.memref_slice %arg2[%mul3A_2] : memref<1024xi32, #tpu.memory_space<hbm>> -> memref<32xi32, #tpu.memory_space<hbm>>
      tpu.enqueue_dma source(%dma_start3A_44 : memref<32xi32, #tpu.memory_space<hbm>>) target(%arg6 : memref<32xi32, #tpu.memory_space<vmem>>) target_semaphore(%run_scoped3A : memref<!tpu.dma_semaphore, #tpu.memory_space<semaphore_mem>>)
      %dma_wait3A_45 = tpu.memref_slice %arg2[%mul3A_2] : memref<1024xi32, #tpu.memory_space<hbm>> -> memref<32xi32, #tpu.memory_space<hbm>>
      %dma_wait3A_46 = tpu.memref_slice %arg2[%mul3A_2] : memref<1024xi32, #tpu.memory_space<hbm>> -> memref<32xi32, #tpu.memory_space<hbm>>
      tpu.wait_dma2 semaphore(%run_scoped3A : memref<!tpu.dma_semaphore, #tpu.memory_space<semaphore_mem>>) src(%dma_wait3A_46 : memref<32xi32, #tpu.memory_space<hbm>>) dst(%arg6 : memref<32xi32, #tpu.memory_space<vmem>>)
      tpu.yield
    }) : () -> ()
    "tpu.region"() ({
      %run_scoped3A = tpu.sem_alloc : memref<!tpu.dma_semaphore, #tpu.memory_space<semaphore_mem>>
      %dma_start3A_43 = arith.constant 0 : i32
      %dma_start3A_44 = tpu.memref_slice %arg3[%mul3A_2, %dma_start3A_43] : memref<1024x128xf32, #tpu.memory_space<hbm>> -> memref<32x128xf32, #tpu.memory_space<hbm>>
      %dma_start3A_45 = arith.constant 0 : i32
      %dma_start3A_46 = tpu.memref_slice %arg3[%mul3A_2, %dma_start3A_45] : memref<1024x128xf32, #tpu.memory_space<hbm>> -> memref<32x128xf32, #tpu.memory_space<hbm>>
      tpu.enqueue_dma source(%dma_start3A_46 : memref<32x128xf32, #tpu.memory_space<hbm>>) target(%arg8 : memref<32x128xf32, #tpu.memory_space<vmem>>) target_semaphore(%run_scoped3A : memref<!tpu.dma_semaphore, #tpu.memory_space<semaphore_mem>>)
      %dma_wait3A_47 = arith.constant 0 : i32
      %dma_wait3A_48 = tpu.memref_slice %arg3[%mul3A_2, %dma_wait3A_47] : memref<1024x128xf32, #tpu.memory_space<hbm>> -> memref<32x128xf32, #tpu.memory_space<hbm>>
      %dma_wait3A_49 = arith.constant 0 : i32
      %dma_wait3A_50 = tpu.memref_slice %arg3[%mul3A_2, %dma_wait3A_49] : memref<1024x128xf32, #tpu.memory_space<hbm>> -> memref<32x128xf32, #tpu.memory_space<hbm>>
      tpu.wait_dma2 semaphore(%run_scoped3A : memref<!tpu.dma_semaphore, #tpu.memory_space<semaphore_mem>>) src(%dma_wait3A_50 : memref<32x128xf32, #tpu.memory_space<hbm>>) dst(%arg8 : memref<32x128xf32, #tpu.memory_space<vmem>>)
      tpu.yield
    }) : () -> ()
    %get3A = arith.constant 0 : index
    %get3A_19 = tpu.vector_load %arg6[%get3A] {strides = array<i32>} : memref<32xi32, #tpu.memory_space<vmem>>, vector<16xi32>,
    %get3A_20 = vector.shape_cast %get3A_19 : vector<16xi32> to vector<16xi32>
    %mul3A_21 = arith.constant 2048 : i32
    %mul3A_22 = arith.muli %select_n3A, %mul3A_21 : i32
    %add3A_23 = vector.broadcast %mul3A_22 : i32 to vector<16xi32>
    %add3A_24 = arith.addi %get3A_20, %add3A_23 : vector<16xi32>
    %swap3A = arith.constant 0 : index
    %swap3A_25 = tpu.vector_load %arg7[%swap3A] {strides = array<i32>} : memref<32xi32, #tpu.memory_space<vmem>>, vector<16xi32>,
    %swap3A_26 = vector.shape_cast %swap3A_25 : vector<16xi32> to vector<16xi32>
    %swap3A_27 = vector.shape_cast %add3A_24 : vector<16xi32> to vector<16xi32>
    tpu.vector_store %arg7[%swap3A], %swap3A_27 {strides = array<i32>} : memref<32xi32, #tpu.memory_space<vmem>>, vector<16xi32>,
    %get3A_28 = arith.constant 16 : index
    %get3A_29 = tpu.vector_load %arg6[%get3A_28] {strides = array<i32>} : memref<32xi32, #tpu.memory_space<vmem>>, vector<16xi32>,
    %get3A_30 = vector.shape_cast %get3A_29 : vector<16xi32> to vector<16xi32>
    %mul3A_31 = arith.constant 2048 : i32
    %mul3A_32 = arith.muli %select_n3A, %mul3A_31 : i32
    %add3A_33 = vector.broadcast %mul3A_32 : i32 to vector<16xi32>
    %add3A_34 = arith.addi %get3A_30, %add3A_33 : vector<16xi32>
    %swap3A_35 = arith.constant 16 : index
    %swap3A_36 = tpu.vector_load %arg7[%swap3A_35] {strides = array<i32>} : memref<32xi32, #tpu.memory_space<vmem>>, vector<16xi32>,
    %swap3A_37 = vector.shape_cast %swap3A_36 : vector<16xi32> to vector<16xi32>
    %swap3A_38 = vector.shape_cast %add3A_34 : vector<16xi32> to vector<16xi32>
    tpu.vector_store %arg7[%swap3A_35], %swap3A_38 {strides = array<i32>} : memref<32xi32, #tpu.memory_space<vmem>>, vector<16xi32>,
    %dma_start3A = arith.constant 0 : i32
    %dma_start3A_39 = arith.constant 0 : i32
    %dma_start3A_40 = tpu.memref_slice %arg4[%dma_start3A, %dma_start3A_39] : memref<16384x128xf32, #tpu.memory_space<hbm>> -> memref<16384x128xf32, #tpu.memory_space<hbm>>
    tpu.enqueue_indirect_dma source(%arg8 : memref<32x128xf32, #tpu.memory_space<vmem>>) target(%dma_start3A_40 : memref<16384x128xf32, #tpu.memory_space<hbm>>) offsets(%arg7 : memref<32xi32, #tpu.memory_space<vmem>>) semaphore(%arg9 : memref<!tpu.dma_semaphore, #tpu.memory_space<semaphore_mem>>)
    %dma_wait3A = arith.constant 0 : i32
    %dma_wait3A_41 = arith.constant 0 : i32
    %dma_wait3A_42 = tpu.memref_slice %arg4[%dma_wait3A, %dma_wait3A_41] : memref<16384x128xf32, #tpu.memory_space<hbm>> -> memref<16384x128xf32, #tpu.memory_space<hbm>>
    tpu.wait_indirect_dma semaphore(%arg9 : memref<!tpu.dma_semaphore, #tpu.memory_space<semaphore_mem>>) src(%arg8 : memref<32x128xf32, #tpu.memory_space<vmem>>) dst(%dma_wait3A_42 : memref<16384x128xf32, #tpu.memory_space<hbm>>)
    return
  }
}

#map = affine_map<(d0, d1) -> (0)>
#map1 = affine_map<(d0, d1) -> (0, 0)>
module attributes {stable_mosaic.version = 14 : i64} {
  func.func @new_body(%arg0: i32, %arg1: i32, %arg2: memref<1024xi32, #tpu.memory_space<hbm>>, %arg3: memref<16384x128xf32, #tpu.memory_space<hbm>>, %arg4: memref<16384x128xf32, #tpu.memory_space<hbm>>, %arg5: memref<1024x128xf32, #tpu.memory_space<hbm>>, %arg6: memref<1024x128xf32, #tpu.memory_space<hbm>>, %arg7: memref<16384x128xf32, #tpu.memory_space<hbm>>, %arg8: memref<32xi32, #tpu.memory_space<vmem>>, %arg9: memref<32xi32, #tpu.memory_space<vmem>>, %arg10: memref<32x128xf32, #tpu.memory_space<vmem>>, %arg11: memref<32x128xf32, #tpu.memory_space<vmem>>, %arg12: memref<!tpu.dma_semaphore, #tpu.memory_space<semaphore_mem>>) attributes {dimension_semantics = [#tpu.dimension_semantics<core_parallel>, #tpu.dimension_semantics<subcore_parallel>], iteration_bounds = array<i64: 2, 16>, scalar_prefetch = 0 : i64, scratch_operands = 5 : i64, tpu.core_type = #tpu.core_type<sc_vector_subcore>, window_params = [{transform_indices = #map}, {transform_indices = #map1}, {transform_indices = #map1}, {transform_indices = #map1}, {transform_indices = #map1}, {transform_indices = #map1}]} {
    %mul3A = arith.constant 2 : i32
    %mul3A_0 = arith.muli %arg1, %mul3A : i32
    %add3A = arith.addi %mul3A_0, %arg0 : i32
    %mul3A_1 = arith.constant 32 : i32
    %mul3A_2 = arith.muli %add3A, %mul3A_1 : i32
    %jit3A = arith.constant 4 : i32
    %div3A = arith.divsi %add3A, %jit3A : i32
    %sign3A = arith.constant 0 : i32
    %sign3A_3 = arith.cmpi sgt, %add3A, %sign3A : i32
    %sign3A_4 = arith.extui %sign3A_3 : i1 to i32
    %sign3A_5 = arith.constant 0 : i32
    %sign3A_6 = arith.cmpi slt, %add3A, %sign3A_5 : i32
    %sign3A_7 = arith.extui %sign3A_6 : i1 to i32
    %sign3A_8 = arith.subi %sign3A_4, %sign3A_7 : i32
    %sign3A_9 = arith.constant 0 : i32
    %sign3A_10 = arith.cmpi sgt, %jit3A, %sign3A_9 : i32
    %sign3A_11 = arith.extui %sign3A_10 : i1 to i32
    %sign3A_12 = arith.constant 0 : i32
    %sign3A_13 = arith.cmpi slt, %jit3A, %sign3A_12 : i32
    %sign3A_14 = arith.extui %sign3A_13 : i1 to i32
    %sign3A_15 = arith.subi %sign3A_11, %sign3A_14 : i32
    %ne3A = arith.cmpi ne, %sign3A_8, %sign3A_15 : i32
    %rem3A = arith.remsi %add3A, %jit3A : i32
    %ne3A_16 = arith.constant 0 : i32
    %ne3A_17 = arith.cmpi ne, %rem3A, %ne3A_16 : i32
    %and3A = arith.andi %ne3A, %ne3A_17 : i1
    %sub3A = arith.constant 1 : i32
    %sub3A_18 = arith.subi %div3A, %sub3A : i32
    %select_n3A = arith.select %and3A, %sub3A_18, %div3A : i32
    "tpu.region"() ({
      %run_scoped3A = tpu.sem_alloc : memref<!tpu.dma_semaphore, #tpu.memory_space<semaphore_mem>>
      %dma_start3A_49 = tpu.memref_slice %arg2[%mul3A_2] : memref<1024xi32, #tpu.memory_space<hbm>> -> memref<32xi32, #tpu.memory_space<hbm>>
      %dma_start3A_50 = tpu.memref_slice %arg2[%mul3A_2] : memref<1024xi32, #tpu.memory_space<hbm>> -> memref<32xi32, #tpu.memory_space<hbm>>
      tpu.enqueue_dma source(%dma_start3A_50 : memref<32xi32, #tpu.memory_space<hbm>>) target(%arg8 : memref<32xi32, #tpu.memory_space<vmem>>) target_semaphore(%run_scoped3A : memref<!tpu.dma_semaphore, #tpu.memory_space<semaphore_mem>>)
      %dma_wait3A_51 = tpu.memref_slice %arg2[%mul3A_2] : memref<1024xi32, #tpu.memory_space<hbm>> -> memref<32xi32, #tpu.memory_space<hbm>>
      %dma_wait3A_52 = tpu.memref_slice %arg2[%mul3A_2] : memref<1024xi32, #tpu.memory_space<hbm>> -> memref<32xi32, #tpu.memory_space<hbm>>
      tpu.wait_dma2 semaphore(%run_scoped3A : memref<!tpu.dma_semaphore, #tpu.memory_space<semaphore_mem>>) src(%dma_wait3A_52 : memref<32xi32, #tpu.memory_space<hbm>>) dst(%arg8 : memref<32xi32, #tpu.memory_space<vmem>>)
      tpu.yield
    }) : () -> ()
    %get3A = arith.constant 0 : index
    %get3A_19 = tpu.vector_load %arg8[%get3A] {strides = array<i32>} : memref<32xi32, #tpu.memory_space<vmem>>, vector<16xi32>,
    %get3A_20 = vector.shape_cast %get3A_19 : vector<16xi32> to vector<16xi32>
    %mul3A_21 = arith.constant 2048 : i32
    %mul3A_22 = arith.muli %select_n3A, %mul3A_21 : i32
    %add3A_23 = vector.broadcast %mul3A_22 : i32 to vector<16xi32>
    %add3A_24 = arith.addi %get3A_20, %add3A_23 : vector<16xi32>
    %swap3A = arith.constant 0 : index
    %swap3A_25 = tpu.vector_load %arg9[%swap3A] {strides = array<i32>} : memref<32xi32, #tpu.memory_space<vmem>>, vector<16xi32>,
    %swap3A_26 = vector.shape_cast %swap3A_25 : vector<16xi32> to vector<16xi32>
    %swap3A_27 = vector.shape_cast %add3A_24 : vector<16xi32> to vector<16xi32>
    tpu.vector_store %arg9[%swap3A], %swap3A_27 {strides = array<i32>} : memref<32xi32, #tpu.memory_space<vmem>>, vector<16xi32>,
    %get3A_28 = arith.constant 16 : index
    %get3A_29 = tpu.vector_load %arg8[%get3A_28] {strides = array<i32>} : memref<32xi32, #tpu.memory_space<vmem>>, vector<16xi32>,
    %get3A_30 = vector.shape_cast %get3A_29 : vector<16xi32> to vector<16xi32>
    %mul3A_31 = arith.constant 2048 : i32
    %mul3A_32 = arith.muli %select_n3A, %mul3A_31 : i32
    %add3A_33 = vector.broadcast %mul3A_32 : i32 to vector<16xi32>
    %add3A_34 = arith.addi %get3A_30, %add3A_33 : vector<16xi32>
    %swap3A_35 = arith.constant 16 : index
    %swap3A_36 = tpu.vector_load %arg9[%swap3A_35] {strides = array<i32>} : memref<32xi32, #tpu.memory_space<vmem>>, vector<16xi32>,
    %swap3A_37 = vector.shape_cast %swap3A_36 : vector<16xi32> to vector<16xi32>
    %swap3A_38 = vector.shape_cast %add3A_34 : vector<16xi32> to vector<16xi32>
    tpu.vector_store %arg9[%swap3A_35], %swap3A_38 {strides = array<i32>} : memref<32xi32, #tpu.memory_space<vmem>>, vector<16xi32>,
    %dma_start3A = arith.constant 0 : i32
    %dma_start3A_39 = arith.constant 0 : i32
    %dma_start3A_40 = tpu.memref_slice %arg3[%dma_start3A, %dma_start3A_39] : memref<16384x128xf32, #tpu.memory_space<hbm>> -> memref<16384x128xf32, #tpu.memory_space<hbm>>
    tpu.enqueue_indirect_dma source(%dma_start3A_40 : memref<16384x128xf32, #tpu.memory_space<hbm>>) target(%arg10 : memref<32x128xf32, #tpu.memory_space<vmem>>) offsets(%arg9 : memref<32xi32, #tpu.memory_space<vmem>>) semaphore(%arg12 : memref<!tpu.dma_semaphore, #tpu.memory_space<semaphore_mem>>)
    %dma_wait3A = arith.constant 0 : i32
    %dma_wait3A_41 = arith.constant 0 : i32
    %dma_wait3A_42 = tpu.memref_slice %arg3[%dma_wait3A, %dma_wait3A_41] : memref<16384x128xf32, #tpu.memory_space<hbm>> -> memref<16384x128xf32, #tpu.memory_space<hbm>>
    tpu.wait_indirect_dma semaphore(%arg12 : memref<!tpu.dma_semaphore, #tpu.memory_space<semaphore_mem>>) src(%dma_wait3A_42 : memref<16384x128xf32, #tpu.memory_space<hbm>>) dst(%arg10 : memref<32x128xf32, #tpu.memory_space<vmem>>)
    %dma_start3A_43 = arith.constant 0 : i32
    %dma_start3A_44 = arith.constant 0 : i32
    %dma_start3A_45 = tpu.memref_slice %arg4[%dma_start3A_43, %dma_start3A_44] : memref<16384x128xf32, #tpu.memory_space<hbm>> -> memref<16384x128xf32, #tpu.memory_space<hbm>>
    tpu.enqueue_indirect_dma source(%dma_start3A_45 : memref<16384x128xf32, #tpu.memory_space<hbm>>) target(%arg11 : memref<32x128xf32, #tpu.memory_space<vmem>>) offsets(%arg9 : memref<32xi32, #tpu.memory_space<vmem>>) semaphore(%arg12 : memref<!tpu.dma_semaphore, #tpu.memory_space<semaphore_mem>>)
    %dma_wait3A_46 = arith.constant 0 : i32
    %dma_wait3A_47 = arith.constant 0 : i32
    %dma_wait3A_48 = tpu.memref_slice %arg4[%dma_wait3A_46, %dma_wait3A_47] : memref<16384x128xf32, #tpu.memory_space<hbm>> -> memref<16384x128xf32, #tpu.memory_space<hbm>>
    tpu.wait_indirect_dma semaphore(%arg12 : memref<!tpu.dma_semaphore, #tpu.memory_space<semaphore_mem>>) src(%dma_wait3A_48 : memref<16384x128xf32, #tpu.memory_space<hbm>>) dst(%arg11 : memref<32x128xf32, #tpu.memory_space<vmem>>)
    "tpu.region"() ({
      %run_scoped3A = tpu.sem_alloc : memref<!tpu.dma_semaphore, #tpu.memory_space<semaphore_mem>>
      %dma_start3A_49 = arith.constant 0 : i32
      %dma_start3A_50 = tpu.memref_slice %arg5[%mul3A_2, %dma_start3A_49] : memref<1024x128xf32, #tpu.memory_space<hbm>> -> memref<32x128xf32, #tpu.memory_space<hbm>>
      %dma_start3A_51 = arith.constant 0 : i32
      %dma_start3A_52 = tpu.memref_slice %arg5[%mul3A_2, %dma_start3A_51] : memref<1024x128xf32, #tpu.memory_space<hbm>> -> memref<32x128xf32, #tpu.memory_space<hbm>>
      tpu.enqueue_dma source(%arg10 : memref<32x128xf32, #tpu.memory_space<vmem>>) target(%dma_start3A_52 : memref<32x128xf32, #tpu.memory_space<hbm>>) target_semaphore(%run_scoped3A : memref<!tpu.dma_semaphore, #tpu.memory_space<semaphore_mem>>)
      %dma_wait3A_53 = arith.constant 0 : i32
      %dma_wait3A_54 = tpu.memref_slice %arg5[%mul3A_2, %dma_wait3A_53] : memref<1024x128xf32, #tpu.memory_space<hbm>> -> memref<32x128xf32, #tpu.memory_space<hbm>>
      %dma_wait3A_55 = arith.constant 0 : i32
      %dma_wait3A_56 = tpu.memref_slice %arg5[%mul3A_2, %dma_wait3A_55] : memref<1024x128xf32, #tpu.memory_space<hbm>> -> memref<32x128xf32, #tpu.memory_space<hbm>>
      tpu.wait_dma2 semaphore(%run_scoped3A : memref<!tpu.dma_semaphore, #tpu.memory_space<semaphore_mem>>) src(%arg10 : memref<32x128xf32, #tpu.memory_space<vmem>>) dst(%dma_wait3A_56 : memref<32x128xf32, #tpu.memory_space<hbm>>)
      tpu.yield
    }) : () -> ()
    "tpu.region"() ({
      %run_scoped3A = tpu.sem_alloc : memref<!tpu.dma_semaphore, #tpu.memory_space<semaphore_mem>>
      %dma_start3A_49 = arith.constant 0 : i32
      %dma_start3A_50 = tpu.memref_slice %arg6[%mul3A_2, %dma_start3A_49] : memref<1024x128xf32, #tpu.memory_space<hbm>> -> memref<32x128xf32, #tpu.memory_space<hbm>>
      %dma_start3A_51 = arith.constant 0 : i32
      %dma_start3A_52 = tpu.memref_slice %arg6[%mul3A_2, %dma_start3A_51] : memref<1024x128xf32, #tpu.memory_space<hbm>> -> memref<32x128xf32, #tpu.memory_space<hbm>>
      tpu.enqueue_dma source(%arg11 : memref<32x128xf32, #tpu.memory_space<vmem>>) target(%dma_start3A_52 : memref<32x128xf32, #tpu.memory_space<hbm>>) target_semaphore(%run_scoped3A : memref<!tpu.dma_semaphore, #tpu.memory_space<semaphore_mem>>)
      %dma_wait3A_53 = arith.constant 0 : i32
      %dma_wait3A_54 = tpu.memref_slice %arg6[%mul3A_2, %dma_wait3A_53] : memref<1024x128xf32, #tpu.memory_space<hbm>> -> memref<32x128xf32, #tpu.memory_space<hbm>>
      %dma_wait3A_55 = arith.constant 0 : i32
      %dma_wait3A_56 = tpu.memref_slice %arg6[%mul3A_2, %dma_wait3A_55] : memref<1024x128xf32, #tpu.memory_space<hbm>> -> memref<32x128xf32, #tpu.memory_space<hbm>>
      tpu.wait_dma2 semaphore(%run_scoped3A : memref<!tpu.dma_semaphore, #tpu.memory_space<semaphore_mem>>) src(%arg11 : memref<32x128xf32, #tpu.memory_space<vmem>>) dst(%dma_wait3A_56 : memref<32x128xf32, #tpu.memory_space<hbm>>)
      tpu.yield
    }) : () -> ()
    return
  }
}

#map = affine_map<(d0, d1) -> (0)>
#map1 = affine_map<(d0, d1) -> (0, 0)>
module attributes {stable_mosaic.version = 14 : i64} {
  func.func @new_body(%arg0: i32, %arg1: i32, %arg2: memref<1024xi32, #tpu.memory_space<hbm>>, %arg3: memref<16384x128xf32, #tpu.memory_space<hbm>>, %arg4: memref<16384x128xf32, #tpu.memory_space<hbm>>, %arg5: memref<1024x128xf32, #tpu.memory_space<hbm>>, %arg6: memref<1024x128xf32, #tpu.memory_space<hbm>>, %arg7: memref<16384x128xf32, #tpu.memory_space<hbm>>, %arg8: memref<32xi32, #tpu.memory_space<vmem>>, %arg9: memref<32xi32, #tpu.memory_space<vmem>>, %arg10: memref<32x128xf32, #tpu.memory_space<vmem>>, %arg11: memref<32x128xf32, #tpu.memory_space<vmem>>, %arg12: memref<!tpu.dma_semaphore, #tpu.memory_space<semaphore_mem>>) attributes {dimension_semantics = [#tpu.dimension_semantics<core_parallel>, #tpu.dimension_semantics<subcore_parallel>], iteration_bounds = array<i64: 2, 16>, scalar_prefetch = 0 : i64, scratch_operands = 5 : i64, tpu.core_type = #tpu.core_type<sc_vector_subcore>, window_params = [{transform_indices = #map}, {transform_indices = #map1}, {transform_indices = #map1}, {transform_indices = #map1}, {transform_indices = #map1}, {transform_indices = #map1}]} {
    %mul3A = arith.constant 2 : i32
    %mul3A_0 = arith.muli %arg1, %mul3A : i32
    %add3A = arith.addi %mul3A_0, %arg0 : i32
    %mul3A_1 = arith.constant 32 : i32
    %mul3A_2 = arith.muli %add3A, %mul3A_1 : i32
    %jit3A = arith.constant 4 : i32
    %div3A = arith.divsi %add3A, %jit3A : i32
    %sign3A = arith.constant 0 : i32
    %sign3A_3 = arith.cmpi sgt, %add3A, %sign3A : i32
    %sign3A_4 = arith.extui %sign3A_3 : i1 to i32
    %sign3A_5 = arith.constant 0 : i32
    %sign3A_6 = arith.cmpi slt, %add3A, %sign3A_5 : i32
    %sign3A_7 = arith.extui %sign3A_6 : i1 to i32
    %sign3A_8 = arith.subi %sign3A_4, %sign3A_7 : i32
    %sign3A_9 = arith.constant 0 : i32
    %sign3A_10 = arith.cmpi sgt, %jit3A, %sign3A_9 : i32
    %sign3A_11 = arith.extui %sign3A_10 : i1 to i32
    %sign3A_12 = arith.constant 0 : i32
    %sign3A_13 = arith.cmpi slt, %jit3A, %sign3A_12 : i32
    %sign3A_14 = arith.extui %sign3A_13 : i1 to i32
    %sign3A_15 = arith.subi %sign3A_11, %sign3A_14 : i32
    %ne3A = arith.cmpi ne, %sign3A_8, %sign3A_15 : i32
    %rem3A = arith.remsi %add3A, %jit3A : i32
    %ne3A_16 = arith.constant 0 : i32
    %ne3A_17 = arith.cmpi ne, %rem3A, %ne3A_16 : i32
    %and3A = arith.andi %ne3A, %ne3A_17 : i1
    %sub3A = arith.constant 1 : i32
    %sub3A_18 = arith.subi %div3A, %sub3A : i32
    %select_n3A = arith.select %and3A, %sub3A_18, %div3A : i32
    "tpu.region"() ({
      %run_scoped3A = tpu.sem_alloc : memref<!tpu.dma_semaphore, #tpu.memory_space<semaphore_mem>>
      %dma_start3A_49 = tpu.memref_slice %arg2[%mul3A_2] : memref<1024xi32, #tpu.memory_space<hbm>> -> memref<32xi32, #tpu.memory_space<hbm>>
      %dma_start3A_50 = tpu.memref_slice %arg2[%mul3A_2] : memref<1024xi32, #tpu.memory_space<hbm>> -> memref<32xi32, #tpu.memory_space<hbm>>
      tpu.enqueue_dma source(%dma_start3A_50 : memref<32xi32, #tpu.memory_space<hbm>>) target(%arg8 : memref<32xi32, #tpu.memory_space<vmem>>) target_semaphore(%run_scoped3A : memref<!tpu.dma_semaphore, #tpu.memory_space<semaphore_mem>>)
      %dma_wait3A_51 = tpu.memref_slice %arg2[%mul3A_2] : memref<1024xi32, #tpu.memory_space<hbm>> -> memref<32xi32, #tpu.memory_space<hbm>>
      %dma_wait3A_52 = tpu.memref_slice %arg2[%mul3A_2] : memref<1024xi32, #tpu.memory_space<hbm>> -> memref<32xi32, #tpu.memory_space<hbm>>
      tpu.wait_dma2 semaphore(%run_scoped3A : memref<!tpu.dma_semaphore, #tpu.memory_space<semaphore_mem>>) src(%dma_wait3A_52 : memref<32xi32, #tpu.memory_space<hbm>>) dst(%arg8 : memref<32xi32, #tpu.memory_space<vmem>>)
      tpu.yield
    }) : () -> ()
    %get3A = arith.constant 0 : index
    %get3A_19 = tpu.vector_load %arg8[%get3A] {strides = array<i32>} : memref<32xi32, #tpu.memory_space<vmem>>, vector<16xi32>,
    %get3A_20 = vector.shape_cast %get3A_19 : vector<16xi32> to vector<16xi32>
    %mul3A_21 = arith.constant 2048 : i32
    %mul3A_22 = arith.muli %select_n3A, %mul3A_21 : i32
    %add3A_23 = vector.broadcast %mul3A_22 : i32 to vector<16xi32>
    %add3A_24 = arith.addi %get3A_20, %add3A_23 : vector<16xi32>
    %swap3A = arith.constant 0 : index
    %swap3A_25 = tpu.vector_load %arg9[%swap3A] {strides = array<i32>} : memref<32xi32, #tpu.memory_space<vmem>>, vector<16xi32>,
    %swap3A_26 = vector.shape_cast %swap3A_25 : vector<16xi32> to vector<16xi32>
    %swap3A_27 = vector.shape_cast %add3A_24 : vector<16xi32> to vector<16xi32>
    tpu.vector_store %arg9[%swap3A], %swap3A_27 {strides = array<i32>} : memref<32xi32, #tpu.memory_space<vmem>>, vector<16xi32>,
    %get3A_28 = arith.constant 16 : index
    %get3A_29 = tpu.vector_load %arg8[%get3A_28] {strides = array<i32>} : memref<32xi32, #tpu.memory_space<vmem>>, vector<16xi32>,
    %get3A_30 = vector.shape_cast %get3A_29 : vector<16xi32> to vector<16xi32>
    %mul3A_31 = arith.constant 2048 : i32
    %mul3A_32 = arith.muli %select_n3A, %mul3A_31 : i32
    %add3A_33 = vector.broadcast %mul3A_32 : i32 to vector<16xi32>
    %add3A_34 = arith.addi %get3A_30, %add3A_33 : vector<16xi32>
    %swap3A_35 = arith.constant 16 : index
    %swap3A_36 = tpu.vector_load %arg9[%swap3A_35] {strides = array<i32>} : memref<32xi32, #tpu.memory_space<vmem>>, vector<16xi32>,
    %swap3A_37 = vector.shape_cast %swap3A_36 : vector<16xi32> to vector<16xi32>
    %swap3A_38 = vector.shape_cast %add3A_34 : vector<16xi32> to vector<16xi32>
    tpu.vector_store %arg9[%swap3A_35], %swap3A_38 {strides = array<i32>} : memref<32xi32, #tpu.memory_space<vmem>>, vector<16xi32>,
    %dma_start3A = arith.constant 0 : i32
    %dma_start3A_39 = arith.constant 0 : i32
    %dma_start3A_40 = tpu.memref_slice %arg3[%dma_start3A, %dma_start3A_39] : memref<16384x128xf32, #tpu.memory_space<hbm>> -> memref<16384x128xf32, #tpu.memory_space<hbm>>
    tpu.enqueue_indirect_dma source(%dma_start3A_40 : memref<16384x128xf32, #tpu.memory_space<hbm>>) target(%arg10 : memref<32x128xf32, #tpu.memory_space<vmem>>) offsets(%arg9 : memref<32xi32, #tpu.memory_space<vmem>>) semaphore(%arg12 : memref<!tpu.dma_semaphore, #tpu.memory_space<semaphore_mem>>)
    %dma_wait3A = arith.constant 0 : i32
    %dma_wait3A_41 = arith.constant 0 : i32
    %dma_wait3A_42 = tpu.memref_slice %arg3[%dma_wait3A, %dma_wait3A_41] : memref<16384x128xf32, #tpu.memory_space<hbm>> -> memref<16384x128xf32, #tpu.memory_space<hbm>>
    tpu.wait_indirect_dma semaphore(%arg12 : memref<!tpu.dma_semaphore, #tpu.memory_space<semaphore_mem>>) src(%dma_wait3A_42 : memref<16384x128xf32, #tpu.memory_space<hbm>>) dst(%arg10 : memref<32x128xf32, #tpu.memory_space<vmem>>)
    %dma_start3A_43 = arith.constant 0 : i32
    %dma_start3A_44 = arith.constant 0 : i32
    %dma_start3A_45 = tpu.memref_slice %arg4[%dma_start3A_43, %dma_start3A_44] : memref<16384x128xf32, #tpu.memory_space<hbm>> -> memref<16384x128xf32, #tpu.memory_space<hbm>>
    tpu.enqueue_indirect_dma source(%dma_start3A_45 : memref<16384x128xf32, #tpu.memory_space<hbm>>) target(%arg11 : memref<32x128xf32, #tpu.memory_space<vmem>>) offsets(%arg9 : memref<32xi32, #tpu.memory_space<vmem>>) semaphore(%arg12 : memref<!tpu.dma_semaphore, #tpu.memory_space<semaphore_mem>>)
    %dma_wait3A_46 = arith.constant 0 : i32
    %dma_wait3A_47 = arith.constant 0 : i32
    %dma_wait3A_48 = tpu.memref_slice %arg4[%dma_wait3A_46, %dma_wait3A_47] : memref<16384x128xf32, #tpu.memory_space<hbm>> -> memref<16384x128xf32, #tpu.memory_space<hbm>>
    tpu.wait_indirect_dma semaphore(%arg12 : memref<!tpu.dma_semaphore, #tpu.memory_space<semaphore_mem>>) src(%dma_wait3A_48 : memref<16384x128xf32, #tpu.memory_space<hbm>>) dst(%arg11 : memref<32x128xf32, #tpu.memory_space<vmem>>)
    "tpu.region"() ({
      %run_scoped3A = tpu.sem_alloc : memref<!tpu.dma_semaphore, #tpu.memory_space<semaphore_mem>>
      %dma_start3A_49 = arith.constant 0 : i32
      %dma_start3A_50 = tpu.memref_slice %arg5[%mul3A_2, %dma_start3A_49] : memref<1024x128xf32, #tpu.memory_space<hbm>> -> memref<32x128xf32, #tpu.memory_space<hbm>>
      %dma_start3A_51 = arith.constant 0 : i32
      %dma_start3A_52 = tpu.memref_slice %arg5[%mul3A_2, %dma_start3A_51] : memref<1024x128xf32, #tpu.memory_space<hbm>> -> memref<32x128xf32, #tpu.memory_space<hbm>>
      tpu.enqueue_dma source(%arg10 : memref<32x128xf32, #tpu.memory_space<vmem>>) target(%dma_start3A_52 : memref<32x128xf32, #tpu.memory_space<hbm>>) target_semaphore(%run_scoped3A : memref<!tpu.dma_semaphore, #tpu.memory_space<semaphore_mem>>)
      %dma_wait3A_53 = arith.constant 0 : i32
      %dma_wait3A_54 = tpu.memref_slice %arg5[%mul3A_2, %dma_wait3A_53] : memref<1024x128xf32, #tpu.memory_space<hbm>> -> memref<32x128xf32, #tpu.memory_space<hbm>>
      %dma_wait3A_55 = arith.constant 0 : i32
      %dma_wait3A_56 = tpu.memref_slice %arg5[%mul3A_2, %dma_wait3A_55] : memref<1024x128xf32, #tpu.memory_space<hbm>> -> memref<32x128xf32, #tpu.memory_space<hbm>>
      tpu.wait_dma2 semaphore(%run_scoped3A : memref<!tpu.dma_semaphore, #tpu.memory_space<semaphore_mem>>) src(%arg10 : memref<32x128xf32, #tpu.memory_space<vmem>>) dst(%dma_wait3A_56 : memref<32x128xf32, #tpu.memory_space<hbm>>)
      tpu.yield
    }) : () -> ()
    "tpu.region"() ({
      %run_scoped3A = tpu.sem_alloc : memref<!tpu.dma_semaphore, #tpu.memory_space<semaphore_mem>>
      %dma_start3A_49 = arith.constant 0 : i32
      %dma_start3A_50 = tpu.memref_slice %arg6[%mul3A_2, %dma_start3A_49] : memref<1024x128xf32, #tpu.memory_space<hbm>> -> memref<32x128xf32, #tpu.memory_space<hbm>>
      %dma_start3A_51 = arith.constant 0 : i32
      %dma_start3A_52 = tpu.memref_slice %arg6[%mul3A_2, %dma_start3A_51] : memref<1024x128xf32, #tpu.memory_space<hbm>> -> memref<32x128xf32, #tpu.memory_space<hbm>>
      tpu.enqueue_dma source(%arg11 : memref<32x128xf32, #tpu.memory_space<vmem>>) target(%dma_start3A_52 : memref<32x128xf32, #tpu.memory_space<hbm>>) target_semaphore(%run_scoped3A : memref<!tpu.dma_semaphore, #tpu.memory_space<semaphore_mem>>)
      %dma_wait3A_53 = arith.constant 0 : i32
      %dma_wait3A_54 = tpu.memref_slice %arg6[%mul3A_2, %dma_wait3A_53] : memref<1024x128xf32, #tpu.memory_space<hbm>> -> memref<32x128xf32, #tpu.memory_space<hbm>>
      %dma_wait3A_55 = arith.constant 0 : i32
      %dma_wait3A_56 = tpu.memref_slice %arg6[%mul3A_2, %dma_wait3A_55] : memref<1024x128xf32, #tpu.memory_space<hbm>> -> memref<32x128xf32, #tpu.memory_space<hbm>>
      tpu.wait_dma2 semaphore(%run_scoped3A : memref<!tpu.dma_semaphore, #tpu.memory_space<semaphore_mem>>) src(%arg11 : memref<32x128xf32, #tpu.memory_space<vmem>>) dst(%dma_wait3A_56 : memref<32x128xf32, #tpu.memory_space<hbm>>)
      tpu.yield
    }) : () -> ()
    return
  }
}

#map = affine_map<(d0, d1) -> (0)>
#map1 = affine_map<(d0, d1) -> (0, 0)>
module attributes {stable_mosaic.version = 14 : i64} {
  func.func @new_body(%arg0: i32, %arg1: i32, %arg2: memref<1024xi32, #tpu.memory_space<hbm>>, %arg3: memref<1024x128xf32, #tpu.memory_space<hbm>>, %arg4: memref<16384x128xf32, #tpu.memory_space<hbm>>, %arg5: memref<16384x128xf32, #tpu.memory_space<hbm>>, %arg6: memref<32xi32, #tpu.memory_space<vmem>>, %arg7: memref<32xi32, #tpu.memory_space<vmem>>, %arg8: memref<32x128xf32, #tpu.memory_space<vmem>>, %arg9: memref<!tpu.dma_semaphore, #tpu.memory_space<semaphore_mem>>) attributes {dimension_semantics = [#tpu.dimension_semantics<core_parallel>, #tpu.dimension_semantics<subcore_parallel>], iteration_bounds = array<i64: 2, 16>, scalar_prefetch = 0 : i64, scratch_operands = 4 : i64, tpu.core_type = #tpu.core_type<sc_vector_subcore>, window_params = [{transform_indices = #map}, {transform_indices = #map1}, {transform_indices = #map1}, {transform_indices = #map1}]} {
    %mul3A = arith.constant 2 : i32
    %mul3A_0 = arith.muli %arg1, %mul3A : i32
    %add3A = arith.addi %mul3A_0, %arg0 : i32
    %mul3A_1 = arith.constant 32 : i32
    %mul3A_2 = arith.muli %add3A, %mul3A_1 : i32
    %jit3A = arith.constant 4 : i32
    %div3A = arith.divsi %add3A, %jit3A : i32
    %sign3A = arith.constant 0 : i32
    %sign3A_3 = arith.cmpi sgt, %add3A, %sign3A : i32
    %sign3A_4 = arith.extui %sign3A_3 : i1 to i32
    %sign3A_5 = arith.constant 0 : i32
    %sign3A_6 = arith.cmpi slt, %add3A, %sign3A_5 : i32
    %sign3A_7 = arith.extui %sign3A_6 : i1 to i32
    %sign3A_8 = arith.subi %sign3A_4, %sign3A_7 : i32
    %sign3A_9 = arith.constant 0 : i32
    %sign3A_10 = arith.cmpi sgt, %jit3A, %sign3A_9 : i32
    %sign3A_11 = arith.extui %sign3A_10 : i1 to i32
    %sign3A_12 = arith.constant 0 : i32
    %sign3A_13 = arith.cmpi slt, %jit3A, %sign3A_12 : i32
    %sign3A_14 = arith.extui %sign3A_13 : i1 to i32
    %sign3A_15 = arith.subi %sign3A_11, %sign3A_14 : i32
    %ne3A = arith.cmpi ne, %sign3A_8, %sign3A_15 : i32
    %rem3A = arith.remsi %add3A, %jit3A : i32
    %ne3A_16 = arith.constant 0 : i32
    %ne3A_17 = arith.cmpi ne, %rem3A, %ne3A_16 : i32
    %and3A = arith.andi %ne3A, %ne3A_17 : i1
    %sub3A = arith.constant 1 : i32
    %sub3A_18 = arith.subi %div3A, %sub3A : i32
    %select_n3A = arith.select %and3A, %sub3A_18, %div3A : i32
    "tpu.region"() ({
      %run_scoped3A = tpu.sem_alloc : memref<!tpu.dma_semaphore, #tpu.memory_space<semaphore_mem>>
      %dma_start3A_43 = tpu.memref_slice %arg2[%mul3A_2] : memref<1024xi32, #tpu.memory_space<hbm>> -> memref<32xi32, #tpu.memory_space<hbm>>
      %dma_start3A_44 = tpu.memref_slice %arg2[%mul3A_2] : memref<1024xi32, #tpu.memory_space<hbm>> -> memref<32xi32, #tpu.memory_space<hbm>>
      tpu.enqueue_dma source(%dma_start3A_44 : memref<32xi32, #tpu.memory_space<hbm>>) target(%arg6 : memref<32xi32, #tpu.memory_space<vmem>>) target_semaphore(%run_scoped3A : memref<!tpu.dma_semaphore, #tpu.memory_space<semaphore_mem>>)
      %dma_wait3A_45 = tpu.memref_slice %arg2[%mul3A_2] : memref<1024xi32, #tpu.memory_space<hbm>> -> memref<32xi32, #tpu.memory_space<hbm>>
      %dma_wait3A_46 = tpu.memref_slice %arg2[%mul3A_2] : memref<1024xi32, #tpu.memory_space<hbm>> -> memref<32xi32, #tpu.memory_space<hbm>>
      tpu.wait_dma2 semaphore(%run_scoped3A : memref<!tpu.dma_semaphore, #tpu.memory_space<semaphore_mem>>) src(%dma_wait3A_46 : memref<32xi32, #tpu.memory_space<hbm>>) dst(%arg6 : memref<32xi32, #tpu.memory_space<vmem>>)
      tpu.yield
    }) : () -> ()
    "tpu.region"() ({
      %run_scoped3A = tpu.sem_alloc : memref<!tpu.dma_semaphore, #tpu.memory_space<semaphore_mem>>
      %dma_start3A_43 = arith.constant 0 : i32
      %dma_start3A_44 = tpu.memref_slice %arg3[%mul3A_2, %dma_start3A_43] : memref<1024x128xf32, #tpu.memory_space<hbm>> -> memref<32x128xf32, #tpu.memory_space<hbm>>
      %dma_start3A_45 = arith.constant 0 : i32
      %dma_start3A_46 = tpu.memref_slice %arg3[%mul3A_2, %dma_start3A_45] : memref<1024x128xf32, #tpu.memory_space<hbm>> -> memref<32x128xf32, #tpu.memory_space<hbm>>
      tpu.enqueue_dma source(%dma_start3A_46 : memref<32x128xf32, #tpu.memory_space<hbm>>) target(%arg8 : memref<32x128xf32, #tpu.memory_space<vmem>>) target_semaphore(%run_scoped3A : memref<!tpu.dma_semaphore, #tpu.memory_space<semaphore_mem>>)
      %dma_wait3A_47 = arith.constant 0 : i32
      %dma_wait3A_48 = tpu.memref_slice %arg3[%mul3A_2, %dma_wait3A_47] : memref<1024x128xf32, #tpu.memory_space<hbm>> -> memref<32x128xf32, #tpu.memory_space<hbm>>
      %dma_wait3A_49 = arith.constant 0 : i32
      %dma_wait3A_50 = tpu.memref_slice %arg3[%mul3A_2, %dma_wait3A_49] : memref<1024x128xf32, #tpu.memory_space<hbm>> -> memref<32x128xf32, #tpu.memory_space<hbm>>
      tpu.wait_dma2 semaphore(%run_scoped3A : memref<!tpu.dma_semaphore, #tpu.memory_space<semaphore_mem>>) src(%dma_wait3A_50 : memref<32x128xf32, #tpu.memory_space<hbm>>) dst(%arg8 : memref<32x128xf32, #tpu.memory_space<vmem>>)
      tpu.yield
    }) : () -> ()
    %get3A = arith.constant 0 : index
    %get3A_19 = tpu.vector_load %arg6[%get3A] {strides = array<i32>} : memref<32xi32, #tpu.memory_space<vmem>>, vector<16xi32>,
    %get3A_20 = vector.shape_cast %get3A_19 : vector<16xi32> to vector<16xi32>
    %mul3A_21 = arith.constant 2048 : i32
    %mul3A_22 = arith.muli %select_n3A, %mul3A_21 : i32
    %add3A_23 = vector.broadcast %mul3A_22 : i32 to vector<16xi32>
    %add3A_24 = arith.addi %get3A_20, %add3A_23 : vector<16xi32>
    %swap3A = arith.constant 0 : index
    %swap3A_25 = tpu.vector_load %arg7[%swap3A] {strides = array<i32>} : memref<32xi32, #tpu.memory_space<vmem>>, vector<16xi32>,
    %swap3A_26 = vector.shape_cast %swap3A_25 : vector<16xi32> to vector<16xi32>
    %swap3A_27 = vector.shape_cast %add3A_24 : vector<16xi32> to vector<16xi32>
    tpu.vector_store %arg7[%swap3A], %swap3A_27 {strides = array<i32>} : memref<32xi32, #tpu.memory_space<vmem>>, vector<16xi32>,
    %get3A_28 = arith.constant 16 : index
    %get3A_29 = tpu.vector_load %arg6[%get3A_28] {strides = array<i32>} : memref<32xi32, #tpu.memory_space<vmem>>, vector<16xi32>,
    %get3A_30 = vector.shape_cast %get3A_29 : vector<16xi32> to vector<16xi32>
    %mul3A_31 = arith.constant 2048 : i32
    %mul3A_32 = arith.muli %select_n3A, %mul3A_31 : i32
    %add3A_33 = vector.broadcast %mul3A_32 : i32 to vector<16xi32>
    %add3A_34 = arith.addi %get3A_30, %add3A_33 : vector<16xi32>
    %swap3A_35 = arith.constant 16 : index
    %swap3A_36 = tpu.vector_load %arg7[%swap3A_35] {strides = array<i32>} : memref<32xi32, #tpu.memory_space<vmem>>, vector<16xi32>,
    %swap3A_37 = vector.shape_cast %swap3A_36 : vector<16xi32> to vector<16xi32>
    %swap3A_38 = vector.shape_cast %add3A_34 : vector<16xi32> to vector<16xi32>
    tpu.vector_store %arg7[%swap3A_35], %swap3A_38 {strides = array<i32>} : memref<32xi32, #tpu.memory_space<vmem>>, vector<16xi32>,
    %dma_start3A = arith.constant 0 : i32
    %dma_start3A_39 = arith.constant 0 : i32
    %dma_start3A_40 = tpu.memref_slice %arg4[%dma_start3A, %dma_start3A_39] : memref<16384x128xf32, #tpu.memory_space<hbm>> -> memref<16384x128xf32, #tpu.memory_space<hbm>>
    tpu.enqueue_indirect_dma source(%arg8 : memref<32x128xf32, #tpu.memory_space<vmem>>) target(%dma_start3A_40 : memref<16384x128xf32, #tpu.memory_space<hbm>>) offsets(%arg7 : memref<32xi32, #tpu.memory_space<vmem>>) semaphore(%arg9 : memref<!tpu.dma_semaphore, #tpu.memory_space<semaphore_mem>>)
    %dma_wait3A = arith.constant 0 : i32
    %dma_wait3A_41 = arith.constant 0 : i32
    %dma_wait3A_42 = tpu.memref_slice %arg4[%dma_wait3A, %dma_wait3A_41] : memref<16384x128xf32, #tpu.memory_space<hbm>> -> memref<16384x128xf32, #tpu.memory_space<hbm>>
    tpu.wait_indirect_dma semaphore(%arg9 : memref<!tpu.dma_semaphore, #tpu.memory_space<semaphore_mem>>) src(%arg8 : memref<32x128xf32, #tpu.memory_space<vmem>>) dst(%dma_wait3A_42 : memref<16384x128xf32, #tpu.memory_space<hbm>>)
    return
  }
}

#map = affine_map<(d0, d1) -> (0)>
#map1 = affine_map<(d0, d1) -> (0, 0)>
module attributes {stable_mosaic.version = 14 : i64} {
  func.func @new_body(%arg0: i32, %arg1: i32, %arg2: memref<1024xi32, #tpu.memory_space<hbm>>, %arg3: memref<16384x128xf32, #tpu.memory_space<hbm>>, %arg4: memref<16384x128xf32, #tpu.memory_space<hbm>>, %arg5: memref<1024x128xf32, #tpu.memory_space<hbm>>, %arg6: memref<1024x128xf32, #tpu.memory_space<hbm>>, %arg7: memref<16384x128xf32, #tpu.memory_space<hbm>>, %arg8: memref<32xi32, #tpu.memory_space<vmem>>, %arg9: memref<32xi32, #tpu.memory_space<vmem>>, %arg10: memref<32x128xf32, #tpu.memory_space<vmem>>, %arg11: memref<32x128xf32, #tpu.memory_space<vmem>>, %arg12: memref<!tpu.dma_semaphore, #tpu.memory_space<semaphore_mem>>) attributes {dimension_semantics = [#tpu.dimension_semantics<core_parallel>, #tpu.dimension_semantics<subcore_parallel>], iteration_bounds = array<i64: 2, 16>, scalar_prefetch = 0 : i64, scratch_operands = 5 : i64, tpu.core_type = #tpu.core_type<sc_vector_subcore>, window_params = [{transform_indices = #map}, {transform_indices = #map1}, {transform_indices = #map1}, {transform_indices = #map1}, {transform_indices = #map1}, {transform_indices = #map1}]} {
    %mul3A = arith.constant 2 : i32
    %mul3A_0 = arith.muli %arg1, %mul3A : i32
    %add3A = arith.addi %mul3A_0, %arg0 : i32
    %mul3A_1 = arith.constant 32 : i32
    %mul3A_2 = arith.muli %add3A, %mul3A_1 : i32
    %jit3A = arith.constant 4 : i32
    %div3A = arith.divsi %add3A, %jit3A : i32
    %sign3A = arith.constant 0 : i32
    %sign3A_3 = arith.cmpi sgt, %add3A, %sign3A : i32
    %sign3A_4 = arith.extui %sign3A_3 : i1 to i32
    %sign3A_5 = arith.constant 0 : i32
    %sign3A_6 = arith.cmpi slt, %add3A, %sign3A_5 : i32
    %sign3A_7 = arith.extui %sign3A_6 : i1 to i32
    %sign3A_8 = arith.subi %sign3A_4, %sign3A_7 : i32
    %sign3A_9 = arith.constant 0 : i32
    %sign3A_10 = arith.cmpi sgt, %jit3A, %sign3A_9 : i32
    %sign3A_11 = arith.extui %sign3A_10 : i1 to i32
    %sign3A_12 = arith.constant 0 : i32
    %sign3A_13 = arith.cmpi slt, %jit3A, %sign3A_12 : i32
    %sign3A_14 = arith.extui %sign3A_13 : i1 to i32
    %sign3A_15 = arith.subi %sign3A_11, %sign3A_14 : i32
    %ne3A = arith.cmpi ne, %sign3A_8, %sign3A_15 : i32
    %rem3A = arith.remsi %add3A, %jit3A : i32
    %ne3A_16 = arith.constant 0 : i32
    %ne3A_17 = arith.cmpi ne, %rem3A, %ne3A_16 : i32
    %and3A = arith.andi %ne3A, %ne3A_17 : i1
    %sub3A = arith.constant 1 : i32
    %sub3A_18 = arith.subi %div3A, %sub3A : i32
    %select_n3A = arith.select %and3A, %sub3A_18, %div3A : i32
    "tpu.region"() ({
      %run_scoped3A = tpu.sem_alloc : memref<!tpu.dma_semaphore, #tpu.memory_space<semaphore_mem>>
      %dma_start3A_49 = tpu.memref_slice %arg2[%mul3A_2] : memref<1024xi32, #tpu.memory_space<hbm>> -> memref<32xi32, #tpu.memory_space<hbm>>
      %dma_start3A_50 = tpu.memref_slice %arg2[%mul3A_2] : memref<1024xi32, #tpu.memory_space<hbm>> -> memref<32xi32, #tpu.memory_space<hbm>>
      tpu.enqueue_dma source(%dma_start3A_50 : memref<32xi32, #tpu.memory_space<hbm>>) target(%arg8 : memref<32xi32, #tpu.memory_space<vmem>>) target_semaphore(%run_scoped3A : memref<!tpu.dma_semaphore, #tpu.memory_space<semaphore_mem>>)
      %dma_wait3A_51 = tpu.memref_slice %arg2[%mul3A_2] : memref<1024xi32, #tpu.memory_space<hbm>> -> memref<32xi32, #tpu.memory_space<hbm>>
      %dma_wait3A_52 = tpu.memref_slice %arg2[%mul3A_2] : memref<1024xi32, #tpu.memory_space<hbm>> -> memref<32xi32, #tpu.memory_space<hbm>>
      tpu.wait_dma2 semaphore(%run_scoped3A : memref<!tpu.dma_semaphore, #tpu.memory_space<semaphore_mem>>) src(%dma_wait3A_52 : memref<32xi32, #tpu.memory_space<hbm>>) dst(%arg8 : memref<32xi32, #tpu.memory_space<vmem>>)
      tpu.yield
    }) : () -> ()
    %get3A = arith.constant 0 : index
    %get3A_19 = tpu.vector_load %arg8[%get3A] {strides = array<i32>} : memref<32xi32, #tpu.memory_space<vmem>>, vector<16xi32>,
    %get3A_20 = vector.shape_cast %get3A_19 : vector<16xi32> to vector<16xi32>
    %mul3A_21 = arith.constant 2048 : i32
    %mul3A_22 = arith.muli %select_n3A, %mul3A_21 : i32
    %add3A_23 = vector.broadcast %mul3A_22 : i32 to vector<16xi32>
    %add3A_24 = arith.addi %get3A_20, %add3A_23 : vector<16xi32>
    %swap3A = arith.constant 0 : index
    %swap3A_25 = tpu.vector_load %arg9[%swap3A] {strides = array<i32>} : memref<32xi32, #tpu.memory_space<vmem>>, vector<16xi32>,
    %swap3A_26 = vector.shape_cast %swap3A_25 : vector<16xi32> to vector<16xi32>
    %swap3A_27 = vector.shape_cast %add3A_24 : vector<16xi32> to vector<16xi32>
    tpu.vector_store %arg9[%swap3A], %swap3A_27 {strides = array<i32>} : memref<32xi32, #tpu.memory_space<vmem>>, vector<16xi32>,
    %get3A_28 = arith.constant 16 : index
    %get3A_29 = tpu.vector_load %arg8[%get3A_28] {strides = array<i32>} : memref<32xi32, #tpu.memory_space<vmem>>, vector<16xi32>,
    %get3A_30 = vector.shape_cast %get3A_29 : vector<16xi32> to vector<16xi32>
    %mul3A_31 = arith.constant 2048 : i32
    %mul3A_32 = arith.muli %select_n3A, %mul3A_31 : i32
    %add3A_33 = vector.broadcast %mul3A_32 : i32 to vector<16xi32>
    %add3A_34 = arith.addi %get3A_30, %add3A_33 : vector<16xi32>
    %swap3A_35 = arith.constant 16 : index
    %swap3A_36 = tpu.vector_load %arg9[%swap3A_35] {strides = array<i32>} : memref<32xi32, #tpu.memory_space<vmem>>, vector<16xi32>,
    %swap3A_37 = vector.shape_cast %swap3A_36 : vector<16xi32> to vector<16xi32>
    %swap3A_38 = vector.shape_cast %add3A_34 : vector<16xi32> to vector<16xi32>
    tpu.vector_store %arg9[%swap3A_35], %swap3A_38 {strides = array<i32>} : memref<32xi32, #tpu.memory_space<vmem>>, vector<16xi32>,
    %dma_start3A = arith.constant 0 : i32
    %dma_start3A_39 = arith.constant 0 : i32
    %dma_start3A_40 = tpu.memref_slice %arg3[%dma_start3A, %dma_start3A_39] : memref<16384x128xf32, #tpu.memory_space<hbm>> -> memref<16384x128xf32, #tpu.memory_space<hbm>>
    tpu.enqueue_indirect_dma source(%dma_start3A_40 : memref<16384x128xf32, #tpu.memory_space<hbm>>) target(%arg10 : memref<32x128xf32, #tpu.memory_space<vmem>>) offsets(%arg9 : memref<32xi32, #tpu.memory_space<vmem>>) semaphore(%arg12 : memref<!tpu.dma_semaphore, #tpu.memory_space<semaphore_mem>>)
    %dma_wait3A = arith.constant 0 : i32
    %dma_wait3A_41 = arith.constant 0 : i32
    %dma_wait3A_42 = tpu.memref_slice %arg3[%dma_wait3A, %dma_wait3A_41] : memref<16384x128xf32, #tpu.memory_space<hbm>> -> memref<16384x128xf32, #tpu.memory_space<hbm>>
    tpu.wait_indirect_dma semaphore(%arg12 : memref<!tpu.dma_semaphore, #tpu.memory_space<semaphore_mem>>) src(%dma_wait3A_42 : memref<16384x128xf32, #tpu.memory_space<hbm>>) dst(%arg10 : memref<32x128xf32, #tpu.memory_space<vmem>>)
    %dma_start3A_43 = arith.constant 0 : i32
    %dma_start3A_44 = arith.constant 0 : i32
    %dma_start3A_45 = tpu.memref_slice %arg4[%dma_start3A_43, %dma_start3A_44] : memref<16384x128xf32, #tpu.memory_space<hbm>> -> memref<16384x128xf32, #tpu.memory_space<hbm>>
    tpu.enqueue_indirect_dma source(%dma_start3A_45 : memref<16384x128xf32, #tpu.memory_space<hbm>>) target(%arg11 : memref<32x128xf32, #tpu.memory_space<vmem>>) offsets(%arg9 : memref<32xi32, #tpu.memory_space<vmem>>) semaphore(%arg12 : memref<!tpu.dma_semaphore, #tpu.memory_space<semaphore_mem>>)
    %dma_wait3A_46 = arith.constant 0 : i32
    %dma_wait3A_47 = arith.constant 0 : i32
    %dma_wait3A_48 = tpu.memref_slice %arg4[%dma_wait3A_46, %dma_wait3A_47] : memref<16384x128xf32, #tpu.memory_space<hbm>> -> memref<16384x128xf32, #tpu.memory_space<hbm>>
    tpu.wait_indirect_dma semaphore(%arg12 : memref<!tpu.dma_semaphore, #tpu.memory_space<semaphore_mem>>) src(%dma_wait3A_48 : memref<16384x128xf32, #tpu.memory_space<hbm>>) dst(%arg11 : memref<32x128xf32, #tpu.memory_space<vmem>>)
    "tpu.region"() ({
      %run_scoped3A = tpu.sem_alloc : memref<!tpu.dma_semaphore, #tpu.memory_space<semaphore_mem>>
      %dma_start3A_49 = arith.constant 0 : i32
      %dma_start3A_50 = tpu.memref_slice %arg5[%mul3A_2, %dma_start3A_49] : memref<1024x128xf32, #tpu.memory_space<hbm>> -> memref<32x128xf32, #tpu.memory_space<hbm>>
      %dma_start3A_51 = arith.constant 0 : i32
      %dma_start3A_52 = tpu.memref_slice %arg5[%mul3A_2, %dma_start3A_51] : memref<1024x128xf32, #tpu.memory_space<hbm>> -> memref<32x128xf32, #tpu.memory_space<hbm>>
      tpu.enqueue_dma source(%arg10 : memref<32x128xf32, #tpu.memory_space<vmem>>) target(%dma_start3A_52 : memref<32x128xf32, #tpu.memory_space<hbm>>) target_semaphore(%run_scoped3A : memref<!tpu.dma_semaphore, #tpu.memory_space<semaphore_mem>>)
      %dma_wait3A_53 = arith.constant 0 : i32
      %dma_wait3A_54 = tpu.memref_slice %arg5[%mul3A_2, %dma_wait3A_53] : memref<1024x128xf32, #tpu.memory_space<hbm>> -> memref<32x128xf32, #tpu.memory_space<hbm>>
      %dma_wait3A_55 = arith.constant 0 : i32
      %dma_wait3A_56 = tpu.memref_slice %arg5[%mul3A_2, %dma_wait3A_55] : memref<1024x128xf32, #tpu.memory_space<hbm>> -> memref<32x128xf32, #tpu.memory_space<hbm>>
      tpu.wait_dma2 semaphore(%run_scoped3A : memref<!tpu.dma_semaphore, #tpu.memory_space<semaphore_mem>>) src(%arg10 : memref<32x128xf32, #tpu.memory_space<vmem>>) dst(%dma_wait3A_56 : memref<32x128xf32, #tpu.memory_space<hbm>>)
      tpu.yield
    }) : () -> ()
    "tpu.region"() ({
      %run_scoped3A = tpu.sem_alloc : memref<!tpu.dma_semaphore, #tpu.memory_space<semaphore_mem>>
      %dma_start3A_49 = arith.constant 0 : i32
      %dma_start3A_50 = tpu.memref_slice %arg6[%mul3A_2, %dma_start3A_49] : memref<1024x128xf32, #tpu.memory_space<hbm>> -> memref<32x128xf32, #tpu.memory_space<hbm>>
      %dma_start3A_51 = arith.constant 0 : i32
      %dma_start3A_52 = tpu.memref_slice %arg6[%mul3A_2, %dma_start3A_51] : memref<1024x128xf32, #tpu.memory_space<hbm>> -> memref<32x128xf32, #tpu.memory_space<hbm>>
      tpu.enqueue_dma source(%arg11 : memref<32x128xf32, #tpu.memory_space<vmem>>) target(%dma_start3A_52 : memref<32x128xf32, #tpu.memory_space<hbm>>) target_semaphore(%run_scoped3A : memref<!tpu.dma_semaphore, #tpu.memory_space<semaphore_mem>>)
      %dma_wait3A_53 = arith.constant 0 : i32
      %dma_wait3A_54 = tpu.memref_slice %arg6[%mul3A_2, %dma_wait3A_53] : memref<1024x128xf32, #tpu.memory_space<hbm>> -> memref<32x128xf32, #tpu.memory_space<hbm>>
      %dma_wait3A_55 = arith.constant 0 : i32
      %dma_wait3A_56 = tpu.memref_slice %arg6[%mul3A_2, %dma_wait3A_55] : memref<1024x128xf32, #tpu.memory_space<hbm>> -> memref<32x128xf32, #tpu.memory_space<hbm>>
      tpu.wait_dma2 semaphore(%run_scoped3A : memref<!tpu.dma_semaphore, #tpu.memory_space<semaphore_mem>>) src(%arg11 : memref<32x128xf32, #tpu.memory_space<vmem>>) dst(%dma_wait3A_56 : memref<32x128xf32, #tpu.memory_space<hbm>>)
      tpu.yield
    }) : () -> ()
    return
  }
}

#map = affine_map<(d0, d1) -> (0)>
#map1 = affine_map<(d0, d1) -> (0, 0)>
module attributes {stable_mosaic.version = 14 : i64} {
  func.func @new_body(%arg0: i32, %arg1: i32, %arg2: memref<1024xi32, #tpu.memory_space<hbm>>, %arg3: memref<1024x128xf32, #tpu.memory_space<hbm>>, %arg4: memref<16384x128xf32, #tpu.memory_space<hbm>>, %arg5: memref<16384x128xf32, #tpu.memory_space<hbm>>, %arg6: memref<32xi32, #tpu.memory_space<vmem>>, %arg7: memref<32xi32, #tpu.memory_space<vmem>>, %arg8: memref<32x128xf32, #tpu.memory_space<vmem>>, %arg9: memref<!tpu.dma_semaphore, #tpu.memory_space<semaphore_mem>>) attributes {dimension_semantics = [#tpu.dimension_semantics<core_parallel>, #tpu.dimension_semantics<subcore_parallel>], iteration_bounds = array<i64: 2, 16>, scalar_prefetch = 0 : i64, scratch_operands = 4 : i64, tpu.core_type = #tpu.core_type<sc_vector_subcore>, window_params = [{transform_indices = #map}, {transform_indices = #map1}, {transform_indices = #map1}, {transform_indices = #map1}]} {
    %mul3A = arith.constant 2 : i32
    %mul3A_0 = arith.muli %arg1, %mul3A : i32
    %add3A = arith.addi %mul3A_0, %arg0 : i32
    %mul3A_1 = arith.constant 32 : i32
    %mul3A_2 = arith.muli %add3A, %mul3A_1 : i32
    %jit3A = arith.constant 4 : i32
    %div3A = arith.divsi %add3A, %jit3A : i32
    %sign3A = arith.constant 0 : i32
    %sign3A_3 = arith.cmpi sgt, %add3A, %sign3A : i32
    %sign3A_4 = arith.extui %sign3A_3 : i1 to i32
    %sign3A_5 = arith.constant 0 : i32
    %sign3A_6 = arith.cmpi slt, %add3A, %sign3A_5 : i32
    %sign3A_7 = arith.extui %sign3A_6 : i1 to i32
    %sign3A_8 = arith.subi %sign3A_4, %sign3A_7 : i32
    %sign3A_9 = arith.constant 0 : i32
    %sign3A_10 = arith.cmpi sgt, %jit3A, %sign3A_9 : i32
    %sign3A_11 = arith.extui %sign3A_10 : i1 to i32
    %sign3A_12 = arith.constant 0 : i32
    %sign3A_13 = arith.cmpi slt, %jit3A, %sign3A_12 : i32
    %sign3A_14 = arith.extui %sign3A_13 : i1 to i32
    %sign3A_15 = arith.subi %sign3A_11, %sign3A_14 : i32
    %ne3A = arith.cmpi ne, %sign3A_8, %sign3A_15 : i32
    %rem3A = arith.remsi %add3A, %jit3A : i32
    %ne3A_16 = arith.constant 0 : i32
    %ne3A_17 = arith.cmpi ne, %rem3A, %ne3A_16 : i32
    %and3A = arith.andi %ne3A, %ne3A_17 : i1
    %sub3A = arith.constant 1 : i32
    %sub3A_18 = arith.subi %div3A, %sub3A : i32
    %select_n3A = arith.select %and3A, %sub3A_18, %div3A : i32
    "tpu.region"() ({
      %run_scoped3A = tpu.sem_alloc : memref<!tpu.dma_semaphore, #tpu.memory_space<semaphore_mem>>
      %dma_start3A_43 = tpu.memref_slice %arg2[%mul3A_2] : memref<1024xi32, #tpu.memory_space<hbm>> -> memref<32xi32, #tpu.memory_space<hbm>>
      %dma_start3A_44 = tpu.memref_slice %arg2[%mul3A_2] : memref<1024xi32, #tpu.memory_space<hbm>> -> memref<32xi32, #tpu.memory_space<hbm>>
      tpu.enqueue_dma source(%dma_start3A_44 : memref<32xi32, #tpu.memory_space<hbm>>) target(%arg6 : memref<32xi32, #tpu.memory_space<vmem>>) target_semaphore(%run_scoped3A : memref<!tpu.dma_semaphore, #tpu.memory_space<semaphore_mem>>)
      %dma_wait3A_45 = tpu.memref_slice %arg2[%mul3A_2] : memref<1024xi32, #tpu.memory_space<hbm>> -> memref<32xi32, #tpu.memory_space<hbm>>
      %dma_wait3A_46 = tpu.memref_slice %arg2[%mul3A_2] : memref<1024xi32, #tpu.memory_space<hbm>> -> memref<32xi32, #tpu.memory_space<hbm>>
      tpu.wait_dma2 semaphore(%run_scoped3A : memref<!tpu.dma_semaphore, #tpu.memory_space<semaphore_mem>>) src(%dma_wait3A_46 : memref<32xi32, #tpu.memory_space<hbm>>) dst(%arg6 : memref<32xi32, #tpu.memory_space<vmem>>)
      tpu.yield
    }) : () -> ()
    "tpu.region"() ({
      %run_scoped3A = tpu.sem_alloc : memref<!tpu.dma_semaphore, #tpu.memory_space<semaphore_mem>>
      %dma_start3A_43 = arith.constant 0 : i32
      %dma_start3A_44 = tpu.memref_slice %arg3[%mul3A_2, %dma_start3A_43] : memref<1024x128xf32, #tpu.memory_space<hbm>> -> memref<32x128xf32, #tpu.memory_space<hbm>>
      %dma_start3A_45 = arith.constant 0 : i32
      %dma_start3A_46 = tpu.memref_slice %arg3[%mul3A_2, %dma_start3A_45] : memref<1024x128xf32, #tpu.memory_space<hbm>> -> memref<32x128xf32, #tpu.memory_space<hbm>>
      tpu.enqueue_dma source(%dma_start3A_46 : memref<32x128xf32, #tpu.memory_space<hbm>>) target(%arg8 : memref<32x128xf32, #tpu.memory_space<vmem>>) target_semaphore(%run_scoped3A : memref<!tpu.dma_semaphore, #tpu.memory_space<semaphore_mem>>)
      %dma_wait3A_47 = arith.constant 0 : i32
      %dma_wait3A_48 = tpu.memref_slice %arg3[%mul3A_2, %dma_wait3A_47] : memref<1024x128xf32, #tpu.memory_space<hbm>> -> memref<32x128xf32, #tpu.memory_space<hbm>>
      %dma_wait3A_49 = arith.constant 0 : i32
      %dma_wait3A_50 = tpu.memref_slice %arg3[%mul3A_2, %dma_wait3A_49] : memref<1024x128xf32, #tpu.memory_space<hbm>> -> memref<32x128xf32, #tpu.memory_space<hbm>>
      tpu.wait_dma2 semaphore(%run_scoped3A : memref<!tpu.dma_semaphore, #tpu.memory_space<semaphore_mem>>) src(%dma_wait3A_50 : memref<32x128xf32, #tpu.memory_space<hbm>>) dst(%arg8 : memref<32x128xf32, #tpu.memory_space<vmem>>)
      tpu.yield
    }) : () -> ()
    %get3A = arith.constant 0 : index
    %get3A_19 = tpu.vector_load %arg6[%get3A] {strides = array<i32>} : memref<32xi32, #tpu.memory_space<vmem>>, vector<16xi32>,
    %get3A_20 = vector.shape_cast %get3A_19 : vector<16xi32> to vector<16xi32>
    %mul3A_21 = arith.constant 2048 : i32
    %mul3A_22 = arith.muli %select_n3A, %mul3A_21 : i32
    %add3A_23 = vector.broadcast %mul3A_22 : i32 to vector<16xi32>
    %add3A_24 = arith.addi %get3A_20, %add3A_23 : vector<16xi32>
    %swap3A = arith.constant 0 : index
    %swap3A_25 = tpu.vector_load %arg7[%swap3A] {strides = array<i32>} : memref<32xi32, #tpu.memory_space<vmem>>, vector<16xi32>,
    %swap3A_26 = vector.shape_cast %swap3A_25 : vector<16xi32> to vector<16xi32>
    %swap3A_27 = vector.shape_cast %add3A_24 : vector<16xi32> to vector<16xi32>
    tpu.vector_store %arg7[%swap3A], %swap3A_27 {strides = array<i32>} : memref<32xi32, #tpu.memory_space<vmem>>, vector<16xi32>,
    %get3A_28 = arith.constant 16 : index
    %get3A_29 = tpu.vector_load %arg6[%get3A_28] {strides = array<i32>} : memref<32xi32, #tpu.memory_space<vmem>>, vector<16xi32>,
    %get3A_30 = vector.shape_cast %get3A_29 : vector<16xi32> to vector<16xi32>
    %mul3A_31 = arith.constant 2048 : i32
    %mul3A_32 = arith.muli %select_n3A, %mul3A_31 : i32
    %add3A_33 = vector.broadcast %mul3A_32 : i32 to vector<16xi32>
    %add3A_34 = arith.addi %get3A_30, %add3A_33 : vector<16xi32>
    %swap3A_35 = arith.constant 16 : index
    %swap3A_36 = tpu.vector_load %arg7[%swap3A_35] {strides = array<i32>} : memref<32xi32, #tpu.memory_space<vmem>>, vector<16xi32>,
    %swap3A_37 = vector.shape_cast %swap3A_36 : vector<16xi32> to vector<16xi32>
    %swap3A_38 = vector.shape_cast %add3A_34 : vector<16xi32> to vector<16xi32>
    tpu.vector_store %arg7[%swap3A_35], %swap3A_38 {strides = array<i32>} : memref<32xi32, #tpu.memory_space<vmem>>, vector<16xi32>,
    %dma_start3A = arith.constant 0 : i32
    %dma_start3A_39 = arith.constant 0 : i32
    %dma_start3A_40 = tpu.memref_slice %arg4[%dma_start3A, %dma_start3A_39] : memref<16384x128xf32, #tpu.memory_space<hbm>> -> memref<16384x128xf32, #tpu.memory_space<hbm>>
    tpu.enqueue_indirect_dma source(%arg8 : memref<32x128xf32, #tpu.memory_space<vmem>>) target(%dma_start3A_40 : memref<16384x128xf32, #tpu.memory_space<hbm>>) offsets(%arg7 : memref<32xi32, #tpu.memory_space<vmem>>) semaphore(%arg9 : memref<!tpu.dma_semaphore, #tpu.memory_space<semaphore_mem>>)
    %dma_wait3A = arith.constant 0 : i32
    %dma_wait3A_41 = arith.constant 0 : i32
    %dma_wait3A_42 = tpu.memref_slice %arg4[%dma_wait3A, %dma_wait3A_41] : memref<16384x128xf32, #tpu.memory_space<hbm>> -> memref<16384x128xf32, #tpu.memory_space<hbm>>
    tpu.wait_indirect_dma semaphore(%arg9 : memref<!tpu.dma_semaphore, #tpu.memory_space<semaphore_mem>>) src(%arg8 : memref<32x128xf32, #tpu.memory_space<vmem>>) dst(%dma_wait3A_42 : memref<16384x128xf32, #tpu.memory_space<hbm>>)
    return
  }
}

#map = affine_map<(d0, d1) -> (0)>
#map1 = affine_map<(d0, d1) -> (0, 0)>
module attributes {stable_mosaic.version = 14 : i64} {
  func.func @new_body(%arg0: i32, %arg1: i32, %arg2: memref<1024xi32, #tpu.memory_space<hbm>>, %arg3: memref<16384x128xf32, #tpu.memory_space<hbm>>, %arg4: memref<16384x128xf32, #tpu.memory_space<hbm>>, %arg5: memref<1024x128xf32, #tpu.memory_space<hbm>>, %arg6: memref<1024x128xf32, #tpu.memory_space<hbm>>, %arg7: memref<16384x128xf32, #tpu.memory_space<hbm>>, %arg8: memref<32xi32, #tpu.memory_space<vmem>>, %arg9: memref<32xi32, #tpu.memory_space<vmem>>, %arg10: memref<32x128xf32, #tpu.memory_space<vmem>>, %arg11: memref<32x128xf32, #tpu.memory_space<vmem>>, %arg12: memref<!tpu.dma_semaphore, #tpu.memory_space<semaphore_mem>>) attributes {dimension_semantics = [#tpu.dimension_semantics<core_parallel>, #tpu.dimension_semantics<subcore_parallel>], iteration_bounds = array<i64: 2, 16>, scalar_prefetch = 0 : i64, scratch_operands = 5 : i64, tpu.core_type = #tpu.core_type<sc_vector_subcore>, window_params = [{transform_indices = #map}, {transform_indices = #map1}, {transform_indices = #map1}, {transform_indices = #map1}, {transform_indices = #map1}, {transform_indices = #map1}]} {
    %mul3A = arith.constant 2 : i32
    %mul3A_0 = arith.muli %arg1, %mul3A : i32
    %add3A = arith.addi %mul3A_0, %arg0 : i32
    %mul3A_1 = arith.constant 32 : i32
    %mul3A_2 = arith.muli %add3A, %mul3A_1 : i32
    %jit3A = arith.constant 4 : i32
    %div3A = arith.divsi %add3A, %jit3A : i32
    %sign3A = arith.constant 0 : i32
    %sign3A_3 = arith.cmpi sgt, %add3A, %sign3A : i32
    %sign3A_4 = arith.extui %sign3A_3 : i1 to i32
    %sign3A_5 = arith.constant 0 : i32
    %sign3A_6 = arith.cmpi slt, %add3A, %sign3A_5 : i32
    %sign3A_7 = arith.extui %sign3A_6 : i1 to i32
    %sign3A_8 = arith.subi %sign3A_4, %sign3A_7 : i32
    %sign3A_9 = arith.constant 0 : i32
    %sign3A_10 = arith.cmpi sgt, %jit3A, %sign3A_9 : i32
    %sign3A_11 = arith.extui %sign3A_10 : i1 to i32
    %sign3A_12 = arith.constant 0 : i32
    %sign3A_13 = arith.cmpi slt, %jit3A, %sign3A_12 : i32
    %sign3A_14 = arith.extui %sign3A_13 : i1 to i32
    %sign3A_15 = arith.subi %sign3A_11, %sign3A_14 : i32
    %ne3A = arith.cmpi ne, %sign3A_8, %sign3A_15 : i32
    %rem3A = arith.remsi %add3A, %jit3A : i32
    %ne3A_16 = arith.constant 0 : i32
    %ne3A_17 = arith.cmpi ne, %rem3A, %ne3A_16 : i32
    %and3A = arith.andi %ne3A, %ne3A_17 : i1
    %sub3A = arith.constant 1 : i32
    %sub3A_18 = arith.subi %div3A, %sub3A : i32
    %select_n3A = arith.select %and3A, %sub3A_18, %div3A : i32
    "tpu.region"() ({
      %run_scoped3A = tpu.sem_alloc : memref<!tpu.dma_semaphore, #tpu.memory_space<semaphore_mem>>
      %dma_start3A_49 = tpu.memref_slice %arg2[%mul3A_2] : memref<1024xi32, #tpu.memory_space<hbm>> -> memref<32xi32, #tpu.memory_space<hbm>>
      %dma_start3A_50 = tpu.memref_slice %arg2[%mul3A_2] : memref<1024xi32, #tpu.memory_space<hbm>> -> memref<32xi32, #tpu.memory_space<hbm>>
      tpu.enqueue_dma source(%dma_start3A_50 : memref<32xi32, #tpu.memory_space<hbm>>) target(%arg8 : memref<32xi32, #tpu.memory_space<vmem>>) target_semaphore(%run_scoped3A : memref<!tpu.dma_semaphore, #tpu.memory_space<semaphore_mem>>)
      %dma_wait3A_51 = tpu.memref_slice %arg2[%mul3A_2] : memref<1024xi32, #tpu.memory_space<hbm>> -> memref<32xi32, #tpu.memory_space<hbm>>
      %dma_wait3A_52 = tpu.memref_slice %arg2[%mul3A_2] : memref<1024xi32, #tpu.memory_space<hbm>> -> memref<32xi32, #tpu.memory_space<hbm>>
      tpu.wait_dma2 semaphore(%run_scoped3A : memref<!tpu.dma_semaphore, #tpu.memory_space<semaphore_mem>>) src(%dma_wait3A_52 : memref<32xi32, #tpu.memory_space<hbm>>) dst(%arg8 : memref<32xi32, #tpu.memory_space<vmem>>)
      tpu.yield
    }) : () -> ()
    %get3A = arith.constant 0 : index
    %get3A_19 = tpu.vector_load %arg8[%get3A] {strides = array<i32>} : memref<32xi32, #tpu.memory_space<vmem>>, vector<16xi32>,
    %get3A_20 = vector.shape_cast %get3A_19 : vector<16xi32> to vector<16xi32>
    %mul3A_21 = arith.constant 2048 : i32
    %mul3A_22 = arith.muli %select_n3A, %mul3A_21 : i32
    %add3A_23 = vector.broadcast %mul3A_22 : i32 to vector<16xi32>
    %add3A_24 = arith.addi %get3A_20, %add3A_23 : vector<16xi32>
    %swap3A = arith.constant 0 : index
    %swap3A_25 = tpu.vector_load %arg9[%swap3A] {strides = array<i32>} : memref<32xi32, #tpu.memory_space<vmem>>, vector<16xi32>,
    %swap3A_26 = vector.shape_cast %swap3A_25 : vector<16xi32> to vector<16xi32>
    %swap3A_27 = vector.shape_cast %add3A_24 : vector<16xi32> to vector<16xi32>
    tpu.vector_store %arg9[%swap3A], %swap3A_27 {strides = array<i32>} : memref<32xi32, #tpu.memory_space<vmem>>, vector<16xi32>,
    %get3A_28 = arith.constant 16 : index
    %get3A_29 = tpu.vector_load %arg8[%get3A_28] {strides = array<i32>} : memref<32xi32, #tpu.memory_space<vmem>>, vector<16xi32>,
    %get3A_30 = vector.shape_cast %get3A_29 : vector<16xi32> to vector<16xi32>
    %mul3A_31 = arith.constant 2048 : i32
    %mul3A_32 = arith.muli %select_n3A, %mul3A_31 : i32
    %add3A_33 = vector.broadcast %mul3A_32 : i32 to vector<16xi32>
    %add3A_34 = arith.addi %get3A_30, %add3A_33 : vector<16xi32>
    %swap3A_35 = arith.constant 16 : index
    %swap3A_36 = tpu.vector_load %arg9[%swap3A_35] {strides = array<i32>} : memref<32xi32, #tpu.memory_space<vmem>>, vector<16xi32>,
    %swap3A_37 = vector.shape_cast %swap3A_36 : vector<16xi32> to vector<16xi32>
    %swap3A_38 = vector.shape_cast %add3A_34 : vector<16xi32> to vector<16xi32>
    tpu.vector_store %arg9[%swap3A_35], %swap3A_38 {strides = array<i32>} : memref<32xi32, #tpu.memory_space<vmem>>, vector<16xi32>,
    %dma_start3A = arith.constant 0 : i32
    %dma_start3A_39 = arith.constant 0 : i32
    %dma_start3A_40 = tpu.memref_slice %arg3[%dma_start3A, %dma_start3A_39] : memref<16384x128xf32, #tpu.memory_space<hbm>> -> memref<16384x128xf32, #tpu.memory_space<hbm>>
    tpu.enqueue_indirect_dma source(%dma_start3A_40 : memref<16384x128xf32, #tpu.memory_space<hbm>>) target(%arg10 : memref<32x128xf32, #tpu.memory_space<vmem>>) offsets(%arg9 : memref<32xi32, #tpu.memory_space<vmem>>) semaphore(%arg12 : memref<!tpu.dma_semaphore, #tpu.memory_space<semaphore_mem>>)
    %dma_wait3A = arith.constant 0 : i32
    %dma_wait3A_41 = arith.constant 0 : i32
    %dma_wait3A_42 = tpu.memref_slice %arg3[%dma_wait3A, %dma_wait3A_41] : memref<16384x128xf32, #tpu.memory_space<hbm>> -> memref<16384x128xf32, #tpu.memory_space<hbm>>
    tpu.wait_indirect_dma semaphore(%arg12 : memref<!tpu.dma_semaphore, #tpu.memory_space<semaphore_mem>>) src(%dma_wait3A_42 : memref<16384x128xf32, #tpu.memory_space<hbm>>) dst(%arg10 : memref<32x128xf32, #tpu.memory_space<vmem>>)
    %dma_start3A_43 = arith.constant 0 : i32
    %dma_start3A_44 = arith.constant 0 : i32
    %dma_start3A_45 = tpu.memref_slice %arg4[%dma_start3A_43, %dma_start3A_44] : memref<16384x128xf32, #tpu.memory_space<hbm>> -> memref<16384x128xf32, #tpu.memory_space<hbm>>
    tpu.enqueue_indirect_dma source(%dma_start3A_45 : memref<16384x128xf32, #tpu.memory_space<hbm>>) target(%arg11 : memref<32x128xf32, #tpu.memory_space<vmem>>) offsets(%arg9 : memref<32xi32, #tpu.memory_space<vmem>>) semaphore(%arg12 : memref<!tpu.dma_semaphore, #tpu.memory_space<semaphore_mem>>)
    %dma_wait3A_46 = arith.constant 0 : i32
    %dma_wait3A_47 = arith.constant 0 : i32
    %dma_wait3A_48 = tpu.memref_slice %arg4[%dma_wait3A_46, %dma_wait3A_47] : memref<16384x128xf32, #tpu.memory_space<hbm>> -> memref<16384x128xf32, #tpu.memory_space<hbm>>
    tpu.wait_indirect_dma semaphore(%arg12 : memref<!tpu.dma_semaphore, #tpu.memory_space<semaphore_mem>>) src(%dma_wait3A_48 : memref<16384x128xf32, #tpu.memory_space<hbm>>) dst(%arg11 : memref<32x128xf32, #tpu.memory_space<vmem>>)
    "tpu.region"() ({
      %run_scoped3A = tpu.sem_alloc : memref<!tpu.dma_semaphore, #tpu.memory_space<semaphore_mem>>
      %dma_start3A_49 = arith.constant 0 : i32
      %dma_start3A_50 = tpu.memref_slice %arg5[%mul3A_2, %dma_start3A_49] : memref<1024x128xf32, #tpu.memory_space<hbm>> -> memref<32x128xf32, #tpu.memory_space<hbm>>
      %dma_start3A_51 = arith.constant 0 : i32
      %dma_start3A_52 = tpu.memref_slice %arg5[%mul3A_2, %dma_start3A_51] : memref<1024x128xf32, #tpu.memory_space<hbm>> -> memref<32x128xf32, #tpu.memory_space<hbm>>
      tpu.enqueue_dma source(%arg10 : memref<32x128xf32, #tpu.memory_space<vmem>>) target(%dma_start3A_52 : memref<32x128xf32, #tpu.memory_space<hbm>>) target_semaphore(%run_scoped3A : memref<!tpu.dma_semaphore, #tpu.memory_space<semaphore_mem>>)
      %dma_wait3A_53 = arith.constant 0 : i32
      %dma_wait3A_54 = tpu.memref_slice %arg5[%mul3A_2, %dma_wait3A_53] : memref<1024x128xf32, #tpu.memory_space<hbm>> -> memref<32x128xf32, #tpu.memory_space<hbm>>
      %dma_wait3A_55 = arith.constant 0 : i32
      %dma_wait3A_56 = tpu.memref_slice %arg5[%mul3A_2, %dma_wait3A_55] : memref<1024x128xf32, #tpu.memory_space<hbm>> -> memref<32x128xf32, #tpu.memory_space<hbm>>
      tpu.wait_dma2 semaphore(%run_scoped3A : memref<!tpu.dma_semaphore, #tpu.memory_space<semaphore_mem>>) src(%arg10 : memref<32x128xf32, #tpu.memory_space<vmem>>) dst(%dma_wait3A_56 : memref<32x128xf32, #tpu.memory_space<hbm>>)
      tpu.yield
    }) : () -> ()
    "tpu.region"() ({
      %run_scoped3A = tpu.sem_alloc : memref<!tpu.dma_semaphore, #tpu.memory_space<semaphore_mem>>
      %dma_start3A_49 = arith.constant 0 : i32
      %dma_start3A_50 = tpu.memref_slice %arg6[%mul3A_2, %dma_start3A_49] : memref<1024x128xf32, #tpu.memory_space<hbm>> -> memref<32x128xf32, #tpu.memory_space<hbm>>
      %dma_start3A_51 = arith.constant 0 : i32
      %dma_start3A_52 = tpu.memref_slice %arg6[%mul3A_2, %dma_start3A_51] : memref<1024x128xf32, #tpu.memory_space<hbm>> -> memref<32x128xf32, #tpu.memory_space<hbm>>
      tpu.enqueue_dma source(%arg11 : memref<32x128xf32, #tpu.memory_space<vmem>>) target(%dma_start3A_52 : memref<32x128xf32, #tpu.memory_space<hbm>>) target_semaphore(%run_scoped3A : memref<!tpu.dma_semaphore, #tpu.memory_space<semaphore_mem>>)
      %dma_wait3A_53 = arith.constant 0 : i32
      %dma_wait3A_54 = tpu.memref_slice %arg6[%mul3A_2, %dma_wait3A_53] : memref<1024x128xf32, #tpu.memory_space<hbm>> -> memref<32x128xf32, #tpu.memory_space<hbm>>
      %dma_wait3A_55 = arith.constant 0 : i32
      %dma_wait3A_56 = tpu.memref_slice %arg6[%mul3A_2, %dma_wait3A_55] : memref<1024x128xf32, #tpu.memory_space<hbm>> -> memref<32x128xf32, #tpu.memory_space<hbm>>
      tpu.wait_dma2 semaphore(%run_scoped3A : memref<!tpu.dma_semaphore, #tpu.memory_space<semaphore_mem>>) src(%arg11 : memref<32x128xf32, #tpu.memory_space<vmem>>) dst(%dma_wait3A_56 : memref<32x128xf32, #tpu.memory_space<hbm>>)
      tpu.yield
    }) : () -> ()
    return
  }
}

#map = affine_map<(d0, d1) -> (0)>
#map1 = affine_map<(d0, d1) -> (0, 0)>
module attributes {stable_mosaic.version = 14 : i64} {
  func.func @new_body(%arg0: i32, %arg1: i32, %arg2: memref<1024xi32, #tpu.memory_space<hbm>>, %arg3: memref<1024x128xf32, #tpu.memory_space<hbm>>, %arg4: memref<16384x128xf32, #tpu.memory_space<hbm>>, %arg5: memref<16384x128xf32, #tpu.memory_space<hbm>>, %arg6: memref<32xi32, #tpu.memory_space<vmem>>, %arg7: memref<32xi32, #tpu.memory_space<vmem>>, %arg8: memref<32x128xf32, #tpu.memory_space<vmem>>, %arg9: memref<!tpu.dma_semaphore, #tpu.memory_space<semaphore_mem>>) attributes {dimension_semantics = [#tpu.dimension_semantics<core_parallel>, #tpu.dimension_semantics<subcore_parallel>], iteration_bounds = array<i64: 2, 16>, scalar_prefetch = 0 : i64, scratch_operands = 4 : i64, tpu.core_type = #tpu.core_type<sc_vector_subcore>, window_params = [{transform_indices = #map}, {transform_indices = #map1}, {transform_indices = #map1}, {transform_indices = #map1}]} {
    %mul3A = arith.constant 2 : i32
    %mul3A_0 = arith.muli %arg1, %mul3A : i32
    %add3A = arith.addi %mul3A_0, %arg0 : i32
    %mul3A_1 = arith.constant 32 : i32
    %mul3A_2 = arith.muli %add3A, %mul3A_1 : i32
    %jit3A = arith.constant 4 : i32
    %div3A = arith.divsi %add3A, %jit3A : i32
    %sign3A = arith.constant 0 : i32
    %sign3A_3 = arith.cmpi sgt, %add3A, %sign3A : i32
    %sign3A_4 = arith.extui %sign3A_3 : i1 to i32
    %sign3A_5 = arith.constant 0 : i32
    %sign3A_6 = arith.cmpi slt, %add3A, %sign3A_5 : i32
    %sign3A_7 = arith.extui %sign3A_6 : i1 to i32
    %sign3A_8 = arith.subi %sign3A_4, %sign3A_7 : i32
    %sign3A_9 = arith.constant 0 : i32
    %sign3A_10 = arith.cmpi sgt, %jit3A, %sign3A_9 : i32
    %sign3A_11 = arith.extui %sign3A_10 : i1 to i32
    %sign3A_12 = arith.constant 0 : i32
    %sign3A_13 = arith.cmpi slt, %jit3A, %sign3A_12 : i32
    %sign3A_14 = arith.extui %sign3A_13 : i1 to i32
    %sign3A_15 = arith.subi %sign3A_11, %sign3A_14 : i32
    %ne3A = arith.cmpi ne, %sign3A_8, %sign3A_15 : i32
    %rem3A = arith.remsi %add3A, %jit3A : i32
    %ne3A_16 = arith.constant 0 : i32
    %ne3A_17 = arith.cmpi ne, %rem3A, %ne3A_16 : i32
    %and3A = arith.andi %ne3A, %ne3A_17 : i1
    %sub3A = arith.constant 1 : i32
    %sub3A_18 = arith.subi %div3A, %sub3A : i32
    %select_n3A = arith.select %and3A, %sub3A_18, %div3A : i32
    "tpu.region"() ({
      %run_scoped3A = tpu.sem_alloc : memref<!tpu.dma_semaphore, #tpu.memory_space<semaphore_mem>>
      %dma_start3A_43 = tpu.memref_slice %arg2[%mul3A_2] : memref<1024xi32, #tpu.memory_space<hbm>> -> memref<32xi32, #tpu.memory_space<hbm>>
      %dma_start3A_44 = tpu.memref_slice %arg2[%mul3A_2] : memref<1024xi32, #tpu.memory_space<hbm>> -> memref<32xi32, #tpu.memory_space<hbm>>
      tpu.enqueue_dma source(%dma_start3A_44 : memref<32xi32, #tpu.memory_space<hbm>>) target(%arg6 : memref<32xi32, #tpu.memory_space<vmem>>) target_semaphore(%run_scoped3A : memref<!tpu.dma_semaphore, #tpu.memory_space<semaphore_mem>>)
      %dma_wait3A_45 = tpu.memref_slice %arg2[%mul3A_2] : memref<1024xi32, #tpu.memory_space<hbm>> -> memref<32xi32, #tpu.memory_space<hbm>>
      %dma_wait3A_46 = tpu.memref_slice %arg2[%mul3A_2] : memref<1024xi32, #tpu.memory_space<hbm>> -> memref<32xi32, #tpu.memory_space<hbm>>
      tpu.wait_dma2 semaphore(%run_scoped3A : memref<!tpu.dma_semaphore, #tpu.memory_space<semaphore_mem>>) src(%dma_wait3A_46 : memref<32xi32, #tpu.memory_space<hbm>>) dst(%arg6 : memref<32xi32, #tpu.memory_space<vmem>>)
      tpu.yield
    }) : () -> ()
    "tpu.region"() ({
      %run_scoped3A = tpu.sem_alloc : memref<!tpu.dma_semaphore, #tpu.memory_space<semaphore_mem>>
      %dma_start3A_43 = arith.constant 0 : i32
      %dma_start3A_44 = tpu.memref_slice %arg3[%mul3A_2, %dma_start3A_43] : memref<1024x128xf32, #tpu.memory_space<hbm>> -> memref<32x128xf32, #tpu.memory_space<hbm>>
      %dma_start3A_45 = arith.constant 0 : i32
      %dma_start3A_46 = tpu.memref_slice %arg3[%mul3A_2, %dma_start3A_45] : memref<1024x128xf32, #tpu.memory_space<hbm>> -> memref<32x128xf32, #tpu.memory_space<hbm>>
      tpu.enqueue_dma source(%dma_start3A_46 : memref<32x128xf32, #tpu.memory_space<hbm>>) target(%arg8 : memref<32x128xf32, #tpu.memory_space<vmem>>) target_semaphore(%run_scoped3A : memref<!tpu.dma_semaphore, #tpu.memory_space<semaphore_mem>>)
      %dma_wait3A_47 = arith.constant 0 : i32
      %dma_wait3A_48 = tpu.memref_slice %arg3[%mul3A_2, %dma_wait3A_47] : memref<1024x128xf32, #tpu.memory_space<hbm>> -> memref<32x128xf32, #tpu.memory_space<hbm>>
      %dma_wait3A_49 = arith.constant 0 : i32
      %dma_wait3A_50 = tpu.memref_slice %arg3[%mul3A_2, %dma_wait3A_49] : memref<1024x128xf32, #tpu.memory_space<hbm>> -> memref<32x128xf32, #tpu.memory_space<hbm>>
      tpu.wait_dma2 semaphore(%run_scoped3A : memref<!tpu.dma_semaphore, #tpu.memory_space<semaphore_mem>>) src(%dma_wait3A_50 : memref<32x128xf32, #tpu.memory_space<hbm>>) dst(%arg8 : memref<32x128xf32, #tpu.memory_space<vmem>>)
      tpu.yield
    }) : () -> ()
    %get3A = arith.constant 0 : index
    %get3A_19 = tpu.vector_load %arg6[%get3A] {strides = array<i32>} : memref<32xi32, #tpu.memory_space<vmem>>, vector<16xi32>,
    %get3A_20 = vector.shape_cast %get3A_19 : vector<16xi32> to vector<16xi32>
    %mul3A_21 = arith.constant 2048 : i32
    %mul3A_22 = arith.muli %select_n3A, %mul3A_21 : i32
    %add3A_23 = vector.broadcast %mul3A_22 : i32 to vector<16xi32>
    %add3A_24 = arith.addi %get3A_20, %add3A_23 : vector<16xi32>
    %swap3A = arith.constant 0 : index
    %swap3A_25 = tpu.vector_load %arg7[%swap3A] {strides = array<i32>} : memref<32xi32, #tpu.memory_space<vmem>>, vector<16xi32>,
    %swap3A_26 = vector.shape_cast %swap3A_25 : vector<16xi32> to vector<16xi32>
    %swap3A_27 = vector.shape_cast %add3A_24 : vector<16xi32> to vector<16xi32>
    tpu.vector_store %arg7[%swap3A], %swap3A_27 {strides = array<i32>} : memref<32xi32, #tpu.memory_space<vmem>>, vector<16xi32>,
    %get3A_28 = arith.constant 16 : index
    %get3A_29 = tpu.vector_load %arg6[%get3A_28] {strides = array<i32>} : memref<32xi32, #tpu.memory_space<vmem>>, vector<16xi32>,
    %get3A_30 = vector.shape_cast %get3A_29 : vector<16xi32> to vector<16xi32>
    %mul3A_31 = arith.constant 2048 : i32
    %mul3A_32 = arith.muli %select_n3A, %mul3A_31 : i32
    %add3A_33 = vector.broadcast %mul3A_32 : i32 to vector<16xi32>
    %add3A_34 = arith.addi %get3A_30, %add3A_33 : vector<16xi32>
    %swap3A_35 = arith.constant 16 : index
    %swap3A_36 = tpu.vector_load %arg7[%swap3A_35] {strides = array<i32>} : memref<32xi32, #tpu.memory_space<vmem>>, vector<16xi32>,
    %swap3A_37 = vector.shape_cast %swap3A_36 : vector<16xi32> to vector<16xi32>
    %swap3A_38 = vector.shape_cast %add3A_34 : vector<16xi32> to vector<16xi32>
    tpu.vector_store %arg7[%swap3A_35], %swap3A_38 {strides = array<i32>} : memref<32xi32, #tpu.memory_space<vmem>>, vector<16xi32>,
    %dma_start3A = arith.constant 0 : i32
    %dma_start3A_39 = arith.constant 0 : i32
    %dma_start3A_40 = tpu.memref_slice %arg4[%dma_start3A, %dma_start3A_39] : memref<16384x128xf32, #tpu.memory_space<hbm>> -> memref<16384x128xf32, #tpu.memory_space<hbm>>
    tpu.enqueue_indirect_dma source(%arg8 : memref<32x128xf32, #tpu.memory_space<vmem>>) target(%dma_start3A_40 : memref<16384x128xf32, #tpu.memory_space<hbm>>) offsets(%arg7 : memref<32xi32, #tpu.memory_space<vmem>>) semaphore(%arg9 : memref<!tpu.dma_semaphore, #tpu.memory_space<semaphore_mem>>)
    %dma_wait3A = arith.constant 0 : i32
    %dma_wait3A_41 = arith.constant 0 : i32
    %dma_wait3A_42 = tpu.memref_slice %arg4[%dma_wait3A, %dma_wait3A_41] : memref<16384x128xf32, #tpu.memory_space<hbm>> -> memref<16384x128xf32, #tpu.memory_space<hbm>>
    tpu.wait_indirect_dma semaphore(%arg9 : memref<!tpu.dma_semaphore, #tpu.memory_space<semaphore_mem>>) src(%arg8 : memref<32x128xf32, #tpu.memory_space<vmem>>) dst(%dma_wait3A_42 : memref<16384x128xf32, #tpu.memory_space<hbm>>)
    return
  }
}

#map = affine_map<(d0, d1) -> (0)>
#map1 = affine_map<(d0, d1) -> (0, 0)>
module attributes {stable_mosaic.version = 14 : i64} {
  func.func @new_body(%arg0: i32, %arg1: i32, %arg2: memref<1024xi32, #tpu.memory_space<hbm>>, %arg3: memref<16384x128xf32, #tpu.memory_space<hbm>>, %arg4: memref<16384x128xf32, #tpu.memory_space<hbm>>, %arg5: memref<1024x128xf32, #tpu.memory_space<hbm>>, %arg6: memref<1024x128xf32, #tpu.memory_space<hbm>>, %arg7: memref<16384x128xf32, #tpu.memory_space<hbm>>, %arg8: memref<32xi32, #tpu.memory_space<vmem>>, %arg9: memref<32xi32, #tpu.memory_space<vmem>>, %arg10: memref<32x128xf32, #tpu.memory_space<vmem>>, %arg11: memref<32x128xf32, #tpu.memory_space<vmem>>, %arg12: memref<!tpu.dma_semaphore, #tpu.memory_space<semaphore_mem>>) attributes {dimension_semantics = [#tpu.dimension_semantics<core_parallel>, #tpu.dimension_semantics<subcore_parallel>], iteration_bounds = array<i64: 2, 16>, scalar_prefetch = 0 : i64, scratch_operands = 5 : i64, tpu.core_type = #tpu.core_type<sc_vector_subcore>, window_params = [{transform_indices = #map}, {transform_indices = #map1}, {transform_indices = #map1}, {transform_indices = #map1}, {transform_indices = #map1}, {transform_indices = #map1}]} {
    %mul3A = arith.constant 2 : i32
    %mul3A_0 = arith.muli %arg1, %mul3A : i32
    %add3A = arith.addi %mul3A_0, %arg0 : i32
    %mul3A_1 = arith.constant 32 : i32
    %mul3A_2 = arith.muli %add3A, %mul3A_1 : i32
    %jit3A = arith.constant 4 : i32
    %div3A = arith.divsi %add3A, %jit3A : i32
    %sign3A = arith.constant 0 : i32
    %sign3A_3 = arith.cmpi sgt, %add3A, %sign3A : i32
    %sign3A_4 = arith.extui %sign3A_3 : i1 to i32
    %sign3A_5 = arith.constant 0 : i32
    %sign3A_6 = arith.cmpi slt, %add3A, %sign3A_5 : i32
    %sign3A_7 = arith.extui %sign3A_6 : i1 to i32
    %sign3A_8 = arith.subi %sign3A_4, %sign3A_7 : i32
    %sign3A_9 = arith.constant 0 : i32
    %sign3A_10 = arith.cmpi sgt, %jit3A, %sign3A_9 : i32
    %sign3A_11 = arith.extui %sign3A_10 : i1 to i32
    %sign3A_12 = arith.constant 0 : i32
    %sign3A_13 = arith.cmpi slt, %jit3A, %sign3A_12 : i32
    %sign3A_14 = arith.extui %sign3A_13 : i1 to i32
    %sign3A_15 = arith.subi %sign3A_11, %sign3A_14 : i32
    %ne3A = arith.cmpi ne, %sign3A_8, %sign3A_15 : i32
    %rem3A = arith.remsi %add3A, %jit3A : i32
    %ne3A_16 = arith.constant 0 : i32
    %ne3A_17 = arith.cmpi ne, %rem3A, %ne3A_16 : i32
    %and3A = arith.andi %ne3A, %ne3A_17 : i1
    %sub3A = arith.constant 1 : i32
    %sub3A_18 = arith.subi %div3A, %sub3A : i32
    %select_n3A = arith.select %and3A, %sub3A_18, %div3A : i32
    "tpu.region"() ({
      %run_scoped3A = tpu.sem_alloc : memref<!tpu.dma_semaphore, #tpu.memory_space<semaphore_mem>>
      %dma_start3A_49 = tpu.memref_slice %arg2[%mul3A_2] : memref<1024xi32, #tpu.memory_space<hbm>> -> memref<32xi32, #tpu.memory_space<hbm>>
      %dma_start3A_50 = tpu.memref_slice %arg2[%mul3A_2] : memref<1024xi32, #tpu.memory_space<hbm>> -> memref<32xi32, #tpu.memory_space<hbm>>
      tpu.enqueue_dma source(%dma_start3A_50 : memref<32xi32, #tpu.memory_space<hbm>>) target(%arg8 : memref<32xi32, #tpu.memory_space<vmem>>) target_semaphore(%run_scoped3A : memref<!tpu.dma_semaphore, #tpu.memory_space<semaphore_mem>>)
      %dma_wait3A_51 = tpu.memref_slice %arg2[%mul3A_2] : memref<1024xi32, #tpu.memory_space<hbm>> -> memref<32xi32, #tpu.memory_space<hbm>>
      %dma_wait3A_52 = tpu.memref_slice %arg2[%mul3A_2] : memref<1024xi32, #tpu.memory_space<hbm>> -> memref<32xi32, #tpu.memory_space<hbm>>
      tpu.wait_dma2 semaphore(%run_scoped3A : memref<!tpu.dma_semaphore, #tpu.memory_space<semaphore_mem>>) src(%dma_wait3A_52 : memref<32xi32, #tpu.memory_space<hbm>>) dst(%arg8 : memref<32xi32, #tpu.memory_space<vmem>>)
      tpu.yield
    }) : () -> ()
    %get3A = arith.constant 0 : index
    %get3A_19 = tpu.vector_load %arg8[%get3A] {strides = array<i32>} : memref<32xi32, #tpu.memory_space<vmem>>, vector<16xi32>,
    %get3A_20 = vector.shape_cast %get3A_19 : vector<16xi32> to vector<16xi32>
    %mul3A_21 = arith.constant 2048 : i32
    %mul3A_22 = arith.muli %select_n3A, %mul3A_21 : i32
    %add3A_23 = vector.broadcast %mul3A_22 : i32 to vector<16xi32>
    %add3A_24 = arith.addi %get3A_20, %add3A_23 : vector<16xi32>
    %swap3A = arith.constant 0 : index
    %swap3A_25 = tpu.vector_load %arg9[%swap3A] {strides = array<i32>} : memref<32xi32, #tpu.memory_space<vmem>>, vector<16xi32>,
    %swap3A_26 = vector.shape_cast %swap3A_25 : vector<16xi32> to vector<16xi32>
    %swap3A_27 = vector.shape_cast %add3A_24 : vector<16xi32> to vector<16xi32>
    tpu.vector_store %arg9[%swap3A], %swap3A_27 {strides = array<i32>} : memref<32xi32, #tpu.memory_space<vmem>>, vector<16xi32>,
    %get3A_28 = arith.constant 16 : index
    %get3A_29 = tpu.vector_load %arg8[%get3A_28] {strides = array<i32>} : memref<32xi32, #tpu.memory_space<vmem>>, vector<16xi32>,
    %get3A_30 = vector.shape_cast %get3A_29 : vector<16xi32> to vector<16xi32>
    %mul3A_31 = arith.constant 2048 : i32
    %mul3A_32 = arith.muli %select_n3A, %mul3A_31 : i32
    %add3A_33 = vector.broadcast %mul3A_32 : i32 to vector<16xi32>
    %add3A_34 = arith.addi %get3A_30, %add3A_33 : vector<16xi32>
    %swap3A_35 = arith.constant 16 : index
    %swap3A_36 = tpu.vector_load %arg9[%swap3A_35] {strides = array<i32>} : memref<32xi32, #tpu.memory_space<vmem>>, vector<16xi32>,
    %swap3A_37 = vector.shape_cast %swap3A_36 : vector<16xi32> to vector<16xi32>
    %swap3A_38 = vector.shape_cast %add3A_34 : vector<16xi32> to vector<16xi32>
    tpu.vector_store %arg9[%swap3A_35], %swap3A_38 {strides = array<i32>} : memref<32xi32, #tpu.memory_space<vmem>>, vector<16xi32>,
    %dma_start3A = arith.constant 0 : i32
    %dma_start3A_39 = arith.constant 0 : i32
    %dma_start3A_40 = tpu.memref_slice %arg3[%dma_start3A, %dma_start3A_39] : memref<16384x128xf32, #tpu.memory_space<hbm>> -> memref<16384x128xf32, #tpu.memory_space<hbm>>
    tpu.enqueue_indirect_dma source(%dma_start3A_40 : memref<16384x128xf32, #tpu.memory_space<hbm>>) target(%arg10 : memref<32x128xf32, #tpu.memory_space<vmem>>) offsets(%arg9 : memref<32xi32, #tpu.memory_space<vmem>>) semaphore(%arg12 : memref<!tpu.dma_semaphore, #tpu.memory_space<semaphore_mem>>)
    %dma_wait3A = arith.constant 0 : i32
    %dma_wait3A_41 = arith.constant 0 : i32
    %dma_wait3A_42 = tpu.memref_slice %arg3[%dma_wait3A, %dma_wait3A_41] : memref<16384x128xf32, #tpu.memory_space<hbm>> -> memref<16384x128xf32, #tpu.memory_space<hbm>>
    tpu.wait_indirect_dma semaphore(%arg12 : memref<!tpu.dma_semaphore, #tpu.memory_space<semaphore_mem>>) src(%dma_wait3A_42 : memref<16384x128xf32, #tpu.memory_space<hbm>>) dst(%arg10 : memref<32x128xf32, #tpu.memory_space<vmem>>)
    %dma_start3A_43 = arith.constant 0 : i32
    %dma_start3A_44 = arith.constant 0 : i32
    %dma_start3A_45 = tpu.memref_slice %arg4[%dma_start3A_43, %dma_start3A_44] : memref<16384x128xf32, #tpu.memory_space<hbm>> -> memref<16384x128xf32, #tpu.memory_space<hbm>>
    tpu.enqueue_indirect_dma source(%dma_start3A_45 : memref<16384x128xf32, #tpu.memory_space<hbm>>) target(%arg11 : memref<32x128xf32, #tpu.memory_space<vmem>>) offsets(%arg9 : memref<32xi32, #tpu.memory_space<vmem>>) semaphore(%arg12 : memref<!tpu.dma_semaphore, #tpu.memory_space<semaphore_mem>>)
    %dma_wait3A_46 = arith.constant 0 : i32
    %dma_wait3A_47 = arith.constant 0 : i32
    %dma_wait3A_48 = tpu.memref_slice %arg4[%dma_wait3A_46, %dma_wait3A_47] : memref<16384x128xf32, #tpu.memory_space<hbm>> -> memref<16384x128xf32, #tpu.memory_space<hbm>>
    tpu.wait_indirect_dma semaphore(%arg12 : memref<!tpu.dma_semaphore, #tpu.memory_space<semaphore_mem>>) src(%dma_wait3A_48 : memref<16384x128xf32, #tpu.memory_space<hbm>>) dst(%arg11 : memref<32x128xf32, #tpu.memory_space<vmem>>)
    "tpu.region"() ({
      %run_scoped3A = tpu.sem_alloc : memref<!tpu.dma_semaphore, #tpu.memory_space<semaphore_mem>>
      %dma_start3A_49 = arith.constant 0 : i32
      %dma_start3A_50 = tpu.memref_slice %arg5[%mul3A_2, %dma_start3A_49] : memref<1024x128xf32, #tpu.memory_space<hbm>> -> memref<32x128xf32, #tpu.memory_space<hbm>>
      %dma_start3A_51 = arith.constant 0 : i32
      %dma_start3A_52 = tpu.memref_slice %arg5[%mul3A_2, %dma_start3A_51] : memref<1024x128xf32, #tpu.memory_space<hbm>> -> memref<32x128xf32, #tpu.memory_space<hbm>>
      tpu.enqueue_dma source(%arg10 : memref<32x128xf32, #tpu.memory_space<vmem>>) target(%dma_start3A_52 : memref<32x128xf32, #tpu.memory_space<hbm>>) target_semaphore(%run_scoped3A : memref<!tpu.dma_semaphore, #tpu.memory_space<semaphore_mem>>)
      %dma_wait3A_53 = arith.constant 0 : i32
      %dma_wait3A_54 = tpu.memref_slice %arg5[%mul3A_2, %dma_wait3A_53] : memref<1024x128xf32, #tpu.memory_space<hbm>> -> memref<32x128xf32, #tpu.memory_space<hbm>>
      %dma_wait3A_55 = arith.constant 0 : i32
      %dma_wait3A_56 = tpu.memref_slice %arg5[%mul3A_2, %dma_wait3A_55] : memref<1024x128xf32, #tpu.memory_space<hbm>> -> memref<32x128xf32, #tpu.memory_space<hbm>>
      tpu.wait_dma2 semaphore(%run_scoped3A : memref<!tpu.dma_semaphore, #tpu.memory_space<semaphore_mem>>) src(%arg10 : memref<32x128xf32, #tpu.memory_space<vmem>>) dst(%dma_wait3A_56 : memref<32x128xf32, #tpu.memory_space<hbm>>)
      tpu.yield
    }) : () -> ()
    "tpu.region"() ({
      %run_scoped3A = tpu.sem_alloc : memref<!tpu.dma_semaphore, #tpu.memory_space<semaphore_mem>>
      %dma_start3A_49 = arith.constant 0 : i32
      %dma_start3A_50 = tpu.memref_slice %arg6[%mul3A_2, %dma_start3A_49] : memref<1024x128xf32, #tpu.memory_space<hbm>> -> memref<32x128xf32, #tpu.memory_space<hbm>>
      %dma_start3A_51 = arith.constant 0 : i32
      %dma_start3A_52 = tpu.memref_slice %arg6[%mul3A_2, %dma_start3A_51] : memref<1024x128xf32, #tpu.memory_space<hbm>> -> memref<32x128xf32, #tpu.memory_space<hbm>>
      tpu.enqueue_dma source(%arg11 : memref<32x128xf32, #tpu.memory_space<vmem>>) target(%dma_start3A_52 : memref<32x128xf32, #tpu.memory_space<hbm>>) target_semaphore(%run_scoped3A : memref<!tpu.dma_semaphore, #tpu.memory_space<semaphore_mem>>)
      %dma_wait3A_53 = arith.constant 0 : i32
      %dma_wait3A_54 = tpu.memref_slice %arg6[%mul3A_2, %dma_wait3A_53] : memref<1024x128xf32, #tpu.memory_space<hbm>> -> memref<32x128xf32, #tpu.memory_space<hbm>>
      %dma_wait3A_55 = arith.constant 0 : i32
      %dma_wait3A_56 = tpu.memref_slice %arg6[%mul3A_2, %dma_wait3A_55] : memref<1024x128xf32, #tpu.memory_space<hbm>> -> memref<32x128xf32, #tpu.memory_space<hbm>>
      tpu.wait_dma2 semaphore(%run_scoped3A : memref<!tpu.dma_semaphore, #tpu.memory_space<semaphore_mem>>) src(%arg11 : memref<32x128xf32, #tpu.memory_space<vmem>>) dst(%dma_wait3A_56 : memref<32x128xf32, #tpu.memory_space<hbm>>)
      tpu.yield
    }) : () -> ()
    return
  }
}

#map = affine_map<(d0, d1) -> (0)>
#map1 = affine_map<(d0, d1) -> (0, 0)>
module attributes {stable_mosaic.version = 14 : i64} {
  func.func @new_body(%arg0: i32, %arg1: i32, %arg2: memref<1024xi32, #tpu.memory_space<hbm>>, %arg3: memref<1024x128xf32, #tpu.memory_space<hbm>>, %arg4: memref<16384x128xf32, #tpu.memory_space<hbm>>, %arg5: memref<16384x128xf32, #tpu.memory_space<hbm>>, %arg6: memref<32xi32, #tpu.memory_space<vmem>>, %arg7: memref<32xi32, #tpu.memory_space<vmem>>, %arg8: memref<32x128xf32, #tpu.memory_space<vmem>>, %arg9: memref<!tpu.dma_semaphore, #tpu.memory_space<semaphore_mem>>) attributes {dimension_semantics = [#tpu.dimension_semantics<core_parallel>, #tpu.dimension_semantics<subcore_parallel>], iteration_bounds = array<i64: 2, 16>, scalar_prefetch = 0 : i64, scratch_operands = 4 : i64, tpu.core_type = #tpu.core_type<sc_vector_subcore>, window_params = [{transform_indices = #map}, {transform_indices = #map1}, {transform_indices = #map1}, {transform_indices = #map1}]} {
    %mul3A = arith.constant 2 : i32
    %mul3A_0 = arith.muli %arg1, %mul3A : i32
    %add3A = arith.addi %mul3A_0, %arg0 : i32
    %mul3A_1 = arith.constant 32 : i32
    %mul3A_2 = arith.muli %add3A, %mul3A_1 : i32
    %jit3A = arith.constant 4 : i32
    %div3A = arith.divsi %add3A, %jit3A : i32
    %sign3A = arith.constant 0 : i32
    %sign3A_3 = arith.cmpi sgt, %add3A, %sign3A : i32
    %sign3A_4 = arith.extui %sign3A_3 : i1 to i32
    %sign3A_5 = arith.constant 0 : i32
    %sign3A_6 = arith.cmpi slt, %add3A, %sign3A_5 : i32
    %sign3A_7 = arith.extui %sign3A_6 : i1 to i32
    %sign3A_8 = arith.subi %sign3A_4, %sign3A_7 : i32
    %sign3A_9 = arith.constant 0 : i32
    %sign3A_10 = arith.cmpi sgt, %jit3A, %sign3A_9 : i32
    %sign3A_11 = arith.extui %sign3A_10 : i1 to i32
    %sign3A_12 = arith.constant 0 : i32
    %sign3A_13 = arith.cmpi slt, %jit3A, %sign3A_12 : i32
    %sign3A_14 = arith.extui %sign3A_13 : i1 to i32
    %sign3A_15 = arith.subi %sign3A_11, %sign3A_14 : i32
    %ne3A = arith.cmpi ne, %sign3A_8, %sign3A_15 : i32
    %rem3A = arith.remsi %add3A, %jit3A : i32
    %ne3A_16 = arith.constant 0 : i32
    %ne3A_17 = arith.cmpi ne, %rem3A, %ne3A_16 : i32
    %and3A = arith.andi %ne3A, %ne3A_17 : i1
    %sub3A = arith.constant 1 : i32
    %sub3A_18 = arith.subi %div3A, %sub3A : i32
    %select_n3A = arith.select %and3A, %sub3A_18, %div3A : i32
    "tpu.region"() ({
      %run_scoped3A = tpu.sem_alloc : memref<!tpu.dma_semaphore, #tpu.memory_space<semaphore_mem>>
      %dma_start3A_43 = tpu.memref_slice %arg2[%mul3A_2] : memref<1024xi32, #tpu.memory_space<hbm>> -> memref<32xi32, #tpu.memory_space<hbm>>
      %dma_start3A_44 = tpu.memref_slice %arg2[%mul3A_2] : memref<1024xi32, #tpu.memory_space<hbm>> -> memref<32xi32, #tpu.memory_space<hbm>>
      tpu.enqueue_dma source(%dma_start3A_44 : memref<32xi32, #tpu.memory_space<hbm>>) target(%arg6 : memref<32xi32, #tpu.memory_space<vmem>>) target_semaphore(%run_scoped3A : memref<!tpu.dma_semaphore, #tpu.memory_space<semaphore_mem>>)
      %dma_wait3A_45 = tpu.memref_slice %arg2[%mul3A_2] : memref<1024xi32, #tpu.memory_space<hbm>> -> memref<32xi32, #tpu.memory_space<hbm>>
      %dma_wait3A_46 = tpu.memref_slice %arg2[%mul3A_2] : memref<1024xi32, #tpu.memory_space<hbm>> -> memref<32xi32, #tpu.memory_space<hbm>>
      tpu.wait_dma2 semaphore(%run_scoped3A : memref<!tpu.dma_semaphore, #tpu.memory_space<semaphore_mem>>) src(%dma_wait3A_46 : memref<32xi32, #tpu.memory_space<hbm>>) dst(%arg6 : memref<32xi32, #tpu.memory_space<vmem>>)
      tpu.yield
    }) : () -> ()
    "tpu.region"() ({
      %run_scoped3A = tpu.sem_alloc : memref<!tpu.dma_semaphore, #tpu.memory_space<semaphore_mem>>
      %dma_start3A_43 = arith.constant 0 : i32
      %dma_start3A_44 = tpu.memref_slice %arg3[%mul3A_2, %dma_start3A_43] : memref<1024x128xf32, #tpu.memory_space<hbm>> -> memref<32x128xf32, #tpu.memory_space<hbm>>
      %dma_start3A_45 = arith.constant 0 : i32
      %dma_start3A_46 = tpu.memref_slice %arg3[%mul3A_2, %dma_start3A_45] : memref<1024x128xf32, #tpu.memory_space<hbm>> -> memref<32x128xf32, #tpu.memory_space<hbm>>
      tpu.enqueue_dma source(%dma_start3A_46 : memref<32x128xf32, #tpu.memory_space<hbm>>) target(%arg8 : memref<32x128xf32, #tpu.memory_space<vmem>>) target_semaphore(%run_scoped3A : memref<!tpu.dma_semaphore, #tpu.memory_space<semaphore_mem>>)
      %dma_wait3A_47 = arith.constant 0 : i32
      %dma_wait3A_48 = tpu.memref_slice %arg3[%mul3A_2, %dma_wait3A_47] : memref<1024x128xf32, #tpu.memory_space<hbm>> -> memref<32x128xf32, #tpu.memory_space<hbm>>
      %dma_wait3A_49 = arith.constant 0 : i32
      %dma_wait3A_50 = tpu.memref_slice %arg3[%mul3A_2, %dma_wait3A_49] : memref<1024x128xf32, #tpu.memory_space<hbm>> -> memref<32x128xf32, #tpu.memory_space<hbm>>
      tpu.wait_dma2 semaphore(%run_scoped3A : memref<!tpu.dma_semaphore, #tpu.memory_space<semaphore_mem>>) src(%dma_wait3A_50 : memref<32x128xf32, #tpu.memory_space<hbm>>) dst(%arg8 : memref<32x128xf32, #tpu.memory_space<vmem>>)
      tpu.yield
    }) : () -> ()
    %get3A = arith.constant 0 : index
    %get3A_19 = tpu.vector_load %arg6[%get3A] {strides = array<i32>} : memref<32xi32, #tpu.memory_space<vmem>>, vector<16xi32>,
    %get3A_20 = vector.shape_cast %get3A_19 : vector<16xi32> to vector<16xi32>
    %mul3A_21 = arith.constant 2048 : i32
    %mul3A_22 = arith.muli %select_n3A, %mul3A_21 : i32
    %add3A_23 = vector.broadcast %mul3A_22 : i32 to vector<16xi32>
    %add3A_24 = arith.addi %get3A_20, %add3A_23 : vector<16xi32>
    %swap3A = arith.constant 0 : index
    %swap3A_25 = tpu.vector_load %arg7[%swap3A] {strides = array<i32>} : memref<32xi32, #tpu.memory_space<vmem>>, vector<16xi32>,
    %swap3A_26 = vector.shape_cast %swap3A_25 : vector<16xi32> to vector<16xi32>
    %swap3A_27 = vector.shape_cast %add3A_24 : vector<16xi32> to vector<16xi32>
    tpu.vector_store %arg7[%swap3A], %swap3A_27 {strides = array<i32>} : memref<32xi32, #tpu.memory_space<vmem>>, vector<16xi32>,
    %get3A_28 = arith.constant 16 : index
    %get3A_29 = tpu.vector_load %arg6[%get3A_28] {strides = array<i32>} : memref<32xi32, #tpu.memory_space<vmem>>, vector<16xi32>,
    %get3A_30 = vector.shape_cast %get3A_29 : vector<16xi32> to vector<16xi32>
    %mul3A_31 = arith.constant 2048 : i32
    %mul3A_32 = arith.muli %select_n3A, %mul3A_31 : i32
    %add3A_33 = vector.broadcast %mul3A_32 : i32 to vector<16xi32>
    %add3A_34 = arith.addi %get3A_30, %add3A_33 : vector<16xi32>
    %swap3A_35 = arith.constant 16 : index
    %swap3A_36 = tpu.vector_load %arg7[%swap3A_35] {strides = array<i32>} : memref<32xi32, #tpu.memory_space<vmem>>, vector<16xi32>,
    %swap3A_37 = vector.shape_cast %swap3A_36 : vector<16xi32> to vector<16xi32>
    %swap3A_38 = vector.shape_cast %add3A_34 : vector<16xi32> to vector<16xi32>
    tpu.vector_store %arg7[%swap3A_35], %swap3A_38 {strides = array<i32>} : memref<32xi32, #tpu.memory_space<vmem>>, vector<16xi32>,
    %dma_start3A = arith.constant 0 : i32
    %dma_start3A_39 = arith.constant 0 : i32
    %dma_start3A_40 = tpu.memref_slice %arg4[%dma_start3A, %dma_start3A_39] : memref<16384x128xf32, #tpu.memory_space<hbm>> -> memref<16384x128xf32, #tpu.memory_space<hbm>>
    tpu.enqueue_indirect_dma source(%arg8 : memref<32x128xf32, #tpu.memory_space<vmem>>) target(%dma_start3A_40 : memref<16384x128xf32, #tpu.memory_space<hbm>>) offsets(%arg7 : memref<32xi32, #tpu.memory_space<vmem>>) semaphore(%arg9 : memref<!tpu.dma_semaphore, #tpu.memory_space<semaphore_mem>>)
    %dma_wait3A = arith.constant 0 : i32
    %dma_wait3A_41 = arith.constant 0 : i32
    %dma_wait3A_42 = tpu.memref_slice %arg4[%dma_wait3A, %dma_wait3A_41] : memref<16384x128xf32, #tpu.memory_space<hbm>> -> memref<16384x128xf32, #tpu.memory_space<hbm>>
    tpu.wait_indirect_dma semaphore(%arg9 : memref<!tpu.dma_semaphore, #tpu.memory_space<semaphore_mem>>) src(%arg8 : memref<32x128xf32, #tpu.memory_space<vmem>>) dst(%dma_wait3A_42 : memref<16384x128xf32, #tpu.memory_space<hbm>>)
    return
  }
}

#map = affine_map<(d0, d1) -> (0)>
#map1 = affine_map<(d0, d1) -> (0, 0)>
module attributes {stable_mosaic.version = 14 : i64} {
  func.func @new_body(%arg0: i32, %arg1: i32, %arg2: memref<1024xi32, #tpu.memory_space<hbm>>, %arg3: memref<16384x128xf32, #tpu.memory_space<hbm>>, %arg4: memref<16384x128xf32, #tpu.memory_space<hbm>>, %arg5: memref<1024x128xf32, #tpu.memory_space<hbm>>, %arg6: memref<1024x128xf32, #tpu.memory_space<hbm>>, %arg7: memref<16384x128xf32, #tpu.memory_space<hbm>>, %arg8: memref<32xi32, #tpu.memory_space<vmem>>, %arg9: memref<32xi32, #tpu.memory_space<vmem>>, %arg10: memref<32x128xf32, #tpu.memory_space<vmem>>, %arg11: memref<32x128xf32, #tpu.memory_space<vmem>>, %arg12: memref<!tpu.dma_semaphore, #tpu.memory_space<semaphore_mem>>) attributes {dimension_semantics = [#tpu.dimension_semantics<core_parallel>, #tpu.dimension_semantics<subcore_parallel>], iteration_bounds = array<i64: 2, 16>, scalar_prefetch = 0 : i64, scratch_operands = 5 : i64, tpu.core_type = #tpu.core_type<sc_vector_subcore>, window_params = [{transform_indices = #map}, {transform_indices = #map1}, {transform_indices = #map1}, {transform_indices = #map1}, {transform_indices = #map1}, {transform_indices = #map1}]} {
    %mul3A = arith.constant 2 : i32
    %mul3A_0 = arith.muli %arg1, %mul3A : i32
    %add3A = arith.addi %mul3A_0, %arg0 : i32
    %mul3A_1 = arith.constant 32 : i32
    %mul3A_2 = arith.muli %add3A, %mul3A_1 : i32
    %jit3A = arith.constant 4 : i32
    %div3A = arith.divsi %add3A, %jit3A : i32
    %sign3A = arith.constant 0 : i32
    %sign3A_3 = arith.cmpi sgt, %add3A, %sign3A : i32
    %sign3A_4 = arith.extui %sign3A_3 : i1 to i32
    %sign3A_5 = arith.constant 0 : i32
    %sign3A_6 = arith.cmpi slt, %add3A, %sign3A_5 : i32
    %sign3A_7 = arith.extui %sign3A_6 : i1 to i32
    %sign3A_8 = arith.subi %sign3A_4, %sign3A_7 : i32
    %sign3A_9 = arith.constant 0 : i32
    %sign3A_10 = arith.cmpi sgt, %jit3A, %sign3A_9 : i32
    %sign3A_11 = arith.extui %sign3A_10 : i1 to i32
    %sign3A_12 = arith.constant 0 : i32
    %sign3A_13 = arith.cmpi slt, %jit3A, %sign3A_12 : i32
    %sign3A_14 = arith.extui %sign3A_13 : i1 to i32
    %sign3A_15 = arith.subi %sign3A_11, %sign3A_14 : i32
    %ne3A = arith.cmpi ne, %sign3A_8, %sign3A_15 : i32
    %rem3A = arith.remsi %add3A, %jit3A : i32
    %ne3A_16 = arith.constant 0 : i32
    %ne3A_17 = arith.cmpi ne, %rem3A, %ne3A_16 : i32
    %and3A = arith.andi %ne3A, %ne3A_17 : i1
    %sub3A = arith.constant 1 : i32
    %sub3A_18 = arith.subi %div3A, %sub3A : i32
    %select_n3A = arith.select %and3A, %sub3A_18, %div3A : i32
    "tpu.region"() ({
      %run_scoped3A = tpu.sem_alloc : memref<!tpu.dma_semaphore, #tpu.memory_space<semaphore_mem>>
      %dma_start3A_49 = tpu.memref_slice %arg2[%mul3A_2] : memref<1024xi32, #tpu.memory_space<hbm>> -> memref<32xi32, #tpu.memory_space<hbm>>
      %dma_start3A_50 = tpu.memref_slice %arg2[%mul3A_2] : memref<1024xi32, #tpu.memory_space<hbm>> -> memref<32xi32, #tpu.memory_space<hbm>>
      tpu.enqueue_dma source(%dma_start3A_50 : memref<32xi32, #tpu.memory_space<hbm>>) target(%arg8 : memref<32xi32, #tpu.memory_space<vmem>>) target_semaphore(%run_scoped3A : memref<!tpu.dma_semaphore, #tpu.memory_space<semaphore_mem>>)
      %dma_wait3A_51 = tpu.memref_slice %arg2[%mul3A_2] : memref<1024xi32, #tpu.memory_space<hbm>> -> memref<32xi32, #tpu.memory_space<hbm>>
      %dma_wait3A_52 = tpu.memref_slice %arg2[%mul3A_2] : memref<1024xi32, #tpu.memory_space<hbm>> -> memref<32xi32, #tpu.memory_space<hbm>>
      tpu.wait_dma2 semaphore(%run_scoped3A : memref<!tpu.dma_semaphore, #tpu.memory_space<semaphore_mem>>) src(%dma_wait3A_52 : memref<32xi32, #tpu.memory_space<hbm>>) dst(%arg8 : memref<32xi32, #tpu.memory_space<vmem>>)
      tpu.yield
    }) : () -> ()
    %get3A = arith.constant 0 : index
    %get3A_19 = tpu.vector_load %arg8[%get3A] {strides = array<i32>} : memref<32xi32, #tpu.memory_space<vmem>>, vector<16xi32>,
    %get3A_20 = vector.shape_cast %get3A_19 : vector<16xi32> to vector<16xi32>
    %mul3A_21 = arith.constant 2048 : i32
    %mul3A_22 = arith.muli %select_n3A, %mul3A_21 : i32
    %add3A_23 = vector.broadcast %mul3A_22 : i32 to vector<16xi32>
    %add3A_24 = arith.addi %get3A_20, %add3A_23 : vector<16xi32>
    %swap3A = arith.constant 0 : index
    %swap3A_25 = tpu.vector_load %arg9[%swap3A] {strides = array<i32>} : memref<32xi32, #tpu.memory_space<vmem>>, vector<16xi32>,
    %swap3A_26 = vector.shape_cast %swap3A_25 : vector<16xi32> to vector<16xi32>
    %swap3A_27 = vector.shape_cast %add3A_24 : vector<16xi32> to vector<16xi32>
    tpu.vector_store %arg9[%swap3A], %swap3A_27 {strides = array<i32>} : memref<32xi32, #tpu.memory_space<vmem>>, vector<16xi32>,
    %get3A_28 = arith.constant 16 : index
    %get3A_29 = tpu.vector_load %arg8[%get3A_28] {strides = array<i32>} : memref<32xi32, #tpu.memory_space<vmem>>, vector<16xi32>,
    %get3A_30 = vector.shape_cast %get3A_29 : vector<16xi32> to vector<16xi32>
    %mul3A_31 = arith.constant 2048 : i32
    %mul3A_32 = arith.muli %select_n3A, %mul3A_31 : i32
    %add3A_33 = vector.broadcast %mul3A_32 : i32 to vector<16xi32>
    %add3A_34 = arith.addi %get3A_30, %add3A_33 : vector<16xi32>
    %swap3A_35 = arith.constant 16 : index
    %swap3A_36 = tpu.vector_load %arg9[%swap3A_35] {strides = array<i32>} : memref<32xi32, #tpu.memory_space<vmem>>, vector<16xi32>,
    %swap3A_37 = vector.shape_cast %swap3A_36 : vector<16xi32> to vector<16xi32>
    %swap3A_38 = vector.shape_cast %add3A_34 : vector<16xi32> to vector<16xi32>
    tpu.vector_store %arg9[%swap3A_35], %swap3A_38 {strides = array<i32>} : memref<32xi32, #tpu.memory_space<vmem>>, vector<16xi32>,
    %dma_start3A = arith.constant 0 : i32
    %dma_start3A_39 = arith.constant 0 : i32
    %dma_start3A_40 = tpu.memref_slice %arg3[%dma_start3A, %dma_start3A_39] : memref<16384x128xf32, #tpu.memory_space<hbm>> -> memref<16384x128xf32, #tpu.memory_space<hbm>>
    tpu.enqueue_indirect_dma source(%dma_start3A_40 : memref<16384x128xf32, #tpu.memory_space<hbm>>) target(%arg10 : memref<32x128xf32, #tpu.memory_space<vmem>>) offsets(%arg9 : memref<32xi32, #tpu.memory_space<vmem>>) semaphore(%arg12 : memref<!tpu.dma_semaphore, #tpu.memory_space<semaphore_mem>>)
    %dma_wait3A = arith.constant 0 : i32
    %dma_wait3A_41 = arith.constant 0 : i32
    %dma_wait3A_42 = tpu.memref_slice %arg3[%dma_wait3A, %dma_wait3A_41] : memref<16384x128xf32, #tpu.memory_space<hbm>> -> memref<16384x128xf32, #tpu.memory_space<hbm>>
    tpu.wait_indirect_dma semaphore(%arg12 : memref<!tpu.dma_semaphore, #tpu.memory_space<semaphore_mem>>) src(%dma_wait3A_42 : memref<16384x128xf32, #tpu.memory_space<hbm>>) dst(%arg10 : memref<32x128xf32, #tpu.memory_space<vmem>>)
    %dma_start3A_43 = arith.constant 0 : i32
    %dma_start3A_44 = arith.constant 0 : i32
    %dma_start3A_45 = tpu.memref_slice %arg4[%dma_start3A_43, %dma_start3A_44] : memref<16384x128xf32, #tpu.memory_space<hbm>> -> memref<16384x128xf32, #tpu.memory_space<hbm>>
    tpu.enqueue_indirect_dma source(%dma_start3A_45 : memref<16384x128xf32, #tpu.memory_space<hbm>>) target(%arg11 : memref<32x128xf32, #tpu.memory_space<vmem>>) offsets(%arg9 : memref<32xi32, #tpu.memory_space<vmem>>) semaphore(%arg12 : memref<!tpu.dma_semaphore, #tpu.memory_space<semaphore_mem>>)
    %dma_wait3A_46 = arith.constant 0 : i32
    %dma_wait3A_47 = arith.constant 0 : i32
    %dma_wait3A_48 = tpu.memref_slice %arg4[%dma_wait3A_46, %dma_wait3A_47] : memref<16384x128xf32, #tpu.memory_space<hbm>> -> memref<16384x128xf32, #tpu.memory_space<hbm>>
    tpu.wait_indirect_dma semaphore(%arg12 : memref<!tpu.dma_semaphore, #tpu.memory_space<semaphore_mem>>) src(%dma_wait3A_48 : memref<16384x128xf32, #tpu.memory_space<hbm>>) dst(%arg11 : memref<32x128xf32, #tpu.memory_space<vmem>>)
    "tpu.region"() ({
      %run_scoped3A = tpu.sem_alloc : memref<!tpu.dma_semaphore, #tpu.memory_space<semaphore_mem>>
      %dma_start3A_49 = arith.constant 0 : i32
      %dma_start3A_50 = tpu.memref_slice %arg5[%mul3A_2, %dma_start3A_49] : memref<1024x128xf32, #tpu.memory_space<hbm>> -> memref<32x128xf32, #tpu.memory_space<hbm>>
      %dma_start3A_51 = arith.constant 0 : i32
      %dma_start3A_52 = tpu.memref_slice %arg5[%mul3A_2, %dma_start3A_51] : memref<1024x128xf32, #tpu.memory_space<hbm>> -> memref<32x128xf32, #tpu.memory_space<hbm>>
      tpu.enqueue_dma source(%arg10 : memref<32x128xf32, #tpu.memory_space<vmem>>) target(%dma_start3A_52 : memref<32x128xf32, #tpu.memory_space<hbm>>) target_semaphore(%run_scoped3A : memref<!tpu.dma_semaphore, #tpu.memory_space<semaphore_mem>>)
      %dma_wait3A_53 = arith.constant 0 : i32
      %dma_wait3A_54 = tpu.memref_slice %arg5[%mul3A_2, %dma_wait3A_53] : memref<1024x128xf32, #tpu.memory_space<hbm>> -> memref<32x128xf32, #tpu.memory_space<hbm>>
      %dma_wait3A_55 = arith.constant 0 : i32
      %dma_wait3A_56 = tpu.memref_slice %arg5[%mul3A_2, %dma_wait3A_55] : memref<1024x128xf32, #tpu.memory_space<hbm>> -> memref<32x128xf32, #tpu.memory_space<hbm>>
      tpu.wait_dma2 semaphore(%run_scoped3A : memref<!tpu.dma_semaphore, #tpu.memory_space<semaphore_mem>>) src(%arg10 : memref<32x128xf32, #tpu.memory_space<vmem>>) dst(%dma_wait3A_56 : memref<32x128xf32, #tpu.memory_space<hbm>>)
      tpu.yield
    }) : () -> ()
    "tpu.region"() ({
      %run_scoped3A = tpu.sem_alloc : memref<!tpu.dma_semaphore, #tpu.memory_space<semaphore_mem>>
      %dma_start3A_49 = arith.constant 0 : i32
      %dma_start3A_50 = tpu.memref_slice %arg6[%mul3A_2, %dma_start3A_49] : memref<1024x128xf32, #tpu.memory_space<hbm>> -> memref<32x128xf32, #tpu.memory_space<hbm>>
      %dma_start3A_51 = arith.constant 0 : i32
      %dma_start3A_52 = tpu.memref_slice %arg6[%mul3A_2, %dma_start3A_51] : memref<1024x128xf32, #tpu.memory_space<hbm>> -> memref<32x128xf32, #tpu.memory_space<hbm>>
      tpu.enqueue_dma source(%arg11 : memref<32x128xf32, #tpu.memory_space<vmem>>) target(%dma_start3A_52 : memref<32x128xf32, #tpu.memory_space<hbm>>) target_semaphore(%run_scoped3A : memref<!tpu.dma_semaphore, #tpu.memory_space<semaphore_mem>>)
      %dma_wait3A_53 = arith.constant 0 : i32
      %dma_wait3A_54 = tpu.memref_slice %arg6[%mul3A_2, %dma_wait3A_53] : memref<1024x128xf32, #tpu.memory_space<hbm>> -> memref<32x128xf32, #tpu.memory_space<hbm>>
      %dma_wait3A_55 = arith.constant 0 : i32
      %dma_wait3A_56 = tpu.memref_slice %arg6[%mul3A_2, %dma_wait3A_55] : memref<1024x128xf32, #tpu.memory_space<hbm>> -> memref<32x128xf32, #tpu.memory_space<hbm>>
      tpu.wait_dma2 semaphore(%run_scoped3A : memref<!tpu.dma_semaphore, #tpu.memory_space<semaphore_mem>>) src(%arg11 : memref<32x128xf32, #tpu.memory_space<vmem>>) dst(%dma_wait3A_56 : memref<32x128xf32, #tpu.memory_space<hbm>>)
      tpu.yield
    }) : () -> ()
    return
  }
}

#map = affine_map<(d0, d1) -> (0)>
#map1 = affine_map<(d0, d1) -> (0, 0)>
module attributes {stable_mosaic.version = 14 : i64} {
  func.func @new_body(%arg0: i32, %arg1: i32, %arg2: memref<1024xi32, #tpu.memory_space<hbm>>, %arg3: memref<1024x128xf32, #tpu.memory_space<hbm>>, %arg4: memref<16384x128xf32, #tpu.memory_space<hbm>>, %arg5: memref<16384x128xf32, #tpu.memory_space<hbm>>, %arg6: memref<32xi32, #tpu.memory_space<vmem>>, %arg7: memref<32xi32, #tpu.memory_space<vmem>>, %arg8: memref<32x128xf32, #tpu.memory_space<vmem>>, %arg9: memref<!tpu.dma_semaphore, #tpu.memory_space<semaphore_mem>>) attributes {dimension_semantics = [#tpu.dimension_semantics<core_parallel>, #tpu.dimension_semantics<subcore_parallel>], iteration_bounds = array<i64: 2, 16>, scalar_prefetch = 0 : i64, scratch_operands = 4 : i64, tpu.core_type = #tpu.core_type<sc_vector_subcore>, window_params = [{transform_indices = #map}, {transform_indices = #map1}, {transform_indices = #map1}, {transform_indices = #map1}]} {
    %mul3A = arith.constant 2 : i32
    %mul3A_0 = arith.muli %arg1, %mul3A : i32
    %add3A = arith.addi %mul3A_0, %arg0 : i32
    %mul3A_1 = arith.constant 32 : i32
    %mul3A_2 = arith.muli %add3A, %mul3A_1 : i32
    %jit3A = arith.constant 4 : i32
    %div3A = arith.divsi %add3A, %jit3A : i32
    %sign3A = arith.constant 0 : i32
    %sign3A_3 = arith.cmpi sgt, %add3A, %sign3A : i32
    %sign3A_4 = arith.extui %sign3A_3 : i1 to i32
    %sign3A_5 = arith.constant 0 : i32
    %sign3A_6 = arith.cmpi slt, %add3A, %sign3A_5 : i32
    %sign3A_7 = arith.extui %sign3A_6 : i1 to i32
    %sign3A_8 = arith.subi %sign3A_4, %sign3A_7 : i32
    %sign3A_9 = arith.constant 0 : i32
    %sign3A_10 = arith.cmpi sgt, %jit3A, %sign3A_9 : i32
    %sign3A_11 = arith.extui %sign3A_10 : i1 to i32
    %sign3A_12 = arith.constant 0 : i32
    %sign3A_13 = arith.cmpi slt, %jit3A, %sign3A_12 : i32
    %sign3A_14 = arith.extui %sign3A_13 : i1 to i32
    %sign3A_15 = arith.subi %sign3A_11, %sign3A_14 : i32
    %ne3A = arith.cmpi ne, %sign3A_8, %sign3A_15 : i32
    %rem3A = arith.remsi %add3A, %jit3A : i32
    %ne3A_16 = arith.constant 0 : i32
    %ne3A_17 = arith.cmpi ne, %rem3A, %ne3A_16 : i32
    %and3A = arith.andi %ne3A, %ne3A_17 : i1
    %sub3A = arith.constant 1 : i32
    %sub3A_18 = arith.subi %div3A, %sub3A : i32
    %select_n3A = arith.select %and3A, %sub3A_18, %div3A : i32
    "tpu.region"() ({
      %run_scoped3A = tpu.sem_alloc : memref<!tpu.dma_semaphore, #tpu.memory_space<semaphore_mem>>
      %dma_start3A_43 = tpu.memref_slice %arg2[%mul3A_2] : memref<1024xi32, #tpu.memory_space<hbm>> -> memref<32xi32, #tpu.memory_space<hbm>>
      %dma_start3A_44 = tpu.memref_slice %arg2[%mul3A_2] : memref<1024xi32, #tpu.memory_space<hbm>> -> memref<32xi32, #tpu.memory_space<hbm>>
      tpu.enqueue_dma source(%dma_start3A_44 : memref<32xi32, #tpu.memory_space<hbm>>) target(%arg6 : memref<32xi32, #tpu.memory_space<vmem>>) target_semaphore(%run_scoped3A : memref<!tpu.dma_semaphore, #tpu.memory_space<semaphore_mem>>)
      %dma_wait3A_45 = tpu.memref_slice %arg2[%mul3A_2] : memref<1024xi32, #tpu.memory_space<hbm>> -> memref<32xi32, #tpu.memory_space<hbm>>
      %dma_wait3A_46 = tpu.memref_slice %arg2[%mul3A_2] : memref<1024xi32, #tpu.memory_space<hbm>> -> memref<32xi32, #tpu.memory_space<hbm>>
      tpu.wait_dma2 semaphore(%run_scoped3A : memref<!tpu.dma_semaphore, #tpu.memory_space<semaphore_mem>>) src(%dma_wait3A_46 : memref<32xi32, #tpu.memory_space<hbm>>) dst(%arg6 : memref<32xi32, #tpu.memory_space<vmem>>)
      tpu.yield
    }) : () -> ()
    "tpu.region"() ({
      %run_scoped3A = tpu.sem_alloc : memref<!tpu.dma_semaphore, #tpu.memory_space<semaphore_mem>>
      %dma_start3A_43 = arith.constant 0 : i32
      %dma_start3A_44 = tpu.memref_slice %arg3[%mul3A_2, %dma_start3A_43] : memref<1024x128xf32, #tpu.memory_space<hbm>> -> memref<32x128xf32, #tpu.memory_space<hbm>>
      %dma_start3A_45 = arith.constant 0 : i32
      %dma_start3A_46 = tpu.memref_slice %arg3[%mul3A_2, %dma_start3A_45] : memref<1024x128xf32, #tpu.memory_space<hbm>> -> memref<32x128xf32, #tpu.memory_space<hbm>>
      tpu.enqueue_dma source(%dma_start3A_46 : memref<32x128xf32, #tpu.memory_space<hbm>>) target(%arg8 : memref<32x128xf32, #tpu.memory_space<vmem>>) target_semaphore(%run_scoped3A : memref<!tpu.dma_semaphore, #tpu.memory_space<semaphore_mem>>)
      %dma_wait3A_47 = arith.constant 0 : i32
      %dma_wait3A_48 = tpu.memref_slice %arg3[%mul3A_2, %dma_wait3A_47] : memref<1024x128xf32, #tpu.memory_space<hbm>> -> memref<32x128xf32, #tpu.memory_space<hbm>>
      %dma_wait3A_49 = arith.constant 0 : i32
      %dma_wait3A_50 = tpu.memref_slice %arg3[%mul3A_2, %dma_wait3A_49] : memref<1024x128xf32, #tpu.memory_space<hbm>> -> memref<32x128xf32, #tpu.memory_space<hbm>>
      tpu.wait_dma2 semaphore(%run_scoped3A : memref<!tpu.dma_semaphore, #tpu.memory_space<semaphore_mem>>) src(%dma_wait3A_50 : memref<32x128xf32, #tpu.memory_space<hbm>>) dst(%arg8 : memref<32x128xf32, #tpu.memory_space<vmem>>)
      tpu.yield
    }) : () -> ()
    %get3A = arith.constant 0 : index
    %get3A_19 = tpu.vector_load %arg6[%get3A] {strides = array<i32>} : memref<32xi32, #tpu.memory_space<vmem>>, vector<16xi32>,
    %get3A_20 = vector.shape_cast %get3A_19 : vector<16xi32> to vector<16xi32>
    %mul3A_21 = arith.constant 2048 : i32
    %mul3A_22 = arith.muli %select_n3A, %mul3A_21 : i32
    %add3A_23 = vector.broadcast %mul3A_22 : i32 to vector<16xi32>
    %add3A_24 = arith.addi %get3A_20, %add3A_23 : vector<16xi32>
    %swap3A = arith.constant 0 : index
    %swap3A_25 = tpu.vector_load %arg7[%swap3A] {strides = array<i32>} : memref<32xi32, #tpu.memory_space<vmem>>, vector<16xi32>,
    %swap3A_26 = vector.shape_cast %swap3A_25 : vector<16xi32> to vector<16xi32>
    %swap3A_27 = vector.shape_cast %add3A_24 : vector<16xi32> to vector<16xi32>
    tpu.vector_store %arg7[%swap3A], %swap3A_27 {strides = array<i32>} : memref<32xi32, #tpu.memory_space<vmem>>, vector<16xi32>,
    %get3A_28 = arith.constant 16 : index
    %get3A_29 = tpu.vector_load %arg6[%get3A_28] {strides = array<i32>} : memref<32xi32, #tpu.memory_space<vmem>>, vector<16xi32>,
    %get3A_30 = vector.shape_cast %get3A_29 : vector<16xi32> to vector<16xi32>
    %mul3A_31 = arith.constant 2048 : i32
    %mul3A_32 = arith.muli %select_n3A, %mul3A_31 : i32
    %add3A_33 = vector.broadcast %mul3A_32 : i32 to vector<16xi32>
    %add3A_34 = arith.addi %get3A_30, %add3A_33 : vector<16xi32>
    %swap3A_35 = arith.constant 16 : index
    %swap3A_36 = tpu.vector_load %arg7[%swap3A_35] {strides = array<i32>} : memref<32xi32, #tpu.memory_space<vmem>>, vector<16xi32>,
    %swap3A_37 = vector.shape_cast %swap3A_36 : vector<16xi32> to vector<16xi32>
    %swap3A_38 = vector.shape_cast %add3A_34 : vector<16xi32> to vector<16xi32>
    tpu.vector_store %arg7[%swap3A_35], %swap3A_38 {strides = array<i32>} : memref<32xi32, #tpu.memory_space<vmem>>, vector<16xi32>,
    %dma_start3A = arith.constant 0 : i32
    %dma_start3A_39 = arith.constant 0 : i32
    %dma_start3A_40 = tpu.memref_slice %arg4[%dma_start3A, %dma_start3A_39] : memref<16384x128xf32, #tpu.memory_space<hbm>> -> memref<16384x128xf32, #tpu.memory_space<hbm>>
    tpu.enqueue_indirect_dma source(%arg8 : memref<32x128xf32, #tpu.memory_space<vmem>>) target(%dma_start3A_40 : memref<16384x128xf32, #tpu.memory_space<hbm>>) offsets(%arg7 : memref<32xi32, #tpu.memory_space<vmem>>) semaphore(%arg9 : memref<!tpu.dma_semaphore, #tpu.memory_space<semaphore_mem>>)
    %dma_wait3A = arith.constant 0 : i32
    %dma_wait3A_41 = arith.constant 0 : i32
    %dma_wait3A_42 = tpu.memref_slice %arg4[%dma_wait3A, %dma_wait3A_41] : memref<16384x128xf32, #tpu.memory_space<hbm>> -> memref<16384x128xf32, #tpu.memory_space<hbm>>
    tpu.wait_indirect_dma semaphore(%arg9 : memref<!tpu.dma_semaphore, #tpu.memory_space<semaphore_mem>>) src(%arg8 : memref<32x128xf32, #tpu.memory_space<vmem>>) dst(%dma_wait3A_42 : memref<16384x128xf32, #tpu.memory_space<hbm>>)
    return
  }
}

#map = affine_map<(d0, d1) -> (0)>
#map1 = affine_map<(d0, d1) -> (0, 0)>
module attributes {stable_mosaic.version = 14 : i64} {
  func.func @new_body(%arg0: i32, %arg1: i32, %arg2: memref<1024xi32, #tpu.memory_space<hbm>>, %arg3: memref<16384x128xf32, #tpu.memory_space<hbm>>, %arg4: memref<16384x128xf32, #tpu.memory_space<hbm>>, %arg5: memref<1024x128xf32, #tpu.memory_space<hbm>>, %arg6: memref<1024x128xf32, #tpu.memory_space<hbm>>, %arg7: memref<16384x128xf32, #tpu.memory_space<hbm>>, %arg8: memref<32xi32, #tpu.memory_space<vmem>>, %arg9: memref<32xi32, #tpu.memory_space<vmem>>, %arg10: memref<32x128xf32, #tpu.memory_space<vmem>>, %arg11: memref<32x128xf32, #tpu.memory_space<vmem>>, %arg12: memref<!tpu.dma_semaphore, #tpu.memory_space<semaphore_mem>>) attributes {dimension_semantics = [#tpu.dimension_semantics<core_parallel>, #tpu.dimension_semantics<subcore_parallel>], iteration_bounds = array<i64: 2, 16>, scalar_prefetch = 0 : i64, scratch_operands = 5 : i64, tpu.core_type = #tpu.core_type<sc_vector_subcore>, window_params = [{transform_indices = #map}, {transform_indices = #map1}, {transform_indices = #map1}, {transform_indices = #map1}, {transform_indices = #map1}, {transform_indices = #map1}]} {
    %mul3A = arith.constant 2 : i32
    %mul3A_0 = arith.muli %arg1, %mul3A : i32
    %add3A = arith.addi %mul3A_0, %arg0 : i32
    %mul3A_1 = arith.constant 32 : i32
    %mul3A_2 = arith.muli %add3A, %mul3A_1 : i32
    %jit3A = arith.constant 4 : i32
    %div3A = arith.divsi %add3A, %jit3A : i32
    %sign3A = arith.constant 0 : i32
    %sign3A_3 = arith.cmpi sgt, %add3A, %sign3A : i32
    %sign3A_4 = arith.extui %sign3A_3 : i1 to i32
    %sign3A_5 = arith.constant 0 : i32
    %sign3A_6 = arith.cmpi slt, %add3A, %sign3A_5 : i32
    %sign3A_7 = arith.extui %sign3A_6 : i1 to i32
    %sign3A_8 = arith.subi %sign3A_4, %sign3A_7 : i32
    %sign3A_9 = arith.constant 0 : i32
    %sign3A_10 = arith.cmpi sgt, %jit3A, %sign3A_9 : i32
    %sign3A_11 = arith.extui %sign3A_10 : i1 to i32
    %sign3A_12 = arith.constant 0 : i32
    %sign3A_13 = arith.cmpi slt, %jit3A, %sign3A_12 : i32
    %sign3A_14 = arith.extui %sign3A_13 : i1 to i32
    %sign3A_15 = arith.subi %sign3A_11, %sign3A_14 : i32
    %ne3A = arith.cmpi ne, %sign3A_8, %sign3A_15 : i32
    %rem3A = arith.remsi %add3A, %jit3A : i32
    %ne3A_16 = arith.constant 0 : i32
    %ne3A_17 = arith.cmpi ne, %rem3A, %ne3A_16 : i32
    %and3A = arith.andi %ne3A, %ne3A_17 : i1
    %sub3A = arith.constant 1 : i32
    %sub3A_18 = arith.subi %div3A, %sub3A : i32
    %select_n3A = arith.select %and3A, %sub3A_18, %div3A : i32
    "tpu.region"() ({
      %run_scoped3A = tpu.sem_alloc : memref<!tpu.dma_semaphore, #tpu.memory_space<semaphore_mem>>
      %dma_start3A_49 = tpu.memref_slice %arg2[%mul3A_2] : memref<1024xi32, #tpu.memory_space<hbm>> -> memref<32xi32, #tpu.memory_space<hbm>>
      %dma_start3A_50 = tpu.memref_slice %arg2[%mul3A_2] : memref<1024xi32, #tpu.memory_space<hbm>> -> memref<32xi32, #tpu.memory_space<hbm>>
      tpu.enqueue_dma source(%dma_start3A_50 : memref<32xi32, #tpu.memory_space<hbm>>) target(%arg8 : memref<32xi32, #tpu.memory_space<vmem>>) target_semaphore(%run_scoped3A : memref<!tpu.dma_semaphore, #tpu.memory_space<semaphore_mem>>)
      %dma_wait3A_51 = tpu.memref_slice %arg2[%mul3A_2] : memref<1024xi32, #tpu.memory_space<hbm>> -> memref<32xi32, #tpu.memory_space<hbm>>
      %dma_wait3A_52 = tpu.memref_slice %arg2[%mul3A_2] : memref<1024xi32, #tpu.memory_space<hbm>> -> memref<32xi32, #tpu.memory_space<hbm>>
      tpu.wait_dma2 semaphore(%run_scoped3A : memref<!tpu.dma_semaphore, #tpu.memory_space<semaphore_mem>>) src(%dma_wait3A_52 : memref<32xi32, #tpu.memory_space<hbm>>) dst(%arg8 : memref<32xi32, #tpu.memory_space<vmem>>)
      tpu.yield
    }) : () -> ()
    %get3A = arith.constant 0 : index
    %get3A_19 = tpu.vector_load %arg8[%get3A] {strides = array<i32>} : memref<32xi32, #tpu.memory_space<vmem>>, vector<16xi32>,
    %get3A_20 = vector.shape_cast %get3A_19 : vector<16xi32> to vector<16xi32>
    %mul3A_21 = arith.constant 2048 : i32
    %mul3A_22 = arith.muli %select_n3A, %mul3A_21 : i32
    %add3A_23 = vector.broadcast %mul3A_22 : i32 to vector<16xi32>
    %add3A_24 = arith.addi %get3A_20, %add3A_23 : vector<16xi32>
    %swap3A = arith.constant 0 : index
    %swap3A_25 = tpu.vector_load %arg9[%swap3A] {strides = array<i32>} : memref<32xi32, #tpu.memory_space<vmem>>, vector<16xi32>,
    %swap3A_26 = vector.shape_cast %swap3A_25 : vector<16xi32> to vector<16xi32>
    %swap3A_27 = vector.shape_cast %add3A_24 : vector<16xi32> to vector<16xi32>
    tpu.vector_store %arg9[%swap3A], %swap3A_27 {strides = array<i32>} : memref<32xi32, #tpu.memory_space<vmem>>, vector<16xi32>,
    %get3A_28 = arith.constant 16 : index
    %get3A_29 = tpu.vector_load %arg8[%get3A_28] {strides = array<i32>} : memref<32xi32, #tpu.memory_space<vmem>>, vector<16xi32>,
    %get3A_30 = vector.shape_cast %get3A_29 : vector<16xi32> to vector<16xi32>
    %mul3A_31 = arith.constant 2048 : i32
    %mul3A_32 = arith.muli %select_n3A, %mul3A_31 : i32
    %add3A_33 = vector.broadcast %mul3A_32 : i32 to vector<16xi32>
    %add3A_34 = arith.addi %get3A_30, %add3A_33 : vector<16xi32>
    %swap3A_35 = arith.constant 16 : index
    %swap3A_36 = tpu.vector_load %arg9[%swap3A_35] {strides = array<i32>} : memref<32xi32, #tpu.memory_space<vmem>>, vector<16xi32>,
    %swap3A_37 = vector.shape_cast %swap3A_36 : vector<16xi32> to vector<16xi32>
    %swap3A_38 = vector.shape_cast %add3A_34 : vector<16xi32> to vector<16xi32>
    tpu.vector_store %arg9[%swap3A_35], %swap3A_38 {strides = array<i32>} : memref<32xi32, #tpu.memory_space<vmem>>, vector<16xi32>,
    %dma_start3A = arith.constant 0 : i32
    %dma_start3A_39 = arith.constant 0 : i32
    %dma_start3A_40 = tpu.memref_slice %arg3[%dma_start3A, %dma_start3A_39] : memref<16384x128xf32, #tpu.memory_space<hbm>> -> memref<16384x128xf32, #tpu.memory_space<hbm>>
    tpu.enqueue_indirect_dma source(%dma_start3A_40 : memref<16384x128xf32, #tpu.memory_space<hbm>>) target(%arg10 : memref<32x128xf32, #tpu.memory_space<vmem>>) offsets(%arg9 : memref<32xi32, #tpu.memory_space<vmem>>) semaphore(%arg12 : memref<!tpu.dma_semaphore, #tpu.memory_space<semaphore_mem>>)
    %dma_wait3A = arith.constant 0 : i32
    %dma_wait3A_41 = arith.constant 0 : i32
    %dma_wait3A_42 = tpu.memref_slice %arg3[%dma_wait3A, %dma_wait3A_41] : memref<16384x128xf32, #tpu.memory_space<hbm>> -> memref<16384x128xf32, #tpu.memory_space<hbm>>
    tpu.wait_indirect_dma semaphore(%arg12 : memref<!tpu.dma_semaphore, #tpu.memory_space<semaphore_mem>>) src(%dma_wait3A_42 : memref<16384x128xf32, #tpu.memory_space<hbm>>) dst(%arg10 : memref<32x128xf32, #tpu.memory_space<vmem>>)
    %dma_start3A_43 = arith.constant 0 : i32
    %dma_start3A_44 = arith.constant 0 : i32
    %dma_start3A_45 = tpu.memref_slice %arg4[%dma_start3A_43, %dma_start3A_44] : memref<16384x128xf32, #tpu.memory_space<hbm>> -> memref<16384x128xf32, #tpu.memory_space<hbm>>
    tpu.enqueue_indirect_dma source(%dma_start3A_45 : memref<16384x128xf32, #tpu.memory_space<hbm>>) target(%arg11 : memref<32x128xf32, #tpu.memory_space<vmem>>) offsets(%arg9 : memref<32xi32, #tpu.memory_space<vmem>>) semaphore(%arg12 : memref<!tpu.dma_semaphore, #tpu.memory_space<semaphore_mem>>)
    %dma_wait3A_46 = arith.constant 0 : i32
    %dma_wait3A_47 = arith.constant 0 : i32
    %dma_wait3A_48 = tpu.memref_slice %arg4[%dma_wait3A_46, %dma_wait3A_47] : memref<16384x128xf32, #tpu.memory_space<hbm>> -> memref<16384x128xf32, #tpu.memory_space<hbm>>
    tpu.wait_indirect_dma semaphore(%arg12 : memref<!tpu.dma_semaphore, #tpu.memory_space<semaphore_mem>>) src(%dma_wait3A_48 : memref<16384x128xf32, #tpu.memory_space<hbm>>) dst(%arg11 : memref<32x128xf32, #tpu.memory_space<vmem>>)
    "tpu.region"() ({
      %run_scoped3A = tpu.sem_alloc : memref<!tpu.dma_semaphore, #tpu.memory_space<semaphore_mem>>
      %dma_start3A_49 = arith.constant 0 : i32
      %dma_start3A_50 = tpu.memref_slice %arg5[%mul3A_2, %dma_start3A_49] : memref<1024x128xf32, #tpu.memory_space<hbm>> -> memref<32x128xf32, #tpu.memory_space<hbm>>
      %dma_start3A_51 = arith.constant 0 : i32
      %dma_start3A_52 = tpu.memref_slice %arg5[%mul3A_2, %dma_start3A_51] : memref<1024x128xf32, #tpu.memory_space<hbm>> -> memref<32x128xf32, #tpu.memory_space<hbm>>
      tpu.enqueue_dma source(%arg10 : memref<32x128xf32, #tpu.memory_space<vmem>>) target(%dma_start3A_52 : memref<32x128xf32, #tpu.memory_space<hbm>>) target_semaphore(%run_scoped3A : memref<!tpu.dma_semaphore, #tpu.memory_space<semaphore_mem>>)
      %dma_wait3A_53 = arith.constant 0 : i32
      %dma_wait3A_54 = tpu.memref_slice %arg5[%mul3A_2, %dma_wait3A_53] : memref<1024x128xf32, #tpu.memory_space<hbm>> -> memref<32x128xf32, #tpu.memory_space<hbm>>
      %dma_wait3A_55 = arith.constant 0 : i32
      %dma_wait3A_56 = tpu.memref_slice %arg5[%mul3A_2, %dma_wait3A_55] : memref<1024x128xf32, #tpu.memory_space<hbm>> -> memref<32x128xf32, #tpu.memory_space<hbm>>
      tpu.wait_dma2 semaphore(%run_scoped3A : memref<!tpu.dma_semaphore, #tpu.memory_space<semaphore_mem>>) src(%arg10 : memref<32x128xf32, #tpu.memory_space<vmem>>) dst(%dma_wait3A_56 : memref<32x128xf32, #tpu.memory_space<hbm>>)
      tpu.yield
    }) : () -> ()
    "tpu.region"() ({
      %run_scoped3A = tpu.sem_alloc : memref<!tpu.dma_semaphore, #tpu.memory_space<semaphore_mem>>
      %dma_start3A_49 = arith.constant 0 : i32
      %dma_start3A_50 = tpu.memref_slice %arg6[%mul3A_2, %dma_start3A_49] : memref<1024x128xf32, #tpu.memory_space<hbm>> -> memref<32x128xf32, #tpu.memory_space<hbm>>
      %dma_start3A_51 = arith.constant 0 : i32
      %dma_start3A_52 = tpu.memref_slice %arg6[%mul3A_2, %dma_start3A_51] : memref<1024x128xf32, #tpu.memory_space<hbm>> -> memref<32x128xf32, #tpu.memory_space<hbm>>
      tpu.enqueue_dma source(%arg11 : memref<32x128xf32, #tpu.memory_space<vmem>>) target(%dma_start3A_52 : memref<32x128xf32, #tpu.memory_space<hbm>>) target_semaphore(%run_scoped3A : memref<!tpu.dma_semaphore, #tpu.memory_space<semaphore_mem>>)
      %dma_wait3A_53 = arith.constant 0 : i32
      %dma_wait3A_54 = tpu.memref_slice %arg6[%mul3A_2, %dma_wait3A_53] : memref<1024x128xf32, #tpu.memory_space<hbm>> -> memref<32x128xf32, #tpu.memory_space<hbm>>
      %dma_wait3A_55 = arith.constant 0 : i32
      %dma_wait3A_56 = tpu.memref_slice %arg6[%mul3A_2, %dma_wait3A_55] : memref<1024x128xf32, #tpu.memory_space<hbm>> -> memref<32x128xf32, #tpu.memory_space<hbm>>
      tpu.wait_dma2 semaphore(%run_scoped3A : memref<!tpu.dma_semaphore, #tpu.memory_space<semaphore_mem>>) src(%arg11 : memref<32x128xf32, #tpu.memory_space<vmem>>) dst(%dma_wait3A_56 : memref<32x128xf32, #tpu.memory_space<hbm>>)
      tpu.yield
    }) : () -> ()
    return
  }
}

#map = affine_map<(d0, d1) -> (0)>
#map1 = affine_map<(d0, d1) -> (0, 0)>
module attributes {stable_mosaic.version = 14 : i64} {
  func.func @new_body(%arg0: i32, %arg1: i32, %arg2: memref<1024xi32, #tpu.memory_space<hbm>>, %arg3: memref<1024x128xf32, #tpu.memory_space<hbm>>, %arg4: memref<16384x128xf32, #tpu.memory_space<hbm>>, %arg5: memref<16384x128xf32, #tpu.memory_space<hbm>>, %arg6: memref<32xi32, #tpu.memory_space<vmem>>, %arg7: memref<32xi32, #tpu.memory_space<vmem>>, %arg8: memref<32x128xf32, #tpu.memory_space<vmem>>, %arg9: memref<!tpu.dma_semaphore, #tpu.memory_space<semaphore_mem>>) attributes {dimension_semantics = [#tpu.dimension_semantics<core_parallel>, #tpu.dimension_semantics<subcore_parallel>], iteration_bounds = array<i64: 2, 16>, scalar_prefetch = 0 : i64, scratch_operands = 4 : i64, tpu.core_type = #tpu.core_type<sc_vector_subcore>, window_params = [{transform_indices = #map}, {transform_indices = #map1}, {transform_indices = #map1}, {transform_indices = #map1}]} {
    %mul3A = arith.constant 2 : i32
    %mul3A_0 = arith.muli %arg1, %mul3A : i32
    %add3A = arith.addi %mul3A_0, %arg0 : i32
    %mul3A_1 = arith.constant 32 : i32
    %mul3A_2 = arith.muli %add3A, %mul3A_1 : i32
    %jit3A = arith.constant 4 : i32
    %div3A = arith.divsi %add3A, %jit3A : i32
    %sign3A = arith.constant 0 : i32
    %sign3A_3 = arith.cmpi sgt, %add3A, %sign3A : i32
    %sign3A_4 = arith.extui %sign3A_3 : i1 to i32
    %sign3A_5 = arith.constant 0 : i32
    %sign3A_6 = arith.cmpi slt, %add3A, %sign3A_5 : i32
    %sign3A_7 = arith.extui %sign3A_6 : i1 to i32
    %sign3A_8 = arith.subi %sign3A_4, %sign3A_7 : i32
    %sign3A_9 = arith.constant 0 : i32
    %sign3A_10 = arith.cmpi sgt, %jit3A, %sign3A_9 : i32
    %sign3A_11 = arith.extui %sign3A_10 : i1 to i32
    %sign3A_12 = arith.constant 0 : i32
    %sign3A_13 = arith.cmpi slt, %jit3A, %sign3A_12 : i32
    %sign3A_14 = arith.extui %sign3A_13 : i1 to i32
    %sign3A_15 = arith.subi %sign3A_11, %sign3A_14 : i32
    %ne3A = arith.cmpi ne, %sign3A_8, %sign3A_15 : i32
    %rem3A = arith.remsi %add3A, %jit3A : i32
    %ne3A_16 = arith.constant 0 : i32
    %ne3A_17 = arith.cmpi ne, %rem3A, %ne3A_16 : i32
    %and3A = arith.andi %ne3A, %ne3A_17 : i1
    %sub3A = arith.constant 1 : i32
    %sub3A_18 = arith.subi %div3A, %sub3A : i32
    %select_n3A = arith.select %and3A, %sub3A_18, %div3A : i32
    "tpu.region"() ({
      %run_scoped3A = tpu.sem_alloc : memref<!tpu.dma_semaphore, #tpu.memory_space<semaphore_mem>>
      %dma_start3A_43 = tpu.memref_slice %arg2[%mul3A_2] : memref<1024xi32, #tpu.memory_space<hbm>> -> memref<32xi32, #tpu.memory_space<hbm>>
      %dma_start3A_44 = tpu.memref_slice %arg2[%mul3A_2] : memref<1024xi32, #tpu.memory_space<hbm>> -> memref<32xi32, #tpu.memory_space<hbm>>
      tpu.enqueue_dma source(%dma_start3A_44 : memref<32xi32, #tpu.memory_space<hbm>>) target(%arg6 : memref<32xi32, #tpu.memory_space<vmem>>) target_semaphore(%run_scoped3A : memref<!tpu.dma_semaphore, #tpu.memory_space<semaphore_mem>>)
      %dma_wait3A_45 = tpu.memref_slice %arg2[%mul3A_2] : memref<1024xi32, #tpu.memory_space<hbm>> -> memref<32xi32, #tpu.memory_space<hbm>>
      %dma_wait3A_46 = tpu.memref_slice %arg2[%mul3A_2] : memref<1024xi32, #tpu.memory_space<hbm>> -> memref<32xi32, #tpu.memory_space<hbm>>
      tpu.wait_dma2 semaphore(%run_scoped3A : memref<!tpu.dma_semaphore, #tpu.memory_space<semaphore_mem>>) src(%dma_wait3A_46 : memref<32xi32, #tpu.memory_space<hbm>>) dst(%arg6 : memref<32xi32, #tpu.memory_space<vmem>>)
      tpu.yield
    }) : () -> ()
    "tpu.region"() ({
      %run_scoped3A = tpu.sem_alloc : memref<!tpu.dma_semaphore, #tpu.memory_space<semaphore_mem>>
      %dma_start3A_43 = arith.constant 0 : i32
      %dma_start3A_44 = tpu.memref_slice %arg3[%mul3A_2, %dma_start3A_43] : memref<1024x128xf32, #tpu.memory_space<hbm>> -> memref<32x128xf32, #tpu.memory_space<hbm>>
      %dma_start3A_45 = arith.constant 0 : i32
      %dma_start3A_46 = tpu.memref_slice %arg3[%mul3A_2, %dma_start3A_45] : memref<1024x128xf32, #tpu.memory_space<hbm>> -> memref<32x128xf32, #tpu.memory_space<hbm>>
      tpu.enqueue_dma source(%dma_start3A_46 : memref<32x128xf32, #tpu.memory_space<hbm>>) target(%arg8 : memref<32x128xf32, #tpu.memory_space<vmem>>) target_semaphore(%run_scoped3A : memref<!tpu.dma_semaphore, #tpu.memory_space<semaphore_mem>>)
      %dma_wait3A_47 = arith.constant 0 : i32
      %dma_wait3A_48 = tpu.memref_slice %arg3[%mul3A_2, %dma_wait3A_47] : memref<1024x128xf32, #tpu.memory_space<hbm>> -> memref<32x128xf32, #tpu.memory_space<hbm>>
      %dma_wait3A_49 = arith.constant 0 : i32
      %dma_wait3A_50 = tpu.memref_slice %arg3[%mul3A_2, %dma_wait3A_49] : memref<1024x128xf32, #tpu.memory_space<hbm>> -> memref<32x128xf32, #tpu.memory_space<hbm>>
      tpu.wait_dma2 semaphore(%run_scoped3A : memref<!tpu.dma_semaphore, #tpu.memory_space<semaphore_mem>>) src(%dma_wait3A_50 : memref<32x128xf32, #tpu.memory_space<hbm>>) dst(%arg8 : memref<32x128xf32, #tpu.memory_space<vmem>>)
      tpu.yield
    }) : () -> ()
    %get3A = arith.constant 0 : index
    %get3A_19 = tpu.vector_load %arg6[%get3A] {strides = array<i32>} : memref<32xi32, #tpu.memory_space<vmem>>, vector<16xi32>,
    %get3A_20 = vector.shape_cast %get3A_19 : vector<16xi32> to vector<16xi32>
    %mul3A_21 = arith.constant 2048 : i32
    %mul3A_22 = arith.muli %select_n3A, %mul3A_21 : i32
    %add3A_23 = vector.broadcast %mul3A_22 : i32 to vector<16xi32>
    %add3A_24 = arith.addi %get3A_20, %add3A_23 : vector<16xi32>
    %swap3A = arith.constant 0 : index
    %swap3A_25 = tpu.vector_load %arg7[%swap3A] {strides = array<i32>} : memref<32xi32, #tpu.memory_space<vmem>>, vector<16xi32>,
    %swap3A_26 = vector.shape_cast %swap3A_25 : vector<16xi32> to vector<16xi32>
    %swap3A_27 = vector.shape_cast %add3A_24 : vector<16xi32> to vector<16xi32>
    tpu.vector_store %arg7[%swap3A], %swap3A_27 {strides = array<i32>} : memref<32xi32, #tpu.memory_space<vmem>>, vector<16xi32>,
    %get3A_28 = arith.constant 16 : index
    %get3A_29 = tpu.vector_load %arg6[%get3A_28] {strides = array<i32>} : memref<32xi32, #tpu.memory_space<vmem>>, vector<16xi32>,
    %get3A_30 = vector.shape_cast %get3A_29 : vector<16xi32> to vector<16xi32>
    %mul3A_31 = arith.constant 2048 : i32
    %mul3A_32 = arith.muli %select_n3A, %mul3A_31 : i32
    %add3A_33 = vector.broadcast %mul3A_32 : i32 to vector<16xi32>
    %add3A_34 = arith.addi %get3A_30, %add3A_33 : vector<16xi32>
    %swap3A_35 = arith.constant 16 : index
    %swap3A_36 = tpu.vector_load %arg7[%swap3A_35] {strides = array<i32>} : memref<32xi32, #tpu.memory_space<vmem>>, vector<16xi32>,
    %swap3A_37 = vector.shape_cast %swap3A_36 : vector<16xi32> to vector<16xi32>
    %swap3A_38 = vector.shape_cast %add3A_34 : vector<16xi32> to vector<16xi32>
    tpu.vector_store %arg7[%swap3A_35], %swap3A_38 {strides = array<i32>} : memref<32xi32, #tpu.memory_space<vmem>>, vector<16xi32>,
    %dma_start3A = arith.constant 0 : i32
    %dma_start3A_39 = arith.constant 0 : i32
    %dma_start3A_40 = tpu.memref_slice %arg4[%dma_start3A, %dma_start3A_39] : memref<16384x128xf32, #tpu.memory_space<hbm>> -> memref<16384x128xf32, #tpu.memory_space<hbm>>
    tpu.enqueue_indirect_dma source(%arg8 : memref<32x128xf32, #tpu.memory_space<vmem>>) target(%dma_start3A_40 : memref<16384x128xf32, #tpu.memory_space<hbm>>) offsets(%arg7 : memref<32xi32, #tpu.memory_space<vmem>>) semaphore(%arg9 : memref<!tpu.dma_semaphore, #tpu.memory_space<semaphore_mem>>)
    %dma_wait3A = arith.constant 0 : i32
    %dma_wait3A_41 = arith.constant 0 : i32
    %dma_wait3A_42 = tpu.memref_slice %arg4[%dma_wait3A, %dma_wait3A_41] : memref<16384x128xf32, #tpu.memory_space<hbm>> -> memref<16384x128xf32, #tpu.memory_space<hbm>>
    tpu.wait_indirect_dma semaphore(%arg9 : memref<!tpu.dma_semaphore, #tpu.memory_space<semaphore_mem>>) src(%arg8 : memref<32x128xf32, #tpu.memory_space<vmem>>) dst(%dma_wait3A_42 : memref<16384x128xf32, #tpu.memory_space<hbm>>)
    return
  }
}

#map = affine_map<(d0, d1) -> (0)>
#map1 = affine_map<(d0, d1) -> (0, 0)>
module attributes {stable_mosaic.version = 14 : i64} {
  func.func @new_body(%arg0: i32, %arg1: i32, %arg2: memref<1024xi32, #tpu.memory_space<hbm>>, %arg3: memref<16384x128xf32, #tpu.memory_space<hbm>>, %arg4: memref<16384x128xf32, #tpu.memory_space<hbm>>, %arg5: memref<1024x128xf32, #tpu.memory_space<hbm>>, %arg6: memref<1024x128xf32, #tpu.memory_space<hbm>>, %arg7: memref<16384x128xf32, #tpu.memory_space<hbm>>, %arg8: memref<32xi32, #tpu.memory_space<vmem>>, %arg9: memref<32xi32, #tpu.memory_space<vmem>>, %arg10: memref<32x128xf32, #tpu.memory_space<vmem>>, %arg11: memref<32x128xf32, #tpu.memory_space<vmem>>, %arg12: memref<!tpu.dma_semaphore, #tpu.memory_space<semaphore_mem>>) attributes {dimension_semantics = [#tpu.dimension_semantics<core_parallel>, #tpu.dimension_semantics<subcore_parallel>], iteration_bounds = array<i64: 2, 16>, scalar_prefetch = 0 : i64, scratch_operands = 5 : i64, tpu.core_type = #tpu.core_type<sc_vector_subcore>, window_params = [{transform_indices = #map}, {transform_indices = #map1}, {transform_indices = #map1}, {transform_indices = #map1}, {transform_indices = #map1}, {transform_indices = #map1}]} {
    %mul3A = arith.constant 2 : i32
    %mul3A_0 = arith.muli %arg1, %mul3A : i32
    %add3A = arith.addi %mul3A_0, %arg0 : i32
    %mul3A_1 = arith.constant 32 : i32
    %mul3A_2 = arith.muli %add3A, %mul3A_1 : i32
    %jit3A = arith.constant 4 : i32
    %div3A = arith.divsi %add3A, %jit3A : i32
    %sign3A = arith.constant 0 : i32
    %sign3A_3 = arith.cmpi sgt, %add3A, %sign3A : i32
    %sign3A_4 = arith.extui %sign3A_3 : i1 to i32
    %sign3A_5 = arith.constant 0 : i32
    %sign3A_6 = arith.cmpi slt, %add3A, %sign3A_5 : i32
    %sign3A_7 = arith.extui %sign3A_6 : i1 to i32
    %sign3A_8 = arith.subi %sign3A_4, %sign3A_7 : i32
    %sign3A_9 = arith.constant 0 : i32
    %sign3A_10 = arith.cmpi sgt, %jit3A, %sign3A_9 : i32
    %sign3A_11 = arith.extui %sign3A_10 : i1 to i32
    %sign3A_12 = arith.constant 0 : i32
    %sign3A_13 = arith.cmpi slt, %jit3A, %sign3A_12 : i32
    %sign3A_14 = arith.extui %sign3A_13 : i1 to i32
    %sign3A_15 = arith.subi %sign3A_11, %sign3A_14 : i32
    %ne3A = arith.cmpi ne, %sign3A_8, %sign3A_15 : i32
    %rem3A = arith.remsi %add3A, %jit3A : i32
    %ne3A_16 = arith.constant 0 : i32
    %ne3A_17 = arith.cmpi ne, %rem3A, %ne3A_16 : i32
    %and3A = arith.andi %ne3A, %ne3A_17 : i1
    %sub3A = arith.constant 1 : i32
    %sub3A_18 = arith.subi %div3A, %sub3A : i32
    %select_n3A = arith.select %and3A, %sub3A_18, %div3A : i32
    "tpu.region"() ({
      %run_scoped3A = tpu.sem_alloc : memref<!tpu.dma_semaphore, #tpu.memory_space<semaphore_mem>>
      %dma_start3A_49 = tpu.memref_slice %arg2[%mul3A_2] : memref<1024xi32, #tpu.memory_space<hbm>> -> memref<32xi32, #tpu.memory_space<hbm>>
      %dma_start3A_50 = tpu.memref_slice %arg2[%mul3A_2] : memref<1024xi32, #tpu.memory_space<hbm>> -> memref<32xi32, #tpu.memory_space<hbm>>
      tpu.enqueue_dma source(%dma_start3A_50 : memref<32xi32, #tpu.memory_space<hbm>>) target(%arg8 : memref<32xi32, #tpu.memory_space<vmem>>) target_semaphore(%run_scoped3A : memref<!tpu.dma_semaphore, #tpu.memory_space<semaphore_mem>>)
      %dma_wait3A_51 = tpu.memref_slice %arg2[%mul3A_2] : memref<1024xi32, #tpu.memory_space<hbm>> -> memref<32xi32, #tpu.memory_space<hbm>>
      %dma_wait3A_52 = tpu.memref_slice %arg2[%mul3A_2] : memref<1024xi32, #tpu.memory_space<hbm>> -> memref<32xi32, #tpu.memory_space<hbm>>
      tpu.wait_dma2 semaphore(%run_scoped3A : memref<!tpu.dma_semaphore, #tpu.memory_space<semaphore_mem>>) src(%dma_wait3A_52 : memref<32xi32, #tpu.memory_space<hbm>>) dst(%arg8 : memref<32xi32, #tpu.memory_space<vmem>>)
      tpu.yield
    }) : () -> ()
    %get3A = arith.constant 0 : index
    %get3A_19 = tpu.vector_load %arg8[%get3A] {strides = array<i32>} : memref<32xi32, #tpu.memory_space<vmem>>, vector<16xi32>,
    %get3A_20 = vector.shape_cast %get3A_19 : vector<16xi32> to vector<16xi32>
    %mul3A_21 = arith.constant 2048 : i32
    %mul3A_22 = arith.muli %select_n3A, %mul3A_21 : i32
    %add3A_23 = vector.broadcast %mul3A_22 : i32 to vector<16xi32>
    %add3A_24 = arith.addi %get3A_20, %add3A_23 : vector<16xi32>
    %swap3A = arith.constant 0 : index
    %swap3A_25 = tpu.vector_load %arg9[%swap3A] {strides = array<i32>} : memref<32xi32, #tpu.memory_space<vmem>>, vector<16xi32>,
    %swap3A_26 = vector.shape_cast %swap3A_25 : vector<16xi32> to vector<16xi32>
    %swap3A_27 = vector.shape_cast %add3A_24 : vector<16xi32> to vector<16xi32>
    tpu.vector_store %arg9[%swap3A], %swap3A_27 {strides = array<i32>} : memref<32xi32, #tpu.memory_space<vmem>>, vector<16xi32>,
    %get3A_28 = arith.constant 16 : index
    %get3A_29 = tpu.vector_load %arg8[%get3A_28] {strides = array<i32>} : memref<32xi32, #tpu.memory_space<vmem>>, vector<16xi32>,
    %get3A_30 = vector.shape_cast %get3A_29 : vector<16xi32> to vector<16xi32>
    %mul3A_31 = arith.constant 2048 : i32
    %mul3A_32 = arith.muli %select_n3A, %mul3A_31 : i32
    %add3A_33 = vector.broadcast %mul3A_32 : i32 to vector<16xi32>
    %add3A_34 = arith.addi %get3A_30, %add3A_33 : vector<16xi32>
    %swap3A_35 = arith.constant 16 : index
    %swap3A_36 = tpu.vector_load %arg9[%swap3A_35] {strides = array<i32>} : memref<32xi32, #tpu.memory_space<vmem>>, vector<16xi32>,
    %swap3A_37 = vector.shape_cast %swap3A_36 : vector<16xi32> to vector<16xi32>
    %swap3A_38 = vector.shape_cast %add3A_34 : vector<16xi32> to vector<16xi32>
    tpu.vector_store %arg9[%swap3A_35], %swap3A_38 {strides = array<i32>} : memref<32xi32, #tpu.memory_space<vmem>>, vector<16xi32>,
    %dma_start3A = arith.constant 0 : i32
    %dma_start3A_39 = arith.constant 0 : i32
    %dma_start3A_40 = tpu.memref_slice %arg3[%dma_start3A, %dma_start3A_39] : memref<16384x128xf32, #tpu.memory_space<hbm>> -> memref<16384x128xf32, #tpu.memory_space<hbm>>
    tpu.enqueue_indirect_dma source(%dma_start3A_40 : memref<16384x128xf32, #tpu.memory_space<hbm>>) target(%arg10 : memref<32x128xf32, #tpu.memory_space<vmem>>) offsets(%arg9 : memref<32xi32, #tpu.memory_space<vmem>>) semaphore(%arg12 : memref<!tpu.dma_semaphore, #tpu.memory_space<semaphore_mem>>)
    %dma_wait3A = arith.constant 0 : i32
    %dma_wait3A_41 = arith.constant 0 : i32
    %dma_wait3A_42 = tpu.memref_slice %arg3[%dma_wait3A, %dma_wait3A_41] : memref<16384x128xf32, #tpu.memory_space<hbm>> -> memref<16384x128xf32, #tpu.memory_space<hbm>>
    tpu.wait_indirect_dma semaphore(%arg12 : memref<!tpu.dma_semaphore, #tpu.memory_space<semaphore_mem>>) src(%dma_wait3A_42 : memref<16384x128xf32, #tpu.memory_space<hbm>>) dst(%arg10 : memref<32x128xf32, #tpu.memory_space<vmem>>)
    %dma_start3A_43 = arith.constant 0 : i32
    %dma_start3A_44 = arith.constant 0 : i32
    %dma_start3A_45 = tpu.memref_slice %arg4[%dma_start3A_43, %dma_start3A_44] : memref<16384x128xf32, #tpu.memory_space<hbm>> -> memref<16384x128xf32, #tpu.memory_space<hbm>>
    tpu.enqueue_indirect_dma source(%dma_start3A_45 : memref<16384x128xf32, #tpu.memory_space<hbm>>) target(%arg11 : memref<32x128xf32, #tpu.memory_space<vmem>>) offsets(%arg9 : memref<32xi32, #tpu.memory_space<vmem>>) semaphore(%arg12 : memref<!tpu.dma_semaphore, #tpu.memory_space<semaphore_mem>>)
    %dma_wait3A_46 = arith.constant 0 : i32
    %dma_wait3A_47 = arith.constant 0 : i32
    %dma_wait3A_48 = tpu.memref_slice %arg4[%dma_wait3A_46, %dma_wait3A_47] : memref<16384x128xf32, #tpu.memory_space<hbm>> -> memref<16384x128xf32, #tpu.memory_space<hbm>>
    tpu.wait_indirect_dma semaphore(%arg12 : memref<!tpu.dma_semaphore, #tpu.memory_space<semaphore_mem>>) src(%dma_wait3A_48 : memref<16384x128xf32, #tpu.memory_space<hbm>>) dst(%arg11 : memref<32x128xf32, #tpu.memory_space<vmem>>)
    "tpu.region"() ({
      %run_scoped3A = tpu.sem_alloc : memref<!tpu.dma_semaphore, #tpu.memory_space<semaphore_mem>>
      %dma_start3A_49 = arith.constant 0 : i32
      %dma_start3A_50 = tpu.memref_slice %arg5[%mul3A_2, %dma_start3A_49] : memref<1024x128xf32, #tpu.memory_space<hbm>> -> memref<32x128xf32, #tpu.memory_space<hbm>>
      %dma_start3A_51 = arith.constant 0 : i32
      %dma_start3A_52 = tpu.memref_slice %arg5[%mul3A_2, %dma_start3A_51] : memref<1024x128xf32, #tpu.memory_space<hbm>> -> memref<32x128xf32, #tpu.memory_space<hbm>>
      tpu.enqueue_dma source(%arg10 : memref<32x128xf32, #tpu.memory_space<vmem>>) target(%dma_start3A_52 : memref<32x128xf32, #tpu.memory_space<hbm>>) target_semaphore(%run_scoped3A : memref<!tpu.dma_semaphore, #tpu.memory_space<semaphore_mem>>)
      %dma_wait3A_53 = arith.constant 0 : i32
      %dma_wait3A_54 = tpu.memref_slice %arg5[%mul3A_2, %dma_wait3A_53] : memref<1024x128xf32, #tpu.memory_space<hbm>> -> memref<32x128xf32, #tpu.memory_space<hbm>>
      %dma_wait3A_55 = arith.constant 0 : i32
      %dma_wait3A_56 = tpu.memref_slice %arg5[%mul3A_2, %dma_wait3A_55] : memref<1024x128xf32, #tpu.memory_space<hbm>> -> memref<32x128xf32, #tpu.memory_space<hbm>>
      tpu.wait_dma2 semaphore(%run_scoped3A : memref<!tpu.dma_semaphore, #tpu.memory_space<semaphore_mem>>) src(%arg10 : memref<32x128xf32, #tpu.memory_space<vmem>>) dst(%dma_wait3A_56 : memref<32x128xf32, #tpu.memory_space<hbm>>)
      tpu.yield
    }) : () -> ()
    "tpu.region"() ({
      %run_scoped3A = tpu.sem_alloc : memref<!tpu.dma_semaphore, #tpu.memory_space<semaphore_mem>>
      %dma_start3A_49 = arith.constant 0 : i32
      %dma_start3A_50 = tpu.memref_slice %arg6[%mul3A_2, %dma_start3A_49] : memref<1024x128xf32, #tpu.memory_space<hbm>> -> memref<32x128xf32, #tpu.memory_space<hbm>>
      %dma_start3A_51 = arith.constant 0 : i32
      %dma_start3A_52 = tpu.memref_slice %arg6[%mul3A_2, %dma_start3A_51] : memref<1024x128xf32, #tpu.memory_space<hbm>> -> memref<32x128xf32, #tpu.memory_space<hbm>>
      tpu.enqueue_dma source(%arg11 : memref<32x128xf32, #tpu.memory_space<vmem>>) target(%dma_start3A_52 : memref<32x128xf32, #tpu.memory_space<hbm>>) target_semaphore(%run_scoped3A : memref<!tpu.dma_semaphore, #tpu.memory_space<semaphore_mem>>)
      %dma_wait3A_53 = arith.constant 0 : i32
      %dma_wait3A_54 = tpu.memref_slice %arg6[%mul3A_2, %dma_wait3A_53] : memref<1024x128xf32, #tpu.memory_space<hbm>> -> memref<32x128xf32, #tpu.memory_space<hbm>>
      %dma_wait3A_55 = arith.constant 0 : i32
      %dma_wait3A_56 = tpu.memref_slice %arg6[%mul3A_2, %dma_wait3A_55] : memref<1024x128xf32, #tpu.memory_space<hbm>> -> memref<32x128xf32, #tpu.memory_space<hbm>>
      tpu.wait_dma2 semaphore(%run_scoped3A : memref<!tpu.dma_semaphore, #tpu.memory_space<semaphore_mem>>) src(%arg11 : memref<32x128xf32, #tpu.memory_space<vmem>>) dst(%dma_wait3A_56 : memref<32x128xf32, #tpu.memory_space<hbm>>)
      tpu.yield
    }) : () -> ()
    return
  }
}

#map = affine_map<(d0, d1) -> (0)>
#map1 = affine_map<(d0, d1) -> (0, 0)>
module attributes {stable_mosaic.version = 14 : i64} {
  func.func @new_body(%arg0: i32, %arg1: i32, %arg2: memref<1024xi32, #tpu.memory_space<hbm>>, %arg3: memref<1024x128xf32, #tpu.memory_space<hbm>>, %arg4: memref<16384x128xf32, #tpu.memory_space<hbm>>, %arg5: memref<16384x128xf32, #tpu.memory_space<hbm>>, %arg6: memref<32xi32, #tpu.memory_space<vmem>>, %arg7: memref<32xi32, #tpu.memory_space<vmem>>, %arg8: memref<32x128xf32, #tpu.memory_space<vmem>>, %arg9: memref<!tpu.dma_semaphore, #tpu.memory_space<semaphore_mem>>) attributes {dimension_semantics = [#tpu.dimension_semantics<core_parallel>, #tpu.dimension_semantics<subcore_parallel>], iteration_bounds = array<i64: 2, 16>, scalar_prefetch = 0 : i64, scratch_operands = 4 : i64, tpu.core_type = #tpu.core_type<sc_vector_subcore>, window_params = [{transform_indices = #map}, {transform_indices = #map1}, {transform_indices = #map1}, {transform_indices = #map1}]} {
    %mul3A = arith.constant 2 : i32
    %mul3A_0 = arith.muli %arg1, %mul3A : i32
    %add3A = arith.addi %mul3A_0, %arg0 : i32
    %mul3A_1 = arith.constant 32 : i32
    %mul3A_2 = arith.muli %add3A, %mul3A_1 : i32
    %jit3A = arith.constant 4 : i32
    %div3A = arith.divsi %add3A, %jit3A : i32
    %sign3A = arith.constant 0 : i32
    %sign3A_3 = arith.cmpi sgt, %add3A, %sign3A : i32
    %sign3A_4 = arith.extui %sign3A_3 : i1 to i32
    %sign3A_5 = arith.constant 0 : i32
    %sign3A_6 = arith.cmpi slt, %add3A, %sign3A_5 : i32
    %sign3A_7 = arith.extui %sign3A_6 : i1 to i32
    %sign3A_8 = arith.subi %sign3A_4, %sign3A_7 : i32
    %sign3A_9 = arith.constant 0 : i32
    %sign3A_10 = arith.cmpi sgt, %jit3A, %sign3A_9 : i32
    %sign3A_11 = arith.extui %sign3A_10 : i1 to i32
    %sign3A_12 = arith.constant 0 : i32
    %sign3A_13 = arith.cmpi slt, %jit3A, %sign3A_12 : i32
    %sign3A_14 = arith.extui %sign3A_13 : i1 to i32
    %sign3A_15 = arith.subi %sign3A_11, %sign3A_14 : i32
    %ne3A = arith.cmpi ne, %sign3A_8, %sign3A_15 : i32
    %rem3A = arith.remsi %add3A, %jit3A : i32
    %ne3A_16 = arith.constant 0 : i32
    %ne3A_17 = arith.cmpi ne, %rem3A, %ne3A_16 : i32
    %and3A = arith.andi %ne3A, %ne3A_17 : i1
    %sub3A = arith.constant 1 : i32
    %sub3A_18 = arith.subi %div3A, %sub3A : i32
    %select_n3A = arith.select %and3A, %sub3A_18, %div3A : i32
    "tpu.region"() ({
      %run_scoped3A = tpu.sem_alloc : memref<!tpu.dma_semaphore, #tpu.memory_space<semaphore_mem>>
      %dma_start3A_43 = tpu.memref_slice %arg2[%mul3A_2] : memref<1024xi32, #tpu.memory_space<hbm>> -> memref<32xi32, #tpu.memory_space<hbm>>
      %dma_start3A_44 = tpu.memref_slice %arg2[%mul3A_2] : memref<1024xi32, #tpu.memory_space<hbm>> -> memref<32xi32, #tpu.memory_space<hbm>>
      tpu.enqueue_dma source(%dma_start3A_44 : memref<32xi32, #tpu.memory_space<hbm>>) target(%arg6 : memref<32xi32, #tpu.memory_space<vmem>>) target_semaphore(%run_scoped3A : memref<!tpu.dma_semaphore, #tpu.memory_space<semaphore_mem>>)
      %dma_wait3A_45 = tpu.memref_slice %arg2[%mul3A_2] : memref<1024xi32, #tpu.memory_space<hbm>> -> memref<32xi32, #tpu.memory_space<hbm>>
      %dma_wait3A_46 = tpu.memref_slice %arg2[%mul3A_2] : memref<1024xi32, #tpu.memory_space<hbm>> -> memref<32xi32, #tpu.memory_space<hbm>>
      tpu.wait_dma2 semaphore(%run_scoped3A : memref<!tpu.dma_semaphore, #tpu.memory_space<semaphore_mem>>) src(%dma_wait3A_46 : memref<32xi32, #tpu.memory_space<hbm>>) dst(%arg6 : memref<32xi32, #tpu.memory_space<vmem>>)
      tpu.yield
    }) : () -> ()
    "tpu.region"() ({
      %run_scoped3A = tpu.sem_alloc : memref<!tpu.dma_semaphore, #tpu.memory_space<semaphore_mem>>
      %dma_start3A_43 = arith.constant 0 : i32
      %dma_start3A_44 = tpu.memref_slice %arg3[%mul3A_2, %dma_start3A_43] : memref<1024x128xf32, #tpu.memory_space<hbm>> -> memref<32x128xf32, #tpu.memory_space<hbm>>
      %dma_start3A_45 = arith.constant 0 : i32
      %dma_start3A_46 = tpu.memref_slice %arg3[%mul3A_2, %dma_start3A_45] : memref<1024x128xf32, #tpu.memory_space<hbm>> -> memref<32x128xf32, #tpu.memory_space<hbm>>
      tpu.enqueue_dma source(%dma_start3A_46 : memref<32x128xf32, #tpu.memory_space<hbm>>) target(%arg8 : memref<32x128xf32, #tpu.memory_space<vmem>>) target_semaphore(%run_scoped3A : memref<!tpu.dma_semaphore, #tpu.memory_space<semaphore_mem>>)
      %dma_wait3A_47 = arith.constant 0 : i32
      %dma_wait3A_48 = tpu.memref_slice %arg3[%mul3A_2, %dma_wait3A_47] : memref<1024x128xf32, #tpu.memory_space<hbm>> -> memref<32x128xf32, #tpu.memory_space<hbm>>
      %dma_wait3A_49 = arith.constant 0 : i32
      %dma_wait3A_50 = tpu.memref_slice %arg3[%mul3A_2, %dma_wait3A_49] : memref<1024x128xf32, #tpu.memory_space<hbm>> -> memref<32x128xf32, #tpu.memory_space<hbm>>
      tpu.wait_dma2 semaphore(%run_scoped3A : memref<!tpu.dma_semaphore, #tpu.memory_space<semaphore_mem>>) src(%dma_wait3A_50 : memref<32x128xf32, #tpu.memory_space<hbm>>) dst(%arg8 : memref<32x128xf32, #tpu.memory_space<vmem>>)
      tpu.yield
    }) : () -> ()
    %get3A = arith.constant 0 : index
    %get3A_19 = tpu.vector_load %arg6[%get3A] {strides = array<i32>} : memref<32xi32, #tpu.memory_space<vmem>>, vector<16xi32>,
    %get3A_20 = vector.shape_cast %get3A_19 : vector<16xi32> to vector<16xi32>
    %mul3A_21 = arith.constant 2048 : i32
    %mul3A_22 = arith.muli %select_n3A, %mul3A_21 : i32
    %add3A_23 = vector.broadcast %mul3A_22 : i32 to vector<16xi32>
    %add3A_24 = arith.addi %get3A_20, %add3A_23 : vector<16xi32>
    %swap3A = arith.constant 0 : index
    %swap3A_25 = tpu.vector_load %arg7[%swap3A] {strides = array<i32>} : memref<32xi32, #tpu.memory_space<vmem>>, vector<16xi32>,
    %swap3A_26 = vector.shape_cast %swap3A_25 : vector<16xi32> to vector<16xi32>
    %swap3A_27 = vector.shape_cast %add3A_24 : vector<16xi32> to vector<16xi32>
    tpu.vector_store %arg7[%swap3A], %swap3A_27 {strides = array<i32>} : memref<32xi32, #tpu.memory_space<vmem>>, vector<16xi32>,
    %get3A_28 = arith.constant 16 : index
    %get3A_29 = tpu.vector_load %arg6[%get3A_28] {strides = array<i32>} : memref<32xi32, #tpu.memory_space<vmem>>, vector<16xi32>,
    %get3A_30 = vector.shape_cast %get3A_29 : vector<16xi32> to vector<16xi32>
    %mul3A_31 = arith.constant 2048 : i32
    %mul3A_32 = arith.muli %select_n3A, %mul3A_31 : i32
    %add3A_33 = vector.broadcast %mul3A_32 : i32 to vector<16xi32>
    %add3A_34 = arith.addi %get3A_30, %add3A_33 : vector<16xi32>
    %swap3A_35 = arith.constant 16 : index
    %swap3A_36 = tpu.vector_load %arg7[%swap3A_35] {strides = array<i32>} : memref<32xi32, #tpu.memory_space<vmem>>, vector<16xi32>,
    %swap3A_37 = vector.shape_cast %swap3A_36 : vector<16xi32> to vector<16xi32>
    %swap3A_38 = vector.shape_cast %add3A_34 : vector<16xi32> to vector<16xi32>
    tpu.vector_store %arg7[%swap3A_35], %swap3A_38 {strides = array<i32>} : memref<32xi32, #tpu.memory_space<vmem>>, vector<16xi32>,
    %dma_start3A = arith.constant 0 : i32
    %dma_start3A_39 = arith.constant 0 : i32
    %dma_start3A_40 = tpu.memref_slice %arg4[%dma_start3A, %dma_start3A_39] : memref<16384x128xf32, #tpu.memory_space<hbm>> -> memref<16384x128xf32, #tpu.memory_space<hbm>>
    tpu.enqueue_indirect_dma source(%arg8 : memref<32x128xf32, #tpu.memory_space<vmem>>) target(%dma_start3A_40 : memref<16384x128xf32, #tpu.memory_space<hbm>>) offsets(%arg7 : memref<32xi32, #tpu.memory_space<vmem>>) semaphore(%arg9 : memref<!tpu.dma_semaphore, #tpu.memory_space<semaphore_mem>>)
    %dma_wait3A = arith.constant 0 : i32
    %dma_wait3A_41 = arith.constant 0 : i32
    %dma_wait3A_42 = tpu.memref_slice %arg4[%dma_wait3A, %dma_wait3A_41] : memref<16384x128xf32, #tpu.memory_space<hbm>> -> memref<16384x128xf32, #tpu.memory_space<hbm>>
    tpu.wait_indirect_dma semaphore(%arg9 : memref<!tpu.dma_semaphore, #tpu.memory_space<semaphore_mem>>) src(%arg8 : memref<32x128xf32, #tpu.memory_space<vmem>>) dst(%dma_wait3A_42 : memref<16384x128xf32, #tpu.memory_space<hbm>>)
    return
  }
}

module attributes {stable_mosaic.version = 14 : i64} {
  func.func @_tc_body(%arg0: memref<1024x128xf32, #tpu.memory_space<vmem>>, %arg1: memref<1024x128xf32, #tpu.memory_space<vmem>>, %arg2: memref<1024x1xi32, #tpu.memory_space<vmem>>, %arg3: memref<256x3072xf32, #tpu.memory_space<vmem>>, %arg4: memref<1024x128xf32, #tpu.memory_space<vmem>>) attributes {dimension_semantics = [], scalar_prefetch = 0 : i64, scratch_operands = 0 : i64, tpu.core_type = #tpu.core_type<tc>} {
    %iota3A = tpu.iota {dimensions = array<i32: 1>} : vector<1024x3072xi32>
    %jit3A = arith.constant 64 : i32
    %div3A = vector.broadcast %jit3A : i32 to vector<1024x3072xi32>
    %div3A_0 = arith.divsi %iota3A, %div3A : vector<1024x3072xi32>
    %sign3A = arith.constant 0 : i32
    %sign3A_1 = vector.broadcast %sign3A : i32 to vector<1024x3072xi32>
    %sign3A_2 = arith.cmpi sgt, %iota3A, %sign3A_1 : vector<1024x3072xi32>
    %sign3A_3 = arith.extui %sign3A_2 : vector<1024x3072xi1> to vector<1024x3072xi32>
    %sign3A_4 = arith.constant 0 : i32
    %sign3A_5 = vector.broadcast %sign3A_4 : i32 to vector<1024x3072xi32>
    %sign3A_6 = arith.cmpi slt, %iota3A, %sign3A_5 : vector<1024x3072xi32>
    %sign3A_7 = arith.extui %sign3A_6 : vector<1024x3072xi1> to vector<1024x3072xi32>
    %sign3A_8 = arith.subi %sign3A_3, %sign3A_7 : vector<1024x3072xi32>
    %sign3A_9 = arith.constant 0 : i32
    %sign3A_10 = arith.cmpi sgt, %jit3A, %sign3A_9 : i32
    %sign3A_11 = arith.extui %sign3A_10 : i1 to i32
    %sign3A_12 = arith.constant 0 : i32
    %sign3A_13 = arith.cmpi slt, %jit3A, %sign3A_12 : i32
    %sign3A_14 = arith.extui %sign3A_13 : i1 to i32
    %sign3A_15 = arith.subi %sign3A_11, %sign3A_14 : i32
    %ne3A = vector.broadcast %sign3A_15 : i32 to vector<1024x3072xi32>
    %ne3A_16 = arith.cmpi ne, %sign3A_8, %ne3A : vector<1024x3072xi32>
    %rem3A = vector.broadcast %jit3A : i32 to vector<1024x3072xi32>
    %rem3A_17 = arith.remsi %iota3A, %rem3A : vector<1024x3072xi32>
    %ne3A_18 = arith.constant 0 : i32
    %ne3A_19 = vector.broadcast %ne3A_18 : i32 to vector<1024x3072xi32>
    %ne3A_20 = arith.cmpi ne, %rem3A_17, %ne3A_19 : vector<1024x3072xi32>
    %and3A = arith.andi %ne3A_16, %ne3A_20 : vector<1024x3072xi1>
    %sub3A = arith.constant 1 : i32
    %sub3A_21 = vector.broadcast %sub3A : i32 to vector<1024x3072xi32>
    %sub3A_22 = arith.subi %div3A_0, %sub3A_21 : vector<1024x3072xi32>
    %select_n3A = arith.select %and3A, %sub3A_22, %div3A_0 : vector<1024x3072xi1>, vector<1024x3072xi32>
    %iota3A_23 = tpu.iota {dimensions = array<i32: 0>} : vector<3072x128xi32>
    %jit3A_24 = arith.constant 64 : i32
    %eq3A = arith.constant 0 : i32
    %eq3A_25 = arith.cmpi eq, %jit3A_24, %eq3A : i32
    %jit3A_26 = arith.constant 1 : i32
    %select_n3A_27 = arith.select %eq3A_25, %jit3A_26, %jit3A_24 : i32
    %rem3A_28 = vector.broadcast %select_n3A_27 : i32 to vector<3072x128xi32>
    %rem3A_29 = arith.remsi %iota3A_23, %rem3A_28 : vector<3072x128xi32>
    %ne3A_30 = arith.constant 0 : i32
    %ne3A_31 = vector.broadcast %ne3A_30 : i32 to vector<3072x128xi32>
    %ne3A_32 = arith.cmpi ne, %rem3A_29, %ne3A_31 : vector<3072x128xi32>
    %lt3A = arith.constant 0 : i32
    %lt3A_33 = vector.broadcast %lt3A : i32 to vector<3072x128xi32>
    %lt3A_34 = arith.cmpi slt, %rem3A_29, %lt3A_33 : vector<3072x128xi32>
    %lt3A_35 = arith.constant 0 : i32
    %lt3A_36 = arith.cmpi slt, %select_n3A_27, %lt3A_35 : i32
    %ne3A_37 = vector.broadcast %lt3A_36 : i1 to vector<3072x128xi1>
    %ne3A_38 = vector.broadcast %ne3A_37 : vector<3072x128xi1> to vector<3072x128xi1>
    %ne3A_39 = arith.xori %lt3A_34, %ne3A_38 : vector<3072x128xi1>
    %and3A_40 = arith.andi %ne3A_39, %ne3A_32 : vector<3072x128xi1>
    %add3A = vector.broadcast %select_n3A_27 : i32 to vector<3072x128xi32>
    %add3A_41 = arith.addi %rem3A_29, %add3A : vector<3072x128xi32>
    %select_n3A_42 = arith.select %and3A_40, %add3A_41, %rem3A_29 : vector<3072x128xi1>, vector<3072x128xi32>
    %iota3A_43 = tpu.iota {dimensions = array<i32: 1>} : vector<3072x128xi32>
    %eq3A_44 = arith.cmpi eq, %select_n3A_42, %iota3A_43 : vector<3072x128xi32>
    %iota3A_45 = tpu.iota {dimensions = array<i32: 1>} : vector<3072x128xi32>
    %lt3A_46 = arith.constant 64 : i32
    %lt3A_47 = vector.broadcast %lt3A_46 : i32 to vector<3072x128xi32>
    %lt3A_48 = arith.cmpi slt, %iota3A_45, %lt3A_47 : vector<3072x128xi32>
    %and3A_49 = arith.andi %eq3A_44, %lt3A_48 : vector<3072x128xi1>
    %convert_element_type3A = arith.extui %and3A_49 : vector<3072x128xi1> to vector<3072x128xi32>
    %convert_element_type3A_50 = arith.sitofp %convert_element_type3A : vector<3072x128xi32> to vector<3072x128xf32>
    %get3A = arith.constant 0 : index
    %get3A_51 = arith.constant 0 : index
    %get3A_52 = vector.load %arg0[%get3A, %get3A_51] : memref<1024x128xf32, #tpu.memory_space<vmem>>, vector<1024x128xf32>
    %get3A_53 = arith.constant 0 : index
    %get3A_54 = arith.constant 0 : index
    %get3A_55 = vector.load %arg3[%get3A_53, %get3A_54] : memref<256x3072xf32, #tpu.memory_space<vmem>>, vector<128x3072xf32>
    %dot_general3A = arith.constant dense<0.000000e+00> : vector<1024x3072xf32>
    %dot_general3A_56 = tpu.matmul %get3A_52, %get3A_55, %dot_general3A {dimension_numbers = #tpu.dot_dimension_numbers<[1], [0], [0], [1], [0, 0, 1, 1], [], []>, transpose_lhs_hint = false} : vector<1024x128xf32>, vector<128x3072xf32>, vector<1024x3072xf32> -> vector<1024x3072xf32>
    %get3A_57 = arith.constant 0 : index
    %get3A_58 = arith.constant 0 : index
    %get3A_59 = vector.load %arg1[%get3A_57, %get3A_58] : memref<1024x128xf32, #tpu.memory_space<vmem>>, vector<1024x128xf32>
    %get3A_60 = arith.constant 128 : index
    %get3A_61 = arith.constant 0 : index
    %get3A_62 = vector.load %arg3[%get3A_60, %get3A_61] : memref<256x3072xf32, #tpu.memory_space<vmem>>, vector<128x3072xf32>
    %dot_general3A_63 = arith.constant dense<0.000000e+00> : vector<1024x3072xf32>
    %dot_general3A_64 = tpu.matmul %get3A_59, %get3A_62, %dot_general3A_63 {dimension_numbers = #tpu.dot_dimension_numbers<[1], [0], [0], [1], [0, 0, 1, 1], [], []>, transpose_lhs_hint = false} : vector<1024x128xf32>, vector<128x3072xf32>, vector<1024x3072xf32> -> vector<1024x3072xf32>
    %add3A_65 = arith.addf %dot_general3A_56, %dot_general3A_64 : vector<1024x3072xf32>
    %get3A_66 = arith.constant 0 : index
    %get3A_67 = arith.constant 0 : index
    %get3A_68 = vector.load %arg2[%get3A_66, %get3A_67] : memref<1024x1xi32, #tpu.memory_space<vmem>>, vector<1024x1xi32>
    %eq3A_69 = vector.broadcast %get3A_68 : vector<1024x1xi32> to vector<1024x3072xi32>
    %eq3A_70 = arith.cmpi eq, %select_n3A, %eq3A_69 : vector<1024x3072xi32>
    %jit3A_71 = arith.constant 0.000000e+00 : f32
    %broadcast_in_dim3A = vector.broadcast %jit3A_71 : f32 to vector<1024x3072xf32>
    %select_n3A_72 = arith.select %eq3A_70, %add3A_65, %broadcast_in_dim3A : vector<1024x3072xi1>, vector<1024x3072xf32>
    %dot_general3A_73 = arith.constant dense<0.000000e+00> : vector<1024x128xf32>
    %dot_general3A_74 = tpu.matmul %select_n3A_72, %convert_element_type3A_50, %dot_general3A_73 {dimension_numbers = #tpu.dot_dimension_numbers<[1], [0], [0], [1], [0, 0, 1, 1], [], []>, transpose_lhs_hint = false} : vector<1024x3072xf32>, vector<3072x128xf32>, vector<1024x128xf32> -> vector<1024x128xf32>
    %swap3A = arith.constant 0 : index
    %swap3A_75 = arith.constant 0 : index
    %swap3A_76 = vector.load %arg4[%swap3A, %swap3A_75] : memref<1024x128xf32, #tpu.memory_space<vmem>>, vector<1024x128xf32>
    tpu.vector_store %arg4[%swap3A, %swap3A_75], %dot_general3A_74 {strides = array<i32>} : memref<1024x128xf32, #tpu.memory_space<vmem>>, vector<1024x128xf32>,
    return
  }
}

</mosaic_0001>

<sc_bundles>
// kernel: run.26.cloned.1.call-start
scs
__scs_entry_jumppad:
0x0: {  	(pc) =	sbr.rel $0x88, $3  }
0x1: {  	(tag) =	ssettag $0x0;
	lr =	simm.s32 $0x1  }
0x2: {  	[smem:$0x3F9B] =	sst lr;
	_ =	strace $0xD0000000  }
0x3: {  	_ = 	snop  }
0x4: {  	_ = 	snop  }
0x5: {  	_ = 	snop  }
0x6: {  	_ = 	snop  }
0x7: {  	_ = 	snop  }
__scs_overlays_trampoline_lowered:
0x8: {  	[smem:$0x3FAA] =	sst s0  }
0x9: {  	[smem:$0x3FAB] =	sst s1  }
0xa: {  	[smem:$0x3FAC] =	sst s2  }
0xb: {  	[smem:$0x3FAD] =	sst s3  }
0xc: {  	[smem:$0x3FAE] =	sst s4  }
0xd: {  	[smem:$0x3FAF] =	sst s5  }
0xe: {  	[smem:$0x3FB0] =	sst s6  }
0xf: {  	[smem:$0x3FB1] =	sst s7  }
0x10: {  	[smem:$0x3FB2] =	sst s8  }
0x11: {  	[smem:$0x3FB3] =	sst s9;
	s0 =	simm.s32 @!p0 $0x0  }
0x12: {  	s1 =	sld [smem:$0x3F99];
	s0 =	simm.s32 @p0 $0x1  }
0x13: {  	[smem:$0x3FB4] =	sst s0;
	s0 =	simm.s32 @!p1 $0x0  }
0x14: {  	s2 =	sld [smem:$0x3F98];
	s0 =	simm.s32 @p1 $0x1  }
0x15: {  	[smem:$0x3FB5] =	sst s0;
	s0 =	simm.s32 @!p2 $0x0  }
0x16: {  	s3 =	sld [smem:$0x3FDB];
	s0 =	simm.s32 @p2 $0x1  }
0x17: {  	s4 =	simm.s32 $0x1BF5;
	[smem:$0x3FB7] =	sst s0  }
0x18: {  	s0 =	sld [smem:$0x3F9A];
	_ =	swait.ge [sflag:s4], $0x0  }
0x19: {  	s7 =	sld [smem:$0x3F9B]  }
0x1a: {  	s8 =	sadd.s32 $0xFFFFE003, lr  }
0x1b: {  	s9 =	sadd.s32 $0xFFFFFEF7, lr;
	s5 =	simm.s32 $0xFFFFFFFF;
	p2 =	slt.u32 s8, $0xFFFFF086  }
0x1c: {  	p1 =	slt.u32 s9, $0xF7A;
	s5 =	simm.s32 @!p2 $0x0  }
0x1d: {  	s5 =	simm.s32 @p1 $0x1;
	p0 =	seq.s32 s7, s2  }
0x1e: {  	s7 =	smul.u32 @!p0 $0xF7A, s2;
	p2 =	seq.s32 @!p0 s5, $0x0  }
0x1f: {  	s9 =	smul.u32 $0xF7A, s1;
	s8 =	simm.s32 @!p0 $0x1BF5;
	p2 =	por !p2, p0  }
0x20: {  	[sflag:s8] =	ssyncset.s32 @!p0 $0xFFFFF086;
	s6 =	sadd.s32 @!p0 s3, s7;
	s7 =	simm.s32 @!p0 $0x108  }
0x21: {  	s3 =	sadd.s32 s3, s9;
	s6 =	sadd.s32 @!p0 $0x88, s6;
	s7 =	simm.s32 @p2 $0x1082  }
0x22: {  	[simem:s7], [sflag:s8] =	dma.local @!p0 [hbm:s6], $0xF7A  }
0x23: {  	s9 =	sor.u32 $0xD0000000, s2;
	s6 =	simm.s32 $0x108;
	_ =	swait.ge @!p0 [sflag:s8], $0x0  }
0x24: {  	s3 =	sadd.s32 $0x88, s3;
	s6 =	simm.s32 @!p1 $0x1082;
	[sflag:s4] =	ssyncset.s32 $0xFFFFF086  }
0x25: {  	[simem:s6], [sflag:s4] =	dma.local [hbm:s3], $0xF7A  }
0x26: {  	[smem:$0x3F9B] =	sst s1;
	(tag) =	ssettag s2;
	_ =	strace s9  }
0x27: {  	s1 =	sld [smem:$0x3FAB]  }
0x28: {  	s2 =	sld [smem:$0x3FAC]  }
0x29: {  	s4 =	sld [smem:$0x3FAE]  }
0x2a: {  	p0 =	seq.s32 s5, $0x0;
	s5 =	sld [smem:$0x3FAF]  }
0x2b: {  	s6 =	sld [smem:$0x3FB0]  }
0x2c: {  	s7 =	sld [smem:$0x3FB1]  }
0x2d: {  	s3 =	simm.s32 $0x108;
	s8 =	sld [smem:$0x3FB2]  }
0x2e: {  	s3 =	simm.s32 @!p0 $0x1082;
	s9 =	sld [smem:$0x3FB3]  }
0x2f: {  	lr =	sadd.s32 s0, s3;
	s0 =	sld [smem:$0x3FAA]  }
0x30: {  	s3 =	sld [smem:$0x3FAD]  }
0x31: {  	[smem:$0x3FB6] =	sst s10  }
0x32: {  	s10 =	sld [smem:$0x3FB4];
	_ =	sdelay $0x3  }
0x33: {  	p0 =	seq.s32 s10, $0x1;
	s10 =	sld [smem:$0x3FB6];
	_ =	sdelay $0x3  }
0x34: {  	[smem:$0x3FB6] =	sst s10  }
0x35: {  	s10 =	sld [smem:$0x3FB5];
	_ =	sdelay $0x3  }
0x36: {  	p1 =	seq.s32 s10, $0x1;
	s10 =	sld [smem:$0x3FB6];
	_ =	sdelay $0x3  }
0x37: {  	[smem:$0x3FB6] =	sst s10  }
0x38: {  	s10 =	sld [smem:$0x3FB7]  }
0x39: {  	_ = 	snop;
	(pc) =	sbr.ind lr, $3  }
0x3a: {  	_ = 	snop  }
0x3b: {  	_ = 	snop  }
0x3c: {  	p2 =	seq.s32 s10, $0x1;
	s10 =	sld [smem:$0x3FB6]  }
0x3d: {  	_ =	shalt  }
0x3e: {  	_ =	shalt  }
0x3f: {  	_ =	shalt  }
0x40: {  	_ =	shalt  }
0x41: {  	_ =	shalt  }
0x42: {  	_ =	shalt  }
0x43: {  	_ =	shalt  }
0x44: {  	_ =	shalt  }
0x45: {  	_ =	shalt  }
0x46: {  	_ =	shalt  }
0x47: {  	_ =	shalt  }
0x48: {  	_ =	shalt  }
0x49: {  	_ =	shalt  }
0x4a: {  	_ =	shalt  }
0x4b: {  	_ =	shalt  }
0x4c: {  	_ =	shalt  }
0x4d: {  	_ =	shalt  }
0x4e: {  	_ =	shalt  }
0x4f: {  	_ =	shalt  }
0x50: {  	_ =	shalt  }
0x51: {  	_ =	shalt  }
0x52: {  	_ =	shalt  }
0x53: {  	_ =	shalt  }
0x54: {  	_ =	shalt  }
0x55: {  	_ =	shalt  }
0x56: {  	_ =	shalt  }
0x57: {  	_ =	shalt  }
0x58: {  	_ =	shalt  }
0x59: {  	_ =	shalt  }
0x5a: {  	_ =	shalt  }
0x5b: {  	_ =	shalt  }
0x5c: {  	_ =	shalt  }
0x5d: {  	_ =	shalt  }
0x5e: {  	_ =	shalt  }
0x5f: {  	_ =	shalt  }
0x60: {  	_ =	shalt  }
0x61: {  	_ =	shalt  }
0x62: {  	_ =	shalt  }
0x63: {  	_ =	shalt  }
0x64: {  	_ =	shalt  }
0x65: {  	_ =	shalt  }
0x66: {  	_ =	shalt  }
0x67: {  	_ =	shalt  }
0x68: {  	_ =	shalt  }
0x69: {  	_ =	shalt  }
0x6a: {  	_ =	shalt  }
0x6b: {  	_ =	shalt  }
0x6c: {  	_ =	shalt  }
0x6d: {  	_ =	shalt  }
0x6e: {  	_ =	shalt  }
0x6f: {  	_ =	shalt  }
0x70: {  	_ =	shalt  }
0x71: {  	_ =	shalt  }
0x72: {  	_ =	shalt  }
0x73: {  	_ =	shalt  }
0x74: {  	_ =	shalt  }
0x75: {  	_ =	shalt  }
0x76: {  	_ =	shalt  }
0x77: {  	_ =	shalt  }
0x78: {  	_ =	shalt  }
0x79: {  	_ =	shalt  }
0x7a: {  	_ =	shalt  }
0x7b: {  	_ =	shalt  }
0x7c: {  	_ =	shalt  }
0x7d: {  	_ =	shalt  }
0x7e: {  	_ =	shalt  }
0x7f: {  	_ =	shalt  }
0x80: {  	_ =	shalt  }
0x81: {  	_ =	shalt  }
0x82: {  	_ =	shalt  }
0x83: {  	_ =	shalt  }
0x84: {  	_ =	shalt  }
0x85: {  	_ =	shalt  }
0x86: {  	_ =	shalt  }
0x87: {  	_ =	shalt  }
.Lfunc_end0:
.L_simem_size_0:
called_computation_lowered:
.L_overlay_start_0:
0x88: {  	s2 =	sld [smem:$0x3FD9]  }
0x89: {  	s3 =	sld [smem:$0x3FFE];
	_ =	sdelay $0x1  }
0x8a: {  	s1 =	srdreg.scid  }
0x8b: {  	s0 =	sand.u32 $0x1, s1  }
0x8c: {  	s17 =	sshll.u32 s0, $0xA;
	s2 =	sadd.s32 s3, s2  }
0x8d: {  	s2 =	sadd.s32 s2, s17  }
0x8e: {  	[smem:$0x3FC2] =	sst s2  }
0x8f: {  	_ = 	snop  }
0x90: {  	s2 =	sld [smem:$0x3FC8]  }
0x91: {  	s18 =	sld [smem:$0x3FD0];
	(tm) =	ssettm $0x1  }
0x92: {  	s4 =	sld [smem:$0x3FFB];
	_ =	sdelay $0x3  }
0x93: {  	_ =	strace s4  }
0x94: {  	s4 =	sld [smem:$0x3FFC];
	_ =	sdelay $0x3  }
0x95: {  	_ =	strace s4  }
0x96: {  	s4 =	sld [smem:$0x3FFD];
	_ =	sdelay $0x3  }
0x97: {  	_ =	strace s4  }
0x98: {  	_ =	strace $0x8FFFFFFF  }
0x99: {  	s19 =	sld [smem:$0x3FDB];
	_ =	sdelay $0x1  }
0x9a: {  	s5 =	simm.s32 $_scs_section_size  }
0x9b: {  	s6 =	simm.s32 $_size__tile_overlayer_lowered;
	s7 =	simm.s32 $_tile_overlayer_lowered  }
0x9c: {  	s22 =	simm.s32 $0x1BFF;
	s21 =	sshll.u32 s7, $0x1;
	s4 =	sadd.s32 s5, s19  }
0x9d: {  	s8 =	simm.s32 $0x0;
	s20 =	sshll.u32 s6, $0x1;
	s6 =	sadd.s32 s21, s4  }
0x9e: {  	[timem:s8], [sflag:s22] =	dma.local [hbm:s6], s20  }
0x9f: {  	_ =	swait.ge [sflag:s22], s20  }
0xa0: {  	s5 =	ssub.s32 $0x0, s20;
	[sflag:s22] =	ssyncset.done $0x0  }
0xa1: {  	[sflag:s22] =	ssyncadd.s32 s5;
	_ =	sdelay $0x1  }
0xa2: {  	s23 =	simm.s32 $0x1B8B  }
0xa3: {  	_ =	swait.ge [sflag:s23], $0x1  }
0xa4: {  	[sflag:s23] =	ssyncset.done $0x0  }
0xa5: {  	s25 =	simm.s32 $0x1B8E;
	s24 =	sld [smem:$0x3FFE];
	[sflag:s23] =	ssyncadd.s32 $0xFFFFFFFF  }
0xa6: {  	s26 =	simm.s32 $execute0_lowered;
	[smem:$0x3FD2] =	sst s25  }
0xa7: {  	s6 =	sshll.u32 s26, $0x1;
	_ =	strace $0x80000046;
	[dreg:$0x1] =	wrdreg $0xFFFFFFFF  }
0xa8: {  	s28 =	simm.s32 $_size_execute0_lowered;
	s4 =	sadd.s32 s4, s6;
	[dreg:$0x0] =	wrdreg $0x0  }
0xa9: {  	s6 =	sshll.u32 s28, $0x1;
	[dreg:$0x2] =	wrdreg s4  }
0xaa: {  	[dreg:$0x3] =	wrdreg s6  }
0xab: {  	[dreg:$0x4] =	wrdreg $0xC0  }
0xac: {  	_ =	task [dreg:s8], $0x5FFFF  }
0xad: {  	[dreg:$0x1] =	wrdreg $0xFFFFFFFF  }
0xae: {  	[dreg:$0x0] =	wrdreg $0x60  }
0xaf: {  	[dreg:$0x2] =	wrdreg s24  }
0xb0: {  	[dreg:$0x3] =	wrdreg s2  }
0xb1: {  	[dreg:$0x4] =	wrdreg s18  }
0xb2: {  	[dreg:$0x5] =	wrdreg $0x9  }
0xb3: {  	_ =	task.clear_ibuf [dreg:s8], $0x6FFFF;
	_ =	strace $0x90000046  }
0xb4: {  	s29 =	simm.s32 $0x9;
	_ =	strace $0x80000048  }
0xb5: {  	_ =	swait.ge [sflag:s29], $0x1  }
0xb6: {  	[sflag:s29] =	ssyncadd.s32 $0xFFFFFFFF  }
0xb7: {  	_ =	strace $0x90000048  }
0xb8: {  	_ =	sfence  }
0xb9: {  	s30 =	sld [smem:$0x0];
	_ =	sdelay $0x2  }
0xba: {  	s31 =	sshll.u32 s1, $0xD;
	s1 =	sshrl.u32 s1, $0x2  }
0xbb: {  	s3 =	sand.u32 $0x4000, s31;
	s1 =	sadd.s32 s1, s30  }
0xbc: {  	s0 =	sor.u32 s3, s0;
	s1 =	sshll.u32 s1, $0x11  }
0xbd: {  	s0 =	sor.u32 s1, s0  }
0xbe: {  	s0 =	sadd.s32 $0x8F2B, s0  }
0xbf: {  	[sflag:s0] =	ssyncadd.remote.s32 $0x1  }
0xc0: {  	_ =	sfence.sel $0xFFFF  }
0xc1: {  	[dreg:$0x0] =	wrdreg $0xFFFFFFFF;
	(pc) =	sbr.abs _section_cstart, $3  }
0xc2: {  	[dreg:$0x1] =	wrdreg $0xFFFFFFFF  }
0xc3: {  	_ =	task.clear_ibuf [dreg:s8], $0x2FFFF;
	_ =	strace $0x9FFFFFFF  }
0xc4: {  	(tm) =	ssettm $0x7FFFFFFF  }
0xc5: {  	_ =	shalt  }
tec
execute0_lowered:
.L_overlay_start_1:
0x0: {  	(tag) =	ssettag $0x1  }
0x1: {  	s12 =	rddreg [dreg:$0x0]  }
0x2: {  	s1 =	srdreg.scid;
	s0 =	stileid.u32  }
0x3: {  	s2 =	rddreg [dreg:$0x1];
	s13 =	sand.u32 $0x1, s1;
	s30 =	sshll.u32 s0, $0x1  }
0x4: {  	s3 =	rddreg [dreg:$0x2];
	s14 =	sor.u32 s13, s30  }
0x5: {  	s4 =	simm.s32 $0x0;
	s1 =	rddreg [dreg:$0x3];
	s5 =	sshll.u32 s14, $0x2  }
0x6: {  	[smem:$0x7FF] =	sst s4;
	s5 =	sadd.s32 s5, s12  }
0x7: {  	_ =	strace $0x80000047;
	s6 =	sadd.s32 $0xA400, s5;
	s5 =	simm.s32 $0x2  }
0x8: {  	[tilespmem:s4], [sflag:$0x2] =	stream.linear.gather [hbm4b:s6+s4], $0x20, $0x38;
	[tilespmem:$0x2100] =	vst v63  }
0x9: {  	_ =	swait.ge [sflag:s5], $0x20  }
0xa: {  	[sflag:s5] =	ssyncset.done $0x0  }
0xb: {  	[sflag:s5] =	ssyncadd.s32 $0xFFFFFFE0  }
0xc: {  	v1 =	vld [tilespmem:$0x0]  }
0xd: {  	v2 =	vld [tilespmem:$0x10]  }
0xe: {  	s7 =	sshll.u32 s0, $0xA  }
0xf: {  	s7 =	sand.u32 $0x3800, s7  }
0x10: {  	v0 =	vmov s7  }
0x11: {  	v1 =	vadd.s32 v0, v1  }
0x12: {  	s8 =	simm.s32 $0x80;
	[tilespmem:$0x80] =	vst v1;
	v1 =	vadd.s32 v0, v2  }
0x13: {  	s9 =	simm.s32 $0x100;
	s10 =	simm.s32 $0x1;
	s7 =	simm.s32 $0x20;
	[tilespmem:$0x90] =	vst v1  }
0x14: {  	[tilespmem:s9], [sflag:$0x1] =	stream.indirect.gather [hbm4b:s2+s7], $0x80, s8, s7, $0xb8;
	[tilespmem:$0x2100] =	vst v63  }
0x15: {  	_ =	swait.ge [sflag:s10], $0x1000  }
0x16: {  	s13 =	ssub.s32 $0x2, s13;
	[sflag:s10] =	ssyncset.done $0x0  }
0x17: {  	s11 =	simm.s32 $0x1100;
	s15 =	sshrl.u32 s13, $0x1;
	[sflag:s10] =	ssyncadd.s32 $0xFFFFF000  }
0x18: {  	[tilespmem:s11], [sflag:$0x1] =	stream.indirect.gather [hbm4b:s3+s7], $0x80, s8, s7, $0xb8;
	[tilespmem:$0x2100] =	vst v63  }
0x19: {  	s14 =	sshll.u32 s14, $0x9;
	s15 =	ssub.s32 s13, s15;
	_ =	swait.ge [sflag:s10], $0x1000  }
0x1a: {  	s14 =	sadd.s32 s14, s12;
	s31 =	smax.u32 s15, $0x1;
	[sflag:s10] =	ssyncset.done $0x0  }
0x1b: {  	s12 =	sadd.s32 $0xB400, s14;
	p0 =	sne.s32 s31, $0x1;
	[sflag:s10] =	ssyncadd.s32 $0xFFFFF000  }
0x1c: {  	[hbm4b:s12+s4] =	stream.linear.scatter [tilespmem:s9], [sflag:$0x2], $0x1000, $0x38;
	[tilespmem:$0x2100] =	vst v63  }
.Ltmp0:
0x1d: {  	_ =	swait.ge [sflag:s5], $0x1000;
	(pc) =	sbr.rel @!p0 .LBB2_2-.Ltmp0, $4  }
0x1e: {  	[sflag:s5] =	ssyncset.done $0x0  }
0x1f: {  	s13 =	sadd.s32 $0xF400, s14;
	[sflag:s5] =	ssyncadd.s32 $0xFFFFF000  }
0x20: {  	[hbm4b:s13+s4] =	stream.linear.scatter [tilespmem:s11], [sflag:$0x2], $0x1000, $0x38;
	[tilespmem:$0x2100] =	vst v63  }
0x21: {  	s14 =	sadd.s32 $0xFFFFFFFF, s31;
	_ =	swait.ge [sflag:s5], $0x1000  }
.LBB2_1:
0x22: {  	p0 =	sne.s32 s14, $0x1;
	s14 =	sadd.s32 $0xFFFFFFFF, s14;
	[sflag:s5] =	ssyncset.done $0x0  }
0x23: {  	[sflag:s5] =	ssyncadd.s32 $0xFFFFF000  }
0x24: {  	[tilespmem:s4], [sflag:$0x2] =	stream.linear.gather [hbm4b:s6+s4], $0x20, $0x38;
	[tilespmem:$0x2100] =	vst v63  }
0x25: {  	_ =	swait.ge [sflag:s5], $0x20  }
0x26: {  	[sflag:s5] =	ssyncset.done $0x0  }
0x27: {  	[sflag:s5] =	ssyncadd.s32 $0xFFFFFFE0  }
0x28: {  	v1 =	vld [tilespmem:$0x0]  }
0x29: {  	v2 =	vld [tilespmem:$0x10];
	_ =	sdelay $0x3  }
0x2a: {  	v1 =	vadd.s32 v0, v1  }
0x2b: {  	[tilespmem:$0x80] =	vst v1;
	v1 =	vadd.s32 v0, v2  }
0x2c: {  	[tilespmem:$0x90] =	vst v1  }
0x2d: {  	[tilespmem:s9], [sflag:$0x1] =	stream.indirect.gather [hbm4b:s2+s7], $0x80, s8, s7, $0xb8;
	[tilespmem:$0x2100] =	vst v63  }
0x2e: {  	_ =	swait.ge [sflag:s10], $0x1000  }
0x2f: {  	[sflag:s10] =	ssyncset.done $0x0  }
0x30: {  	[sflag:s10] =	ssyncadd.s32 $0xFFFFF000  }
0x31: {  	[tilespmem:s11], [sflag:$0x1] =	stream.indirect.gather [hbm4b:s3+s7], $0x80, s8, s7, $0xb8;
	[tilespmem:$0x2100] =	vst v63  }
0x32: {  	_ =	swait.ge [sflag:s10], $0x1000  }
0x33: {  	[sflag:s10] =	ssyncset.done $0x0  }
0x34: {  	[sflag:s10] =	ssyncadd.s32 $0xFFFFF000  }
0x35: {  	[hbm4b:s12+s4] =	stream.linear.scatter [tilespmem:s9], [sflag:$0x2], $0x1000, $0x38;
	[tilespmem:$0x2100] =	vst v63  }
.Ltmp1:
0x36: {  	_ =	swait.ge [sflag:s5], $0x1000;
	(pc) =	sbr.rel @p0 .LBB2_1-.Ltmp1, $4  }
0x37: {  	[sflag:s5] =	ssyncset.done $0x0  }
0x38: {  	[sflag:s5] =	ssyncadd.s32 $0xFFFFF000  }
0x39: {  	[hbm4b:s13+s4] =	stream.linear.scatter [tilespmem:s11], [sflag:$0x2], $0x1000, $0x38;
	[tilespmem:$0x2100] =	vst v63  }
0x3a: {  	_ =	swait.ge [sflag:s5], $0x1000  }
.LBB2_2:
0x3b: {  	[sflag:s5] =	ssyncset.done $0x0  }
0x3c: {  	[sflag:s5] =	ssyncadd.s32 $0xFFFFF000  }
0x3d: {  	_ =	sfence.sel $0x180000  }
0x3e: {  	[bflag:$0x0] =	sbarrier.arrive $0xFFFF  }
0x3f: {  	p0 =	sne.s32 s0, $0x0;
	_ =	strace $0x90000047  }
0x40: {  	s0 =	sadd.s32 @!p0 $0x100000, s1;
	[bflag:$0x2] =	sbarrier.arrive $0xFFFF  }
0x41: {  	[sflag:s0] =	ssyncadd.tile.s32 @!p0 $0x1;
	_ =	shalt  }
.Lfunc_end2:
_tile_overlayer_lowered:
.L_overlay_start_2:
0x42: {  	(tag) =	ssettag $0x2  }
0x43: {  	s0 =	rddreg [dreg:$0x0];
	s2 =	stileid.u32  }
0x44: {  	s1 =	rddreg [dreg:$0x1];
	p0 =	sne.s32 s2, $0x0  }
0x45: {  	s3 =	rddreg [dreg:$0x2];
	[bflag:$0x3] =	sbarrier.arrive $0xFFFF;
	s2 =	simm.s32 @!p0 $0x1C02  }
0x46: {  	[timem:s3], [sflag:s2] =	dma.local @!p0 [hbm:s0], s1  }
0x47: {  	s0 =	simm.s32 @!p0 $0x2  }
0x48: {  	_ =	swait.ge @!p0 [sflag:s0], s1  }
0x49: {  	s1 =	ssub.s32 @!p0 $0x0, s1;
	[sflag:s0] =	ssyncset.done @!p0 $0x0  }
0x4a: {  	[sflag:s0] =	ssyncadd.s32 @!p0 s1  }
0x4b: {  	[bflag:$0x3] =	sbarrier.arrive $0xFFFF  }
0x4c: {  	_ =	shalt  }

// kernel: run.29.cloned.1.call-start
scs
__scs_entry_jumppad:
0x0: {  	(pc) =	sbr.rel $0x88, $3  }
0x1: {  	(tag) =	ssettag $0x0;
	lr =	simm.s32 $0x1  }
0x2: {  	[smem:$0x3F9B] =	sst lr;
	_ =	strace $0xD0000000  }
0x3: {  	_ = 	snop  }
0x4: {  	_ = 	snop  }
0x5: {  	_ = 	snop  }
0x6: {  	_ = 	snop  }
0x7: {  	_ = 	snop  }
__scs_overlays_trampoline_lowered:
0x8: {  	[smem:$0x3FAA] =	sst s0  }
0x9: {  	[smem:$0x3FAB] =	sst s1  }
0xa: {  	[smem:$0x3FAC] =	sst s2  }
0xb: {  	[smem:$0x3FAD] =	sst s3  }
0xc: {  	[smem:$0x3FAE] =	sst s4  }
0xd: {  	[smem:$0x3FAF] =	sst s5  }
0xe: {  	[smem:$0x3FB0] =	sst s6  }
0xf: {  	[smem:$0x3FB1] =	sst s7  }
0x10: {  	[smem:$0x3FB2] =	sst s8  }
0x11: {  	[smem:$0x3FB3] =	sst s9;
	s0 =	simm.s32 @!p0 $0x0  }
0x12: {  	s1 =	sld [smem:$0x3F99];
	s0 =	simm.s32 @p0 $0x1  }
0x13: {  	[smem:$0x3FB4] =	sst s0;
	s0 =	simm.s32 @!p1 $0x0  }
0x14: {  	s2 =	sld [smem:$0x3F98];
	s0 =	simm.s32 @p1 $0x1  }
0x15: {  	[smem:$0x3FB5] =	sst s0;
	s0 =	simm.s32 @!p2 $0x0  }
0x16: {  	s3 =	sld [smem:$0x3FDB];
	s0 =	simm.s32 @p2 $0x1  }
0x17: {  	s4 =	simm.s32 $0x1BF5;
	[smem:$0x3FB7] =	sst s0  }
0x18: {  	s0 =	sld [smem:$0x3F9A];
	_ =	swait.ge [sflag:s4], $0x0  }
0x19: {  	s7 =	sld [smem:$0x3F9B]  }
0x1a: {  	s8 =	sadd.s32 $0xFFFFE003, lr  }
0x1b: {  	s9 =	sadd.s32 $0xFFFFFEF7, lr;
	s5 =	simm.s32 $0xFFFFFFFF;
	p2 =	slt.u32 s8, $0xFFFFF086  }
0x1c: {  	p1 =	slt.u32 s9, $0xF7A;
	s5 =	simm.s32 @!p2 $0x0  }
0x1d: {  	s5 =	simm.s32 @p1 $0x1;
	p0 =	seq.s32 s7, s2  }
0x1e: {  	s7 =	smul.u32 @!p0 $0xF7A, s2;
	p2 =	seq.s32 @!p0 s5, $0x0  }
0x1f: {  	s9 =	smul.u32 $0xF7A, s1;
	s8 =	simm.s32 @!p0 $0x1BF5;
	p2 =	por !p2, p0  }
0x20: {  	[sflag:s8] =	ssyncset.s32 @!p0 $0xFFFFF086;
	s6 =	sadd.s32 @!p0 s3, s7;
	s7 =	simm.s32 @!p0 $0x108  }
0x21: {  	s3 =	sadd.s32 s3, s9;
	s6 =	sadd.s32 @!p0 $0x88, s6;
	s7 =	simm.s32 @p2 $0x1082  }
0x22: {  	[simem:s7], [sflag:s8] =	dma.local @!p0 [hbm:s6], $0xF7A  }
0x23: {  	s9 =	sor.u32 $0xD0000000, s2;
	s6 =	simm.s32 $0x108;
	_ =	swait.ge @!p0 [sflag:s8], $0x0  }
0x24: {  	s3 =	sadd.s32 $0x88, s3;
	s6 =	simm.s32 @!p1 $0x1082;
	[sflag:s4] =	ssyncset.s32 $0xFFFFF086  }
0x25: {  	[simem:s6], [sflag:s4] =	dma.local [hbm:s3], $0xF7A  }
0x26: {  	[smem:$0x3F9B] =	sst s1;
	(tag) =	ssettag s2;
	_ =	strace s9  }
0x27: {  	s1 =	sld [smem:$0x3FAB]  }
0x28: {  	s2 =	sld [smem:$0x3FAC]  }
0x29: {  	s4 =	sld [smem:$0x3FAE]  }
0x2a: {  	p0 =	seq.s32 s5, $0x0;
	s5 =	sld [smem:$0x3FAF]  }
0x2b: {  	s6 =	sld [smem:$0x3FB0]  }
0x2c: {  	s7 =	sld [smem:$0x3FB1]  }
0x2d: {  	s3 =	simm.s32 $0x108;
	s8 =	sld [smem:$0x3FB2]  }
0x2e: {  	s3 =	simm.s32 @!p0 $0x1082;
	s9 =	sld [smem:$0x3FB3]  }
0x2f: {  	lr =	sadd.s32 s0, s3;
	s0 =	sld [smem:$0x3FAA]  }
0x30: {  	s3 =	sld [smem:$0x3FAD]  }
0x31: {  	[smem:$0x3FB6] =	sst s10  }
0x32: {  	s10 =	sld [smem:$0x3FB4];
	_ =	sdelay $0x3  }
0x33: {  	p0 =	seq.s32 s10, $0x1;
	s10 =	sld [smem:$0x3FB6];
	_ =	sdelay $0x3  }
0x34: {  	[smem:$0x3FB6] =	sst s10  }
0x35: {  	s10 =	sld [smem:$0x3FB5];
	_ =	sdelay $0x3  }
0x36: {  	p1 =	seq.s32 s10, $0x1;
	s10 =	sld [smem:$0x3FB6];
	_ =	sdelay $0x3  }
0x37: {  	[smem:$0x3FB6] =	sst s10  }
0x38: {  	s10 =	sld [smem:$0x3FB7]  }
0x39: {  	_ = 	snop;
	(pc) =	sbr.ind lr, $3  }
0x3a: {  	_ = 	snop  }
0x3b: {  	_ = 	snop  }
0x3c: {  	p2 =	seq.s32 s10, $0x1;
	s10 =	sld [smem:$0x3FB6]  }
0x3d: {  	_ =	shalt  }
0x3e: {  	_ =	shalt  }
0x3f: {  	_ =	shalt  }
0x40: {  	_ =	shalt  }
0x41: {  	_ =	shalt  }
0x42: {  	_ =	shalt  }
0x43: {  	_ =	shalt  }
0x44: {  	_ =	shalt  }
0x45: {  	_ =	shalt  }
0x46: {  	_ =	shalt  }
0x47: {  	_ =	shalt  }
0x48: {  	_ =	shalt  }
0x49: {  	_ =	shalt  }
0x4a: {  	_ =	shalt  }
0x4b: {  	_ =	shalt  }
0x4c: {  	_ =	shalt  }
0x4d: {  	_ =	shalt  }
0x4e: {  	_ =	shalt  }
0x4f: {  	_ =	shalt  }
0x50: {  	_ =	shalt  }
0x51: {  	_ =	shalt  }
0x52: {  	_ =	shalt  }
0x53: {  	_ =	shalt  }
0x54: {  	_ =	shalt  }
0x55: {  	_ =	shalt  }
0x56: {  	_ =	shalt  }
0x57: {  	_ =	shalt  }
0x58: {  	_ =	shalt  }
0x59: {  	_ =	shalt  }
0x5a: {  	_ =	shalt  }
0x5b: {  	_ =	shalt  }
0x5c: {  	_ =	shalt  }
0x5d: {  	_ =	shalt  }
0x5e: {  	_ =	shalt  }
0x5f: {  	_ =	shalt  }
0x60: {  	_ =	shalt  }
0x61: {  	_ =	shalt  }
0x62: {  	_ =	shalt  }
0x63: {  	_ =	shalt  }
0x64: {  	_ =	shalt  }
0x65: {  	_ =	shalt  }
0x66: {  	_ =	shalt  }
0x67: {  	_ =	shalt  }
0x68: {  	_ =	shalt  }
0x69: {  	_ =	shalt  }
0x6a: {  	_ =	shalt  }
0x6b: {  	_ =	shalt  }
0x6c: {  	_ =	shalt  }
0x6d: {  	_ =	shalt  }
0x6e: {  	_ =	shalt  }
0x6f: {  	_ =	shalt  }
0x70: {  	_ =	shalt  }
0x71: {  	_ =	shalt  }
0x72: {  	_ =	shalt  }
0x73: {  	_ =	shalt  }
0x74: {  	_ =	shalt  }
0x75: {  	_ =	shalt  }
0x76: {  	_ =	shalt  }
0x77: {  	_ =	shalt  }
0x78: {  	_ =	shalt  }
0x79: {  	_ =	shalt  }
0x7a: {  	_ =	shalt  }
0x7b: {  	_ =	shalt  }
0x7c: {  	_ =	shalt  }
0x7d: {  	_ =	shalt  }
0x7e: {  	_ =	shalt  }
0x7f: {  	_ =	shalt  }
0x80: {  	_ =	shalt  }
0x81: {  	_ =	shalt  }
0x82: {  	_ =	shalt  }
0x83: {  	_ =	shalt  }
0x84: {  	_ =	shalt  }
0x85: {  	_ =	shalt  }
0x86: {  	_ =	shalt  }
0x87: {  	_ =	shalt  }
.Lfunc_end0:
.L_simem_size_0:
called_computation.1_lowered:
.L_overlay_start_0:
0x88: {  	s2 =	sld [smem:$0x3FD9]  }
0x89: {  	s3 =	sld [smem:$0x3FFE];
	_ =	sdelay $0x1  }
0x8a: {  	s1 =	srdreg.scid  }
0x8b: {  	s0 =	sand.u32 $0x1, s1  }
0x8c: {  	s17 =	sshll.u32 s0, $0xA;
	s2 =	sadd.s32 s3, s2  }
0x8d: {  	s2 =	sadd.s32 s2, s17  }
0x8e: {  	[smem:$0x3FC2] =	sst s2  }
0x8f: {  	_ = 	snop  }
0x90: {  	s2 =	sld [smem:$0x3FD0];
	(tm) =	ssettm $0x1  }
0x91: {  	s18 =	sld [smem:$0x3FFB];
	_ =	sdelay $0x3  }
0x92: {  	_ =	strace s18  }
0x93: {  	s3 =	sld [smem:$0x3FFC];
	_ =	sdelay $0x3  }
0x94: {  	_ =	strace s3  }
0x95: {  	s3 =	sld [smem:$0x3FFD];
	_ =	sdelay $0x3  }
0x96: {  	_ =	strace s3  }
0x97: {  	_ =	strace $0x8FFFFFFF  }
0x98: {  	s19 =	sld [smem:$0x3FDB];
	_ =	sdelay $0x1  }
0x99: {  	s4 =	simm.s32 $_scs_section_size  }
0x9a: {  	s5 =	simm.s32 $_size__tile_overlayer_lowered;
	s6 =	simm.s32 $_tile_overlayer_lowered  }
0x9b: {  	s22 =	simm.s32 $0x1BFF;
	s21 =	sshll.u32 s6, $0x1;
	s3 =	sadd.s32 s4, s19  }
0x9c: {  	s7 =	simm.s32 $0x0;
	s20 =	sshll.u32 s5, $0x1;
	s5 =	sadd.s32 s21, s3  }
0x9d: {  	[timem:s7], [sflag:s22] =	dma.local [hbm:s5], s20  }
0x9e: {  	_ =	swait.ge [sflag:s22], s20  }
0x9f: {  	s4 =	ssub.s32 $0x0, s20;
	[sflag:s22] =	ssyncset.done $0x0  }
0xa0: {  	[sflag:s22] =	ssyncadd.s32 s4;
	_ =	sdelay $0x1  }
0xa1: {  	s23 =	simm.s32 $0x1B8B  }
0xa2: {  	_ =	swait.ge [sflag:s23], $0x1  }
0xa3: {  	[sflag:s23] =	ssyncset.done $0x0  }
0xa4: {  	s25 =	simm.s32 $0x1B8E;
	s24 =	sld [smem:$0x3FFE];
	[sflag:s23] =	ssyncadd.s32 $0xFFFFFFFF  }
0xa5: {  	s26 =	simm.s32 $execute0_lowered;
	[smem:$0x3FD2] =	sst s25  }
0xa6: {  	s5 =	sshll.u32 s26, $0x1;
	_ =	strace $0x80000049;
	[dreg:$0x1] =	wrdreg $0xFFFFFFFF  }
0xa7: {  	s28 =	simm.s32 $_size_execute0_lowered;
	s3 =	sadd.s32 s3, s5;
	[dreg:$0x0] =	wrdreg $0x0  }
0xa8: {  	s5 =	sshll.u32 s28, $0x1;
	[dreg:$0x2] =	wrdreg s3  }
0xa9: {  	[dreg:$0x3] =	wrdreg s5  }
0xaa: {  	[dreg:$0x4] =	wrdreg $0xC0  }
0xab: {  	_ =	task [dreg:s7], $0x5FFFF  }
0xac: {  	[dreg:$0x1] =	wrdreg $0xFFFFFFFF  }
0xad: {  	[dreg:$0x0] =	wrdreg $0x60  }
0xae: {  	[dreg:$0x2] =	wrdreg s24  }
0xaf: {  	[dreg:$0x3] =	wrdreg s2  }
0xb0: {  	[dreg:$0x4] =	wrdreg $0x9  }
0xb1: {  	_ =	task.clear_ibuf [dreg:s7], $0x5FFFF;
	_ =	strace $0x90000049  }
0xb2: {  	s29 =	simm.s32 $0x9;
	_ =	strace $0x8000004B  }
0xb3: {  	_ =	swait.ge [sflag:s29], $0x1  }
0xb4: {  	[sflag:s29] =	ssyncadd.s32 $0xFFFFFFFF  }
0xb5: {  	_ =	strace $0x9000004B  }
0xb6: {  	_ =	sfence  }
0xb7: {  	s30 =	sld [smem:$0x0];
	_ =	sdelay $0x2  }
0xb8: {  	s31 =	sshll.u32 s1, $0xD;
	s1 =	sshrl.u32 s1, $0x2  }
0xb9: {  	s3 =	sand.u32 $0x4000, s31;
	s1 =	sadd.s32 s1, s30  }
0xba: {  	s0 =	sor.u32 s3, s0;
	s1 =	sshll.u32 s1, $0x11  }
0xbb: {  	s0 =	sor.u32 s1, s0  }
0xbc: {  	s0 =	sadd.s32 $0x8F2B, s0  }
0xbd: {  	[sflag:s0] =	ssyncadd.remote.s32 $0x1  }
0xbe: {  	_ =	sfence.sel $0xFFFF  }
0xbf: {  	[dreg:$0x0] =	wrdreg $0xFFFFFFFF;
	(pc) =	sbr.abs _section_cstart, $3  }
0xc0: {  	[dreg:$0x1] =	wrdreg $0xFFFFFFFF  }
0xc1: {  	_ =	task.clear_ibuf [dreg:s7], $0x2FFFF;
	_ =	strace $0x9FFFFFFF  }
0xc2: {  	(tm) =	ssettm $0x7FFFFFFF  }
0xc3: {  	_ =	shalt  }
tec
execute0_lowered:
.L_overlay_start_1:
0x0: {  	(tag) =	ssettag $0x1  }
0x1: {  	s1 =	srdreg.scid;
	s0 =	stileid.u32  }
0x2: {  	s8 =	sand.u32 $0x1, s1;
	s30 =	sshll.u32 s0, $0x1  }
0x3: {  	s6 =	rddreg [dreg:$0x0];
	s7 =	sor.u32 s8, s30  }
0x4: {  	s2 =	rddreg [dreg:$0x1];
	s3 =	simm.s32 $0x0;
	s4 =	sshll.u32 s7, $0x2  }
0x5: {  	s5 =	simm.s32 $0x2;
	[smem:$0x7FF] =	sst s3;
	s4 =	sadd.s32 s4, s6  }
0x6: {  	s1 =	rddreg [dreg:$0x2];
	_ =	strace $0x8000004A;
	s4 =	sadd.s32 $0x13A00, s4  }
0x7: {  	[tilespmem:s3], [sflag:$0x2] =	stream.linear.gather [hbm4b:s4+s3], $0x20, $0x38;
	[tilespmem:$0x1100] =	vst v63  }
0x8: {  	s7 =	sshll.u32 s7, $0x9;
	_ =	swait.ge [sflag:s5], $0x20  }
0x9: {  	s6 =	sadd.s32 s7, s6;
	[sflag:s5] =	ssyncset.done $0x0  }
0xa: {  	s7 =	simm.s32 $0x100;
	s6 =	sadd.s32 $0xB400, s6;
	[sflag:s5] =	ssyncadd.s32 $0xFFFFFFE0  }
0xb: {  	[tilespmem:s7], [sflag:$0x2] =	stream.linear.gather [hbm4b:s6+s3], $0x1000, $0x38;
	[tilespmem:$0x1100] =	vst v63  }
0xc: {  	_ =	swait.ge [sflag:s5], $0x1000  }
0xd: {  	[sflag:s5] =	ssyncset.done $0x0  }
0xe: {  	[sflag:s5] =	ssyncadd.s32 $0xFFFFF000  }
0xf: {  	s8 =	ssub.s32 $0x2, s8;
	v1 =	vld [tilespmem:$0x0]  }
0x10: {  	s31 =	sshrl.u32 s8, $0x1;
	v2 =	vld [tilespmem:$0x10]  }
0x11: {  	s9 =	sshll.u32 s0, $0xA;
	s8 =	ssub.s32 s8, s31  }
0x12: {  	s9 =	sand.u32 $0x3800, s9;
	s11 =	smax.u32 s8, $0x1  }
0x13: {  	v0 =	vmov s9;
	p0 =	sne.s32 s11, $0x1  }
.Ltmp0:
0x14: {  	v1 =	vadd.s32 v0, v1;
	(pc) =	sbr.rel @!p0 .LBB2_2-.Ltmp0, $4  }
0x15: {  	[tilespmem:$0x80] =	vst v1;
	v1 =	vadd.s32 v0, v2  }
0x16: {  	s10 =	simm.s32 $0x1;
	s9 =	simm.s32 $0x80;
	s8 =	simm.s32 $0x20;
	[tilespmem:$0x90] =	vst v1  }
0x17: {  	[hbm4b:s2+s8] =	stream.indirect.scatter [tilespmem:s7], [sflag:$0x1], $0x80, s9, s8, $0xb8;
	[tilespmem:$0x1100] =	vst v63  }
0x18: {  	s11 =	sadd.s32 $0xFFFFFFFF, s11;
	_ =	swait.ge [sflag:s10], $0x1000  }
.LBB2_1:
0x19: {  	p0 =	sne.s32 s11, $0x1;
	s11 =	sadd.s32 $0xFFFFFFFF, s11;
	[sflag:s10] =	ssyncset.done $0x0  }
0x1a: {  	[sflag:s10] =	ssyncadd.s32 $0xFFFFF000  }
0x1b: {  	[tilespmem:s3], [sflag:$0x2] =	stream.linear.gather [hbm4b:s4+s3], $0x20, $0x38;
	[tilespmem:$0x1100] =	vst v63  }
0x1c: {  	_ =	swait.ge [sflag:s5], $0x20  }
0x1d: {  	[sflag:s5] =	ssyncset.done $0x0  }
0x1e: {  	[sflag:s5] =	ssyncadd.s32 $0xFFFFFFE0  }
0x1f: {  	[tilespmem:s7], [sflag:$0x2] =	stream.linear.gather [hbm4b:s6+s3], $0x1000, $0x38;
	[tilespmem:$0x1100] =	vst v63  }
0x20: {  	_ =	swait.ge [sflag:s5], $0x1000  }
0x21: {  	[sflag:s5] =	ssyncset.done $0x0  }
0x22: {  	[sflag:s5] =	ssyncadd.s32 $0xFFFFF000  }
0x23: {  	v1 =	vld [tilespmem:$0x0]  }
0x24: {  	v2 =	vld [tilespmem:$0x10];
	_ =	sdelay $0x3  }
.Ltmp1:
0x25: {  	v1 =	vadd.s32 v0, v1;
	(pc) =	sbr.rel @p0 .LBB2_1-.Ltmp1, $4  }
0x26: {  	[tilespmem:$0x80] =	vst v1;
	v1 =	vadd.s32 v0, v2  }
0x27: {  	[tilespmem:$0x90] =	vst v1  }
0x28: {  	[hbm4b:s2+s8] =	stream.indirect.scatter [tilespmem:s7], [sflag:$0x1], $0x80, s9, s8, $0xb8;
	[tilespmem:$0x1100] =	vst v63  }
0x29: {  	_ =	swait.ge [sflag:s10], $0x1000  }
.LBB2_2:
0x2a: {  	[sflag:s10] =	ssyncset.done $0x0  }
0x2b: {  	[sflag:s10] =	ssyncadd.s32 $0xFFFFF000  }
0x2c: {  	_ =	sfence.sel $0x180000  }
0x2d: {  	[bflag:$0x0] =	sbarrier.arrive $0xFFFF  }
0x2e: {  	p0 =	sne.s32 s0, $0x0;
	_ =	strace $0x9000004A  }
0x2f: {  	s0 =	sadd.s32 @!p0 $0x100000, s1;
	[bflag:$0x2] =	sbarrier.arrive $0xFFFF  }
0x30: {  	[sflag:s0] =	ssyncadd.tile.s32 @!p0 $0x1;
	_ =	shalt  }
.Lfunc_end2:
_tile_overlayer_lowered:
.L_overlay_start_2:
0x31: {  	(tag) =	ssettag $0x2  }
0x32: {  	s0 =	rddreg [dreg:$0x0];
	s2 =	stileid.u32  }
0x33: {  	s1 =	rddreg [dreg:$0x1];
	p0 =	sne.s32 s2, $0x0  }
0x34: {  	s3 =	rddreg [dreg:$0x2];
	[bflag:$0x3] =	sbarrier.arrive $0xFFFF;
	s2 =	simm.s32 @!p0 $0x1C02  }
0x35: {  	[timem:s3], [sflag:s2] =	dma.local @!p0 [hbm:s0], s1  }
0x36: {  	s0 =	simm.s32 @!p0 $0x2  }
0x37: {  	_ =	swait.ge @!p0 [sflag:s0], s1  }
0x38: {  	s1 =	ssub.s32 @!p0 $0x0, s1;
	[sflag:s0] =	ssyncset.done @!p0 $0x0  }
0x39: {  	[sflag:s0] =	ssyncadd.s32 @!p0 s1  }
0x3a: {  	[bflag:$0x3] =	sbarrier.arrive $0xFFFF  }
0x3b: {  	_ =	shalt  }

// kernel: run.32.cloned.1.call-start
scs
__scs_entry_jumppad:
0x0: {  	(pc) =	sbr.rel $0x88, $3  }
0x1: {  	(tag) =	ssettag $0x0;
	lr =	simm.s32 $0x1  }
0x2: {  	[smem:$0x3F9B] =	sst lr;
	_ =	strace $0xD0000000  }
0x3: {  	_ = 	snop  }
0x4: {  	_ = 	snop  }
0x5: {  	_ = 	snop  }
0x6: {  	_ = 	snop  }
0x7: {  	_ = 	snop  }
__scs_overlays_trampoline_lowered:
0x8: {  	[smem:$0x3FAA] =	sst s0  }
0x9: {  	[smem:$0x3FAB] =	sst s1  }
0xa: {  	[smem:$0x3FAC] =	sst s2  }
0xb: {  	[smem:$0x3FAD] =	sst s3  }
0xc: {  	[smem:$0x3FAE] =	sst s4  }
0xd: {  	[smem:$0x3FAF] =	sst s5  }
0xe: {  	[smem:$0x3FB0] =	sst s6  }
0xf: {  	[smem:$0x3FB1] =	sst s7  }
0x10: {  	[smem:$0x3FB2] =	sst s8  }
0x11: {  	[smem:$0x3FB3] =	sst s9;
	s0 =	simm.s32 @!p0 $0x0  }
0x12: {  	s1 =	sld [smem:$0x3F99];
	s0 =	simm.s32 @p0 $0x1  }
0x13: {  	[smem:$0x3FB4] =	sst s0;
	s0 =	simm.s32 @!p1 $0x0  }
0x14: {  	s2 =	sld [smem:$0x3F98];
	s0 =	simm.s32 @p1 $0x1  }
0x15: {  	[smem:$0x3FB5] =	sst s0;
	s0 =	simm.s32 @!p2 $0x0  }
0x16: {  	s3 =	sld [smem:$0x3FDB];
	s0 =	simm.s32 @p2 $0x1  }
0x17: {  	s4 =	simm.s32 $0x1BF5;
	[smem:$0x3FB7] =	sst s0  }
0x18: {  	s0 =	sld [smem:$0x3F9A];
	_ =	swait.ge [sflag:s4], $0x0  }
0x19: {  	s7 =	sld [smem:$0x3F9B]  }
0x1a: {  	s8 =	sadd.s32 $0xFFFFE003, lr  }
0x1b: {  	s9 =	sadd.s32 $0xFFFFFEF7, lr;
	s5 =	simm.s32 $0xFFFFFFFF;
	p2 =	slt.u32 s8, $0xFFFFF086  }
0x1c: {  	p1 =	slt.u32 s9, $0xF7A;
	s5 =	simm.s32 @!p2 $0x0  }
0x1d: {  	s5 =	simm.s32 @p1 $0x1;
	p0 =	seq.s32 s7, s2  }
0x1e: {  	s7 =	smul.u32 @!p0 $0xF7A, s2;
	p2 =	seq.s32 @!p0 s5, $0x0  }
0x1f: {  	s9 =	smul.u32 $0xF7A, s1;
	s8 =	simm.s32 @!p0 $0x1BF5;
	p2 =	por !p2, p0  }
0x20: {  	[sflag:s8] =	ssyncset.s32 @!p0 $0xFFFFF086;
	s6 =	sadd.s32 @!p0 s3, s7;
	s7 =	simm.s32 @!p0 $0x108  }
0x21: {  	s3 =	sadd.s32 s3, s9;
	s6 =	sadd.s32 @!p0 $0x88, s6;
	s7 =	simm.s32 @p2 $0x1082  }
0x22: {  	[simem:s7], [sflag:s8] =	dma.local @!p0 [hbm:s6], $0xF7A  }
0x23: {  	s9 =	sor.u32 $0xD0000000, s2;
	s6 =	simm.s32 $0x108;
	_ =	swait.ge @!p0 [sflag:s8], $0x0  }
0x24: {  	s3 =	sadd.s32 $0x88, s3;
	s6 =	simm.s32 @!p1 $0x1082;
	[sflag:s4] =	ssyncset.s32 $0xFFFFF086  }
0x25: {  	[simem:s6], [sflag:s4] =	dma.local [hbm:s3], $0xF7A  }
0x26: {  	[smem:$0x3F9B] =	sst s1;
	(tag) =	ssettag s2;
	_ =	strace s9  }
0x27: {  	s1 =	sld [smem:$0x3FAB]  }
0x28: {  	s2 =	sld [smem:$0x3FAC]  }
0x29: {  	s4 =	sld [smem:$0x3FAE]  }
0x2a: {  	p0 =	seq.s32 s5, $0x0;
	s5 =	sld [smem:$0x3FAF]  }
0x2b: {  	s6 =	sld [smem:$0x3FB0]  }
0x2c: {  	s7 =	sld [smem:$0x3FB1]  }
0x2d: {  	s3 =	simm.s32 $0x108;
	s8 =	sld [smem:$0x3FB2]  }
0x2e: {  	s3 =	simm.s32 @!p0 $0x1082;
	s9 =	sld [smem:$0x3FB3]  }
0x2f: {  	lr =	sadd.s32 s0, s3;
	s0 =	sld [smem:$0x3FAA]  }
0x30: {  	s3 =	sld [smem:$0x3FAD]  }
0x31: {  	[smem:$0x3FB6] =	sst s10  }
0x32: {  	s10 =	sld [smem:$0x3FB4];
	_ =	sdelay $0x3  }
0x33: {  	p0 =	seq.s32 s10, $0x1;
	s10 =	sld [smem:$0x3FB6];
	_ =	sdelay $0x3  }
0x34: {  	[smem:$0x3FB6] =	sst s10  }
0x35: {  	s10 =	sld [smem:$0x3FB5];
	_ =	sdelay $0x3  }
0x36: {  	p1 =	seq.s32 s10, $0x1;
	s10 =	sld [smem:$0x3FB6];
	_ =	sdelay $0x3  }
0x37: {  	[smem:$0x3FB6] =	sst s10  }
0x38: {  	s10 =	sld [smem:$0x3FB7]  }
0x39: {  	_ = 	snop;
	(pc) =	sbr.ind lr, $3  }
0x3a: {  	_ = 	snop  }
0x3b: {  	_ = 	snop  }
0x3c: {  	p2 =	seq.s32 s10, $0x1;
	s10 =	sld [smem:$0x3FB6]  }
0x3d: {  	_ =	shalt  }
0x3e: {  	_ =	shalt  }
0x3f: {  	_ =	shalt  }
0x40: {  	_ =	shalt  }
0x41: {  	_ =	shalt  }
0x42: {  	_ =	shalt  }
0x43: {  	_ =	shalt  }
0x44: {  	_ =	shalt  }
0x45: {  	_ =	shalt  }
0x46: {  	_ =	shalt  }
0x47: {  	_ =	shalt  }
0x48: {  	_ =	shalt  }
0x49: {  	_ =	shalt  }
0x4a: {  	_ =	shalt  }
0x4b: {  	_ =	shalt  }
0x4c: {  	_ =	shalt  }
0x4d: {  	_ =	shalt  }
0x4e: {  	_ =	shalt  }
0x4f: {  	_ =	shalt  }
0x50: {  	_ =	shalt  }
0x51: {  	_ =	shalt  }
0x52: {  	_ =	shalt  }
0x53: {  	_ =	shalt  }
0x54: {  	_ =	shalt  }
0x55: {  	_ =	shalt  }
0x56: {  	_ =	shalt  }
0x57: {  	_ =	shalt  }
0x58: {  	_ =	shalt  }
0x59: {  	_ =	shalt  }
0x5a: {  	_ =	shalt  }
0x5b: {  	_ =	shalt  }
0x5c: {  	_ =	shalt  }
0x5d: {  	_ =	shalt  }
0x5e: {  	_ =	shalt  }
0x5f: {  	_ =	shalt  }
0x60: {  	_ =	shalt  }
0x61: {  	_ =	shalt  }
0x62: {  	_ =	shalt  }
0x63: {  	_ =	shalt  }
0x64: {  	_ =	shalt  }
0x65: {  	_ =	shalt  }
0x66: {  	_ =	shalt  }
0x67: {  	_ =	shalt  }
0x68: {  	_ =	shalt  }
0x69: {  	_ =	shalt  }
0x6a: {  	_ =	shalt  }
0x6b: {  	_ =	shalt  }
0x6c: {  	_ =	shalt  }
0x6d: {  	_ =	shalt  }
0x6e: {  	_ =	shalt  }
0x6f: {  	_ =	shalt  }
0x70: {  	_ =	shalt  }
0x71: {  	_ =	shalt  }
0x72: {  	_ =	shalt  }
0x73: {  	_ =	shalt  }
0x74: {  	_ =	shalt  }
0x75: {  	_ =	shalt  }
0x76: {  	_ =	shalt  }
0x77: {  	_ =	shalt  }
0x78: {  	_ =	shalt  }
0x79: {  	_ =	shalt  }
0x7a: {  	_ =	shalt  }
0x7b: {  	_ =	shalt  }
0x7c: {  	_ =	shalt  }
0x7d: {  	_ =	shalt  }
0x7e: {  	_ =	shalt  }
0x7f: {  	_ =	shalt  }
0x80: {  	_ =	shalt  }
0x81: {  	_ =	shalt  }
0x82: {  	_ =	shalt  }
0x83: {  	_ =	shalt  }
0x84: {  	_ =	shalt  }
0x85: {  	_ =	shalt  }
0x86: {  	_ =	shalt  }
0x87: {  	_ =	shalt  }
.Lfunc_end0:
.L_simem_size_0:
called_computation.2_lowered:
.L_overlay_start_0:
0x88: {  	s2 =	sld [smem:$0x3FD9]  }
0x89: {  	s3 =	sld [smem:$0x3FFE];
	_ =	sdelay $0x1  }
0x8a: {  	s1 =	srdreg.scid  }
0x8b: {  	s0 =	sand.u32 $0x1, s1  }
0x8c: {  	s17 =	sshll.u32 s0, $0xA;
	s2 =	sadd.s32 s3, s2  }
0x8d: {  	s2 =	sadd.s32 s2, s17  }
0x8e: {  	[smem:$0x3FC2] =	sst s2  }
0x8f: {  	_ = 	snop  }
0x90: {  	s2 =	sld [smem:$0x3FC8]  }
0x91: {  	s18 =	sld [smem:$0x3FD0];
	(tm) =	ssettm $0x1  }
0x92: {  	s4 =	sld [smem:$0x3FFB];
	_ =	sdelay $0x3  }
0x93: {  	_ =	strace s4  }
0x94: {  	s4 =	sld [smem:$0x3FFC];
	_ =	sdelay $0x3  }
0x95: {  	_ =	strace s4  }
0x96: {  	s4 =	sld [smem:$0x3FFD];
	_ =	sdelay $0x3  }
0x97: {  	_ =	strace s4  }
0x98: {  	_ =	strace $0x8FFFFFFF  }
0x99: {  	s19 =	sld [smem:$0x3FDB];
	_ =	sdelay $0x1  }
0x9a: {  	s5 =	simm.s32 $_scs_section_size  }
0x9b: {  	s6 =	simm.s32 $_size__tile_overlayer_lowered;
	s7 =	simm.s32 $_tile_overlayer_lowered  }
0x9c: {  	s22 =	simm.s32 $0x1BFF;
	s21 =	sshll.u32 s7, $0x1;
	s4 =	sadd.s32 s5, s19  }
0x9d: {  	s8 =	simm.s32 $0x0;
	s20 =	sshll.u32 s6, $0x1;
	s6 =	sadd.s32 s21, s4  }
0x9e: {  	[timem:s8], [sflag:s22] =	dma.local [hbm:s6], s20  }
0x9f: {  	_ =	swait.ge [sflag:s22], s20  }
0xa0: {  	s5 =	ssub.s32 $0x0, s20;
	[sflag:s22] =	ssyncset.done $0x0  }
0xa1: {  	[sflag:s22] =	ssyncadd.s32 s5;
	_ =	sdelay $0x1  }
0xa2: {  	s23 =	simm.s32 $0x1B8B  }
0xa3: {  	_ =	swait.ge [sflag:s23], $0x1  }
0xa4: {  	[sflag:s23] =	ssyncset.done $0x0  }
0xa5: {  	s25 =	simm.s32 $0x1B8E;
	s24 =	sld [smem:$0x3FFE];
	[sflag:s23] =	ssyncadd.s32 $0xFFFFFFFF  }
0xa6: {  	s26 =	simm.s32 $execute0_lowered;
	[smem:$0x3FD2] =	sst s25  }
0xa7: {  	s6 =	sshll.u32 s26, $0x1;
	_ =	strace $0x8000004C;
	[dreg:$0x1] =	wrdreg $0xFFFFFFFF  }
0xa8: {  	s28 =	simm.s32 $_size_execute0_lowered;
	s4 =	sadd.s32 s4, s6;
	[dreg:$0x0] =	wrdreg $0x0  }
0xa9: {  	s6 =	sshll.u32 s28, $0x1;
	[dreg:$0x2] =	wrdreg s4  }
0xaa: {  	[dreg:$0x3] =	wrdreg s6  }
0xab: {  	[dreg:$0x4] =	wrdreg $0xC0  }
0xac: {  	_ =	task [dreg:s8], $0x5FFFF  }
0xad: {  	[dreg:$0x1] =	wrdreg $0xFFFFFFFF  }
0xae: {  	[dreg:$0x0] =	wrdreg $0x60  }
0xaf: {  	[dreg:$0x2] =	wrdreg s24  }
0xb0: {  	[dreg:$0x3] =	wrdreg s2  }
0xb1: {  	[dreg:$0x4] =	wrdreg s18  }
0xb2: {  	[dreg:$0x5] =	wrdreg $0x9  }
0xb3: {  	_ =	task.clear_ibuf [dreg:s8], $0x6FFFF;
	_ =	strace $0x9000004C  }
0xb4: {  	s29 =	simm.s32 $0x9;
	_ =	strace $0x8000004E  }
0xb5: {  	_ =	swait.ge [sflag:s29], $0x1  }
0xb6: {  	[sflag:s29] =	ssyncadd.s32 $0xFFFFFFFF  }
0xb7: {  	_ =	strace $0x9000004E  }
0xb8: {  	_ =	sfence  }
0xb9: {  	s30 =	sld [smem:$0x0];
	_ =	sdelay $0x2  }
0xba: {  	s31 =	sshll.u32 s1, $0xD;
	s1 =	sshrl.u32 s1, $0x2  }
0xbb: {  	s3 =	sand.u32 $0x4000, s31;
	s1 =	sadd.s32 s1, s30  }
0xbc: {  	s0 =	sor.u32 s3, s0;
	s1 =	sshll.u32 s1, $0x11  }
0xbd: {  	s0 =	sor.u32 s1, s0  }
0xbe: {  	s0 =	sadd.s32 $0x8F2B, s0  }
0xbf: {  	[sflag:s0] =	ssyncadd.remote.s32 $0x1  }
0xc0: {  	_ =	sfence.sel $0xFFFF  }
0xc1: {  	[dreg:$0x0] =	wrdreg $0xFFFFFFFF;
	(pc) =	sbr.abs _section_cstart, $3  }
0xc2: {  	[dreg:$0x1] =	wrdreg $0xFFFFFFFF  }
0xc3: {  	_ =	task.clear_ibuf [dreg:s8], $0x2FFFF;
	_ =	strace $0x9FFFFFFF  }
0xc4: {  	(tm) =	ssettm $0x7FFFFFFF  }
0xc5: {  	_ =	shalt  }
tec
execute0_lowered:
.L_overlay_start_1:
0x0: {  	(tag) =	ssettag $0x1  }
0x1: {  	s12 =	rddreg [dreg:$0x0]  }
0x2: {  	s1 =	srdreg.scid;
	s0 =	stileid.u32  }
0x3: {  	s2 =	rddreg [dreg:$0x1];
	s13 =	sand.u32 $0x1, s1;
	s30 =	sshll.u32 s0, $0x1  }
0x4: {  	s3 =	rddreg [dreg:$0x2];
	s14 =	sor.u32 s13, s30  }
0x5: {  	s4 =	simm.s32 $0x0;
	s1 =	rddreg [dreg:$0x3];
	s5 =	sshll.u32 s14, $0x2  }
0x6: {  	[smem:$0x7FF] =	sst s4;
	s5 =	sadd.s32 s5, s12  }
0x7: {  	_ =	strace $0x8000004D;
	s6 =	sadd.s32 $0xA600, s5;
	s5 =	simm.s32 $0x2  }
0x8: {  	[tilespmem:s4], [sflag:$0x2] =	stream.linear.gather [hbm4b:s6+s4], $0x20, $0x38;
	[tilespmem:$0x2100] =	vst v63  }
0x9: {  	_ =	swait.ge [sflag:s5], $0x20  }
0xa: {  	[sflag:s5] =	ssyncset.done $0x0  }
0xb: {  	[sflag:s5] =	ssyncadd.s32 $0xFFFFFFE0  }
0xc: {  	v1 =	vld [tilespmem:$0x0]  }
0xd: {  	v2 =	vld [tilespmem:$0x10]  }
0xe: {  	s7 =	sshll.u32 s0, $0xA  }
0xf: {  	s7 =	sand.u32 $0x3800, s7  }
0x10: {  	v0 =	vmov s7  }
0x11: {  	v1 =	vadd.s32 v0, v1  }
0x12: {  	s8 =	simm.s32 $0x80;
	[tilespmem:$0x80] =	vst v1;
	v1 =	vadd.s32 v0, v2  }
0x13: {  	s9 =	simm.s32 $0x100;
	s10 =	simm.s32 $0x1;
	s7 =	simm.s32 $0x20;
	[tilespmem:$0x90] =	vst v1  }
0x14: {  	[tilespmem:s9], [sflag:$0x1] =	stream.indirect.gather [hbm4b:s2+s7], $0x80, s8, s7, $0xb8;
	[tilespmem:$0x2100] =	vst v63  }
0x15: {  	_ =	swait.ge [sflag:s10], $0x1000  }
0x16: {  	s13 =	ssub.s32 $0x2, s13;
	[sflag:s10] =	ssyncset.done $0x0  }
0x17: {  	s11 =	simm.s32 $0x1100;
	s15 =	sshrl.u32 s13, $0x1;
	[sflag:s10] =	ssyncadd.s32 $0xFFFFF000  }
0x18: {  	[tilespmem:s11], [sflag:$0x1] =	stream.indirect.gather [hbm4b:s3+s7], $0x80, s8, s7, $0xb8;
	[tilespmem:$0x2100] =	vst v63  }
0x19: {  	s14 =	sshll.u32 s14, $0x9;
	s15 =	ssub.s32 s13, s15;
	_ =	swait.ge [sflag:s10], $0x1000  }
0x1a: {  	s14 =	sadd.s32 s14, s12;
	s31 =	smax.u32 s15, $0x1;
	[sflag:s10] =	ssyncset.done $0x0  }
0x1b: {  	s12 =	sadd.s32 $0xB400, s14;
	p0 =	sne.s32 s31, $0x1;
	[sflag:s10] =	ssyncadd.s32 $0xFFFFF000  }
0x1c: {  	[hbm4b:s12+s4] =	stream.linear.scatter [tilespmem:s9], [sflag:$0x2], $0x1000, $0x38;
	[tilespmem:$0x2100] =	vst v63  }
.Ltmp0:
0x1d: {  	_ =	swait.ge [sflag:s5], $0x1000;
	(pc) =	sbr.rel @!p0 .LBB2_2-.Ltmp0, $4  }
0x1e: {  	[sflag:s5] =	ssyncset.done $0x0  }
0x1f: {  	s13 =	sadd.s32 $0xF400, s14;
	[sflag:s5] =	ssyncadd.s32 $0xFFFFF000  }
0x20: {  	[hbm4b:s13+s4] =	stream.linear.scatter [tilespmem:s11], [sflag:$0x2], $0x1000, $0x38;
	[tilespmem:$0x2100] =	vst v63  }
0x21: {  	s14 =	sadd.s32 $0xFFFFFFFF, s31;
	_ =	swait.ge [sflag:s5], $0x1000  }
.LBB2_1:
0x22: {  	p0 =	sne.s32 s14, $0x1;
	s14 =	sadd.s32 $0xFFFFFFFF, s14;
	[sflag:s5] =	ssyncset.done $0x0  }
0x23: {  	[sflag:s5] =	ssyncadd.s32 $0xFFFFF000  }
0x24: {  	[tilespmem:s4], [sflag:$0x2] =	stream.linear.gather [hbm4b:s6+s4], $0x20, $0x38;
	[tilespmem:$0x2100] =	vst v63  }
0x25: {  	_ =	swait.ge [sflag:s5], $0x20  }
0x26: {  	[sflag:s5] =	ssyncset.done $0x0  }
0x27: {  	[sflag:s5] =	ssyncadd.s32 $0xFFFFFFE0  }
0x28: {  	v1 =	vld [tilespmem:$0x0]  }
0x29: {  	v2 =	vld [tilespmem:$0x10];
	_ =	sdelay $0x3  }
0x2a: {  	v1 =	vadd.s32 v0, v1  }
0x2b: {  	[tilespmem:$0x80] =	vst v1;
	v1 =	vadd.s32 v0, v2  }
0x2c: {  	[tilespmem:$0x90] =	vst v1  }
0x2d: {  	[tilespmem:s9], [sflag:$0x1] =	stream.indirect.gather [hbm4b:s2+s7], $0x80, s8, s7, $0xb8;
	[tilespmem:$0x2100] =	vst v63  }
0x2e: {  	_ =	swait.ge [sflag:s10], $0x1000  }
0x2f: {  	[sflag:s10] =	ssyncset.done $0x0  }
0x30: {  	[sflag:s10] =	ssyncadd.s32 $0xFFFFF000  }
0x31: {  	[tilespmem:s11], [sflag:$0x1] =	stream.indirect.gather [hbm4b:s3+s7], $0x80, s8, s7, $0xb8;
	[tilespmem:$0x2100] =	vst v63  }
0x32: {  	_ =	swait.ge [sflag:s10], $0x1000  }
0x33: {  	[sflag:s10] =	ssyncset.done $0x0  }
0x34: {  	[sflag:s10] =	ssyncadd.s32 $0xFFFFF000  }
0x35: {  	[hbm4b:s12+s4] =	stream.linear.scatter [tilespmem:s9], [sflag:$0x2], $0x1000, $0x38;
	[tilespmem:$0x2100] =	vst v63  }
.Ltmp1:
0x36: {  	_ =	swait.ge [sflag:s5], $0x1000;
	(pc) =	sbr.rel @p0 .LBB2_1-.Ltmp1, $4  }
0x37: {  	[sflag:s5] =	ssyncset.done $0x0  }
0x38: {  	[sflag:s5] =	ssyncadd.s32 $0xFFFFF000  }
0x39: {  	[hbm4b:s13+s4] =	stream.linear.scatter [tilespmem:s11], [sflag:$0x2], $0x1000, $0x38;
	[tilespmem:$0x2100] =	vst v63  }
0x3a: {  	_ =	swait.ge [sflag:s5], $0x1000  }
.LBB2_2:
0x3b: {  	[sflag:s5] =	ssyncset.done $0x0  }
0x3c: {  	[sflag:s5] =	ssyncadd.s32 $0xFFFFF000  }
0x3d: {  	_ =	sfence.sel $0x180000  }
0x3e: {  	[bflag:$0x0] =	sbarrier.arrive $0xFFFF  }
0x3f: {  	p0 =	sne.s32 s0, $0x0;
	_ =	strace $0x9000004D  }
0x40: {  	s0 =	sadd.s32 @!p0 $0x100000, s1;
	[bflag:$0x2] =	sbarrier.arrive $0xFFFF  }
0x41: {  	[sflag:s0] =	ssyncadd.tile.s32 @!p0 $0x1;
	_ =	shalt  }
.Lfunc_end2:
_tile_overlayer_lowered:
.L_overlay_start_2:
0x42: {  	(tag) =	ssettag $0x2  }
0x43: {  	s0 =	rddreg [dreg:$0x0];
	s2 =	stileid.u32  }
0x44: {  	s1 =	rddreg [dreg:$0x1];
	p0 =	sne.s32 s2, $0x0  }
0x45: {  	s3 =	rddreg [dreg:$0x2];
	[bflag:$0x3] =	sbarrier.arrive $0xFFFF;
	s2 =	simm.s32 @!p0 $0x1C02  }
0x46: {  	[timem:s3], [sflag:s2] =	dma.local @!p0 [hbm:s0], s1  }
0x47: {  	s0 =	simm.s32 @!p0 $0x2  }
0x48: {  	_ =	swait.ge @!p0 [sflag:s0], s1  }
0x49: {  	s1 =	ssub.s32 @!p0 $0x0, s1;
	[sflag:s0] =	ssyncset.done @!p0 $0x0  }
0x4a: {  	[sflag:s0] =	ssyncadd.s32 @!p0 s1  }
0x4b: {  	[bflag:$0x3] =	sbarrier.arrive $0xFFFF  }
0x4c: {  	_ =	shalt  }

// kernel: run.35.cloned.1.call-start
scs
__scs_entry_jumppad:
0x0: {  	(pc) =	sbr.rel $0x88, $3  }
0x1: {  	(tag) =	ssettag $0x0;
	lr =	simm.s32 $0x1  }
0x2: {  	[smem:$0x3F9B] =	sst lr;
	_ =	strace $0xD0000000  }
0x3: {  	_ = 	snop  }
0x4: {  	_ = 	snop  }
0x5: {  	_ = 	snop  }
0x6: {  	_ = 	snop  }
0x7: {  	_ = 	snop  }
__scs_overlays_trampoline_lowered:
0x8: {  	[smem:$0x3FAA] =	sst s0  }
0x9: {  	[smem:$0x3FAB] =	sst s1  }
0xa: {  	[smem:$0x3FAC] =	sst s2  }
0xb: {  	[smem:$0x3FAD] =	sst s3  }
0xc: {  	[smem:$0x3FAE] =	sst s4  }
0xd: {  	[smem:$0x3FAF] =	sst s5  }
0xe: {  	[smem:$0x3FB0] =	sst s6  }
0xf: {  	[smem:$0x3FB1] =	sst s7  }
0x10: {  	[smem:$0x3FB2] =	sst s8  }
0x11: {  	[smem:$0x3FB3] =	sst s9;
	s0 =	simm.s32 @!p0 $0x0  }
0x12: {  	s1 =	sld [smem:$0x3F99];
	s0 =	simm.s32 @p0 $0x1  }
0x13: {  	[smem:$0x3FB4] =	sst s0;
	s0 =	simm.s32 @!p1 $0x0  }
0x14: {  	s2 =	sld [smem:$0x3F98];
	s0 =	simm.s32 @p1 $0x1  }
0x15: {  	[smem:$0x3FB5] =	sst s0;
	s0 =	simm.s32 @!p2 $0x0  }
0x16: {  	s3 =	sld [smem:$0x3FDB];
	s0 =	simm.s32 @p2 $0x1  }
0x17: {  	s4 =	simm.s32 $0x1BF5;
	[smem:$0x3FB7] =	sst s0  }
0x18: {  	s0 =	sld [smem:$0x3F9A];
	_ =	swait.ge [sflag:s4], $0x0  }
0x19: {  	s7 =	sld [smem:$0x3F9B]  }
0x1a: {  	s8 =	sadd.s32 $0xFFFFE003, lr  }
0x1b: {  	s9 =	sadd.s32 $0xFFFFFEF7, lr;
	s5 =	simm.s32 $0xFFFFFFFF;
	p2 =	slt.u32 s8, $0xFFFFF086  }
0x1c: {  	p1 =	slt.u32 s9, $0xF7A;
	s5 =	simm.s32 @!p2 $0x0  }
0x1d: {  	s5 =	simm.s32 @p1 $0x1;
	p0 =	seq.s32 s7, s2  }
0x1e: {  	s7 =	smul.u32 @!p0 $0xF7A, s2;
	p2 =	seq.s32 @!p0 s5, $0x0  }
0x1f: {  	s9 =	smul.u32 $0xF7A, s1;
	s8 =	simm.s32 @!p0 $0x1BF5;
	p2 =	por !p2, p0  }
0x20: {  	[sflag:s8] =	ssyncset.s32 @!p0 $0xFFFFF086;
	s6 =	sadd.s32 @!p0 s3, s7;
	s7 =	simm.s32 @!p0 $0x108  }
0x21: {  	s3 =	sadd.s32 s3, s9;
	s6 =	sadd.s32 @!p0 $0x88, s6;
	s7 =	simm.s32 @p2 $0x1082  }
0x22: {  	[simem:s7], [sflag:s8] =	dma.local @!p0 [hbm:s6], $0xF7A  }
0x23: {  	s9 =	sor.u32 $0xD0000000, s2;
	s6 =	simm.s32 $0x108;
	_ =	swait.ge @!p0 [sflag:s8], $0x0  }
0x24: {  	s3 =	sadd.s32 $0x88, s3;
	s6 =	simm.s32 @!p1 $0x1082;
	[sflag:s4] =	ssyncset.s32 $0xFFFFF086  }
0x25: {  	[simem:s6], [sflag:s4] =	dma.local [hbm:s3], $0xF7A  }
0x26: {  	[smem:$0x3F9B] =	sst s1;
	(tag) =	ssettag s2;
	_ =	strace s9  }
0x27: {  	s1 =	sld [smem:$0x3FAB]  }
0x28: {  	s2 =	sld [smem:$0x3FAC]  }
0x29: {  	s4 =	sld [smem:$0x3FAE]  }
0x2a: {  	p0 =	seq.s32 s5, $0x0;
	s5 =	sld [smem:$0x3FAF]  }
0x2b: {  	s6 =	sld [smem:$0x3FB0]  }
0x2c: {  	s7 =	sld [smem:$0x3FB1]  }
0x2d: {  	s3 =	simm.s32 $0x108;
	s8 =	sld [smem:$0x3FB2]  }
0x2e: {  	s3 =	simm.s32 @!p0 $0x1082;
	s9 =	sld [smem:$0x3FB3]  }
0x2f: {  	lr =	sadd.s32 s0, s3;
	s0 =	sld [smem:$0x3FAA]  }
0x30: {  	s3 =	sld [smem:$0x3FAD]  }
0x31: {  	[smem:$0x3FB6] =	sst s10  }
0x32: {  	s10 =	sld [smem:$0x3FB4];
	_ =	sdelay $0x3  }
0x33: {  	p0 =	seq.s32 s10, $0x1;
	s10 =	sld [smem:$0x3FB6];
	_ =	sdelay $0x3  }
0x34: {  	[smem:$0x3FB6] =	sst s10  }
0x35: {  	s10 =	sld [smem:$0x3FB5];
	_ =	sdelay $0x3  }
0x36: {  	p1 =	seq.s32 s10, $0x1;
	s10 =	sld [smem:$0x3FB6];
	_ =	sdelay $0x3  }
0x37: {  	[smem:$0x3FB6] =	sst s10  }
0x38: {  	s10 =	sld [smem:$0x3FB7]  }
0x39: {  	_ = 	snop;
	(pc) =	sbr.ind lr, $3  }
0x3a: {  	_ = 	snop  }
0x3b: {  	_ = 	snop  }
0x3c: {  	p2 =	seq.s32 s10, $0x1;
	s10 =	sld [smem:$0x3FB6]  }
0x3d: {  	_ =	shalt  }
0x3e: {  	_ =	shalt  }
0x3f: {  	_ =	shalt  }
0x40: {  	_ =	shalt  }
0x41: {  	_ =	shalt  }
0x42: {  	_ =	shalt  }
0x43: {  	_ =	shalt  }
0x44: {  	_ =	shalt  }
0x45: {  	_ =	shalt  }
0x46: {  	_ =	shalt  }
0x47: {  	_ =	shalt  }
0x48: {  	_ =	shalt  }
0x49: {  	_ =	shalt  }
0x4a: {  	_ =	shalt  }
0x4b: {  	_ =	shalt  }
0x4c: {  	_ =	shalt  }
0x4d: {  	_ =	shalt  }
0x4e: {  	_ =	shalt  }
0x4f: {  	_ =	shalt  }
0x50: {  	_ =	shalt  }
0x51: {  	_ =	shalt  }
0x52: {  	_ =	shalt  }
0x53: {  	_ =	shalt  }
0x54: {  	_ =	shalt  }
0x55: {  	_ =	shalt  }
0x56: {  	_ =	shalt  }
0x57: {  	_ =	shalt  }
0x58: {  	_ =	shalt  }
0x59: {  	_ =	shalt  }
0x5a: {  	_ =	shalt  }
0x5b: {  	_ =	shalt  }
0x5c: {  	_ =	shalt  }
0x5d: {  	_ =	shalt  }
0x5e: {  	_ =	shalt  }
0x5f: {  	_ =	shalt  }
0x60: {  	_ =	shalt  }
0x61: {  	_ =	shalt  }
0x62: {  	_ =	shalt  }
0x63: {  	_ =	shalt  }
0x64: {  	_ =	shalt  }
0x65: {  	_ =	shalt  }
0x66: {  	_ =	shalt  }
0x67: {  	_ =	shalt  }
0x68: {  	_ =	shalt  }
0x69: {  	_ =	shalt  }
0x6a: {  	_ =	shalt  }
0x6b: {  	_ =	shalt  }
0x6c: {  	_ =	shalt  }
0x6d: {  	_ =	shalt  }
0x6e: {  	_ =	shalt  }
0x6f: {  	_ =	shalt  }
0x70: {  	_ =	shalt  }
0x71: {  	_ =	shalt  }
0x72: {  	_ =	shalt  }
0x73: {  	_ =	shalt  }
0x74: {  	_ =	shalt  }
0x75: {  	_ =	shalt  }
0x76: {  	_ =	shalt  }
0x77: {  	_ =	shalt  }
0x78: {  	_ =	shalt  }
0x79: {  	_ =	shalt  }
0x7a: {  	_ =	shalt  }
0x7b: {  	_ =	shalt  }
0x7c: {  	_ =	shalt  }
0x7d: {  	_ =	shalt  }
0x7e: {  	_ =	shalt  }
0x7f: {  	_ =	shalt  }
0x80: {  	_ =	shalt  }
0x81: {  	_ =	shalt  }
0x82: {  	_ =	shalt  }
0x83: {  	_ =	shalt  }
0x84: {  	_ =	shalt  }
0x85: {  	_ =	shalt  }
0x86: {  	_ =	shalt  }
0x87: {  	_ =	shalt  }
.Lfunc_end0:
.L_simem_size_0:
called_computation.3_lowered:
.L_overlay_start_0:
0x88: {  	s2 =	sld [smem:$0x3FD9]  }
0x89: {  	s3 =	sld [smem:$0x3FFE];
	_ =	sdelay $0x1  }
0x8a: {  	s1 =	srdreg.scid  }
0x8b: {  	s0 =	sand.u32 $0x1, s1  }
0x8c: {  	s17 =	sshll.u32 s0, $0xA;
	s2 =	sadd.s32 s3, s2  }
0x8d: {  	s2 =	sadd.s32 s2, s17  }
0x8e: {  	[smem:$0x3FC2] =	sst s2  }
0x8f: {  	_ = 	snop  }
0x90: {  	s2 =	sld [smem:$0x3FD0];
	(tm) =	ssettm $0x1  }
0x91: {  	s18 =	sld [smem:$0x3FFB];
	_ =	sdelay $0x3  }
0x92: {  	_ =	strace s18  }
0x93: {  	s3 =	sld [smem:$0x3FFC];
	_ =	sdelay $0x3  }
0x94: {  	_ =	strace s3  }
0x95: {  	s3 =	sld [smem:$0x3FFD];
	_ =	sdelay $0x3  }
0x96: {  	_ =	strace s3  }
0x97: {  	_ =	strace $0x8FFFFFFF  }
0x98: {  	s19 =	sld [smem:$0x3FDB];
	_ =	sdelay $0x1  }
0x99: {  	s4 =	simm.s32 $_scs_section_size  }
0x9a: {  	s5 =	simm.s32 $_size__tile_overlayer_lowered;
	s6 =	simm.s32 $_tile_overlayer_lowered  }
0x9b: {  	s22 =	simm.s32 $0x1BFF;
	s21 =	sshll.u32 s6, $0x1;
	s3 =	sadd.s32 s4, s19  }
0x9c: {  	s7 =	simm.s32 $0x0;
	s20 =	sshll.u32 s5, $0x1;
	s5 =	sadd.s32 s21, s3  }
0x9d: {  	[timem:s7], [sflag:s22] =	dma.local [hbm:s5], s20  }
0x9e: {  	_ =	swait.ge [sflag:s22], s20  }
0x9f: {  	s4 =	ssub.s32 $0x0, s20;
	[sflag:s22] =	ssyncset.done $0x0  }
0xa0: {  	[sflag:s22] =	ssyncadd.s32 s4;
	_ =	sdelay $0x1  }
0xa1: {  	s23 =	simm.s32 $0x1B8B  }
0xa2: {  	_ =	swait.ge [sflag:s23], $0x1  }
0xa3: {  	[sflag:s23] =	ssyncset.done $0x0  }
0xa4: {  	s25 =	simm.s32 $0x1B8E;
	s24 =	sld [smem:$0x3FFE];
	[sflag:s23] =	ssyncadd.s32 $0xFFFFFFFF  }
0xa5: {  	s26 =	simm.s32 $execute0_lowered;
	[smem:$0x3FD2] =	sst s25  }
0xa6: {  	s5 =	sshll.u32 s26, $0x1;
	_ =	strace $0x8000004F;
	[dreg:$0x1] =	wrdreg $0xFFFFFFFF  }
0xa7: {  	s28 =	simm.s32 $_size_execute0_lowered;
	s3 =	sadd.s32 s3, s5;
	[dreg:$0x0] =	wrdreg $0x0  }
0xa8: {  	s5 =	sshll.u32 s28, $0x1;
	[dreg:$0x2] =	wrdreg s3  }
0xa9: {  	[dreg:$0x3] =	wrdreg s5  }
0xaa: {  	[dreg:$0x4] =	wrdreg $0xC0  }
0xab: {  	_ =	task [dreg:s7], $0x5FFFF  }
0xac: {  	[dreg:$0x1] =	wrdreg $0xFFFFFFFF  }
0xad: {  	[dreg:$0x0] =	wrdreg $0x60  }
0xae: {  	[dreg:$0x2] =	wrdreg s24  }
0xaf: {  	[dreg:$0x3] =	wrdreg s2  }
0xb0: {  	[dreg:$0x4] =	wrdreg $0x9  }
0xb1: {  	_ =	task.clear_ibuf [dreg:s7], $0x5FFFF;
	_ =	strace $0x9000004F  }
0xb2: {  	s29 =	simm.s32 $0x9;
	_ =	strace $0x80000051  }
0xb3: {  	_ =	swait.ge [sflag:s29], $0x1  }
0xb4: {  	[sflag:s29] =	ssyncadd.s32 $0xFFFFFFFF  }
0xb5: {  	_ =	strace $0x90000051  }
0xb6: {  	_ =	sfence  }
0xb7: {  	s30 =	sld [smem:$0x0];
	_ =	sdelay $0x2  }
0xb8: {  	s31 =	sshll.u32 s1, $0xD;
	s1 =	sshrl.u32 s1, $0x2  }
0xb9: {  	s3 =	sand.u32 $0x4000, s31;
	s1 =	sadd.s32 s1, s30  }
0xba: {  	s0 =	sor.u32 s3, s0;
	s1 =	sshll.u32 s1, $0x11  }
0xbb: {  	s0 =	sor.u32 s1, s0  }
0xbc: {  	s0 =	sadd.s32 $0x8F2B, s0  }
0xbd: {  	[sflag:s0] =	ssyncadd.remote.s32 $0x1  }
0xbe: {  	_ =	sfence.sel $0xFFFF  }
0xbf: {  	[dreg:$0x0] =	wrdreg $0xFFFFFFFF;
	(pc) =	sbr.abs _section_cstart, $3  }
0xc0: {  	[dreg:$0x1] =	wrdreg $0xFFFFFFFF  }
0xc1: {  	_ =	task.clear_ibuf [dreg:s7], $0x2FFFF;
	_ =	strace $0x9FFFFFFF  }
0xc2: {  	(tm) =	ssettm $0x7FFFFFFF  }
0xc3: {  	_ =	shalt  }
tec
execute0_lowered:
.L_overlay_start_1:
0x0: {  	(tag) =	ssettag $0x1  }
0x1: {  	s1 =	srdreg.scid;
	s0 =	stileid.u32  }
0x2: {  	s8 =	sand.u32 $0x1, s1;
	s30 =	sshll.u32 s0, $0x1  }
0x3: {  	s6 =	rddreg [dreg:$0x0];
	s7 =	sor.u32 s8, s30  }
0x4: {  	s2 =	rddreg [dreg:$0x1];
	s3 =	simm.s32 $0x0;
	s4 =	sshll.u32 s7, $0x2  }
0x5: {  	s5 =	simm.s32 $0x2;
	[smem:$0x7FF] =	sst s3;
	s4 =	sadd.s32 s4, s6  }
0x6: {  	s1 =	rddreg [dreg:$0x2];
	_ =	strace $0x80000050;
	s4 =	sadd.s32 $0x13C00, s4  }
0x7: {  	[tilespmem:s3], [sflag:$0x2] =	stream.linear.gather [hbm4b:s4+s3], $0x20, $0x38;
	[tilespmem:$0x1100] =	vst v63  }
0x8: {  	s7 =	sshll.u32 s7, $0x9;
	_ =	swait.ge [sflag:s5], $0x20  }
0x9: {  	s6 =	sadd.s32 s7, s6;
	[sflag:s5] =	ssyncset.done $0x0  }
0xa: {  	s7 =	simm.s32 $0x100;
	s6 =	sadd.s32 $0xB400, s6;
	[sflag:s5] =	ssyncadd.s32 $0xFFFFFFE0  }
0xb: {  	[tilespmem:s7], [sflag:$0x2] =	stream.linear.gather [hbm4b:s6+s3], $0x1000, $0x38;
	[tilespmem:$0x1100] =	vst v63  }
0xc: {  	_ =	swait.ge [sflag:s5], $0x1000  }
0xd: {  	[sflag:s5] =	ssyncset.done $0x0  }
0xe: {  	[sflag:s5] =	ssyncadd.s32 $0xFFFFF000  }
0xf: {  	s8 =	ssub.s32 $0x2, s8;
	v1 =	vld [tilespmem:$0x0]  }
0x10: {  	s31 =	sshrl.u32 s8, $0x1;
	v2 =	vld [tilespmem:$0x10]  }
0x11: {  	s9 =	sshll.u32 s0, $0xA;
	s8 =	ssub.s32 s8, s31  }
0x12: {  	s9 =	sand.u32 $0x3800, s9;
	s11 =	smax.u32 s8, $0x1  }
0x13: {  	v0 =	vmov s9;
	p0 =	sne.s32 s11, $0x1  }
.Ltmp0:
0x14: {  	v1 =	vadd.s32 v0, v1;
	(pc) =	sbr.rel @!p0 .LBB2_2-.Ltmp0, $4  }
0x15: {  	[tilespmem:$0x80] =	vst v1;
	v1 =	vadd.s32 v0, v2  }
0x16: {  	s10 =	simm.s32 $0x1;
	s9 =	simm.s32 $0x80;
	s8 =	simm.s32 $0x20;
	[tilespmem:$0x90] =	vst v1  }
0x17: {  	[hbm4b:s2+s8] =	stream.indirect.scatter [tilespmem:s7], [sflag:$0x1], $0x80, s9, s8, $0xb8;
	[tilespmem:$0x1100] =	vst v63  }
0x18: {  	s11 =	sadd.s32 $0xFFFFFFFF, s11;
	_ =	swait.ge [sflag:s10], $0x1000  }
.LBB2_1:
0x19: {  	p0 =	sne.s32 s11, $0x1;
	s11 =	sadd.s32 $0xFFFFFFFF, s11;
	[sflag:s10] =	ssyncset.done $0x0  }
0x1a: {  	[sflag:s10] =	ssyncadd.s32 $0xFFFFF000  }
0x1b: {  	[tilespmem:s3], [sflag:$0x2] =	stream.linear.gather [hbm4b:s4+s3], $0x20, $0x38;
	[tilespmem:$0x1100] =	vst v63  }
0x1c: {  	_ =	swait.ge [sflag:s5], $0x20  }
0x1d: {  	[sflag:s5] =	ssyncset.done $0x0  }
0x1e: {  	[sflag:s5] =	ssyncadd.s32 $0xFFFFFFE0  }
0x1f: {  	[tilespmem:s7], [sflag:$0x2] =	stream.linear.gather [hbm4b:s6+s3], $0x1000, $0x38;
	[tilespmem:$0x1100] =	vst v63  }
0x20: {  	_ =	swait.ge [sflag:s5], $0x1000  }
0x21: {  	[sflag:s5] =	ssyncset.done $0x0  }
0x22: {  	[sflag:s5] =	ssyncadd.s32 $0xFFFFF000  }
0x23: {  	v1 =	vld [tilespmem:$0x0]  }
0x24: {  	v2 =	vld [tilespmem:$0x10];
	_ =	sdelay $0x3  }
.Ltmp1:
0x25: {  	v1 =	vadd.s32 v0, v1;
	(pc) =	sbr.rel @p0 .LBB2_1-.Ltmp1, $4  }
0x26: {  	[tilespmem:$0x80] =	vst v1;
	v1 =	vadd.s32 v0, v2  }
0x27: {  	[tilespmem:$0x90] =	vst v1  }
0x28: {  	[hbm4b:s2+s8] =	stream.indirect.scatter [tilespmem:s7], [sflag:$0x1], $0x80, s9, s8, $0xb8;
	[tilespmem:$0x1100] =	vst v63  }
0x29: {  	_ =	swait.ge [sflag:s10], $0x1000  }
.LBB2_2:
0x2a: {  	[sflag:s10] =	ssyncset.done $0x0  }
0x2b: {  	[sflag:s10] =	ssyncadd.s32 $0xFFFFF000  }
0x2c: {  	_ =	sfence.sel $0x180000  }
0x2d: {  	[bflag:$0x0] =	sbarrier.arrive $0xFFFF  }
0x2e: {  	p0 =	sne.s32 s0, $0x0;
	_ =	strace $0x90000050  }
0x2f: {  	s0 =	sadd.s32 @!p0 $0x100000, s1;
	[bflag:$0x2] =	sbarrier.arrive $0xFFFF  }
0x30: {  	[sflag:s0] =	ssyncadd.tile.s32 @!p0 $0x1;
	_ =	shalt  }
.Lfunc_end2:
_tile_overlayer_lowered:
.L_overlay_start_2:
0x31: {  	(tag) =	ssettag $0x2  }
0x32: {  	s0 =	rddreg [dreg:$0x0];
	s2 =	stileid.u32  }
0x33: {  	s1 =	rddreg [dreg:$0x1];
	p0 =	sne.s32 s2, $0x0  }
0x34: {  	s3 =	rddreg [dreg:$0x2];
	[bflag:$0x3] =	sbarrier.arrive $0xFFFF;
	s2 =	simm.s32 @!p0 $0x1C02  }
0x35: {  	[timem:s3], [sflag:s2] =	dma.local @!p0 [hbm:s0], s1  }
0x36: {  	s0 =	simm.s32 @!p0 $0x2  }
0x37: {  	_ =	swait.ge @!p0 [sflag:s0], s1  }
0x38: {  	s1 =	ssub.s32 @!p0 $0x0, s1;
	[sflag:s0] =	ssyncset.done @!p0 $0x0  }
0x39: {  	[sflag:s0] =	ssyncadd.s32 @!p0 s1  }
0x3a: {  	[bflag:$0x3] =	sbarrier.arrive $0xFFFF  }
0x3b: {  	_ =	shalt  }

// kernel: run.38.cloned.1.call-start
scs
__scs_entry_jumppad:
0x0: {  	(pc) =	sbr.rel $0x88, $3  }
0x1: {  	(tag) =	ssettag $0x0;
	lr =	simm.s32 $0x1  }
0x2: {  	[smem:$0x3F9B] =	sst lr;
	_ =	strace $0xD0000000  }
0x3: {  	_ = 	snop  }
0x4: {  	_ = 	snop  }
0x5: {  	_ = 	snop  }
0x6: {  	_ = 	snop  }
0x7: {  	_ = 	snop  }
__scs_overlays_trampoline_lowered:
0x8: {  	[smem:$0x3FAA] =	sst s0  }
0x9: {  	[smem:$0x3FAB] =	sst s1  }
0xa: {  	[smem:$0x3FAC] =	sst s2  }
0xb: {  	[smem:$0x3FAD] =	sst s3  }
0xc: {  	[smem:$0x3FAE] =	sst s4  }
0xd: {  	[smem:$0x3FAF] =	sst s5  }
0xe: {  	[smem:$0x3FB0] =	sst s6  }
0xf: {  	[smem:$0x3FB1] =	sst s7  }
0x10: {  	[smem:$0x3FB2] =	sst s8  }
0x11: {  	[smem:$0x3FB3] =	sst s9;
	s0 =	simm.s32 @!p0 $0x0  }
0x12: {  	s1 =	sld [smem:$0x3F99];
	s0 =	simm.s32 @p0 $0x1  }
0x13: {  	[smem:$0x3FB4] =	sst s0;
	s0 =	simm.s32 @!p1 $0x0  }
0x14: {  	s2 =	sld [smem:$0x3F98];
	s0 =	simm.s32 @p1 $0x1  }
0x15: {  	[smem:$0x3FB5] =	sst s0;
	s0 =	simm.s32 @!p2 $0x0  }
0x16: {  	s3 =	sld [smem:$0x3FDB];
	s0 =	simm.s32 @p2 $0x1  }
0x17: {  	s4 =	simm.s32 $0x1BF5;
	[smem:$0x3FB7] =	sst s0  }
0x18: {  	s0 =	sld [smem:$0x3F9A];
	_ =	swait.ge [sflag:s4], $0x0  }
0x19: {  	s7 =	sld [smem:$0x3F9B]  }
0x1a: {  	s8 =	sadd.s32 $0xFFFFE003, lr  }
0x1b: {  	s9 =	sadd.s32 $0xFFFFFEF7, lr;
	s5 =	simm.s32 $0xFFFFFFFF;
	p2 =	slt.u32 s8, $0xFFFFF086  }
0x1c: {  	p1 =	slt.u32 s9, $0xF7A;
	s5 =	simm.s32 @!p2 $0x0  }
0x1d: {  	s5 =	simm.s32 @p1 $0x1;
	p0 =	seq.s32 s7, s2  }
0x1e: {  	s7 =	smul.u32 @!p0 $0xF7A, s2;
	p2 =	seq.s32 @!p0 s5, $0x0  }
0x1f: {  	s9 =	smul.u32 $0xF7A, s1;
	s8 =	simm.s32 @!p0 $0x1BF5;
	p2 =	por !p2, p0  }
0x20: {  	[sflag:s8] =	ssyncset.s32 @!p0 $0xFFFFF086;
	s6 =	sadd.s32 @!p0 s3, s7;
	s7 =	simm.s32 @!p0 $0x108  }
0x21: {  	s3 =	sadd.s32 s3, s9;
	s6 =	sadd.s32 @!p0 $0x88, s6;
	s7 =	simm.s32 @p2 $0x1082  }
0x22: {  	[simem:s7], [sflag:s8] =	dma.local @!p0 [hbm:s6], $0xF7A  }
0x23: {  	s9 =	sor.u32 $0xD0000000, s2;
	s6 =	simm.s32 $0x108;
	_ =	swait.ge @!p0 [sflag:s8], $0x0  }
0x24: {  	s3 =	sadd.s32 $0x88, s3;
	s6 =	simm.s32 @!p1 $0x1082;
	[sflag:s4] =	ssyncset.s32 $0xFFFFF086  }
0x25: {  	[simem:s6], [sflag:s4] =	dma.local [hbm:s3], $0xF7A  }
0x26: {  	[smem:$0x3F9B] =	sst s1;
	(tag) =	ssettag s2;
	_ =	strace s9  }
0x27: {  	s1 =	sld [smem:$0x3FAB]  }
0x28: {  	s2 =	sld [smem:$0x3FAC]  }
0x29: {  	s4 =	sld [smem:$0x3FAE]  }
0x2a: {  	p0 =	seq.s32 s5, $0x0;
	s5 =	sld [smem:$0x3FAF]  }
0x2b: {  	s6 =	sld [smem:$0x3FB0]  }
0x2c: {  	s7 =	sld [smem:$0x3FB1]  }
0x2d: {  	s3 =	simm.s32 $0x108;
	s8 =	sld [smem:$0x3FB2]  }
0x2e: {  	s3 =	simm.s32 @!p0 $0x1082;
	s9 =	sld [smem:$0x3FB3]  }
0x2f: {  	lr =	sadd.s32 s0, s3;
	s0 =	sld [smem:$0x3FAA]  }
0x30: {  	s3 =	sld [smem:$0x3FAD]  }
0x31: {  	[smem:$0x3FB6] =	sst s10  }
0x32: {  	s10 =	sld [smem:$0x3FB4];
	_ =	sdelay $0x3  }
0x33: {  	p0 =	seq.s32 s10, $0x1;
	s10 =	sld [smem:$0x3FB6];
	_ =	sdelay $0x3  }
0x34: {  	[smem:$0x3FB6] =	sst s10  }
0x35: {  	s10 =	sld [smem:$0x3FB5];
	_ =	sdelay $0x3  }
0x36: {  	p1 =	seq.s32 s10, $0x1;
	s10 =	sld [smem:$0x3FB6];
	_ =	sdelay $0x3  }
0x37: {  	[smem:$0x3FB6] =	sst s10  }
0x38: {  	s10 =	sld [smem:$0x3FB7]  }
0x39: {  	_ = 	snop;
	(pc) =	sbr.ind lr, $3  }
0x3a: {  	_ = 	snop  }
0x3b: {  	_ = 	snop  }
0x3c: {  	p2 =	seq.s32 s10, $0x1;
	s10 =	sld [smem:$0x3FB6]  }
0x3d: {  	_ =	shalt  }
0x3e: {  	_ =	shalt  }
0x3f: {  	_ =	shalt  }
0x40: {  	_ =	shalt  }
0x41: {  	_ =	shalt  }
0x42: {  	_ =	shalt  }
0x43: {  	_ =	shalt  }
0x44: {  	_ =	shalt  }
0x45: {  	_ =	shalt  }
0x46: {  	_ =	shalt  }
0x47: {  	_ =	shalt  }
0x48: {  	_ =	shalt  }
0x49: {  	_ =	shalt  }
0x4a: {  	_ =	shalt  }
0x4b: {  	_ =	shalt  }
0x4c: {  	_ =	shalt  }
0x4d: {  	_ =	shalt  }
0x4e: {  	_ =	shalt  }
0x4f: {  	_ =	shalt  }
0x50: {  	_ =	shalt  }
0x51: {  	_ =	shalt  }
0x52: {  	_ =	shalt  }
0x53: {  	_ =	shalt  }
0x54: {  	_ =	shalt  }
0x55: {  	_ =	shalt  }
0x56: {  	_ =	shalt  }
0x57: {  	_ =	shalt  }
0x58: {  	_ =	shalt  }
0x59: {  	_ =	shalt  }
0x5a: {  	_ =	shalt  }
0x5b: {  	_ =	shalt  }
0x5c: {  	_ =	shalt  }
0x5d: {  	_ =	shalt  }
0x5e: {  	_ =	shalt  }
0x5f: {  	_ =	shalt  }
0x60: {  	_ =	shalt  }
0x61: {  	_ =	shalt  }
0x62: {  	_ =	shalt  }
0x63: {  	_ =	shalt  }
0x64: {  	_ =	shalt  }
0x65: {  	_ =	shalt  }
0x66: {  	_ =	shalt  }
0x67: {  	_ =	shalt  }
0x68: {  	_ =	shalt  }
0x69: {  	_ =	shalt  }
0x6a: {  	_ =	shalt  }
0x6b: {  	_ =	shalt  }
0x6c: {  	_ =	shalt  }
0x6d: {  	_ =	shalt  }
0x6e: {  	_ =	shalt  }
0x6f: {  	_ =	shalt  }
0x70: {  	_ =	shalt  }
0x71: {  	_ =	shalt  }
0x72: {  	_ =	shalt  }
0x73: {  	_ =	shalt  }
0x74: {  	_ =	shalt  }
0x75: {  	_ =	shalt  }
0x76: {  	_ =	shalt  }
0x77: {  	_ =	shalt  }
0x78: {  	_ =	shalt  }
0x79: {  	_ =	shalt  }
0x7a: {  	_ =	shalt  }
0x7b: {  	_ =	shalt  }
0x7c: {  	_ =	shalt  }
0x7d: {  	_ =	shalt  }
0x7e: {  	_ =	shalt  }
0x7f: {  	_ =	shalt  }
0x80: {  	_ =	shalt  }
0x81: {  	_ =	shalt  }
0x82: {  	_ =	shalt  }
0x83: {  	_ =	shalt  }
0x84: {  	_ =	shalt  }
0x85: {  	_ =	shalt  }
0x86: {  	_ =	shalt  }
0x87: {  	_ =	shalt  }
.Lfunc_end0:
.L_simem_size_0:
called_computation.4_lowered:
.L_overlay_start_0:
0x88: {  	s2 =	sld [smem:$0x3FD9]  }
0x89: {  	s3 =	sld [smem:$0x3FFE];
	_ =	sdelay $0x1  }
0x8a: {  	s1 =	srdreg.scid  }
0x8b: {  	s0 =	sand.u32 $0x1, s1  }
0x8c: {  	s17 =	sshll.u32 s0, $0xA;
	s2 =	sadd.s32 s3, s2  }
0x8d: {  	s2 =	sadd.s32 s2, s17  }
0x8e: {  	[smem:$0x3FC2] =	sst s2  }
0x8f: {  	_ = 	snop  }
0x90: {  	s2 =	sld [smem:$0x3FC8]  }
0x91: {  	s18 =	sld [smem:$0x3FD0];
	(tm) =	ssettm $0x1  }
0x92: {  	s4 =	sld [smem:$0x3FFB];
	_ =	sdelay $0x3  }
0x93: {  	_ =	strace s4  }
0x94: {  	s4 =	sld [smem:$0x3FFC];
	_ =	sdelay $0x3  }
0x95: {  	_ =	strace s4  }
0x96: {  	s4 =	sld [smem:$0x3FFD];
	_ =	sdelay $0x3  }
0x97: {  	_ =	strace s4  }
0x98: {  	_ =	strace $0x8FFFFFFF  }
0x99: {  	s19 =	sld [smem:$0x3FDB];
	_ =	sdelay $0x1  }
0x9a: {  	s5 =	simm.s32 $_scs_section_size  }
0x9b: {  	s6 =	simm.s32 $_size__tile_overlayer_lowered;
	s7 =	simm.s32 $_tile_overlayer_lowered  }
0x9c: {  	s22 =	simm.s32 $0x1BFF;
	s21 =	sshll.u32 s7, $0x1;
	s4 =	sadd.s32 s5, s19  }
0x9d: {  	s8 =	simm.s32 $0x0;
	s20 =	sshll.u32 s6, $0x1;
	s6 =	sadd.s32 s21, s4  }
0x9e: {  	[timem:s8], [sflag:s22] =	dma.local [hbm:s6], s20  }
0x9f: {  	_ =	swait.ge [sflag:s22], s20  }
0xa0: {  	s5 =	ssub.s32 $0x0, s20;
	[sflag:s22] =	ssyncset.done $0x0  }
0xa1: {  	[sflag:s22] =	ssyncadd.s32 s5;
	_ =	sdelay $0x1  }
0xa2: {  	s23 =	simm.s32 $0x1B8B  }
0xa3: {  	_ =	swait.ge [sflag:s23], $0x1  }
0xa4: {  	[sflag:s23] =	ssyncset.done $0x0  }
0xa5: {  	s25 =	simm.s32 $0x1B8E;
	s24 =	sld [smem:$0x3FFE];
	[sflag:s23] =	ssyncadd.s32 $0xFFFFFFFF  }
0xa6: {  	s26 =	simm.s32 $execute0_lowered;
	[smem:$0x3FD2] =	sst s25  }
0xa7: {  	s6 =	sshll.u32 s26, $0x1;
	_ =	strace $0x80000052;
	[dreg:$0x1] =	wrdreg $0xFFFFFFFF  }
0xa8: {  	s28 =	simm.s32 $_size_execute0_lowered;
	s4 =	sadd.s32 s4, s6;
	[dreg:$0x0] =	wrdreg $0x0  }
0xa9: {  	s6 =	sshll.u32 s28, $0x1;
	[dreg:$0x2] =	wrdreg s4  }
0xaa: {  	[dreg:$0x3] =	wrdreg s6  }
0xab: {  	[dreg:$0x4] =	wrdreg $0xC0  }
0xac: {  	_ =	task [dreg:s8], $0x5FFFF  }
0xad: {  	[dreg:$0x1] =	wrdreg $0xFFFFFFFF  }
0xae: {  	[dreg:$0x0] =	wrdreg $0x60  }
0xaf: {  	[dreg:$0x2] =	wrdreg s24  }
0xb0: {  	[dreg:$0x3] =	wrdreg s2  }
0xb1: {  	[dreg:$0x4] =	wrdreg s18  }
0xb2: {  	[dreg:$0x5] =	wrdreg $0x9  }
0xb3: {  	_ =	task.clear_ibuf [dreg:s8], $0x6FFFF;
	_ =	strace $0x90000052  }
0xb4: {  	s29 =	simm.s32 $0x9;
	_ =	strace $0x80000054  }
0xb5: {  	_ =	swait.ge [sflag:s29], $0x1  }
0xb6: {  	[sflag:s29] =	ssyncadd.s32 $0xFFFFFFFF  }
0xb7: {  	_ =	strace $0x90000054  }
0xb8: {  	_ =	sfence  }
0xb9: {  	s30 =	sld [smem:$0x0];
	_ =	sdelay $0x2  }
0xba: {  	s31 =	sshll.u32 s1, $0xD;
	s1 =	sshrl.u32 s1, $0x2  }
0xbb: {  	s3 =	sand.u32 $0x4000, s31;
	s1 =	sadd.s32 s1, s30  }
0xbc: {  	s0 =	sor.u32 s3, s0;
	s1 =	sshll.u32 s1, $0x11  }
0xbd: {  	s0 =	sor.u32 s1, s0  }
0xbe: {  	s0 =	sadd.s32 $0x8F2B, s0  }
0xbf: {  	[sflag:s0] =	ssyncadd.remote.s32 $0x1  }
0xc0: {  	_ =	sfence.sel $0xFFFF  }
0xc1: {  	[dreg:$0x0] =	wrdreg $0xFFFFFFFF;
	(pc) =	sbr.abs _section_cstart, $3  }
0xc2: {  	[dreg:$0x1] =	wrdreg $0xFFFFFFFF  }
0xc3: {  	_ =	task.clear_ibuf [dreg:s8], $0x2FFFF;
	_ =	strace $0x9FFFFFFF  }
0xc4: {  	(tm) =	ssettm $0x7FFFFFFF  }
0xc5: {  	_ =	shalt  }
tec
execute0_lowered:
.L_overlay_start_1:
0x0: {  	(tag) =	ssettag $0x1  }
0x1: {  	s12 =	rddreg [dreg:$0x0]  }
0x2: {  	s1 =	srdreg.scid;
	s0 =	stileid.u32  }
0x3: {  	s2 =	rddreg [dreg:$0x1];
	s13 =	sand.u32 $0x1, s1;
	s30 =	sshll.u32 s0, $0x1  }
0x4: {  	s3 =	rddreg [dreg:$0x2];
	s14 =	sor.u32 s13, s30  }
0x5: {  	s4 =	simm.s32 $0x0;
	s1 =	rddreg [dreg:$0x3];
	s5 =	sshll.u32 s14, $0x2  }
0x6: {  	[smem:$0x7FF] =	sst s4;
	s5 =	sadd.s32 s5, s12  }
0x7: {  	_ =	strace $0x80000053;
	s6 =	sadd.s32 $0xA800, s5;
	s5 =	simm.s32 $0x2  }
0x8: {  	[tilespmem:s4], [sflag:$0x2] =	stream.linear.gather [hbm4b:s6+s4], $0x20, $0x38;
	[tilespmem:$0x2100] =	vst v63  }
0x9: {  	_ =	swait.ge [sflag:s5], $0x20  }
0xa: {  	[sflag:s5] =	ssyncset.done $0x0  }
0xb: {  	[sflag:s5] =	ssyncadd.s32 $0xFFFFFFE0  }
0xc: {  	v1 =	vld [tilespmem:$0x0]  }
0xd: {  	v2 =	vld [tilespmem:$0x10]  }
0xe: {  	s7 =	sshll.u32 s0, $0xA  }
0xf: {  	s7 =	sand.u32 $0x3800, s7  }
0x10: {  	v0 =	vmov s7  }
0x11: {  	v1 =	vadd.s32 v0, v1  }
0x12: {  	s8 =	simm.s32 $0x80;
	[tilespmem:$0x80] =	vst v1;
	v1 =	vadd.s32 v0, v2  }
0x13: {  	s9 =	simm.s32 $0x100;
	s10 =	simm.s32 $0x1;
	s7 =	simm.s32 $0x20;
	[tilespmem:$0x90] =	vst v1  }
0x14: {  	[tilespmem:s9], [sflag:$0x1] =	stream.indirect.gather [hbm4b:s2+s7], $0x80, s8, s7, $0xb8;
	[tilespmem:$0x2100] =	vst v63  }
0x15: {  	_ =	swait.ge [sflag:s10], $0x1000  }
0x16: {  	s13 =	ssub.s32 $0x2, s13;
	[sflag:s10] =	ssyncset.done $0x0  }
0x17: {  	s11 =	simm.s32 $0x1100;
	s15 =	sshrl.u32 s13, $0x1;
	[sflag:s10] =	ssyncadd.s32 $0xFFFFF000  }
0x18: {  	[tilespmem:s11], [sflag:$0x1] =	stream.indirect.gather [hbm4b:s3+s7], $0x80, s8, s7, $0xb8;
	[tilespmem:$0x2100] =	vst v63  }
0x19: {  	s14 =	sshll.u32 s14, $0x9;
	s15 =	ssub.s32 s13, s15;
	_ =	swait.ge [sflag:s10], $0x1000  }
0x1a: {  	s14 =	sadd.s32 s14, s12;
	s31 =	smax.u32 s15, $0x1;
	[sflag:s10] =	ssyncset.done $0x0  }
0x1b: {  	s12 =	sadd.s32 $0xB400, s14;
	p0 =	sne.s32 s31, $0x1;
	[sflag:s10] =	ssyncadd.s32 $0xFFFFF000  }
0x1c: {  	[hbm4b:s12+s4] =	stream.linear.scatter [tilespmem:s9], [sflag:$0x2], $0x1000, $0x38;
	[tilespmem:$0x2100] =	vst v63  }
.Ltmp0:
0x1d: {  	_ =	swait.ge [sflag:s5], $0x1000;
	(pc) =	sbr.rel @!p0 .LBB2_2-.Ltmp0, $4  }
0x1e: {  	[sflag:s5] =	ssyncset.done $0x0  }
0x1f: {  	s13 =	sadd.s32 $0xF400, s14;
	[sflag:s5] =	ssyncadd.s32 $0xFFFFF000  }
0x20: {  	[hbm4b:s13+s4] =	stream.linear.scatter [tilespmem:s11], [sflag:$0x2], $0x1000, $0x38;
	[tilespmem:$0x2100] =	vst v63  }
0x21: {  	s14 =	sadd.s32 $0xFFFFFFFF, s31;
	_ =	swait.ge [sflag:s5], $0x1000  }
.LBB2_1:
0x22: {  	p0 =	sne.s32 s14, $0x1;
	s14 =	sadd.s32 $0xFFFFFFFF, s14;
	[sflag:s5] =	ssyncset.done $0x0  }
0x23: {  	[sflag:s5] =	ssyncadd.s32 $0xFFFFF000  }
0x24: {  	[tilespmem:s4], [sflag:$0x2] =	stream.linear.gather [hbm4b:s6+s4], $0x20, $0x38;
	[tilespmem:$0x2100] =	vst v63  }
0x25: {  	_ =	swait.ge [sflag:s5], $0x20  }
0x26: {  	[sflag:s5] =	ssyncset.done $0x0  }
0x27: {  	[sflag:s5] =	ssyncadd.s32 $0xFFFFFFE0  }
0x28: {  	v1 =	vld [tilespmem:$0x0]  }
0x29: {  	v2 =	vld [tilespmem:$0x10];
	_ =	sdelay $0x3  }
0x2a: {  	v1 =	vadd.s32 v0, v1  }
0x2b: {  	[tilespmem:$0x80] =	vst v1;
	v1 =	vadd.s32 v0, v2  }
0x2c: {  	[tilespmem:$0x90] =	vst v1  }
0x2d: {  	[tilespmem:s9], [sflag:$0x1] =	stream.indirect.gather [hbm4b:s2+s7], $0x80, s8, s7, $0xb8;
	[tilespmem:$0x2100] =	vst v63  }
0x2e: {  	_ =	swait.ge [sflag:s10], $0x1000  }
0x2f: {  	[sflag:s10] =	ssyncset.done $0x0  }
0x30: {  	[sflag:s10] =	ssyncadd.s32 $0xFFFFF000  }
0x31: {  	[tilespmem:s11], [sflag:$0x1] =	stream.indirect.gather [hbm4b:s3+s7], $0x80, s8, s7, $0xb8;
	[tilespmem:$0x2100] =	vst v63  }
0x32: {  	_ =	swait.ge [sflag:s10], $0x1000  }
0x33: {  	[sflag:s10] =	ssyncset.done $0x0  }
0x34: {  	[sflag:s10] =	ssyncadd.s32 $0xFFFFF000  }
0x35: {  	[hbm4b:s12+s4] =	stream.linear.scatter [tilespmem:s9], [sflag:$0x2], $0x1000, $0x38;
	[tilespmem:$0x2100] =	vst v63  }
.Ltmp1:
0x36: {  	_ =	swait.ge [sflag:s5], $0x1000;
	(pc) =	sbr.rel @p0 .LBB2_1-.Ltmp1, $4  }
0x37: {  	[sflag:s5] =	ssyncset.done $0x0  }
0x38: {  	[sflag:s5] =	ssyncadd.s32 $0xFFFFF000  }
0x39: {  	[hbm4b:s13+s4] =	stream.linear.scatter [tilespmem:s11], [sflag:$0x2], $0x1000, $0x38;
	[tilespmem:$0x2100] =	vst v63  }
0x3a: {  	_ =	swait.ge [sflag:s5], $0x1000  }
.LBB2_2:
0x3b: {  	[sflag:s5] =	ssyncset.done $0x0  }
0x3c: {  	[sflag:s5] =	ssyncadd.s32 $0xFFFFF000  }
0x3d: {  	_ =	sfence.sel $0x180000  }
0x3e: {  	[bflag:$0x0] =	sbarrier.arrive $0xFFFF  }
0x3f: {  	p0 =	sne.s32 s0, $0x0;
	_ =	strace $0x90000053  }
0x40: {  	s0 =	sadd.s32 @!p0 $0x100000, s1;
	[bflag:$0x2] =	sbarrier.arrive $0xFFFF  }
0x41: {  	[sflag:s0] =	ssyncadd.tile.s32 @!p0 $0x1;
	_ =	shalt  }
.Lfunc_end2:
_tile_overlayer_lowered:
.L_overlay_start_2:
0x42: {  	(tag) =	ssettag $0x2  }
0x43: {  	s0 =	rddreg [dreg:$0x0];
	s2 =	stileid.u32  }
0x44: {  	s1 =	rddreg [dreg:$0x1];
	p0 =	sne.s32 s2, $0x0  }
0x45: {  	s3 =	rddreg [dreg:$0x2];
	[bflag:$0x3] =	sbarrier.arrive $0xFFFF;
	s2 =	simm.s32 @!p0 $0x1C02  }
0x46: {  	[timem:s3], [sflag:s2] =	dma.local @!p0 [hbm:s0], s1  }
0x47: {  	s0 =	simm.s32 @!p0 $0x2  }
0x48: {  	_ =	swait.ge @!p0 [sflag:s0], s1  }
0x49: {  	s1 =	ssub.s32 @!p0 $0x0, s1;
	[sflag:s0] =	ssyncset.done @!p0 $0x0  }
0x4a: {  	[sflag:s0] =	ssyncadd.s32 @!p0 s1  }
0x4b: {  	[bflag:$0x3] =	sbarrier.arrive $0xFFFF  }
0x4c: {  	_ =	shalt  }

// kernel: run.41.cloned.1.call-start
scs
__scs_entry_jumppad:
0x0: {  	(pc) =	sbr.rel $0x88, $3  }
0x1: {  	(tag) =	ssettag $0x0;
	lr =	simm.s32 $0x1  }
0x2: {  	[smem:$0x3F9B] =	sst lr;
	_ =	strace $0xD0000000  }
0x3: {  	_ = 	snop  }
0x4: {  	_ = 	snop  }
0x5: {  	_ = 	snop  }
0x6: {  	_ = 	snop  }
0x7: {  	_ = 	snop  }
__scs_overlays_trampoline_lowered:
0x8: {  	[smem:$0x3FAA] =	sst s0  }
0x9: {  	[smem:$0x3FAB] =	sst s1  }
0xa: {  	[smem:$0x3FAC] =	sst s2  }
0xb: {  	[smem:$0x3FAD] =	sst s3  }
0xc: {  	[smem:$0x3FAE] =	sst s4  }
0xd: {  	[smem:$0x3FAF] =	sst s5  }
0xe: {  	[smem:$0x3FB0] =	sst s6  }
0xf: {  	[smem:$0x3FB1] =	sst s7  }
0x10: {  	[smem:$0x3FB2] =	sst s8  }
0x11: {  	[smem:$0x3FB3] =	sst s9;
	s0 =	simm.s32 @!p0 $0x0  }
0x12: {  	s1 =	sld [smem:$0x3F99];
	s0 =	simm.s32 @p0 $0x1  }
0x13: {  	[smem:$0x3FB4] =	sst s0;
	s0 =	simm.s32 @!p1 $0x0  }
0x14: {  	s2 =	sld [smem:$0x3F98];
	s0 =	simm.s32 @p1 $0x1  }
0x15: {  	[smem:$0x3FB5] =	sst s0;
	s0 =	simm.s32 @!p2 $0x0  }
0x16: {  	s3 =	sld [smem:$0x3FDB];
	s0 =	simm.s32 @p2 $0x1  }
0x17: {  	s4 =	simm.s32 $0x1BF5;
	[smem:$0x3FB7] =	sst s0  }
0x18: {  	s0 =	sld [smem:$0x3F9A];
	_ =	swait.ge [sflag:s4], $0x0  }
0x19: {  	s7 =	sld [smem:$0x3F9B]  }
0x1a: {  	s8 =	sadd.s32 $0xFFFFE003, lr  }
0x1b: {  	s9 =	sadd.s32 $0xFFFFFEF7, lr;
	s5 =	simm.s32 $0xFFFFFFFF;
	p2 =	slt.u32 s8, $0xFFFFF086  }
0x1c: {  	p1 =	slt.u32 s9, $0xF7A;
	s5 =	simm.s32 @!p2 $0x0  }
0x1d: {  	s5 =	simm.s32 @p1 $0x1;
	p0 =	seq.s32 s7, s2  }
0x1e: {  	s7 =	smul.u32 @!p0 $0xF7A, s2;
	p2 =	seq.s32 @!p0 s5, $0x0  }
0x1f: {  	s9 =	smul.u32 $0xF7A, s1;
	s8 =	simm.s32 @!p0 $0x1BF5;
	p2 =	por !p2, p0  }
0x20: {  	[sflag:s8] =	ssyncset.s32 @!p0 $0xFFFFF086;
	s6 =	sadd.s32 @!p0 s3, s7;
	s7 =	simm.s32 @!p0 $0x108  }
0x21: {  	s3 =	sadd.s32 s3, s9;
	s6 =	sadd.s32 @!p0 $0x88, s6;
	s7 =	simm.s32 @p2 $0x1082  }
0x22: {  	[simem:s7], [sflag:s8] =	dma.local @!p0 [hbm:s6], $0xF7A  }
0x23: {  	s9 =	sor.u32 $0xD0000000, s2;
	s6 =	simm.s32 $0x108;
	_ =	swait.ge @!p0 [sflag:s8], $0x0  }
0x24: {  	s3 =	sadd.s32 $0x88, s3;
	s6 =	simm.s32 @!p1 $0x1082;
	[sflag:s4] =	ssyncset.s32 $0xFFFFF086  }
0x25: {  	[simem:s6], [sflag:s4] =	dma.local [hbm:s3], $0xF7A  }
0x26: {  	[smem:$0x3F9B] =	sst s1;
	(tag) =	ssettag s2;
	_ =	strace s9  }
0x27: {  	s1 =	sld [smem:$0x3FAB]  }
0x28: {  	s2 =	sld [smem:$0x3FAC]  }
0x29: {  	s4 =	sld [smem:$0x3FAE]  }
0x2a: {  	p0 =	seq.s32 s5, $0x0;
	s5 =	sld [smem:$0x3FAF]  }
0x2b: {  	s6 =	sld [smem:$0x3FB0]  }
0x2c: {  	s7 =	sld [smem:$0x3FB1]  }
0x2d: {  	s3 =	simm.s32 $0x108;
	s8 =	sld [smem:$0x3FB2]  }
0x2e: {  	s3 =	simm.s32 @!p0 $0x1082;
	s9 =	sld [smem:$0x3FB3]  }
0x2f: {  	lr =	sadd.s32 s0, s3;
	s0 =	sld [smem:$0x3FAA]  }
0x30: {  	s3 =	sld [smem:$0x3FAD]  }
0x31: {  	[smem:$0x3FB6] =	sst s10  }
0x32: {  	s10 =	sld [smem:$0x3FB4];
	_ =	sdelay $0x3  }
0x33: {  	p0 =	seq.s32 s10, $0x1;
	s10 =	sld [smem:$0x3FB6];
	_ =	sdelay $0x3  }
0x34: {  	[smem:$0x3FB6] =	sst s10  }
0x35: {  	s10 =	sld [smem:$0x3FB5];
	_ =	sdelay $0x3  }
0x36: {  	p1 =	seq.s32 s10, $0x1;
	s10 =	sld [smem:$0x3FB6];
	_ =	sdelay $0x3  }
0x37: {  	[smem:$0x3FB6] =	sst s10  }
0x38: {  	s10 =	sld [smem:$0x3FB7]  }
0x39: {  	_ = 	snop;
	(pc) =	sbr.ind lr, $3  }
0x3a: {  	_ = 	snop  }
0x3b: {  	_ = 	snop  }
0x3c: {  	p2 =	seq.s32 s10, $0x1;
	s10 =	sld [smem:$0x3FB6]  }
0x3d: {  	_ =	shalt  }
0x3e: {  	_ =	shalt  }
0x3f: {  	_ =	shalt  }
0x40: {  	_ =	shalt  }
0x41: {  	_ =	shalt  }
0x42: {  	_ =	shalt  }
0x43: {  	_ =	shalt  }
0x44: {  	_ =	shalt  }
0x45: {  	_ =	shalt  }
0x46: {  	_ =	shalt  }
0x47: {  	_ =	shalt  }
0x48: {  	_ =	shalt  }
0x49: {  	_ =	shalt  }
0x4a: {  	_ =	shalt  }
0x4b: {  	_ =	shalt  }
0x4c: {  	_ =	shalt  }
0x4d: {  	_ =	shalt  }
0x4e: {  	_ =	shalt  }
0x4f: {  	_ =	shalt  }
0x50: {  	_ =	shalt  }
0x51: {  	_ =	shalt  }
0x52: {  	_ =	shalt  }
0x53: {  	_ =	shalt  }
0x54: {  	_ =	shalt  }
0x55: {  	_ =	shalt  }
0x56: {  	_ =	shalt  }
0x57: {  	_ =	shalt  }
0x58: {  	_ =	shalt  }
0x59: {  	_ =	shalt  }
0x5a: {  	_ =	shalt  }
0x5b: {  	_ =	shalt  }
0x5c: {  	_ =	shalt  }
0x5d: {  	_ =	shalt  }
0x5e: {  	_ =	shalt  }
0x5f: {  	_ =	shalt  }
0x60: {  	_ =	shalt  }
0x61: {  	_ =	shalt  }
0x62: {  	_ =	shalt  }
0x63: {  	_ =	shalt  }
0x64: {  	_ =	shalt  }
0x65: {  	_ =	shalt  }
0x66: {  	_ =	shalt  }
0x67: {  	_ =	shalt  }
0x68: {  	_ =	shalt  }
0x69: {  	_ =	shalt  }
0x6a: {  	_ =	shalt  }
0x6b: {  	_ =	shalt  }
0x6c: {  	_ =	shalt  }
0x6d: {  	_ =	shalt  }
0x6e: {  	_ =	shalt  }
0x6f: {  	_ =	shalt  }
0x70: {  	_ =	shalt  }
0x71: {  	_ =	shalt  }
0x72: {  	_ =	shalt  }
0x73: {  	_ =	shalt  }
0x74: {  	_ =	shalt  }
0x75: {  	_ =	shalt  }
0x76: {  	_ =	shalt  }
0x77: {  	_ =	shalt  }
0x78: {  	_ =	shalt  }
0x79: {  	_ =	shalt  }
0x7a: {  	_ =	shalt  }
0x7b: {  	_ =	shalt  }
0x7c: {  	_ =	shalt  }
0x7d: {  	_ =	shalt  }
0x7e: {  	_ =	shalt  }
0x7f: {  	_ =	shalt  }
0x80: {  	_ =	shalt  }
0x81: {  	_ =	shalt  }
0x82: {  	_ =	shalt  }
0x83: {  	_ =	shalt  }
0x84: {  	_ =	shalt  }
0x85: {  	_ =	shalt  }
0x86: {  	_ =	shalt  }
0x87: {  	_ =	shalt  }
.Lfunc_end0:
.L_simem_size_0:
called_computation.5_lowered:
.L_overlay_start_0:
0x88: {  	s2 =	sld [smem:$0x3FD9]  }
0x89: {  	s3 =	sld [smem:$0x3FFE];
	_ =	sdelay $0x1  }
0x8a: {  	s1 =	srdreg.scid  }
0x8b: {  	s0 =	sand.u32 $0x1, s1  }
0x8c: {  	s17 =	sshll.u32 s0, $0xA;
	s2 =	sadd.s32 s3, s2  }
0x8d: {  	s2 =	sadd.s32 s2, s17  }
0x8e: {  	[smem:$0x3FC2] =	sst s2  }
0x8f: {  	_ = 	snop  }
0x90: {  	s2 =	sld [smem:$0x3FD0];
	(tm) =	ssettm $0x1  }
0x91: {  	s18 =	sld [smem:$0x3FFB];
	_ =	sdelay $0x3  }
0x92: {  	_ =	strace s18  }
0x93: {  	s3 =	sld [smem:$0x3FFC];
	_ =	sdelay $0x3  }
0x94: {  	_ =	strace s3  }
0x95: {  	s3 =	sld [smem:$0x3FFD];
	_ =	sdelay $0x3  }
0x96: {  	_ =	strace s3  }
0x97: {  	_ =	strace $0x8FFFFFFF  }
0x98: {  	s19 =	sld [smem:$0x3FDB];
	_ =	sdelay $0x1  }
0x99: {  	s4 =	simm.s32 $_scs_section_size  }
0x9a: {  	s5 =	simm.s32 $_size__tile_overlayer_lowered;
	s6 =	simm.s32 $_tile_overlayer_lowered  }
0x9b: {  	s22 =	simm.s32 $0x1BFF;
	s21 =	sshll.u32 s6, $0x1;
	s3 =	sadd.s32 s4, s19  }
0x9c: {  	s7 =	simm.s32 $0x0;
	s20 =	sshll.u32 s5, $0x1;
	s5 =	sadd.s32 s21, s3  }
0x9d: {  	[timem:s7], [sflag:s22] =	dma.local [hbm:s5], s20  }
0x9e: {  	_ =	swait.ge [sflag:s22], s20  }
0x9f: {  	s4 =	ssub.s32 $0x0, s20;
	[sflag:s22] =	ssyncset.done $0x0  }
0xa0: {  	[sflag:s22] =	ssyncadd.s32 s4;
	_ =	sdelay $0x1  }
0xa1: {  	s23 =	simm.s32 $0x1B8B  }
0xa2: {  	_ =	swait.ge [sflag:s23], $0x1  }
0xa3: {  	[sflag:s23] =	ssyncset.done $0x0  }
0xa4: {  	s25 =	simm.s32 $0x1B8E;
	s24 =	sld [smem:$0x3FFE];
	[sflag:s23] =	ssyncadd.s32 $0xFFFFFFFF  }
0xa5: {  	s26 =	simm.s32 $execute0_lowered;
	[smem:$0x3FD2] =	sst s25  }
0xa6: {  	s5 =	sshll.u32 s26, $0x1;
	_ =	strace $0x80000055;
	[dreg:$0x1] =	wrdreg $0xFFFFFFFF  }
0xa7: {  	s28 =	simm.s32 $_size_execute0_lowered;
	s3 =	sadd.s32 s3, s5;
	[dreg:$0x0] =	wrdreg $0x0  }
0xa8: {  	s5 =	sshll.u32 s28, $0x1;
	[dreg:$0x2] =	wrdreg s3  }
0xa9: {  	[dreg:$0x3] =	wrdreg s5  }
0xaa: {  	[dreg:$0x4] =	wrdreg $0xC0  }
0xab: {  	_ =	task [dreg:s7], $0x5FFFF  }
0xac: {  	[dreg:$0x1] =	wrdreg $0xFFFFFFFF  }
0xad: {  	[dreg:$0x0] =	wrdreg $0x60  }
0xae: {  	[dreg:$0x2] =	wrdreg s24  }
0xaf: {  	[dreg:$0x3] =	wrdreg s2  }
0xb0: {  	[dreg:$0x4] =	wrdreg $0x9  }
0xb1: {  	_ =	task.clear_ibuf [dreg:s7], $0x5FFFF;
	_ =	strace $0x90000055  }
0xb2: {  	s29 =	simm.s32 $0x9;
	_ =	strace $0x80000057  }
0xb3: {  	_ =	swait.ge [sflag:s29], $0x1  }
0xb4: {  	[sflag:s29] =	ssyncadd.s32 $0xFFFFFFFF  }
0xb5: {  	_ =	strace $0x90000057  }
0xb6: {  	_ =	sfence  }
0xb7: {  	s30 =	sld [smem:$0x0];
	_ =	sdelay $0x2  }
0xb8: {  	s31 =	sshll.u32 s1, $0xD;
	s1 =	sshrl.u32 s1, $0x2  }
0xb9: {  	s3 =	sand.u32 $0x4000, s31;
	s1 =	sadd.s32 s1, s30  }
0xba: {  	s0 =	sor.u32 s3, s0;
	s1 =	sshll.u32 s1, $0x11  }
0xbb: {  	s0 =	sor.u32 s1, s0  }
0xbc: {  	s0 =	sadd.s32 $0x8F2B, s0  }
0xbd: {  	[sflag:s0] =	ssyncadd.remote.s32 $0x1  }
0xbe: {  	_ =	sfence.sel $0xFFFF  }
0xbf: {  	[dreg:$0x0] =	wrdreg $0xFFFFFFFF;
	(pc) =	sbr.abs _section_cstart, $3  }
0xc0: {  	[dreg:$0x1] =	wrdreg $0xFFFFFFFF  }
0xc1: {  	_ =	task.clear_ibuf [dreg:s7], $0x2FFFF;
	_ =	strace $0x9FFFFFFF  }
0xc2: {  	(tm) =	ssettm $0x7FFFFFFF  }
0xc3: {  	_ =	shalt  }
tec
execute0_lowered:
.L_overlay_start_1:
0x0: {  	(tag) =	ssettag $0x1  }
0x1: {  	s1 =	srdreg.scid;
	s0 =	stileid.u32  }
0x2: {  	s8 =	sand.u32 $0x1, s1;
	s30 =	sshll.u32 s0, $0x1  }
0x3: {  	s6 =	rddreg [dreg:$0x0];
	s7 =	sor.u32 s8, s30  }
0x4: {  	s2 =	rddreg [dreg:$0x1];
	s3 =	simm.s32 $0x0;
	s4 =	sshll.u32 s7, $0x2  }
0x5: {  	s5 =	simm.s32 $0x2;
	[smem:$0x7FF] =	sst s3;
	s4 =	sadd.s32 s4, s6  }
0x6: {  	s1 =	rddreg [dreg:$0x2];
	_ =	strace $0x80000056;
	s4 =	sadd.s32 $0x13E00, s4  }
0x7: {  	[tilespmem:s3], [sflag:$0x2] =	stream.linear.gather [hbm4b:s4+s3], $0x20, $0x38;
	[tilespmem:$0x1100] =	vst v63  }
0x8: {  	s7 =	sshll.u32 s7, $0x9;
	_ =	swait.ge [sflag:s5], $0x20  }
0x9: {  	s6 =	sadd.s32 s7, s6;
	[sflag:s5] =	ssyncset.done $0x0  }
0xa: {  	s7 =	simm.s32 $0x100;
	s6 =	sadd.s32 $0xB400, s6;
	[sflag:s5] =	ssyncadd.s32 $0xFFFFFFE0  }
0xb: {  	[tilespmem:s7], [sflag:$0x2] =	stream.linear.gather [hbm4b:s6+s3], $0x1000, $0x38;
	[tilespmem:$0x1100] =	vst v63  }
0xc: {  	_ =	swait.ge [sflag:s5], $0x1000  }
0xd: {  	[sflag:s5] =	ssyncset.done $0x0  }
0xe: {  	[sflag:s5] =	ssyncadd.s32 $0xFFFFF000  }
0xf: {  	s8 =	ssub.s32 $0x2, s8;
	v1 =	vld [tilespmem:$0x0]  }
0x10: {  	s31 =	sshrl.u32 s8, $0x1;
	v2 =	vld [tilespmem:$0x10]  }
0x11: {  	s9 =	sshll.u32 s0, $0xA;
	s8 =	ssub.s32 s8, s31  }
0x12: {  	s9 =	sand.u32 $0x3800, s9;
	s11 =	smax.u32 s8, $0x1  }
0x13: {  	v0 =	vmov s9;
	p0 =	sne.s32 s11, $0x1  }
.Ltmp0:
0x14: {  	v1 =	vadd.s32 v0, v1;
	(pc) =	sbr.rel @!p0 .LBB2_2-.Ltmp0, $4  }
0x15: {  	[tilespmem:$0x80] =	vst v1;
	v1 =	vadd.s32 v0, v2  }
0x16: {  	s10 =	simm.s32 $0x1;
	s9 =	simm.s32 $0x80;
	s8 =	simm.s32 $0x20;
	[tilespmem:$0x90] =	vst v1  }
0x17: {  	[hbm4b:s2+s8] =	stream.indirect.scatter [tilespmem:s7], [sflag:$0x1], $0x80, s9, s8, $0xb8;
	[tilespmem:$0x1100] =	vst v63  }
0x18: {  	s11 =	sadd.s32 $0xFFFFFFFF, s11;
	_ =	swait.ge [sflag:s10], $0x1000  }
.LBB2_1:
0x19: {  	p0 =	sne.s32 s11, $0x1;
	s11 =	sadd.s32 $0xFFFFFFFF, s11;
	[sflag:s10] =	ssyncset.done $0x0  }
0x1a: {  	[sflag:s10] =	ssyncadd.s32 $0xFFFFF000  }
0x1b: {  	[tilespmem:s3], [sflag:$0x2] =	stream.linear.gather [hbm4b:s4+s3], $0x20, $0x38;
	[tilespmem:$0x1100] =	vst v63  }
0x1c: {  	_ =	swait.ge [sflag:s5], $0x20  }
0x1d: {  	[sflag:s5] =	ssyncset.done $0x0  }
0x1e: {  	[sflag:s5] =	ssyncadd.s32 $0xFFFFFFE0  }
0x1f: {  	[tilespmem:s7], [sflag:$0x2] =	stream.linear.gather [hbm4b:s6+s3], $0x1000, $0x38;
	[tilespmem:$0x1100] =	vst v63  }
0x20: {  	_ =	swait.ge [sflag:s5], $0x1000  }
0x21: {  	[sflag:s5] =	ssyncset.done $0x0  }
0x22: {  	[sflag:s5] =	ssyncadd.s32 $0xFFFFF000  }
0x23: {  	v1 =	vld [tilespmem:$0x0]  }
0x24: {  	v2 =	vld [tilespmem:$0x10];
	_ =	sdelay $0x3  }
.Ltmp1:
0x25: {  	v1 =	vadd.s32 v0, v1;
	(pc) =	sbr.rel @p0 .LBB2_1-.Ltmp1, $4  }
0x26: {  	[tilespmem:$0x80] =	vst v1;
	v1 =	vadd.s32 v0, v2  }
0x27: {  	[tilespmem:$0x90] =	vst v1  }
0x28: {  	[hbm4b:s2+s8] =	stream.indirect.scatter [tilespmem:s7], [sflag:$0x1], $0x80, s9, s8, $0xb8;
	[tilespmem:$0x1100] =	vst v63  }
0x29: {  	_ =	swait.ge [sflag:s10], $0x1000  }
.LBB2_2:
0x2a: {  	[sflag:s10] =	ssyncset.done $0x0  }
0x2b: {  	[sflag:s10] =	ssyncadd.s32 $0xFFFFF000  }
0x2c: {  	_ =	sfence.sel $0x180000  }
0x2d: {  	[bflag:$0x0] =	sbarrier.arrive $0xFFFF  }
0x2e: {  	p0 =	sne.s32 s0, $0x0;
	_ =	strace $0x90000056  }
0x2f: {  	s0 =	sadd.s32 @!p0 $0x100000, s1;
	[bflag:$0x2] =	sbarrier.arrive $0xFFFF  }
0x30: {  	[sflag:s0] =	ssyncadd.tile.s32 @!p0 $0x1;
	_ =	shalt  }
.Lfunc_end2:
_tile_overlayer_lowered:
.L_overlay_start_2:
0x31: {  	(tag) =	ssettag $0x2  }
0x32: {  	s0 =	rddreg [dreg:$0x0];
	s2 =	stileid.u32  }
0x33: {  	s1 =	rddreg [dreg:$0x1];
	p0 =	sne.s32 s2, $0x0  }
0x34: {  	s3 =	rddreg [dreg:$0x2];
	[bflag:$0x3] =	sbarrier.arrive $0xFFFF;
	s2 =	simm.s32 @!p0 $0x1C02  }
0x35: {  	[timem:s3], [sflag:s2] =	dma.local @!p0 [hbm:s0], s1  }
0x36: {  	s0 =	simm.s32 @!p0 $0x2  }
0x37: {  	_ =	swait.ge @!p0 [sflag:s0], s1  }
0x38: {  	s1 =	ssub.s32 @!p0 $0x0, s1;
	[sflag:s0] =	ssyncset.done @!p0 $0x0  }
0x39: {  	[sflag:s0] =	ssyncadd.s32 @!p0 s1  }
0x3a: {  	[bflag:$0x3] =	sbarrier.arrive $0xFFFF  }
0x3b: {  	_ =	shalt  }

// kernel: run.44.cloned.1.call-start
scs
__scs_entry_jumppad:
0x0: {  	(pc) =	sbr.rel $0x88, $3  }
0x1: {  	(tag) =	ssettag $0x0;
	lr =	simm.s32 $0x1  }
0x2: {  	[smem:$0x3F9B] =	sst lr;
	_ =	strace $0xD0000000  }
0x3: {  	_ = 	snop  }
0x4: {  	_ = 	snop  }
0x5: {  	_ = 	snop  }
0x6: {  	_ = 	snop  }
0x7: {  	_ = 	snop  }
__scs_overlays_trampoline_lowered:
0x8: {  	[smem:$0x3FAA] =	sst s0  }
0x9: {  	[smem:$0x3FAB] =	sst s1  }
0xa: {  	[smem:$0x3FAC] =	sst s2  }
0xb: {  	[smem:$0x3FAD] =	sst s3  }
0xc: {  	[smem:$0x3FAE] =	sst s4  }
0xd: {  	[smem:$0x3FAF] =	sst s5  }
0xe: {  	[smem:$0x3FB0] =	sst s6  }
0xf: {  	[smem:$0x3FB1] =	sst s7  }
0x10: {  	[smem:$0x3FB2] =	sst s8  }
0x11: {  	[smem:$0x3FB3] =	sst s9;
	s0 =	simm.s32 @!p0 $0x0  }
0x12: {  	s1 =	sld [smem:$0x3F99];
	s0 =	simm.s32 @p0 $0x1  }
0x13: {  	[smem:$0x3FB4] =	sst s0;
	s0 =	simm.s32 @!p1 $0x0  }
0x14: {  	s2 =	sld [smem:$0x3F98];
	s0 =	simm.s32 @p1 $0x1  }
0x15: {  	[smem:$0x3FB5] =	sst s0;
	s0 =	simm.s32 @!p2 $0x0  }
0x16: {  	s3 =	sld [smem:$0x3FDB];
	s0 =	simm.s32 @p2 $0x1  }
0x17: {  	s4 =	simm.s32 $0x1BF5;
	[smem:$0x3FB7] =	sst s0  }
0x18: {  	s0 =	sld [smem:$0x3F9A];
	_ =	swait.ge [sflag:s4], $0x0  }
0x19: {  	s7 =	sld [smem:$0x3F9B]  }
0x1a: {  	s8 =	sadd.s32 $0xFFFFE003, lr  }
0x1b: {  	s9 =	sadd.s32 $0xFFFFFEF7, lr;
	s5 =	simm.s32 $0xFFFFFFFF;
	p2 =	slt.u32 s8, $0xFFFFF086  }
0x1c: {  	p1 =	slt.u32 s9, $0xF7A;
	s5 =	simm.s32 @!p2 $0x0  }
0x1d: {  	s5 =	simm.s32 @p1 $0x1;
	p0 =	seq.s32 s7, s2  }
0x1e: {  	s7 =	smul.u32 @!p0 $0xF7A, s2;
	p2 =	seq.s32 @!p0 s5, $0x0  }
0x1f: {  	s9 =	smul.u32 $0xF7A, s1;
	s8 =	simm.s32 @!p0 $0x1BF5;
	p2 =	por !p2, p0  }
0x20: {  	[sflag:s8] =	ssyncset.s32 @!p0 $0xFFFFF086;
	s6 =	sadd.s32 @!p0 s3, s7;
	s7 =	simm.s32 @!p0 $0x108  }
0x21: {  	s3 =	sadd.s32 s3, s9;
	s6 =	sadd.s32 @!p0 $0x88, s6;
	s7 =	simm.s32 @p2 $0x1082  }
0x22: {  	[simem:s7], [sflag:s8] =	dma.local @!p0 [hbm:s6], $0xF7A  }
0x23: {  	s9 =	sor.u32 $0xD0000000, s2;
	s6 =	simm.s32 $0x108;
	_ =	swait.ge @!p0 [sflag:s8], $0x0  }
0x24: {  	s3 =	sadd.s32 $0x88, s3;
	s6 =	simm.s32 @!p1 $0x1082;
	[sflag:s4] =	ssyncset.s32 $0xFFFFF086  }
0x25: {  	[simem:s6], [sflag:s4] =	dma.local [hbm:s3], $0xF7A  }
0x26: {  	[smem:$0x3F9B] =	sst s1;
	(tag) =	ssettag s2;
	_ =	strace s9  }
0x27: {  	s1 =	sld [smem:$0x3FAB]  }
0x28: {  	s2 =	sld [smem:$0x3FAC]  }
0x29: {  	s4 =	sld [smem:$0x3FAE]  }
0x2a: {  	p0 =	seq.s32 s5, $0x0;
	s5 =	sld [smem:$0x3FAF]  }
0x2b: {  	s6 =	sld [smem:$0x3FB0]  }
0x2c: {  	s7 =	sld [smem:$0x3FB1]  }
0x2d: {  	s3 =	simm.s32 $0x108;
	s8 =	sld [smem:$0x3FB2]  }
0x2e: {  	s3 =	simm.s32 @!p0 $0x1082;
	s9 =	sld [smem:$0x3FB3]  }
0x2f: {  	lr =	sadd.s32 s0, s3;
	s0 =	sld [smem:$0x3FAA]  }
0x30: {  	s3 =	sld [smem:$0x3FAD]  }
0x31: {  	[smem:$0x3FB6] =	sst s10  }
0x32: {  	s10 =	sld [smem:$0x3FB4];
	_ =	sdelay $0x3  }
0x33: {  	p0 =	seq.s32 s10, $0x1;
	s10 =	sld [smem:$0x3FB6];
	_ =	sdelay $0x3  }
0x34: {  	[smem:$0x3FB6] =	sst s10  }
0x35: {  	s10 =	sld [smem:$0x3FB5];
	_ =	sdelay $0x3  }
0x36: {  	p1 =	seq.s32 s10, $0x1;
	s10 =	sld [smem:$0x3FB6];
	_ =	sdelay $0x3  }
0x37: {  	[smem:$0x3FB6] =	sst s10  }
0x38: {  	s10 =	sld [smem:$0x3FB7]  }
0x39: {  	_ = 	snop;
	(pc) =	sbr.ind lr, $3  }
0x3a: {  	_ = 	snop  }
0x3b: {  	_ = 	snop  }
0x3c: {  	p2 =	seq.s32 s10, $0x1;
	s10 =	sld [smem:$0x3FB6]  }
0x3d: {  	_ =	shalt  }
0x3e: {  	_ =	shalt  }
0x3f: {  	_ =	shalt  }
0x40: {  	_ =	shalt  }
0x41: {  	_ =	shalt  }
0x42: {  	_ =	shalt  }
0x43: {  	_ =	shalt  }
0x44: {  	_ =	shalt  }
0x45: {  	_ =	shalt  }
0x46: {  	_ =	shalt  }
0x47: {  	_ =	shalt  }
0x48: {  	_ =	shalt  }
0x49: {  	_ =	shalt  }
0x4a: {  	_ =	shalt  }
0x4b: {  	_ =	shalt  }
0x4c: {  	_ =	shalt  }
0x4d: {  	_ =	shalt  }
0x4e: {  	_ =	shalt  }
0x4f: {  	_ =	shalt  }
0x50: {  	_ =	shalt  }
0x51: {  	_ =	shalt  }
0x52: {  	_ =	shalt  }
0x53: {  	_ =	shalt  }
0x54: {  	_ =	shalt  }
0x55: {  	_ =	shalt  }
0x56: {  	_ =	shalt  }
0x57: {  	_ =	shalt  }
0x58: {  	_ =	shalt  }
0x59: {  	_ =	shalt  }
0x5a: {  	_ =	shalt  }
0x5b: {  	_ =	shalt  }
0x5c: {  	_ =	shalt  }
0x5d: {  	_ =	shalt  }
0x5e: {  	_ =	shalt  }
0x5f: {  	_ =	shalt  }
0x60: {  	_ =	shalt  }
0x61: {  	_ =	shalt  }
0x62: {  	_ =	shalt  }
0x63: {  	_ =	shalt  }
0x64: {  	_ =	shalt  }
0x65: {  	_ =	shalt  }
0x66: {  	_ =	shalt  }
0x67: {  	_ =	shalt  }
0x68: {  	_ =	shalt  }
0x69: {  	_ =	shalt  }
0x6a: {  	_ =	shalt  }
0x6b: {  	_ =	shalt  }
0x6c: {  	_ =	shalt  }
0x6d: {  	_ =	shalt  }
0x6e: {  	_ =	shalt  }
0x6f: {  	_ =	shalt  }
0x70: {  	_ =	shalt  }
0x71: {  	_ =	shalt  }
0x72: {  	_ =	shalt  }
0x73: {  	_ =	shalt  }
0x74: {  	_ =	shalt  }
0x75: {  	_ =	shalt  }
0x76: {  	_ =	shalt  }
0x77: {  	_ =	shalt  }
0x78: {  	_ =	shalt  }
0x79: {  	_ =	shalt  }
0x7a: {  	_ =	shalt  }
0x7b: {  	_ =	shalt  }
0x7c: {  	_ =	shalt  }
0x7d: {  	_ =	shalt  }
0x7e: {  	_ =	shalt  }
0x7f: {  	_ =	shalt  }
0x80: {  	_ =	shalt  }
0x81: {  	_ =	shalt  }
0x82: {  	_ =	shalt  }
0x83: {  	_ =	shalt  }
0x84: {  	_ =	shalt  }
0x85: {  	_ =	shalt  }
0x86: {  	_ =	shalt  }
0x87: {  	_ =	shalt  }
.Lfunc_end0:
.L_simem_size_0:
called_computation.6_lowered:
.L_overlay_start_0:
0x88: {  	s2 =	sld [smem:$0x3FD9]  }
0x89: {  	s3 =	sld [smem:$0x3FFE];
	_ =	sdelay $0x1  }
0x8a: {  	s1 =	srdreg.scid  }
0x8b: {  	s0 =	sand.u32 $0x1, s1  }
0x8c: {  	s17 =	sshll.u32 s0, $0xA;
	s2 =	sadd.s32 s3, s2  }
0x8d: {  	s2 =	sadd.s32 s2, s17  }
0x8e: {  	[smem:$0x3FC2] =	sst s2  }
0x8f: {  	_ = 	snop  }
0x90: {  	s2 =	sld [smem:$0x3FC8]  }
0x91: {  	s18 =	sld [smem:$0x3FD0];
	(tm) =	ssettm $0x1  }
0x92: {  	s4 =	sld [smem:$0x3FFB];
	_ =	sdelay $0x3  }
0x93: {  	_ =	strace s4  }
0x94: {  	s4 =	sld [smem:$0x3FFC];
	_ =	sdelay $0x3  }
0x95: {  	_ =	strace s4  }
0x96: {  	s4 =	sld [smem:$0x3FFD];
	_ =	sdelay $0x3  }
0x97: {  	_ =	strace s4  }
0x98: {  	_ =	strace $0x8FFFFFFF  }
0x99: {  	s19 =	sld [smem:$0x3FDB];
	_ =	sdelay $0x1  }
0x9a: {  	s5 =	simm.s32 $_scs_section_size  }
0x9b: {  	s6 =	simm.s32 $_size__tile_overlayer_lowered;
	s7 =	simm.s32 $_tile_overlayer_lowered  }
0x9c: {  	s22 =	simm.s32 $0x1BFF;
	s21 =	sshll.u32 s7, $0x1;
	s4 =	sadd.s32 s5, s19  }
0x9d: {  	s8 =	simm.s32 $0x0;
	s20 =	sshll.u32 s6, $0x1;
	s6 =	sadd.s32 s21, s4  }
0x9e: {  	[timem:s8], [sflag:s22] =	dma.local [hbm:s6], s20  }
0x9f: {  	_ =	swait.ge [sflag:s22], s20  }
0xa0: {  	s5 =	ssub.s32 $0x0, s20;
	[sflag:s22] =	ssyncset.done $0x0  }
0xa1: {  	[sflag:s22] =	ssyncadd.s32 s5;
	_ =	sdelay $0x1  }
0xa2: {  	s23 =	simm.s32 $0x1B8B  }
0xa3: {  	_ =	swait.ge [sflag:s23], $0x1  }
0xa4: {  	[sflag:s23] =	ssyncset.done $0x0  }
0xa5: {  	s25 =	simm.s32 $0x1B8E;
	s24 =	sld [smem:$0x3FFE];
	[sflag:s23] =	ssyncadd.s32 $0xFFFFFFFF  }
0xa6: {  	s26 =	simm.s32 $execute0_lowered;
	[smem:$0x3FD2] =	sst s25  }
0xa7: {  	s6 =	sshll.u32 s26, $0x1;
	_ =	strace $0x80000058;
	[dreg:$0x1] =	wrdreg $0xFFFFFFFF  }
0xa8: {  	s28 =	simm.s32 $_size_execute0_lowered;
	s4 =	sadd.s32 s4, s6;
	[dreg:$0x0] =	wrdreg $0x0  }
0xa9: {  	s6 =	sshll.u32 s28, $0x1;
	[dreg:$0x2] =	wrdreg s4  }
0xaa: {  	[dreg:$0x3] =	wrdreg s6  }
0xab: {  	[dreg:$0x4] =	wrdreg $0xC0  }
0xac: {  	_ =	task [dreg:s8], $0x5FFFF  }
0xad: {  	[dreg:$0x1] =	wrdreg $0xFFFFFFFF  }
0xae: {  	[dreg:$0x0] =	wrdreg $0x60  }
0xaf: {  	[dreg:$0x2] =	wrdreg s24  }
0xb0: {  	[dreg:$0x3] =	wrdreg s2  }
0xb1: {  	[dreg:$0x4] =	wrdreg s18  }
0xb2: {  	[dreg:$0x5] =	wrdreg $0x9  }
0xb3: {  	_ =	task.clear_ibuf [dreg:s8], $0x6FFFF;
	_ =	strace $0x90000058  }
0xb4: {  	s29 =	simm.s32 $0x9;
	_ =	strace $0x8000005A  }
0xb5: {  	_ =	swait.ge [sflag:s29], $0x1  }
0xb6: {  	[sflag:s29] =	ssyncadd.s32 $0xFFFFFFFF  }
0xb7: {  	_ =	strace $0x9000005A  }
0xb8: {  	_ =	sfence  }
0xb9: {  	s30 =	sld [smem:$0x0];
	_ =	sdelay $0x2  }
0xba: {  	s31 =	sshll.u32 s1, $0xD;
	s1 =	sshrl.u32 s1, $0x2  }
0xbb: {  	s3 =	sand.u32 $0x4000, s31;
	s1 =	sadd.s32 s1, s30  }
0xbc: {  	s0 =	sor.u32 s3, s0;
	s1 =	sshll.u32 s1, $0x11  }
0xbd: {  	s0 =	sor.u32 s1, s0  }
0xbe: {  	s0 =	sadd.s32 $0x8F2B, s0  }
0xbf: {  	[sflag:s0] =	ssyncadd.remote.s32 $0x1  }
0xc0: {  	_ =	sfence.sel $0xFFFF  }
0xc1: {  	[dreg:$0x0] =	wrdreg $0xFFFFFFFF;
	(pc) =	sbr.abs _section_cstart, $3  }
0xc2: {  	[dreg:$0x1] =	wrdreg $0xFFFFFFFF  }
0xc3: {  	_ =	task.clear_ibuf [dreg:s8], $0x2FFFF;
	_ =	strace $0x9FFFFFFF  }
0xc4: {  	(tm) =	ssettm $0x7FFFFFFF  }
0xc5: {  	_ =	shalt  }
tec
execute0_lowered:
.L_overlay_start_1:
0x0: {  	(tag) =	ssettag $0x1  }
0x1: {  	s12 =	rddreg [dreg:$0x0]  }
0x2: {  	s1 =	srdreg.scid;
	s0 =	stileid.u32  }
0x3: {  	s2 =	rddreg [dreg:$0x1];
	s13 =	sand.u32 $0x1, s1;
	s30 =	sshll.u32 s0, $0x1  }
0x4: {  	s3 =	rddreg [dreg:$0x2];
	s14 =	sor.u32 s13, s30  }
0x5: {  	s4 =	simm.s32 $0x0;
	s1 =	rddreg [dreg:$0x3];
	s5 =	sshll.u32 s14, $0x2  }
0x6: {  	[smem:$0x7FF] =	sst s4;
	s5 =	sadd.s32 s5, s12  }
0x7: {  	_ =	strace $0x80000059;
	s6 =	sadd.s32 $0xAA00, s5;
	s5 =	simm.s32 $0x2  }
0x8: {  	[tilespmem:s4], [sflag:$0x2] =	stream.linear.gather [hbm4b:s6+s4], $0x20, $0x38;
	[tilespmem:$0x2100] =	vst v63  }
0x9: {  	_ =	swait.ge [sflag:s5], $0x20  }
0xa: {  	[sflag:s5] =	ssyncset.done $0x0  }
0xb: {  	[sflag:s5] =	ssyncadd.s32 $0xFFFFFFE0  }
0xc: {  	v1 =	vld [tilespmem:$0x0]  }
0xd: {  	v2 =	vld [tilespmem:$0x10]  }
0xe: {  	s7 =	sshll.u32 s0, $0xA  }
0xf: {  	s7 =	sand.u32 $0x3800, s7  }
0x10: {  	v0 =	vmov s7  }
0x11: {  	v1 =	vadd.s32 v0, v1  }
0x12: {  	s8 =	simm.s32 $0x80;
	[tilespmem:$0x80] =	vst v1;
	v1 =	vadd.s32 v0, v2  }
0x13: {  	s9 =	simm.s32 $0x100;
	s10 =	simm.s32 $0x1;
	s7 =	simm.s32 $0x20;
	[tilespmem:$0x90] =	vst v1  }
0x14: {  	[tilespmem:s9], [sflag:$0x1] =	stream.indirect.gather [hbm4b:s2+s7], $0x80, s8, s7, $0xb8;
	[tilespmem:$0x2100] =	vst v63  }
0x15: {  	_ =	swait.ge [sflag:s10], $0x1000  }
0x16: {  	s13 =	ssub.s32 $0x2, s13;
	[sflag:s10] =	ssyncset.done $0x0  }
0x17: {  	s11 =	simm.s32 $0x1100;
	s15 =	sshrl.u32 s13, $0x1;
	[sflag:s10] =	ssyncadd.s32 $0xFFFFF000  }
0x18: {  	[tilespmem:s11], [sflag:$0x1] =	stream.indirect.gather [hbm4b:s3+s7], $0x80, s8, s7, $0xb8;
	[tilespmem:$0x2100] =	vst v63  }
0x19: {  	s14 =	sshll.u32 s14, $0x9;
	s15 =	ssub.s32 s13, s15;
	_ =	swait.ge [sflag:s10], $0x1000  }
0x1a: {  	s14 =	sadd.s32 s14, s12;
	s31 =	smax.u32 s15, $0x1;
	[sflag:s10] =	ssyncset.done $0x0  }
0x1b: {  	s12 =	sadd.s32 $0xB400, s14;
	p0 =	sne.s32 s31, $0x1;
	[sflag:s10] =	ssyncadd.s32 $0xFFFFF000  }
0x1c: {  	[hbm4b:s12+s4] =	stream.linear.scatter [tilespmem:s9], [sflag:$0x2], $0x1000, $0x38;
	[tilespmem:$0x2100] =	vst v63  }
.Ltmp0:
0x1d: {  	_ =	swait.ge [sflag:s5], $0x1000;
	(pc) =	sbr.rel @!p0 .LBB2_2-.Ltmp0, $4  }
0x1e: {  	[sflag:s5] =	ssyncset.done $0x0  }
0x1f: {  	s13 =	sadd.s32 $0xF400, s14;
	[sflag:s5] =	ssyncadd.s32 $0xFFFFF000  }
0x20: {  	[hbm4b:s13+s4] =	stream.linear.scatter [tilespmem:s11], [sflag:$0x2], $0x1000, $0x38;
	[tilespmem:$0x2100] =	vst v63  }
0x21: {  	s14 =	sadd.s32 $0xFFFFFFFF, s31;
	_ =	swait.ge [sflag:s5], $0x1000  }
.LBB2_1:
0x22: {  	p0 =	sne.s32 s14, $0x1;
	s14 =	sadd.s32 $0xFFFFFFFF, s14;
	[sflag:s5] =	ssyncset.done $0x0  }
0x23: {  	[sflag:s5] =	ssyncadd.s32 $0xFFFFF000  }
0x24: {  	[tilespmem:s4], [sflag:$0x2] =	stream.linear.gather [hbm4b:s6+s4], $0x20, $0x38;
	[tilespmem:$0x2100] =	vst v63  }
0x25: {  	_ =	swait.ge [sflag:s5], $0x20  }
0x26: {  	[sflag:s5] =	ssyncset.done $0x0  }
0x27: {  	[sflag:s5] =	ssyncadd.s32 $0xFFFFFFE0  }
0x28: {  	v1 =	vld [tilespmem:$0x0]  }
0x29: {  	v2 =	vld [tilespmem:$0x10];
	_ =	sdelay $0x3  }
0x2a: {  	v1 =	vadd.s32 v0, v1  }
0x2b: {  	[tilespmem:$0x80] =	vst v1;
	v1 =	vadd.s32 v0, v2  }
0x2c: {  	[tilespmem:$0x90] =	vst v1  }
0x2d: {  	[tilespmem:s9], [sflag:$0x1] =	stream.indirect.gather [hbm4b:s2+s7], $0x80, s8, s7, $0xb8;
	[tilespmem:$0x2100] =	vst v63  }
0x2e: {  	_ =	swait.ge [sflag:s10], $0x1000  }
0x2f: {  	[sflag:s10] =	ssyncset.done $0x0  }
0x30: {  	[sflag:s10] =	ssyncadd.s32 $0xFFFFF000  }
0x31: {  	[tilespmem:s11], [sflag:$0x1] =	stream.indirect.gather [hbm4b:s3+s7], $0x80, s8, s7, $0xb8;
	[tilespmem:$0x2100] =	vst v63  }
0x32: {  	_ =	swait.ge [sflag:s10], $0x1000  }
0x33: {  	[sflag:s10] =	ssyncset.done $0x0  }
0x34: {  	[sflag:s10] =	ssyncadd.s32 $0xFFFFF000  }
0x35: {  	[hbm4b:s12+s4] =	stream.linear.scatter [tilespmem:s9], [sflag:$0x2], $0x1000, $0x38;
	[tilespmem:$0x2100] =	vst v63  }
.Ltmp1:
0x36: {  	_ =	swait.ge [sflag:s5], $0x1000;
	(pc) =	sbr.rel @p0 .LBB2_1-.Ltmp1, $4  }
0x37: {  	[sflag:s5] =	ssyncset.done $0x0  }
0x38: {  	[sflag:s5] =	ssyncadd.s32 $0xFFFFF000  }
0x39: {  	[hbm4b:s13+s4] =	stream.linear.scatter [tilespmem:s11], [sflag:$0x2], $0x1000, $0x38;
	[tilespmem:$0x2100] =	vst v63  }
0x3a: {  	_ =	swait.ge [sflag:s5], $0x1000  }
.LBB2_2:
0x3b: {  	[sflag:s5] =	ssyncset.done $0x0  }
0x3c: {  	[sflag:s5] =	ssyncadd.s32 $0xFFFFF000  }
0x3d: {  	_ =	sfence.sel $0x180000  }
0x3e: {  	[bflag:$0x0] =	sbarrier.arrive $0xFFFF  }
0x3f: {  	p0 =	sne.s32 s0, $0x0;
	_ =	strace $0x90000059  }
0x40: {  	s0 =	sadd.s32 @!p0 $0x100000, s1;
	[bflag:$0x2] =	sbarrier.arrive $0xFFFF  }
0x41: {  	[sflag:s0] =	ssyncadd.tile.s32 @!p0 $0x1;
	_ =	shalt  }
.Lfunc_end2:
_tile_overlayer_lowered:
.L_overlay_start_2:
0x42: {  	(tag) =	ssettag $0x2  }
0x43: {  	s0 =	rddreg [dreg:$0x0];
	s2 =	stileid.u32  }
0x44: {  	s1 =	rddreg [dreg:$0x1];
	p0 =	sne.s32 s2, $0x0  }
0x45: {  	s3 =	rddreg [dreg:$0x2];
	[bflag:$0x3] =	sbarrier.arrive $0xFFFF;
	s2 =	simm.s32 @!p0 $0x1C02  }
0x46: {  	[timem:s3], [sflag:s2] =	dma.local @!p0 [hbm:s0], s1  }
0x47: {  	s0 =	simm.s32 @!p0 $0x2  }
0x48: {  	_ =	swait.ge @!p0 [sflag:s0], s1  }
0x49: {  	s1 =	ssub.s32 @!p0 $0x0, s1;
	[sflag:s0] =	ssyncset.done @!p0 $0x0  }
0x4a: {  	[sflag:s0] =	ssyncadd.s32 @!p0 s1  }
0x4b: {  	[bflag:$0x3] =	sbarrier.arrive $0xFFFF  }
0x4c: {  	_ =	shalt  }

// kernel: run.47.cloned.1.call-start
scs
__scs_entry_jumppad:
0x0: {  	(pc) =	sbr.rel $0x88, $3  }
0x1: {  	(tag) =	ssettag $0x0;
	lr =	simm.s32 $0x1  }
0x2: {  	[smem:$0x3F9B] =	sst lr;
	_ =	strace $0xD0000000  }
0x3: {  	_ = 	snop  }
0x4: {  	_ = 	snop  }
0x5: {  	_ = 	snop  }
0x6: {  	_ = 	snop  }
0x7: {  	_ = 	snop  }
__scs_overlays_trampoline_lowered:
0x8: {  	[smem:$0x3FAA] =	sst s0  }
0x9: {  	[smem:$0x3FAB] =	sst s1  }
0xa: {  	[smem:$0x3FAC] =	sst s2  }
0xb: {  	[smem:$0x3FAD] =	sst s3  }
0xc: {  	[smem:$0x3FAE] =	sst s4  }
0xd: {  	[smem:$0x3FAF] =	sst s5  }
0xe: {  	[smem:$0x3FB0] =	sst s6  }
0xf: {  	[smem:$0x3FB1] =	sst s7  }
0x10: {  	[smem:$0x3FB2] =	sst s8  }
0x11: {  	[smem:$0x3FB3] =	sst s9;
	s0 =	simm.s32 @!p0 $0x0  }
0x12: {  	s1 =	sld [smem:$0x3F99];
	s0 =	simm.s32 @p0 $0x1  }
0x13: {  	[smem:$0x3FB4] =	sst s0;
	s0 =	simm.s32 @!p1 $0x0  }
0x14: {  	s2 =	sld [smem:$0x3F98];
	s0 =	simm.s32 @p1 $0x1  }
0x15: {  	[smem:$0x3FB5] =	sst s0;
	s0 =	simm.s32 @!p2 $0x0  }
0x16: {  	s3 =	sld [smem:$0x3FDB];
	s0 =	simm.s32 @p2 $0x1  }
0x17: {  	s4 =	simm.s32 $0x1BF5;
	[smem:$0x3FB7] =	sst s0  }
0x18: {  	s0 =	sld [smem:$0x3F9A];
	_ =	swait.ge [sflag:s4], $0x0  }
0x19: {  	s7 =	sld [smem:$0x3F9B]  }
0x1a: {  	s8 =	sadd.s32 $0xFFFFE003, lr  }
0x1b: {  	s9 =	sadd.s32 $0xFFFFFEF7, lr;
	s5 =	simm.s32 $0xFFFFFFFF;
	p2 =	slt.u32 s8, $0xFFFFF086  }
0x1c: {  	p1 =	slt.u32 s9, $0xF7A;
	s5 =	simm.s32 @!p2 $0x0  }
0x1d: {  	s5 =	simm.s32 @p1 $0x1;
	p0 =	seq.s32 s7, s2  }
0x1e: {  	s7 =	smul.u32 @!p0 $0xF7A, s2;
	p2 =	seq.s32 @!p0 s5, $0x0  }
0x1f: {  	s9 =	smul.u32 $0xF7A, s1;
	s8 =	simm.s32 @!p0 $0x1BF5;
	p2 =	por !p2, p0  }
0x20: {  	[sflag:s8] =	ssyncset.s32 @!p0 $0xFFFFF086;
	s6 =	sadd.s32 @!p0 s3, s7;
	s7 =	simm.s32 @!p0 $0x108  }
0x21: {  	s3 =	sadd.s32 s3, s9;
	s6 =	sadd.s32 @!p0 $0x88, s6;
	s7 =	simm.s32 @p2 $0x1082  }
0x22: {  	[simem:s7], [sflag:s8] =	dma.local @!p0 [hbm:s6], $0xF7A  }
0x23: {  	s9 =	sor.u32 $0xD0000000, s2;
	s6 =	simm.s32 $0x108;
	_ =	swait.ge @!p0 [sflag:s8], $0x0  }
0x24: {  	s3 =	sadd.s32 $0x88, s3;
	s6 =	simm.s32 @!p1 $0x1082;
	[sflag:s4] =	ssyncset.s32 $0xFFFFF086  }
0x25: {  	[simem:s6], [sflag:s4] =	dma.local [hbm:s3], $0xF7A  }
0x26: {  	[smem:$0x3F9B] =	sst s1;
	(tag) =	ssettag s2;
	_ =	strace s9  }
0x27: {  	s1 =	sld [smem:$0x3FAB]  }
0x28: {  	s2 =	sld [smem:$0x3FAC]  }
0x29: {  	s4 =	sld [smem:$0x3FAE]  }
0x2a: {  	p0 =	seq.s32 s5, $0x0;
	s5 =	sld [smem:$0x3FAF]  }
0x2b: {  	s6 =	sld [smem:$0x3FB0]  }
0x2c: {  	s7 =	sld [smem:$0x3FB1]  }
0x2d: {  	s3 =	simm.s32 $0x108;
	s8 =	sld [smem:$0x3FB2]  }
0x2e: {  	s3 =	simm.s32 @!p0 $0x1082;
	s9 =	sld [smem:$0x3FB3]  }
0x2f: {  	lr =	sadd.s32 s0, s3;
	s0 =	sld [smem:$0x3FAA]  }
0x30: {  	s3 =	sld [smem:$0x3FAD]  }
0x31: {  	[smem:$0x3FB6] =	sst s10  }
0x32: {  	s10 =	sld [smem:$0x3FB4];
	_ =	sdelay $0x3  }
0x33: {  	p0 =	seq.s32 s10, $0x1;
	s10 =	sld [smem:$0x3FB6];
	_ =	sdelay $0x3  }
0x34: {  	[smem:$0x3FB6] =	sst s10  }
0x35: {  	s10 =	sld [smem:$0x3FB5];
	_ =	sdelay $0x3  }
0x36: {  	p1 =	seq.s32 s10, $0x1;
	s10 =	sld [smem:$0x3FB6];
	_ =	sdelay $0x3  }
0x37: {  	[smem:$0x3FB6] =	sst s10  }
0x38: {  	s10 =	sld [smem:$0x3FB7]  }
0x39: {  	_ = 	snop;
	(pc) =	sbr.ind lr, $3  }
0x3a: {  	_ = 	snop  }
0x3b: {  	_ = 	snop  }
0x3c: {  	p2 =	seq.s32 s10, $0x1;
	s10 =	sld [smem:$0x3FB6]  }
0x3d: {  	_ =	shalt  }
0x3e: {  	_ =	shalt  }
0x3f: {  	_ =	shalt  }
0x40: {  	_ =	shalt  }
0x41: {  	_ =	shalt  }
0x42: {  	_ =	shalt  }
0x43: {  	_ =	shalt  }
0x44: {  	_ =	shalt  }
0x45: {  	_ =	shalt  }
0x46: {  	_ =	shalt  }
0x47: {  	_ =	shalt  }
0x48: {  	_ =	shalt  }
0x49: {  	_ =	shalt  }
0x4a: {  	_ =	shalt  }
0x4b: {  	_ =	shalt  }
0x4c: {  	_ =	shalt  }
0x4d: {  	_ =	shalt  }
0x4e: {  	_ =	shalt  }
0x4f: {  	_ =	shalt  }
0x50: {  	_ =	shalt  }
0x51: {  	_ =	shalt  }
0x52: {  	_ =	shalt  }
0x53: {  	_ =	shalt  }
0x54: {  	_ =	shalt  }
0x55: {  	_ =	shalt  }
0x56: {  	_ =	shalt  }
0x57: {  	_ =	shalt  }
0x58: {  	_ =	shalt  }
0x59: {  	_ =	shalt  }
0x5a: {  	_ =	shalt  }
0x5b: {  	_ =	shalt  }
0x5c: {  	_ =	shalt  }
0x5d: {  	_ =	shalt  }
0x5e: {  	_ =	shalt  }
0x5f: {  	_ =	shalt  }
0x60: {  	_ =	shalt  }
0x61: {  	_ =	shalt  }
0x62: {  	_ =	shalt  }
0x63: {  	_ =	shalt  }
0x64: {  	_ =	shalt  }
0x65: {  	_ =	shalt  }
0x66: {  	_ =	shalt  }
0x67: {  	_ =	shalt  }
0x68: {  	_ =	shalt  }
0x69: {  	_ =	shalt  }
0x6a: {  	_ =	shalt  }
0x6b: {  	_ =	shalt  }
0x6c: {  	_ =	shalt  }
0x6d: {  	_ =	shalt  }
0x6e: {  	_ =	shalt  }
0x6f: {  	_ =	shalt  }
0x70: {  	_ =	shalt  }
0x71: {  	_ =	shalt  }
0x72: {  	_ =	shalt  }
0x73: {  	_ =	shalt  }
0x74: {  	_ =	shalt  }
0x75: {  	_ =	shalt  }
0x76: {  	_ =	shalt  }
0x77: {  	_ =	shalt  }
0x78: {  	_ =	shalt  }
0x79: {  	_ =	shalt  }
0x7a: {  	_ =	shalt  }
0x7b: {  	_ =	shalt  }
0x7c: {  	_ =	shalt  }
0x7d: {  	_ =	shalt  }
0x7e: {  	_ =	shalt  }
0x7f: {  	_ =	shalt  }
0x80: {  	_ =	shalt  }
0x81: {  	_ =	shalt  }
0x82: {  	_ =	shalt  }
0x83: {  	_ =	shalt  }
0x84: {  	_ =	shalt  }
0x85: {  	_ =	shalt  }
0x86: {  	_ =	shalt  }
0x87: {  	_ =	shalt  }
.Lfunc_end0:
.L_simem_size_0:
called_computation.7_lowered:
.L_overlay_start_0:
0x88: {  	s2 =	sld [smem:$0x3FD9]  }
0x89: {  	s3 =	sld [smem:$0x3FFE];
	_ =	sdelay $0x1  }
0x8a: {  	s1 =	srdreg.scid  }
0x8b: {  	s0 =	sand.u32 $0x1, s1  }
0x8c: {  	s17 =	sshll.u32 s0, $0xA;
	s2 =	sadd.s32 s3, s2  }
0x8d: {  	s2 =	sadd.s32 s2, s17  }
0x8e: {  	[smem:$0x3FC2] =	sst s2  }
0x8f: {  	_ = 	snop  }
0x90: {  	s2 =	sld [smem:$0x3FD0];
	(tm) =	ssettm $0x1  }
0x91: {  	s18 =	sld [smem:$0x3FFB];
	_ =	sdelay $0x3  }
0x92: {  	_ =	strace s18  }
0x93: {  	s3 =	sld [smem:$0x3FFC];
	_ =	sdelay $0x3  }
0x94: {  	_ =	strace s3  }
0x95: {  	s3 =	sld [smem:$0x3FFD];
	_ =	sdelay $0x3  }
0x96: {  	_ =	strace s3  }
0x97: {  	_ =	strace $0x8FFFFFFF  }
0x98: {  	s19 =	sld [smem:$0x3FDB];
	_ =	sdelay $0x1  }
0x99: {  	s4 =	simm.s32 $_scs_section_size  }
0x9a: {  	s5 =	simm.s32 $_size__tile_overlayer_lowered;
	s6 =	simm.s32 $_tile_overlayer_lowered  }
0x9b: {  	s22 =	simm.s32 $0x1BFF;
	s21 =	sshll.u32 s6, $0x1;
	s3 =	sadd.s32 s4, s19  }
0x9c: {  	s7 =	simm.s32 $0x0;
	s20 =	sshll.u32 s5, $0x1;
	s5 =	sadd.s32 s21, s3  }
0x9d: {  	[timem:s7], [sflag:s22] =	dma.local [hbm:s5], s20  }
0x9e: {  	_ =	swait.ge [sflag:s22], s20  }
0x9f: {  	s4 =	ssub.s32 $0x0, s20;
	[sflag:s22] =	ssyncset.done $0x0  }
0xa0: {  	[sflag:s22] =	ssyncadd.s32 s4;
	_ =	sdelay $0x1  }
0xa1: {  	s23 =	simm.s32 $0x1B8B  }
0xa2: {  	_ =	swait.ge [sflag:s23], $0x1  }
0xa3: {  	[sflag:s23] =	ssyncset.done $0x0  }
0xa4: {  	s25 =	simm.s32 $0x1B8E;
	s24 =	sld [smem:$0x3FFE];
	[sflag:s23] =	ssyncadd.s32 $0xFFFFFFFF  }
0xa5: {  	s26 =	simm.s32 $execute0_lowered;
	[smem:$0x3FD2] =	sst s25  }
0xa6: {  	s5 =	sshll.u32 s26, $0x1;
	_ =	strace $0x8000005B;
	[dreg:$0x1] =	wrdreg $0xFFFFFFFF  }
0xa7: {  	s28 =	simm.s32 $_size_execute0_lowered;
	s3 =	sadd.s32 s3, s5;
	[dreg:$0x0] =	wrdreg $0x0  }
0xa8: {  	s5 =	sshll.u32 s28, $0x1;
	[dreg:$0x2] =	wrdreg s3  }
0xa9: {  	[dreg:$0x3] =	wrdreg s5  }
0xaa: {  	[dreg:$0x4] =	wrdreg $0xC0  }
0xab: {  	_ =	task [dreg:s7], $0x5FFFF  }
0xac: {  	[dreg:$0x1] =	wrdreg $0xFFFFFFFF  }
0xad: {  	[dreg:$0x0] =	wrdreg $0x60  }
0xae: {  	[dreg:$0x2] =	wrdreg s24  }
0xaf: {  	[dreg:$0x3] =	wrdreg s2  }
0xb0: {  	[dreg:$0x4] =	wrdreg $0x9  }
0xb1: {  	_ =	task.clear_ibuf [dreg:s7], $0x5FFFF;
	_ =	strace $0x9000005B  }
0xb2: {  	s29 =	simm.s32 $0x9;
	_ =	strace $0x8000005D  }
0xb3: {  	_ =	swait.ge [sflag:s29], $0x1  }
0xb4: {  	[sflag:s29] =	ssyncadd.s32 $0xFFFFFFFF  }
0xb5: {  	_ =	strace $0x9000005D  }
0xb6: {  	_ =	sfence  }
0xb7: {  	s30 =	sld [smem:$0x0];
	_ =	sdelay $0x2  }
0xb8: {  	s31 =	sshll.u32 s1, $0xD;
	s1 =	sshrl.u32 s1, $0x2  }
0xb9: {  	s3 =	sand.u32 $0x4000, s31;
	s1 =	sadd.s32 s1, s30  }
0xba: {  	s0 =	sor.u32 s3, s0;
	s1 =	sshll.u32 s1, $0x11  }
0xbb: {  	s0 =	sor.u32 s1, s0  }
0xbc: {  	s0 =	sadd.s32 $0x8F2B, s0  }
0xbd: {  	[sflag:s0] =	ssyncadd.remote.s32 $0x1  }
0xbe: {  	_ =	sfence.sel $0xFFFF  }
0xbf: {  	[dreg:$0x0] =	wrdreg $0xFFFFFFFF;
	(pc) =	sbr.abs _section_cstart, $3  }
0xc0: {  	[dreg:$0x1] =	wrdreg $0xFFFFFFFF  }
0xc1: {  	_ =	task.clear_ibuf [dreg:s7], $0x2FFFF;
	_ =	strace $0x9FFFFFFF  }
0xc2: {  	(tm) =	ssettm $0x7FFFFFFF  }
0xc3: {  	_ =	shalt  }
tec
execute0_lowered:
.L_overlay_start_1:
0x0: {  	(tag) =	ssettag $0x1  }
0x1: {  	s1 =	srdreg.scid;
	s0 =	stileid.u32  }
0x2: {  	s8 =	sand.u32 $0x1, s1;
	s30 =	sshll.u32 s0, $0x1  }
0x3: {  	s6 =	rddreg [dreg:$0x0];
	s7 =	sor.u32 s8, s30  }
0x4: {  	s2 =	rddreg [dreg:$0x1];
	s3 =	simm.s32 $0x0;
	s4 =	sshll.u32 s7, $0x2  }
0x5: {  	s5 =	simm.s32 $0x2;
	[smem:$0x7FF] =	sst s3;
	s4 =	sadd.s32 s4, s6  }
0x6: {  	s1 =	rddreg [dreg:$0x2];
	_ =	strace $0x8000005C;
	s4 =	sadd.s32 $0x14000, s4  }
0x7: {  	[tilespmem:s3], [sflag:$0x2] =	stream.linear.gather [hbm4b:s4+s3], $0x20, $0x38;
	[tilespmem:$0x1100] =	vst v63  }
0x8: {  	s7 =	sshll.u32 s7, $0x9;
	_ =	swait.ge [sflag:s5], $0x20  }
0x9: {  	s6 =	sadd.s32 s7, s6;
	[sflag:s5] =	ssyncset.done $0x0  }
0xa: {  	s7 =	simm.s32 $0x100;
	s6 =	sadd.s32 $0xB400, s6;
	[sflag:s5] =	ssyncadd.s32 $0xFFFFFFE0  }
0xb: {  	[tilespmem:s7], [sflag:$0x2] =	stream.linear.gather [hbm4b:s6+s3], $0x1000, $0x38;
	[tilespmem:$0x1100] =	vst v63  }
0xc: {  	_ =	swait.ge [sflag:s5], $0x1000  }
0xd: {  	[sflag:s5] =	ssyncset.done $0x0  }
0xe: {  	[sflag:s5] =	ssyncadd.s32 $0xFFFFF000  }
0xf: {  	s8 =	ssub.s32 $0x2, s8;
	v1 =	vld [tilespmem:$0x0]  }
0x10: {  	s31 =	sshrl.u32 s8, $0x1;
	v2 =	vld [tilespmem:$0x10]  }
0x11: {  	s9 =	sshll.u32 s0, $0xA;
	s8 =	ssub.s32 s8, s31  }
0x12: {  	s9 =	sand.u32 $0x3800, s9;
	s11 =	smax.u32 s8, $0x1  }
0x13: {  	v0 =	vmov s9;
	p0 =	sne.s32 s11, $0x1  }
.Ltmp0:
0x14: {  	v1 =	vadd.s32 v0, v1;
	(pc) =	sbr.rel @!p0 .LBB2_2-.Ltmp0, $4  }
0x15: {  	[tilespmem:$0x80] =	vst v1;
	v1 =	vadd.s32 v0, v2  }
0x16: {  	s10 =	simm.s32 $0x1;
	s9 =	simm.s32 $0x80;
	s8 =	simm.s32 $0x20;
	[tilespmem:$0x90] =	vst v1  }
0x17: {  	[hbm4b:s2+s8] =	stream.indirect.scatter [tilespmem:s7], [sflag:$0x1], $0x80, s9, s8, $0xb8;
	[tilespmem:$0x1100] =	vst v63  }
0x18: {  	s11 =	sadd.s32 $0xFFFFFFFF, s11;
	_ =	swait.ge [sflag:s10], $0x1000  }
.LBB2_1:
0x19: {  	p0 =	sne.s32 s11, $0x1;
	s11 =	sadd.s32 $0xFFFFFFFF, s11;
	[sflag:s10] =	ssyncset.done $0x0  }
0x1a: {  	[sflag:s10] =	ssyncadd.s32 $0xFFFFF000  }
0x1b: {  	[tilespmem:s3], [sflag:$0x2] =	stream.linear.gather [hbm4b:s4+s3], $0x20, $0x38;
	[tilespmem:$0x1100] =	vst v63  }
0x1c: {  	_ =	swait.ge [sflag:s5], $0x20  }
0x1d: {  	[sflag:s5] =	ssyncset.done $0x0  }
0x1e: {  	[sflag:s5] =	ssyncadd.s32 $0xFFFFFFE0  }
0x1f: {  	[tilespmem:s7], [sflag:$0x2] =	stream.linear.gather [hbm4b:s6+s3], $0x1000, $0x38;
	[tilespmem:$0x1100] =	vst v63  }
0x20: {  	_ =	swait.ge [sflag:s5], $0x1000  }
0x21: {  	[sflag:s5] =	ssyncset.done $0x0  }
0x22: {  	[sflag:s5] =	ssyncadd.s32 $0xFFFFF000  }
0x23: {  	v1 =	vld [tilespmem:$0x0]  }
0x24: {  	v2 =	vld [tilespmem:$0x10];
	_ =	sdelay $0x3  }
.Ltmp1:
0x25: {  	v1 =	vadd.s32 v0, v1;
	(pc) =	sbr.rel @p0 .LBB2_1-.Ltmp1, $4  }
0x26: {  	[tilespmem:$0x80] =	vst v1;
	v1 =	vadd.s32 v0, v2  }
0x27: {  	[tilespmem:$0x90] =	vst v1  }
0x28: {  	[hbm4b:s2+s8] =	stream.indirect.scatter [tilespmem:s7], [sflag:$0x1], $0x80, s9, s8, $0xb8;
	[tilespmem:$0x1100] =	vst v63  }
0x29: {  	_ =	swait.ge [sflag:s10], $0x1000  }
.LBB2_2:
0x2a: {  	[sflag:s10] =	ssyncset.done $0x0  }
0x2b: {  	[sflag:s10] =	ssyncadd.s32 $0xFFFFF000  }
0x2c: {  	_ =	sfence.sel $0x180000  }
0x2d: {  	[bflag:$0x0] =	sbarrier.arrive $0xFFFF  }
0x2e: {  	p0 =	sne.s32 s0, $0x0;
	_ =	strace $0x9000005C  }
0x2f: {  	s0 =	sadd.s32 @!p0 $0x100000, s1;
	[bflag:$0x2] =	sbarrier.arrive $0xFFFF  }
0x30: {  	[sflag:s0] =	ssyncadd.tile.s32 @!p0 $0x1;
	_ =	shalt  }
.Lfunc_end2:
_tile_overlayer_lowered:
.L_overlay_start_2:
0x31: {  	(tag) =	ssettag $0x2  }
0x32: {  	s0 =	rddreg [dreg:$0x0];
	s2 =	stileid.u32  }
0x33: {  	s1 =	rddreg [dreg:$0x1];
	p0 =	sne.s32 s2, $0x0  }
0x34: {  	s3 =	rddreg [dreg:$0x2];
	[bflag:$0x3] =	sbarrier.arrive $0xFFFF;
	s2 =	simm.s32 @!p0 $0x1C02  }
0x35: {  	[timem:s3], [sflag:s2] =	dma.local @!p0 [hbm:s0], s1  }
0x36: {  	s0 =	simm.s32 @!p0 $0x2  }
0x37: {  	_ =	swait.ge @!p0 [sflag:s0], s1  }
0x38: {  	s1 =	ssub.s32 @!p0 $0x0, s1;
	[sflag:s0] =	ssyncset.done @!p0 $0x0  }
0x39: {  	[sflag:s0] =	ssyncadd.s32 @!p0 s1  }
0x3a: {  	[bflag:$0x3] =	sbarrier.arrive $0xFFFF  }
0x3b: {  	_ =	shalt  }

// kernel: run.50.cloned.1.call-start
scs
__scs_entry_jumppad:
0x0: {  	(pc) =	sbr.rel $0x88, $3  }
0x1: {  	(tag) =	ssettag $0x0;
	lr =	simm.s32 $0x1  }
0x2: {  	[smem:$0x3F9B] =	sst lr;
	_ =	strace $0xD0000000  }
0x3: {  	_ = 	snop  }
0x4: {  	_ = 	snop  }
0x5: {  	_ = 	snop  }
0x6: {  	_ = 	snop  }
0x7: {  	_ = 	snop  }
__scs_overlays_trampoline_lowered:
0x8: {  	[smem:$0x3FAA] =	sst s0  }
0x9: {  	[smem:$0x3FAB] =	sst s1  }
0xa: {  	[smem:$0x3FAC] =	sst s2  }
0xb: {  	[smem:$0x3FAD] =	sst s3  }
0xc: {  	[smem:$0x3FAE] =	sst s4  }
0xd: {  	[smem:$0x3FAF] =	sst s5  }
0xe: {  	[smem:$0x3FB0] =	sst s6  }
0xf: {  	[smem:$0x3FB1] =	sst s7  }
0x10: {  	[smem:$0x3FB2] =	sst s8  }
0x11: {  	[smem:$0x3FB3] =	sst s9;
	s0 =	simm.s32 @!p0 $0x0  }
0x12: {  	s1 =	sld [smem:$0x3F99];
	s0 =	simm.s32 @p0 $0x1  }
0x13: {  	[smem:$0x3FB4] =	sst s0;
	s0 =	simm.s32 @!p1 $0x0  }
0x14: {  	s2 =	sld [smem:$0x3F98];
	s0 =	simm.s32 @p1 $0x1  }
0x15: {  	[smem:$0x3FB5] =	sst s0;
	s0 =	simm.s32 @!p2 $0x0  }
0x16: {  	s3 =	sld [smem:$0x3FDB];
	s0 =	simm.s32 @p2 $0x1  }
0x17: {  	s4 =	simm.s32 $0x1BF5;
	[smem:$0x3FB7] =	sst s0  }
0x18: {  	s0 =	sld [smem:$0x3F9A];
	_ =	swait.ge [sflag:s4], $0x0  }
0x19: {  	s7 =	sld [smem:$0x3F9B]  }
0x1a: {  	s8 =	sadd.s32 $0xFFFFE003, lr  }
0x1b: {  	s9 =	sadd.s32 $0xFFFFFEF7, lr;
	s5 =	simm.s32 $0xFFFFFFFF;
	p2 =	slt.u32 s8, $0xFFFFF086  }
0x1c: {  	p1 =	slt.u32 s9, $0xF7A;
	s5 =	simm.s32 @!p2 $0x0  }
0x1d: {  	s5 =	simm.s32 @p1 $0x1;
	p0 =	seq.s32 s7, s2  }
0x1e: {  	s7 =	smul.u32 @!p0 $0xF7A, s2;
	p2 =	seq.s32 @!p0 s5, $0x0  }
0x1f: {  	s9 =	smul.u32 $0xF7A, s1;
	s8 =	simm.s32 @!p0 $0x1BF5;
	p2 =	por !p2, p0  }
0x20: {  	[sflag:s8] =	ssyncset.s32 @!p0 $0xFFFFF086;
	s6 =	sadd.s32 @!p0 s3, s7;
	s7 =	simm.s32 @!p0 $0x108  }
0x21: {  	s3 =	sadd.s32 s3, s9;
	s6 =	sadd.s32 @!p0 $0x88, s6;
	s7 =	simm.s32 @p2 $0x1082  }
0x22: {  	[simem:s7], [sflag:s8] =	dma.local @!p0 [hbm:s6], $0xF7A  }
0x23: {  	s9 =	sor.u32 $0xD0000000, s2;
	s6 =	simm.s32 $0x108;
	_ =	swait.ge @!p0 [sflag:s8], $0x0  }
0x24: {  	s3 =	sadd.s32 $0x88, s3;
	s6 =	simm.s32 @!p1 $0x1082;
	[sflag:s4] =	ssyncset.s32 $0xFFFFF086  }
0x25: {  	[simem:s6], [sflag:s4] =	dma.local [hbm:s3], $0xF7A  }
0x26: {  	[smem:$0x3F9B] =	sst s1;
	(tag) =	ssettag s2;
	_ =	strace s9  }
0x27: {  	s1 =	sld [smem:$0x3FAB]  }
0x28: {  	s2 =	sld [smem:$0x3FAC]  }
0x29: {  	s4 =	sld [smem:$0x3FAE]  }
0x2a: {  	p0 =	seq.s32 s5, $0x0;
	s5 =	sld [smem:$0x3FAF]  }
0x2b: {  	s6 =	sld [smem:$0x3FB0]  }
0x2c: {  	s7 =	sld [smem:$0x3FB1]  }
0x2d: {  	s3 =	simm.s32 $0x108;
	s8 =	sld [smem:$0x3FB2]  }
0x2e: {  	s3 =	simm.s32 @!p0 $0x1082;
	s9 =	sld [smem:$0x3FB3]  }
0x2f: {  	lr =	sadd.s32 s0, s3;
	s0 =	sld [smem:$0x3FAA]  }
0x30: {  	s3 =	sld [smem:$0x3FAD]  }
0x31: {  	[smem:$0x3FB6] =	sst s10  }
0x32: {  	s10 =	sld [smem:$0x3FB4];
	_ =	sdelay $0x3  }
0x33: {  	p0 =	seq.s32 s10, $0x1;
	s10 =	sld [smem:$0x3FB6];
	_ =	sdelay $0x3  }
0x34: {  	[smem:$0x3FB6] =	sst s10  }
0x35: {  	s10 =	sld [smem:$0x3FB5];
	_ =	sdelay $0x3  }
0x36: {  	p1 =	seq.s32 s10, $0x1;
	s10 =	sld [smem:$0x3FB6];
	_ =	sdelay $0x3  }
0x37: {  	[smem:$0x3FB6] =	sst s10  }
0x38: {  	s10 =	sld [smem:$0x3FB7]  }
0x39: {  	_ = 	snop;
	(pc) =	sbr.ind lr, $3  }
0x3a: {  	_ = 	snop  }
0x3b: {  	_ = 	snop  }
0x3c: {  	p2 =	seq.s32 s10, $0x1;
	s10 =	sld [smem:$0x3FB6]  }
0x3d: {  	_ =	shalt  }
0x3e: {  	_ =	shalt  }
0x3f: {  	_ =	shalt  }
0x40: {  	_ =	shalt  }
0x41: {  	_ =	shalt  }
0x42: {  	_ =	shalt  }
0x43: {  	_ =	shalt  }
0x44: {  	_ =	shalt  }
0x45: {  	_ =	shalt  }
0x46: {  	_ =	shalt  }
0x47: {  	_ =	shalt  }
0x48: {  	_ =	shalt  }
0x49: {  	_ =	shalt  }
0x4a: {  	_ =	shalt  }
0x4b: {  	_ =	shalt  }
0x4c: {  	_ =	shalt  }
0x4d: {  	_ =	shalt  }
0x4e: {  	_ =	shalt  }
0x4f: {  	_ =	shalt  }
0x50: {  	_ =	shalt  }
0x51: {  	_ =	shalt  }
0x52: {  	_ =	shalt  }
0x53: {  	_ =	shalt  }
0x54: {  	_ =	shalt  }
0x55: {  	_ =	shalt  }
0x56: {  	_ =	shalt  }
0x57: {  	_ =	shalt  }
0x58: {  	_ =	shalt  }
0x59: {  	_ =	shalt  }
0x5a: {  	_ =	shalt  }
0x5b: {  	_ =	shalt  }
0x5c: {  	_ =	shalt  }
0x5d: {  	_ =	shalt  }
0x5e: {  	_ =	shalt  }
0x5f: {  	_ =	shalt  }
0x60: {  	_ =	shalt  }
0x61: {  	_ =	shalt  }
0x62: {  	_ =	shalt  }
0x63: {  	_ =	shalt  }
0x64: {  	_ =	shalt  }
0x65: {  	_ =	shalt  }
0x66: {  	_ =	shalt  }
0x67: {  	_ =	shalt  }
0x68: {  	_ =	shalt  }
0x69: {  	_ =	shalt  }
0x6a: {  	_ =	shalt  }
0x6b: {  	_ =	shalt  }
0x6c: {  	_ =	shalt  }
0x6d: {  	_ =	shalt  }
0x6e: {  	_ =	shalt  }
0x6f: {  	_ =	shalt  }
0x70: {  	_ =	shalt  }
0x71: {  	_ =	shalt  }
0x72: {  	_ =	shalt  }
0x73: {  	_ =	shalt  }
0x74: {  	_ =	shalt  }
0x75: {  	_ =	shalt  }
0x76: {  	_ =	shalt  }
0x77: {  	_ =	shalt  }
0x78: {  	_ =	shalt  }
0x79: {  	_ =	shalt  }
0x7a: {  	_ =	shalt  }
0x7b: {  	_ =	shalt  }
0x7c: {  	_ =	shalt  }
0x7d: {  	_ =	shalt  }
0x7e: {  	_ =	shalt  }
0x7f: {  	_ =	shalt  }
0x80: {  	_ =	shalt  }
0x81: {  	_ =	shalt  }
0x82: {  	_ =	shalt  }
0x83: {  	_ =	shalt  }
0x84: {  	_ =	shalt  }
0x85: {  	_ =	shalt  }
0x86: {  	_ =	shalt  }
0x87: {  	_ =	shalt  }
.Lfunc_end0:
.L_simem_size_0:
called_computation.8_lowered:
.L_overlay_start_0:
0x88: {  	s2 =	sld [smem:$0x3FD9]  }
0x89: {  	s3 =	sld [smem:$0x3FFE];
	_ =	sdelay $0x1  }
0x8a: {  	s1 =	srdreg.scid  }
0x8b: {  	s0 =	sand.u32 $0x1, s1  }
0x8c: {  	s17 =	sshll.u32 s0, $0xA;
	s2 =	sadd.s32 s3, s2  }
0x8d: {  	s2 =	sadd.s32 s2, s17  }
0x8e: {  	[smem:$0x3FC2] =	sst s2  }
0x8f: {  	_ = 	snop  }
0x90: {  	s2 =	sld [smem:$0x3FC8]  }
0x91: {  	s18 =	sld [smem:$0x3FD0];
	(tm) =	ssettm $0x1  }
0x92: {  	s4 =	sld [smem:$0x3FFB];
	_ =	sdelay $0x3  }
0x93: {  	_ =	strace s4  }
0x94: {  	s4 =	sld [smem:$0x3FFC];
	_ =	sdelay $0x3  }
0x95: {  	_ =	strace s4  }
0x96: {  	s4 =	sld [smem:$0x3FFD];
	_ =	sdelay $0x3  }
0x97: {  	_ =	strace s4  }
0x98: {  	_ =	strace $0x8FFFFFFF  }
0x99: {  	s19 =	sld [smem:$0x3FDB];
	_ =	sdelay $0x1  }
0x9a: {  	s5 =	simm.s32 $_scs_section_size  }
0x9b: {  	s6 =	simm.s32 $_size__tile_overlayer_lowered;
	s7 =	simm.s32 $_tile_overlayer_lowered  }
0x9c: {  	s22 =	simm.s32 $0x1BFF;
	s21 =	sshll.u32 s7, $0x1;
	s4 =	sadd.s32 s5, s19  }
0x9d: {  	s8 =	simm.s32 $0x0;
	s20 =	sshll.u32 s6, $0x1;
	s6 =	sadd.s32 s21, s4  }
0x9e: {  	[timem:s8], [sflag:s22] =	dma.local [hbm:s6], s20  }
0x9f: {  	_ =	swait.ge [sflag:s22], s20  }
0xa0: {  	s5 =	ssub.s32 $0x0, s20;
	[sflag:s22] =	ssyncset.done $0x0  }
0xa1: {  	[sflag:s22] =	ssyncadd.s32 s5;
	_ =	sdelay $0x1  }
0xa2: {  	s23 =	simm.s32 $0x1B8B  }
0xa3: {  	_ =	swait.ge [sflag:s23], $0x1  }
0xa4: {  	[sflag:s23] =	ssyncset.done $0x0  }
0xa5: {  	s25 =	simm.s32 $0x1B8E;
	s24 =	sld [smem:$0x3FFE];
	[sflag:s23] =	ssyncadd.s32 $0xFFFFFFFF  }
0xa6: {  	s26 =	simm.s32 $execute0_lowered;
	[smem:$0x3FD2] =	sst s25  }
0xa7: {  	s6 =	sshll.u32 s26, $0x1;
	_ =	strace $0x8000005E;
	[dreg:$0x1] =	wrdreg $0xFFFFFFFF  }
0xa8: {  	s28 =	simm.s32 $_size_execute0_lowered;
	s4 =	sadd.s32 s4, s6;
	[dreg:$0x0] =	wrdreg $0x0  }
0xa9: {  	s6 =	sshll.u32 s28, $0x1;
	[dreg:$0x2] =	wrdreg s4  }
0xaa: {  	[dreg:$0x3] =	wrdreg s6  }
0xab: {  	[dreg:$0x4] =	wrdreg $0xC0  }
0xac: {  	_ =	task [dreg:s8], $0x5FFFF  }
0xad: {  	[dreg:$0x1] =	wrdreg $0xFFFFFFFF  }
0xae: {  	[dreg:$0x0] =	wrdreg $0x60  }
0xaf: {  	[dreg:$0x2] =	wrdreg s24  }
0xb0: {  	[dreg:$0x3] =	wrdreg s2  }
0xb1: {  	[dreg:$0x4] =	wrdreg s18  }
0xb2: {  	[dreg:$0x5] =	wrdreg $0x9  }
0xb3: {  	_ =	task.clear_ibuf [dreg:s8], $0x6FFFF;
	_ =	strace $0x9000005E  }
0xb4: {  	s29 =	simm.s32 $0x9;
	_ =	strace $0x80000060  }
0xb5: {  	_ =	swait.ge [sflag:s29], $0x1  }
0xb6: {  	[sflag:s29] =	ssyncadd.s32 $0xFFFFFFFF  }
0xb7: {  	_ =	strace $0x90000060  }
0xb8: {  	_ =	sfence  }
0xb9: {  	s30 =	sld [smem:$0x0];
	_ =	sdelay $0x2  }
0xba: {  	s31 =	sshll.u32 s1, $0xD;
	s1 =	sshrl.u32 s1, $0x2  }
0xbb: {  	s3 =	sand.u32 $0x4000, s31;
	s1 =	sadd.s32 s1, s30  }
0xbc: {  	s0 =	sor.u32 s3, s0;
	s1 =	sshll.u32 s1, $0x11  }
0xbd: {  	s0 =	sor.u32 s1, s0  }
0xbe: {  	s0 =	sadd.s32 $0x8F2B, s0  }
0xbf: {  	[sflag:s0] =	ssyncadd.remote.s32 $0x1  }
0xc0: {  	_ =	sfence.sel $0xFFFF  }
0xc1: {  	[dreg:$0x0] =	wrdreg $0xFFFFFFFF;
	(pc) =	sbr.abs _section_cstart, $3  }
0xc2: {  	[dreg:$0x1] =	wrdreg $0xFFFFFFFF  }
0xc3: {  	_ =	task.clear_ibuf [dreg:s8], $0x2FFFF;
	_ =	strace $0x9FFFFFFF  }
0xc4: {  	(tm) =	ssettm $0x7FFFFFFF  }
0xc5: {  	_ =	shalt  }
tec
execute0_lowered:
.L_overlay_start_1:
0x0: {  	(tag) =	ssettag $0x1  }
0x1: {  	s12 =	rddreg [dreg:$0x0]  }
0x2: {  	s1 =	srdreg.scid;
	s0 =	stileid.u32  }
0x3: {  	s2 =	rddreg [dreg:$0x1];
	s13 =	sand.u32 $0x1, s1;
	s30 =	sshll.u32 s0, $0x1  }
0x4: {  	s3 =	rddreg [dreg:$0x2];
	s14 =	sor.u32 s13, s30  }
0x5: {  	s4 =	simm.s32 $0x0;
	s1 =	rddreg [dreg:$0x3];
	s5 =	sshll.u32 s14, $0x2  }
0x6: {  	[smem:$0x7FF] =	sst s4;
	s5 =	sadd.s32 s5, s12  }
0x7: {  	_ =	strace $0x8000005F;
	s6 =	sadd.s32 $0xAC00, s5;
	s5 =	simm.s32 $0x2  }
0x8: {  	[tilespmem:s4], [sflag:$0x2] =	stream.linear.gather [hbm4b:s6+s4], $0x20, $0x38;
	[tilespmem:$0x2100] =	vst v63  }
0x9: {  	_ =	swait.ge [sflag:s5], $0x20  }
0xa: {  	[sflag:s5] =	ssyncset.done $0x0  }
0xb: {  	[sflag:s5] =	ssyncadd.s32 $0xFFFFFFE0  }
0xc: {  	v1 =	vld [tilespmem:$0x0]  }
0xd: {  	v2 =	vld [tilespmem:$0x10]  }
0xe: {  	s7 =	sshll.u32 s0, $0xA  }
0xf: {  	s7 =	sand.u32 $0x3800, s7  }
0x10: {  	v0 =	vmov s7  }
0x11: {  	v1 =	vadd.s32 v0, v1  }
0x12: {  	s8 =	simm.s32 $0x80;
	[tilespmem:$0x80] =	vst v1;
	v1 =	vadd.s32 v0, v2  }
0x13: {  	s9 =	simm.s32 $0x100;
	s10 =	simm.s32 $0x1;
	s7 =	simm.s32 $0x20;
	[tilespmem:$0x90] =	vst v1  }
0x14: {  	[tilespmem:s9], [sflag:$0x1] =	stream.indirect.gather [hbm4b:s2+s7], $0x80, s8, s7, $0xb8;
	[tilespmem:$0x2100] =	vst v63  }
0x15: {  	_ =	swait.ge [sflag:s10], $0x1000  }
0x16: {  	s13 =	ssub.s32 $0x2, s13;
	[sflag:s10] =	ssyncset.done $0x0  }
0x17: {  	s11 =	simm.s32 $0x1100;
	s15 =	sshrl.u32 s13, $0x1;
	[sflag:s10] =	ssyncadd.s32 $0xFFFFF000  }
0x18: {  	[tilespmem:s11], [sflag:$0x1] =	stream.indirect.gather [hbm4b:s3+s7], $0x80, s8, s7, $0xb8;
	[tilespmem:$0x2100] =	vst v63  }
0x19: {  	s14 =	sshll.u32 s14, $0x9;
	s15 =	ssub.s32 s13, s15;
	_ =	swait.ge [sflag:s10], $0x1000  }
0x1a: {  	s14 =	sadd.s32 s14, s12;
	s31 =	smax.u32 s15, $0x1;
	[sflag:s10] =	ssyncset.done $0x0  }
0x1b: {  	s12 =	sadd.s32 $0xB400, s14;
	p0 =	sne.s32 s31, $0x1;
	[sflag:s10] =	ssyncadd.s32 $0xFFFFF000  }
0x1c: {  	[hbm4b:s12+s4] =	stream.linear.scatter [tilespmem:s9], [sflag:$0x2], $0x1000, $0x38;
	[tilespmem:$0x2100] =	vst v63  }
.Ltmp0:
0x1d: {  	_ =	swait.ge [sflag:s5], $0x1000;
	(pc) =	sbr.rel @!p0 .LBB2_2-.Ltmp0, $4  }
0x1e: {  	[sflag:s5] =	ssyncset.done $0x0  }
0x1f: {  	s13 =	sadd.s32 $0xF400, s14;
	[sflag:s5] =	ssyncadd.s32 $0xFFFFF000  }
0x20: {  	[hbm4b:s13+s4] =	stream.linear.scatter [tilespmem:s11], [sflag:$0x2], $0x1000, $0x38;
	[tilespmem:$0x2100] =	vst v63  }
0x21: {  	s14 =	sadd.s32 $0xFFFFFFFF, s31;
	_ =	swait.ge [sflag:s5], $0x1000  }
.LBB2_1:
0x22: {  	p0 =	sne.s32 s14, $0x1;
	s14 =	sadd.s32 $0xFFFFFFFF, s14;
	[sflag:s5] =	ssyncset.done $0x0  }
0x23: {  	[sflag:s5] =	ssyncadd.s32 $0xFFFFF000  }
0x24: {  	[tilespmem:s4], [sflag:$0x2] =	stream.linear.gather [hbm4b:s6+s4], $0x20, $0x38;
	[tilespmem:$0x2100] =	vst v63  }
0x25: {  	_ =	swait.ge [sflag:s5], $0x20  }
0x26: {  	[sflag:s5] =	ssyncset.done $0x0  }
0x27: {  	[sflag:s5] =	ssyncadd.s32 $0xFFFFFFE0  }
0x28: {  	v1 =	vld [tilespmem:$0x0]  }
0x29: {  	v2 =	vld [tilespmem:$0x10];
	_ =	sdelay $0x3  }
0x2a: {  	v1 =	vadd.s32 v0, v1  }
0x2b: {  	[tilespmem:$0x80] =	vst v1;
	v1 =	vadd.s32 v0, v2  }
0x2c: {  	[tilespmem:$0x90] =	vst v1  }
0x2d: {  	[tilespmem:s9], [sflag:$0x1] =	stream.indirect.gather [hbm4b:s2+s7], $0x80, s8, s7, $0xb8;
	[tilespmem:$0x2100] =	vst v63  }
0x2e: {  	_ =	swait.ge [sflag:s10], $0x1000  }
0x2f: {  	[sflag:s10] =	ssyncset.done $0x0  }
0x30: {  	[sflag:s10] =	ssyncadd.s32 $0xFFFFF000  }
0x31: {  	[tilespmem:s11], [sflag:$0x1] =	stream.indirect.gather [hbm4b:s3+s7], $0x80, s8, s7, $0xb8;
	[tilespmem:$0x2100] =	vst v63  }
0x32: {  	_ =	swait.ge [sflag:s10], $0x1000  }
0x33: {  	[sflag:s10] =	ssyncset.done $0x0  }
0x34: {  	[sflag:s10] =	ssyncadd.s32 $0xFFFFF000  }
0x35: {  	[hbm4b:s12+s4] =	stream.linear.scatter [tilespmem:s9], [sflag:$0x2], $0x1000, $0x38;
	[tilespmem:$0x2100] =	vst v63  }
.Ltmp1:
0x36: {  	_ =	swait.ge [sflag:s5], $0x1000;
	(pc) =	sbr.rel @p0 .LBB2_1-.Ltmp1, $4  }
0x37: {  	[sflag:s5] =	ssyncset.done $0x0  }
0x38: {  	[sflag:s5] =	ssyncadd.s32 $0xFFFFF000  }
0x39: {  	[hbm4b:s13+s4] =	stream.linear.scatter [tilespmem:s11], [sflag:$0x2], $0x1000, $0x38;
	[tilespmem:$0x2100] =	vst v63  }
0x3a: {  	_ =	swait.ge [sflag:s5], $0x1000  }
.LBB2_2:
0x3b: {  	[sflag:s5] =	ssyncset.done $0x0  }
0x3c: {  	[sflag:s5] =	ssyncadd.s32 $0xFFFFF000  }
0x3d: {  	_ =	sfence.sel $0x180000  }
0x3e: {  	[bflag:$0x0] =	sbarrier.arrive $0xFFFF  }
0x3f: {  	p0 =	sne.s32 s0, $0x0;
	_ =	strace $0x9000005F  }
0x40: {  	s0 =	sadd.s32 @!p0 $0x100000, s1;
	[bflag:$0x2] =	sbarrier.arrive $0xFFFF  }
0x41: {  	[sflag:s0] =	ssyncadd.tile.s32 @!p0 $0x1;
	_ =	shalt  }
.Lfunc_end2:
_tile_overlayer_lowered:
.L_overlay_start_2:
0x42: {  	(tag) =	ssettag $0x2  }
0x43: {  	s0 =	rddreg [dreg:$0x0];
	s2 =	stileid.u32  }
0x44: {  	s1 =	rddreg [dreg:$0x1];
	p0 =	sne.s32 s2, $0x0  }
0x45: {  	s3 =	rddreg [dreg:$0x2];
	[bflag:$0x3] =	sbarrier.arrive $0xFFFF;
	s2 =	simm.s32 @!p0 $0x1C02  }
0x46: {  	[timem:s3], [sflag:s2] =	dma.local @!p0 [hbm:s0], s1  }
0x47: {  	s0 =	simm.s32 @!p0 $0x2  }
0x48: {  	_ =	swait.ge @!p0 [sflag:s0], s1  }
0x49: {  	s1 =	ssub.s32 @!p0 $0x0, s1;
	[sflag:s0] =	ssyncset.done @!p0 $0x0  }
0x4a: {  	[sflag:s0] =	ssyncadd.s32 @!p0 s1  }
0x4b: {  	[bflag:$0x3] =	sbarrier.arrive $0xFFFF  }
0x4c: {  	_ =	shalt  }

// kernel: run.53.cloned.1.call-start
scs
__scs_entry_jumppad:
0x0: {  	(pc) =	sbr.rel $0x88, $3  }
0x1: {  	(tag) =	ssettag $0x0;
	lr =	simm.s32 $0x1  }
0x2: {  	[smem:$0x3F9B] =	sst lr;
	_ =	strace $0xD0000000  }
0x3: {  	_ = 	snop  }
0x4: {  	_ = 	snop  }
0x5: {  	_ = 	snop  }
0x6: {  	_ = 	snop  }
0x7: {  	_ = 	snop  }
__scs_overlays_trampoline_lowered:
0x8: {  	[smem:$0x3FAA] =	sst s0  }
0x9: {  	[smem:$0x3FAB] =	sst s1  }
0xa: {  	[smem:$0x3FAC] =	sst s2  }
0xb: {  	[smem:$0x3FAD] =	sst s3  }
0xc: {  	[smem:$0x3FAE] =	sst s4  }
0xd: {  	[smem:$0x3FAF] =	sst s5  }
0xe: {  	[smem:$0x3FB0] =	sst s6  }
0xf: {  	[smem:$0x3FB1] =	sst s7  }
0x10: {  	[smem:$0x3FB2] =	sst s8  }
0x11: {  	[smem:$0x3FB3] =	sst s9;
	s0 =	simm.s32 @!p0 $0x0  }
0x12: {  	s1 =	sld [smem:$0x3F99];
	s0 =	simm.s32 @p0 $0x1  }
0x13: {  	[smem:$0x3FB4] =	sst s0;
	s0 =	simm.s32 @!p1 $0x0  }
0x14: {  	s2 =	sld [smem:$0x3F98];
	s0 =	simm.s32 @p1 $0x1  }
0x15: {  	[smem:$0x3FB5] =	sst s0;
	s0 =	simm.s32 @!p2 $0x0  }
0x16: {  	s3 =	sld [smem:$0x3FDB];
	s0 =	simm.s32 @p2 $0x1  }
0x17: {  	s4 =	simm.s32 $0x1BF5;
	[smem:$0x3FB7] =	sst s0  }
0x18: {  	s0 =	sld [smem:$0x3F9A];
	_ =	swait.ge [sflag:s4], $0x0  }
0x19: {  	s7 =	sld [smem:$0x3F9B]  }
0x1a: {  	s8 =	sadd.s32 $0xFFFFE003, lr  }
0x1b: {  	s9 =	sadd.s32 $0xFFFFFEF7, lr;
	s5 =	simm.s32 $0xFFFFFFFF;
	p2 =	slt.u32 s8, $0xFFFFF086  }
0x1c: {  	p1 =	slt.u32 s9, $0xF7A;
	s5 =	simm.s32 @!p2 $0x0  }
0x1d: {  	s5 =	simm.s32 @p1 $0x1;
	p0 =	seq.s32 s7, s2  }
0x1e: {  	s7 =	smul.u32 @!p0 $0xF7A, s2;
	p2 =	seq.s32 @!p0 s5, $0x0  }
0x1f: {  	s9 =	smul.u32 $0xF7A, s1;
	s8 =	simm.s32 @!p0 $0x1BF5;
	p2 =	por !p2, p0  }
0x20: {  	[sflag:s8] =	ssyncset.s32 @!p0 $0xFFFFF086;
	s6 =	sadd.s32 @!p0 s3, s7;
	s7 =	simm.s32 @!p0 $0x108  }
0x21: {  	s3 =	sadd.s32 s3, s9;
	s6 =	sadd.s32 @!p0 $0x88, s6;
	s7 =	simm.s32 @p2 $0x1082  }
0x22: {  	[simem:s7], [sflag:s8] =	dma.local @!p0 [hbm:s6], $0xF7A  }
0x23: {  	s9 =	sor.u32 $0xD0000000, s2;
	s6 =	simm.s32 $0x108;
	_ =	swait.ge @!p0 [sflag:s8], $0x0  }
0x24: {  	s3 =	sadd.s32 $0x88, s3;
	s6 =	simm.s32 @!p1 $0x1082;
	[sflag:s4] =	ssyncset.s32 $0xFFFFF086  }
0x25: {  	[simem:s6], [sflag:s4] =	dma.local [hbm:s3], $0xF7A  }
0x26: {  	[smem:$0x3F9B] =	sst s1;
	(tag) =	ssettag s2;
	_ =	strace s9  }
0x27: {  	s1 =	sld [smem:$0x3FAB]  }
0x28: {  	s2 =	sld [smem:$0x3FAC]  }
0x29: {  	s4 =	sld [smem:$0x3FAE]  }
0x2a: {  	p0 =	seq.s32 s5, $0x0;
	s5 =	sld [smem:$0x3FAF]  }
0x2b: {  	s6 =	sld [smem:$0x3FB0]  }
0x2c: {  	s7 =	sld [smem:$0x3FB1]  }
0x2d: {  	s3 =	simm.s32 $0x108;
	s8 =	sld [smem:$0x3FB2]  }
0x2e: {  	s3 =	simm.s32 @!p0 $0x1082;
	s9 =	sld [smem:$0x3FB3]  }
0x2f: {  	lr =	sadd.s32 s0, s3;
	s0 =	sld [smem:$0x3FAA]  }
0x30: {  	s3 =	sld [smem:$0x3FAD]  }
0x31: {  	[smem:$0x3FB6] =	sst s10  }
0x32: {  	s10 =	sld [smem:$0x3FB4];
	_ =	sdelay $0x3  }
0x33: {  	p0 =	seq.s32 s10, $0x1;
	s10 =	sld [smem:$0x3FB6];
	_ =	sdelay $0x3  }
0x34: {  	[smem:$0x3FB6] =	sst s10  }
0x35: {  	s10 =	sld [smem:$0x3FB5];
	_ =	sdelay $0x3  }
0x36: {  	p1 =	seq.s32 s10, $0x1;
	s10 =	sld [smem:$0x3FB6];
	_ =	sdelay $0x3  }
0x37: {  	[smem:$0x3FB6] =	sst s10  }
0x38: {  	s10 =	sld [smem:$0x3FB7]  }
0x39: {  	_ = 	snop;
	(pc) =	sbr.ind lr, $3  }
0x3a: {  	_ = 	snop  }
0x3b: {  	_ = 	snop  }
0x3c: {  	p2 =	seq.s32 s10, $0x1;
	s10 =	sld [smem:$0x3FB6]  }
0x3d: {  	_ =	shalt  }
0x3e: {  	_ =	shalt  }
0x3f: {  	_ =	shalt  }
0x40: {  	_ =	shalt  }
0x41: {  	_ =	shalt  }
0x42: {  	_ =	shalt  }
0x43: {  	_ =	shalt  }
0x44: {  	_ =	shalt  }
0x45: {  	_ =	shalt  }
0x46: {  	_ =	shalt  }
0x47: {  	_ =	shalt  }
0x48: {  	_ =	shalt  }
0x49: {  	_ =	shalt  }
0x4a: {  	_ =	shalt  }
0x4b: {  	_ =	shalt  }
0x4c: {  	_ =	shalt  }
0x4d: {  	_ =	shalt  }
0x4e: {  	_ =	shalt  }
0x4f: {  	_ =	shalt  }
0x50: {  	_ =	shalt  }
0x51: {  	_ =	shalt  }
0x52: {  	_ =	shalt  }
0x53: {  	_ =	shalt  }
0x54: {  	_ =	shalt  }
0x55: {  	_ =	shalt  }
0x56: {  	_ =	shalt  }
0x57: {  	_ =	shalt  }
0x58: {  	_ =	shalt  }
0x59: {  	_ =	shalt  }
0x5a: {  	_ =	shalt  }
0x5b: {  	_ =	shalt  }
0x5c: {  	_ =	shalt  }
0x5d: {  	_ =	shalt  }
0x5e: {  	_ =	shalt  }
0x5f: {  	_ =	shalt  }
0x60: {  	_ =	shalt  }
0x61: {  	_ =	shalt  }
0x62: {  	_ =	shalt  }
0x63: {  	_ =	shalt  }
0x64: {  	_ =	shalt  }
0x65: {  	_ =	shalt  }
0x66: {  	_ =	shalt  }
0x67: {  	_ =	shalt  }
0x68: {  	_ =	shalt  }
0x69: {  	_ =	shalt  }
0x6a: {  	_ =	shalt  }
0x6b: {  	_ =	shalt  }
0x6c: {  	_ =	shalt  }
0x6d: {  	_ =	shalt  }
0x6e: {  	_ =	shalt  }
0x6f: {  	_ =	shalt  }
0x70: {  	_ =	shalt  }
0x71: {  	_ =	shalt  }
0x72: {  	_ =	shalt  }
0x73: {  	_ =	shalt  }
0x74: {  	_ =	shalt  }
0x75: {  	_ =	shalt  }
0x76: {  	_ =	shalt  }
0x77: {  	_ =	shalt  }
0x78: {  	_ =	shalt  }
0x79: {  	_ =	shalt  }
0x7a: {  	_ =	shalt  }
0x7b: {  	_ =	shalt  }
0x7c: {  	_ =	shalt  }
0x7d: {  	_ =	shalt  }
0x7e: {  	_ =	shalt  }
0x7f: {  	_ =	shalt  }
0x80: {  	_ =	shalt  }
0x81: {  	_ =	shalt  }
0x82: {  	_ =	shalt  }
0x83: {  	_ =	shalt  }
0x84: {  	_ =	shalt  }
0x85: {  	_ =	shalt  }
0x86: {  	_ =	shalt  }
0x87: {  	_ =	shalt  }
.Lfunc_end0:
.L_simem_size_0:
called_computation.9_lowered:
.L_overlay_start_0:
0x88: {  	s2 =	sld [smem:$0x3FD9]  }
0x89: {  	s3 =	sld [smem:$0x3FFE];
	_ =	sdelay $0x1  }
0x8a: {  	s1 =	srdreg.scid  }
0x8b: {  	s0 =	sand.u32 $0x1, s1  }
0x8c: {  	s17 =	sshll.u32 s0, $0xA;
	s2 =	sadd.s32 s3, s2  }
0x8d: {  	s2 =	sadd.s32 s2, s17  }
0x8e: {  	[smem:$0x3FC2] =	sst s2  }
0x8f: {  	_ = 	snop  }
0x90: {  	s2 =	sld [smem:$0x3FD0];
	(tm) =	ssettm $0x1  }
0x91: {  	s18 =	sld [smem:$0x3FFB];
	_ =	sdelay $0x3  }
0x92: {  	_ =	strace s18  }
0x93: {  	s3 =	sld [smem:$0x3FFC];
	_ =	sdelay $0x3  }
0x94: {  	_ =	strace s3  }
0x95: {  	s3 =	sld [smem:$0x3FFD];
	_ =	sdelay $0x3  }
0x96: {  	_ =	strace s3  }
0x97: {  	_ =	strace $0x8FFFFFFF  }
0x98: {  	s19 =	sld [smem:$0x3FDB];
	_ =	sdelay $0x1  }
0x99: {  	s4 =	simm.s32 $_scs_section_size  }
0x9a: {  	s5 =	simm.s32 $_size__tile_overlayer_lowered;
	s6 =	simm.s32 $_tile_overlayer_lowered  }
0x9b: {  	s22 =	simm.s32 $0x1BFF;
	s21 =	sshll.u32 s6, $0x1;
	s3 =	sadd.s32 s4, s19  }
0x9c: {  	s7 =	simm.s32 $0x0;
	s20 =	sshll.u32 s5, $0x1;
	s5 =	sadd.s32 s21, s3  }
0x9d: {  	[timem:s7], [sflag:s22] =	dma.local [hbm:s5], s20  }
0x9e: {  	_ =	swait.ge [sflag:s22], s20  }
0x9f: {  	s4 =	ssub.s32 $0x0, s20;
	[sflag:s22] =	ssyncset.done $0x0  }
0xa0: {  	[sflag:s22] =	ssyncadd.s32 s4;
	_ =	sdelay $0x1  }
0xa1: {  	s23 =	simm.s32 $0x1B8B  }
0xa2: {  	_ =	swait.ge [sflag:s23], $0x1  }
0xa3: {  	[sflag:s23] =	ssyncset.done $0x0  }
0xa4: {  	s25 =	simm.s32 $0x1B8E;
	s24 =	sld [smem:$0x3FFE];
	[sflag:s23] =	ssyncadd.s32 $0xFFFFFFFF  }
0xa5: {  	s26 =	simm.s32 $execute0_lowered;
	[smem:$0x3FD2] =	sst s25  }
0xa6: {  	s5 =	sshll.u32 s26, $0x1;
	_ =	strace $0x80000061;
	[dreg:$0x1] =	wrdreg $0xFFFFFFFF  }
0xa7: {  	s28 =	simm.s32 $_size_execute0_lowered;
	s3 =	sadd.s32 s3, s5;
	[dreg:$0x0] =	wrdreg $0x0  }
0xa8: {  	s5 =	sshll.u32 s28, $0x1;
	[dreg:$0x2] =	wrdreg s3  }
0xa9: {  	[dreg:$0x3] =	wrdreg s5  }
0xaa: {  	[dreg:$0x4] =	wrdreg $0xC0  }
0xab: {  	_ =	task [dreg:s7], $0x5FFFF  }
0xac: {  	[dreg:$0x1] =	wrdreg $0xFFFFFFFF  }
0xad: {  	[dreg:$0x0] =	wrdreg $0x60  }
0xae: {  	[dreg:$0x2] =	wrdreg s24  }
0xaf: {  	[dreg:$0x3] =	wrdreg s2  }
0xb0: {  	[dreg:$0x4] =	wrdreg $0x9  }
0xb1: {  	_ =	task.clear_ibuf [dreg:s7], $0x5FFFF;
	_ =	strace $0x90000061  }
0xb2: {  	s29 =	simm.s32 $0x9;
	_ =	strace $0x80000063  }
0xb3: {  	_ =	swait.ge [sflag:s29], $0x1  }
0xb4: {  	[sflag:s29] =	ssyncadd.s32 $0xFFFFFFFF  }
0xb5: {  	_ =	strace $0x90000063  }
0xb6: {  	_ =	sfence  }
0xb7: {  	s30 =	sld [smem:$0x0];
	_ =	sdelay $0x2  }
0xb8: {  	s31 =	sshll.u32 s1, $0xD;
	s1 =	sshrl.u32 s1, $0x2  }
0xb9: {  	s3 =	sand.u32 $0x4000, s31;
	s1 =	sadd.s32 s1, s30  }
0xba: {  	s0 =	sor.u32 s3, s0;
	s1 =	sshll.u32 s1, $0x11  }
0xbb: {  	s0 =	sor.u32 s1, s0  }
0xbc: {  	s0 =	sadd.s32 $0x8F2B, s0  }
0xbd: {  	[sflag:s0] =	ssyncadd.remote.s32 $0x1  }
0xbe: {  	_ =	sfence.sel $0xFFFF  }
0xbf: {  	[dreg:$0x0] =	wrdreg $0xFFFFFFFF;
	(pc) =	sbr.abs _section_cstart, $3  }
0xc0: {  	[dreg:$0x1] =	wrdreg $0xFFFFFFFF  }
0xc1: {  	_ =	task.clear_ibuf [dreg:s7], $0x2FFFF;
	_ =	strace $0x9FFFFFFF  }
0xc2: {  	(tm) =	ssettm $0x7FFFFFFF  }
0xc3: {  	_ =	shalt  }
tec
execute0_lowered:
.L_overlay_start_1:
0x0: {  	(tag) =	ssettag $0x1  }
0x1: {  	s1 =	srdreg.scid;
	s0 =	stileid.u32  }
0x2: {  	s8 =	sand.u32 $0x1, s1;
	s30 =	sshll.u32 s0, $0x1  }
0x3: {  	s6 =	rddreg [dreg:$0x0];
	s7 =	sor.u32 s8, s30  }
0x4: {  	s2 =	rddreg [dreg:$0x1];
	s3 =	simm.s32 $0x0;
	s4 =	sshll.u32 s7, $0x2  }
0x5: {  	s5 =	simm.s32 $0x2;
	[smem:$0x7FF] =	sst s3;
	s4 =	sadd.s32 s4, s6  }
0x6: {  	s1 =	rddreg [dreg:$0x2];
	_ =	strace $0x80000062;
	s4 =	sadd.s32 $0x14200, s4  }
0x7: {  	[tilespmem:s3], [sflag:$0x2] =	stream.linear.gather [hbm4b:s4+s3], $0x20, $0x38;
	[tilespmem:$0x1100] =	vst v63  }
0x8: {  	s7 =	sshll.u32 s7, $0x9;
	_ =	swait.ge [sflag:s5], $0x20  }
0x9: {  	s6 =	sadd.s32 s7, s6;
	[sflag:s5] =	ssyncset.done $0x0  }
0xa: {  	s7 =	simm.s32 $0x100;
	s6 =	sadd.s32 $0xB400, s6;
	[sflag:s5] =	ssyncadd.s32 $0xFFFFFFE0  }
0xb: {  	[tilespmem:s7], [sflag:$0x2] =	stream.linear.gather [hbm4b:s6+s3], $0x1000, $0x38;
	[tilespmem:$0x1100] =	vst v63  }
0xc: {  	_ =	swait.ge [sflag:s5], $0x1000  }
0xd: {  	[sflag:s5] =	ssyncset.done $0x0  }
0xe: {  	[sflag:s5] =	ssyncadd.s32 $0xFFFFF000  }
0xf: {  	s8 =	ssub.s32 $0x2, s8;
	v1 =	vld [tilespmem:$0x0]  }
0x10: {  	s31 =	sshrl.u32 s8, $0x1;
	v2 =	vld [tilespmem:$0x10]  }
0x11: {  	s9 =	sshll.u32 s0, $0xA;
	s8 =	ssub.s32 s8, s31  }
0x12: {  	s9 =	sand.u32 $0x3800, s9;
	s11 =	smax.u32 s8, $0x1  }
0x13: {  	v0 =	vmov s9;
	p0 =	sne.s32 s11, $0x1  }
.Ltmp0:
0x14: {  	v1 =	vadd.s32 v0, v1;
	(pc) =	sbr.rel @!p0 .LBB2_2-.Ltmp0, $4  }
0x15: {  	[tilespmem:$0x80] =	vst v1;
	v1 =	vadd.s32 v0, v2  }
0x16: {  	s10 =	simm.s32 $0x1;
	s9 =	simm.s32 $0x80;
	s8 =	simm.s32 $0x20;
	[tilespmem:$0x90] =	vst v1  }
0x17: {  	[hbm4b:s2+s8] =	stream.indirect.scatter [tilespmem:s7], [sflag:$0x1], $0x80, s9, s8, $0xb8;
	[tilespmem:$0x1100] =	vst v63  }
0x18: {  	s11 =	sadd.s32 $0xFFFFFFFF, s11;
	_ =	swait.ge [sflag:s10], $0x1000  }
.LBB2_1:
0x19: {  	p0 =	sne.s32 s11, $0x1;
	s11 =	sadd.s32 $0xFFFFFFFF, s11;
	[sflag:s10] =	ssyncset.done $0x0  }
0x1a: {  	[sflag:s10] =	ssyncadd.s32 $0xFFFFF000  }
0x1b: {  	[tilespmem:s3], [sflag:$0x2] =	stream.linear.gather [hbm4b:s4+s3], $0x20, $0x38;
	[tilespmem:$0x1100] =	vst v63  }
0x1c: {  	_ =	swait.ge [sflag:s5], $0x20  }
0x1d: {  	[sflag:s5] =	ssyncset.done $0x0  }
0x1e: {  	[sflag:s5] =	ssyncadd.s32 $0xFFFFFFE0  }
0x1f: {  	[tilespmem:s7], [sflag:$0x2] =	stream.linear.gather [hbm4b:s6+s3], $0x1000, $0x38;
	[tilespmem:$0x1100] =	vst v63  }
0x20: {  	_ =	swait.ge [sflag:s5], $0x1000  }
0x21: {  	[sflag:s5] =	ssyncset.done $0x0  }
0x22: {  	[sflag:s5] =	ssyncadd.s32 $0xFFFFF000  }
0x23: {  	v1 =	vld [tilespmem:$0x0]  }
0x24: {  	v2 =	vld [tilespmem:$0x10];
	_ =	sdelay $0x3  }
.Ltmp1:
0x25: {  	v1 =	vadd.s32 v0, v1;
	(pc) =	sbr.rel @p0 .LBB2_1-.Ltmp1, $4  }
0x26: {  	[tilespmem:$0x80] =	vst v1;
	v1 =	vadd.s32 v0, v2  }
0x27: {  	[tilespmem:$0x90] =	vst v1  }
0x28: {  	[hbm4b:s2+s8] =	stream.indirect.scatter [tilespmem:s7], [sflag:$0x1], $0x80, s9, s8, $0xb8;
	[tilespmem:$0x1100] =	vst v63  }
0x29: {  	_ =	swait.ge [sflag:s10], $0x1000  }
.LBB2_2:
0x2a: {  	[sflag:s10] =	ssyncset.done $0x0  }
0x2b: {  	[sflag:s10] =	ssyncadd.s32 $0xFFFFF000  }
0x2c: {  	_ =	sfence.sel $0x180000  }
0x2d: {  	[bflag:$0x0] =	sbarrier.arrive $0xFFFF  }
0x2e: {  	p0 =	sne.s32 s0, $0x0;
	_ =	strace $0x90000062  }
0x2f: {  	s0 =	sadd.s32 @!p0 $0x100000, s1;
	[bflag:$0x2] =	sbarrier.arrive $0xFFFF  }
0x30: {  	[sflag:s0] =	ssyncadd.tile.s32 @!p0 $0x1;
	_ =	shalt  }
.Lfunc_end2:
_tile_overlayer_lowered:
.L_overlay_start_2:
0x31: {  	(tag) =	ssettag $0x2  }
0x32: {  	s0 =	rddreg [dreg:$0x0];
	s2 =	stileid.u32  }
0x33: {  	s1 =	rddreg [dreg:$0x1];
	p0 =	sne.s32 s2, $0x0  }
0x34: {  	s3 =	rddreg [dreg:$0x2];
	[bflag:$0x3] =	sbarrier.arrive $0xFFFF;
	s2 =	simm.s32 @!p0 $0x1C02  }
0x35: {  	[timem:s3], [sflag:s2] =	dma.local @!p0 [hbm:s0], s1  }
0x36: {  	s0 =	simm.s32 @!p0 $0x2  }
0x37: {  	_ =	swait.ge @!p0 [sflag:s0], s1  }
0x38: {  	s1 =	ssub.s32 @!p0 $0x0, s1;
	[sflag:s0] =	ssyncset.done @!p0 $0x0  }
0x39: {  	[sflag:s0] =	ssyncadd.s32 @!p0 s1  }
0x3a: {  	[bflag:$0x3] =	sbarrier.arrive $0xFFFF  }
0x3b: {  	_ =	shalt  }

// kernel: run.56.cloned.1.call-start
scs
__scs_entry_jumppad:
0x0: {  	(pc) =	sbr.rel $0x88, $3  }
0x1: {  	(tag) =	ssettag $0x0;
	lr =	simm.s32 $0x1  }
0x2: {  	[smem:$0x3F9B] =	sst lr;
	_ =	strace $0xD0000000  }
0x3: {  	_ = 	snop  }
0x4: {  	_ = 	snop  }
0x5: {  	_ = 	snop  }
0x6: {  	_ = 	snop  }
0x7: {  	_ = 	snop  }
__scs_overlays_trampoline_lowered:
0x8: {  	[smem:$0x3FAA] =	sst s0  }
0x9: {  	[smem:$0x3FAB] =	sst s1  }
0xa: {  	[smem:$0x3FAC] =	sst s2  }
0xb: {  	[smem:$0x3FAD] =	sst s3  }
0xc: {  	[smem:$0x3FAE] =	sst s4  }
0xd: {  	[smem:$0x3FAF] =	sst s5  }
0xe: {  	[smem:$0x3FB0] =	sst s6  }
0xf: {  	[smem:$0x3FB1] =	sst s7  }
0x10: {  	[smem:$0x3FB2] =	sst s8  }
0x11: {  	[smem:$0x3FB3] =	sst s9;
	s0 =	simm.s32 @!p0 $0x0  }
0x12: {  	s1 =	sld [smem:$0x3F99];
	s0 =	simm.s32 @p0 $0x1  }
0x13: {  	[smem:$0x3FB4] =	sst s0;
	s0 =	simm.s32 @!p1 $0x0  }
0x14: {  	s2 =	sld [smem:$0x3F98];
	s0 =	simm.s32 @p1 $0x1  }
0x15: {  	[smem:$0x3FB5] =	sst s0;
	s0 =	simm.s32 @!p2 $0x0  }
0x16: {  	s3 =	sld [smem:$0x3FDB];
	s0 =	simm.s32 @p2 $0x1  }
0x17: {  	s4 =	simm.s32 $0x1BF5;
	[smem:$0x3FB7] =	sst s0  }
0x18: {  	s0 =	sld [smem:$0x3F9A];
	_ =	swait.ge [sflag:s4], $0x0  }
0x19: {  	s7 =	sld [smem:$0x3F9B]  }
0x1a: {  	s8 =	sadd.s32 $0xFFFFE003, lr  }
0x1b: {  	s9 =	sadd.s32 $0xFFFFFEF7, lr;
	s5 =	simm.s32 $0xFFFFFFFF;
	p2 =	slt.u32 s8, $0xFFFFF086  }
0x1c: {  	p1 =	slt.u32 s9, $0xF7A;
	s5 =	simm.s32 @!p2 $0x0  }
0x1d: {  	s5 =	simm.s32 @p1 $0x1;
	p0 =	seq.s32 s7, s2  }
0x1e: {  	s7 =	smul.u32 @!p0 $0xF7A, s2;
	p2 =	seq.s32 @!p0 s5, $0x0  }
0x1f: {  	s9 =	smul.u32 $0xF7A, s1;
	s8 =	simm.s32 @!p0 $0x1BF5;
	p2 =	por !p2, p0  }
0x20: {  	[sflag:s8] =	ssyncset.s32 @!p0 $0xFFFFF086;
	s6 =	sadd.s32 @!p0 s3, s7;
	s7 =	simm.s32 @!p0 $0x108  }
0x21: {  	s3 =	sadd.s32 s3, s9;
	s6 =	sadd.s32 @!p0 $0x88, s6;
	s7 =	simm.s32 @p2 $0x1082  }
0x22: {  	[simem:s7], [sflag:s8] =	dma.local @!p0 [hbm:s6], $0xF7A  }
0x23: {  	s9 =	sor.u32 $0xD0000000, s2;
	s6 =	simm.s32 $0x108;
	_ =	swait.ge @!p0 [sflag:s8], $0x0  }
0x24: {  	s3 =	sadd.s32 $0x88, s3;
	s6 =	simm.s32 @!p1 $0x1082;
	[sflag:s4] =	ssyncset.s32 $0xFFFFF086  }
0x25: {  	[simem:s6], [sflag:s4] =	dma.local [hbm:s3], $0xF7A  }
0x26: {  	[smem:$0x3F9B] =	sst s1;
	(tag) =	ssettag s2;
	_ =	strace s9  }
0x27: {  	s1 =	sld [smem:$0x3FAB]  }
0x28: {  	s2 =	sld [smem:$0x3FAC]  }
0x29: {  	s4 =	sld [smem:$0x3FAE]  }
0x2a: {  	p0 =	seq.s32 s5, $0x0;
	s5 =	sld [smem:$0x3FAF]  }
0x2b: {  	s6 =	sld [smem:$0x3FB0]  }
0x2c: {  	s7 =	sld [smem:$0x3FB1]  }
0x2d: {  	s3 =	simm.s32 $0x108;
	s8 =	sld [smem:$0x3FB2]  }
0x2e: {  	s3 =	simm.s32 @!p0 $0x1082;
	s9 =	sld [smem:$0x3FB3]  }
0x2f: {  	lr =	sadd.s32 s0, s3;
	s0 =	sld [smem:$0x3FAA]  }
0x30: {  	s3 =	sld [smem:$0x3FAD]  }
0x31: {  	[smem:$0x3FB6] =	sst s10  }
0x32: {  	s10 =	sld [smem:$0x3FB4];
	_ =	sdelay $0x3  }
0x33: {  	p0 =	seq.s32 s10, $0x1;
	s10 =	sld [smem:$0x3FB6];
	_ =	sdelay $0x3  }
0x34: {  	[smem:$0x3FB6] =	sst s10  }
0x35: {  	s10 =	sld [smem:$0x3FB5];
	_ =	sdelay $0x3  }
0x36: {  	p1 =	seq.s32 s10, $0x1;
	s10 =	sld [smem:$0x3FB6];
	_ =	sdelay $0x3  }
0x37: {  	[smem:$0x3FB6] =	sst s10  }
0x38: {  	s10 =	sld [smem:$0x3FB7]  }
0x39: {  	_ = 	snop;
	(pc) =	sbr.ind lr, $3  }
0x3a: {  	_ = 	snop  }
0x3b: {  	_ = 	snop  }
0x3c: {  	p2 =	seq.s32 s10, $0x1;
	s10 =	sld [smem:$0x3FB6]  }
0x3d: {  	_ =	shalt  }
0x3e: {  	_ =	shalt  }
0x3f: {  	_ =	shalt  }
0x40: {  	_ =	shalt  }
0x41: {  	_ =	shalt  }
0x42: {  	_ =	shalt  }
0x43: {  	_ =	shalt  }
0x44: {  	_ =	shalt  }
0x45: {  	_ =	shalt  }
0x46: {  	_ =	shalt  }
0x47: {  	_ =	shalt  }
0x48: {  	_ =	shalt  }
0x49: {  	_ =	shalt  }
0x4a: {  	_ =	shalt  }
0x4b: {  	_ =	shalt  }
0x4c: {  	_ =	shalt  }
0x4d: {  	_ =	shalt  }
0x4e: {  	_ =	shalt  }
0x4f: {  	_ =	shalt  }
0x50: {  	_ =	shalt  }
0x51: {  	_ =	shalt  }
0x52: {  	_ =	shalt  }
0x53: {  	_ =	shalt  }
0x54: {  	_ =	shalt  }
0x55: {  	_ =	shalt  }
0x56: {  	_ =	shalt  }
0x57: {  	_ =	shalt  }
0x58: {  	_ =	shalt  }
0x59: {  	_ =	shalt  }
0x5a: {  	_ =	shalt  }
0x5b: {  	_ =	shalt  }
0x5c: {  	_ =	shalt  }
0x5d: {  	_ =	shalt  }
0x5e: {  	_ =	shalt  }
0x5f: {  	_ =	shalt  }
0x60: {  	_ =	shalt  }
0x61: {  	_ =	shalt  }
0x62: {  	_ =	shalt  }
0x63: {  	_ =	shalt  }
0x64: {  	_ =	shalt  }
0x65: {  	_ =	shalt  }
0x66: {  	_ =	shalt  }
0x67: {  	_ =	shalt  }
0x68: {  	_ =	shalt  }
0x69: {  	_ =	shalt  }
0x6a: {  	_ =	shalt  }
0x6b: {  	_ =	shalt  }
0x6c: {  	_ =	shalt  }
0x6d: {  	_ =	shalt  }
0x6e: {  	_ =	shalt  }
0x6f: {  	_ =	shalt  }
0x70: {  	_ =	shalt  }
0x71: {  	_ =	shalt  }
0x72: {  	_ =	shalt  }
0x73: {  	_ =	shalt  }
0x74: {  	_ =	shalt  }
0x75: {  	_ =	shalt  }
0x76: {  	_ =	shalt  }
0x77: {  	_ =	shalt  }
0x78: {  	_ =	shalt  }
0x79: {  	_ =	shalt  }
0x7a: {  	_ =	shalt  }
0x7b: {  	_ =	shalt  }
0x7c: {  	_ =	shalt  }
0x7d: {  	_ =	shalt  }
0x7e: {  	_ =	shalt  }
0x7f: {  	_ =	shalt  }
0x80: {  	_ =	shalt  }
0x81: {  	_ =	shalt  }
0x82: {  	_ =	shalt  }
0x83: {  	_ =	shalt  }
0x84: {  	_ =	shalt  }
0x85: {  	_ =	shalt  }
0x86: {  	_ =	shalt  }
0x87: {  	_ =	shalt  }
.Lfunc_end0:
.L_simem_size_0:
called_computation.10_lowered:
.L_overlay_start_0:
0x88: {  	s2 =	sld [smem:$0x3FD9]  }
0x89: {  	s3 =	sld [smem:$0x3FFE];
	_ =	sdelay $0x1  }
0x8a: {  	s1 =	srdreg.scid  }
0x8b: {  	s0 =	sand.u32 $0x1, s1  }
0x8c: {  	s17 =	sshll.u32 s0, $0xA;
	s2 =	sadd.s32 s3, s2  }
0x8d: {  	s2 =	sadd.s32 s2, s17  }
0x8e: {  	[smem:$0x3FC2] =	sst s2  }
0x8f: {  	_ = 	snop  }
0x90: {  	s2 =	sld [smem:$0x3FC8]  }
0x91: {  	s18 =	sld [smem:$0x3FD0];
	(tm) =	ssettm $0x1  }
0x92: {  	s4 =	sld [smem:$0x3FFB];
	_ =	sdelay $0x3  }
0x93: {  	_ =	strace s4  }
0x94: {  	s4 =	sld [smem:$0x3FFC];
	_ =	sdelay $0x3  }
0x95: {  	_ =	strace s4  }
0x96: {  	s4 =	sld [smem:$0x3FFD];
	_ =	sdelay $0x3  }
0x97: {  	_ =	strace s4  }
0x98: {  	_ =	strace $0x8FFFFFFF  }
0x99: {  	s19 =	sld [smem:$0x3FDB];
	_ =	sdelay $0x1  }
0x9a: {  	s5 =	simm.s32 $_scs_section_size  }
0x9b: {  	s6 =	simm.s32 $_size__tile_overlayer_lowered;
	s7 =	simm.s32 $_tile_overlayer_lowered  }
0x9c: {  	s22 =	simm.s32 $0x1BFF;
	s21 =	sshll.u32 s7, $0x1;
	s4 =	sadd.s32 s5, s19  }
0x9d: {  	s8 =	simm.s32 $0x0;
	s20 =	sshll.u32 s6, $0x1;
	s6 =	sadd.s32 s21, s4  }
0x9e: {  	[timem:s8], [sflag:s22] =	dma.local [hbm:s6], s20  }
0x9f: {  	_ =	swait.ge [sflag:s22], s20  }
0xa0: {  	s5 =	ssub.s32 $0x0, s20;
	[sflag:s22] =	ssyncset.done $0x0  }
0xa1: {  	[sflag:s22] =	ssyncadd.s32 s5;
	_ =	sdelay $0x1  }
0xa2: {  	s23 =	simm.s32 $0x1B8B  }
0xa3: {  	_ =	swait.ge [sflag:s23], $0x1  }
0xa4: {  	[sflag:s23] =	ssyncset.done $0x0  }
0xa5: {  	s25 =	simm.s32 $0x1B8E;
	s24 =	sld [smem:$0x3FFE];
	[sflag:s23] =	ssyncadd.s32 $0xFFFFFFFF  }
0xa6: {  	s26 =	simm.s32 $execute0_lowered;
	[smem:$0x3FD2] =	sst s25  }
0xa7: {  	s6 =	sshll.u32 s26, $0x1;
	_ =	strace $0x80000064;
	[dreg:$0x1] =	wrdreg $0xFFFFFFFF  }
0xa8: {  	s28 =	simm.s32 $_size_execute0_lowered;
	s4 =	sadd.s32 s4, s6;
	[dreg:$0x0] =	wrdreg $0x0  }
0xa9: {  	s6 =	sshll.u32 s28, $0x1;
	[dreg:$0x2] =	wrdreg s4  }
0xaa: {  	[dreg:$0x3] =	wrdreg s6  }
0xab: {  	[dreg:$0x4] =	wrdreg $0xC0  }
0xac: {  	_ =	task [dreg:s8], $0x5FFFF  }
0xad: {  	[dreg:$0x1] =	wrdreg $0xFFFFFFFF  }
0xae: {  	[dreg:$0x0] =	wrdreg $0x60  }
0xaf: {  	[dreg:$0x2] =	wrdreg s24  }
0xb0: {  	[dreg:$0x3] =	wrdreg s2  }
0xb1: {  	[dreg:$0x4] =	wrdreg s18  }
0xb2: {  	[dreg:$0x5] =	wrdreg $0x9  }
0xb3: {  	_ =	task.clear_ibuf [dreg:s8], $0x6FFFF;
	_ =	strace $0x90000064  }
0xb4: {  	s29 =	simm.s32 $0x9;
	_ =	strace $0x80000066  }
0xb5: {  	_ =	swait.ge [sflag:s29], $0x1  }
0xb6: {  	[sflag:s29] =	ssyncadd.s32 $0xFFFFFFFF  }
0xb7: {  	_ =	strace $0x90000066  }
0xb8: {  	_ =	sfence  }
0xb9: {  	s30 =	sld [smem:$0x0];
	_ =	sdelay $0x2  }
0xba: {  	s31 =	sshll.u32 s1, $0xD;
	s1 =	sshrl.u32 s1, $0x2  }
0xbb: {  	s3 =	sand.u32 $0x4000, s31;
	s1 =	sadd.s32 s1, s30  }
0xbc: {  	s0 =	sor.u32 s3, s0;
	s1 =	sshll.u32 s1, $0x11  }
0xbd: {  	s0 =	sor.u32 s1, s0  }
0xbe: {  	s0 =	sadd.s32 $0x8F2B, s0  }
0xbf: {  	[sflag:s0] =	ssyncadd.remote.s32 $0x1  }
0xc0: {  	_ =	sfence.sel $0xFFFF  }
0xc1: {  	[dreg:$0x0] =	wrdreg $0xFFFFFFFF;
	(pc) =	sbr.abs _section_cstart, $3  }
0xc2: {  	[dreg:$0x1] =	wrdreg $0xFFFFFFFF  }
0xc3: {  	_ =	task.clear_ibuf [dreg:s8], $0x2FFFF;
	_ =	strace $0x9FFFFFFF  }
0xc4: {  	(tm) =	ssettm $0x7FFFFFFF  }
0xc5: {  	_ =	shalt  }
tec
execute0_lowered:
.L_overlay_start_1:
0x0: {  	(tag) =	ssettag $0x1  }
0x1: {  	s12 =	rddreg [dreg:$0x0]  }
0x2: {  	s1 =	srdreg.scid;
	s0 =	stileid.u32  }
0x3: {  	s2 =	rddreg [dreg:$0x1];
	s13 =	sand.u32 $0x1, s1;
	s30 =	sshll.u32 s0, $0x1  }
0x4: {  	s3 =	rddreg [dreg:$0x2];
	s14 =	sor.u32 s13, s30  }
0x5: {  	s4 =	simm.s32 $0x0;
	s1 =	rddreg [dreg:$0x3];
	s5 =	sshll.u32 s14, $0x2  }
0x6: {  	[smem:$0x7FF] =	sst s4;
	s5 =	sadd.s32 s5, s12  }
0x7: {  	_ =	strace $0x80000065;
	s6 =	sadd.s32 $0xAE00, s5;
	s5 =	simm.s32 $0x2  }
0x8: {  	[tilespmem:s4], [sflag:$0x2] =	stream.linear.gather [hbm4b:s6+s4], $0x20, $0x38;
	[tilespmem:$0x2100] =	vst v63  }
0x9: {  	_ =	swait.ge [sflag:s5], $0x20  }
0xa: {  	[sflag:s5] =	ssyncset.done $0x0  }
0xb: {  	[sflag:s5] =	ssyncadd.s32 $0xFFFFFFE0  }
0xc: {  	v1 =	vld [tilespmem:$0x0]  }
0xd: {  	v2 =	vld [tilespmem:$0x10]  }
0xe: {  	s7 =	sshll.u32 s0, $0xA  }
0xf: {  	s7 =	sand.u32 $0x3800, s7  }
0x10: {  	v0 =	vmov s7  }
0x11: {  	v1 =	vadd.s32 v0, v1  }
0x12: {  	s8 =	simm.s32 $0x80;
	[tilespmem:$0x80] =	vst v1;
	v1 =	vadd.s32 v0, v2  }
0x13: {  	s9 =	simm.s32 $0x100;
	s10 =	simm.s32 $0x1;
	s7 =	simm.s32 $0x20;
	[tilespmem:$0x90] =	vst v1  }
0x14: {  	[tilespmem:s9], [sflag:$0x1] =	stream.indirect.gather [hbm4b:s2+s7], $0x80, s8, s7, $0xb8;
	[tilespmem:$0x2100] =	vst v63  }
0x15: {  	_ =	swait.ge [sflag:s10], $0x1000  }
0x16: {  	s13 =	ssub.s32 $0x2, s13;
	[sflag:s10] =	ssyncset.done $0x0  }
0x17: {  	s11 =	simm.s32 $0x1100;
	s15 =	sshrl.u32 s13, $0x1;
	[sflag:s10] =	ssyncadd.s32 $0xFFFFF000  }
0x18: {  	[tilespmem:s11], [sflag:$0x1] =	stream.indirect.gather [hbm4b:s3+s7], $0x80, s8, s7, $0xb8;
	[tilespmem:$0x2100] =	vst v63  }
0x19: {  	s14 =	sshll.u32 s14, $0x9;
	s15 =	ssub.s32 s13, s15;
	_ =	swait.ge [sflag:s10], $0x1000  }
0x1a: {  	s14 =	sadd.s32 s14, s12;
	s31 =	smax.u32 s15, $0x1;
	[sflag:s10] =	ssyncset.done $0x0  }
0x1b: {  	s12 =	sadd.s32 $0xB400, s14;
	p0 =	sne.s32 s31, $0x1;
	[sflag:s10] =	ssyncadd.s32 $0xFFFFF000  }
0x1c: {  	[hbm4b:s12+s4] =	stream.linear.scatter [tilespmem:s9], [sflag:$0x2], $0x1000, $0x38;
	[tilespmem:$0x2100] =	vst v63  }
.Ltmp0:
0x1d: {  	_ =	swait.ge [sflag:s5], $0x1000;
	(pc) =	sbr.rel @!p0 .LBB2_2-.Ltmp0, $4  }
0x1e: {  	[sflag:s5] =	ssyncset.done $0x0  }
0x1f: {  	s13 =	sadd.s32 $0xF400, s14;
	[sflag:s5] =	ssyncadd.s32 $0xFFFFF000  }
0x20: {  	[hbm4b:s13+s4] =	stream.linear.scatter [tilespmem:s11], [sflag:$0x2], $0x1000, $0x38;
	[tilespmem:$0x2100] =	vst v63  }
0x21: {  	s14 =	sadd.s32 $0xFFFFFFFF, s31;
	_ =	swait.ge [sflag:s5], $0x1000  }
.LBB2_1:
0x22: {  	p0 =	sne.s32 s14, $0x1;
	s14 =	sadd.s32 $0xFFFFFFFF, s14;
	[sflag:s5] =	ssyncset.done $0x0  }
0x23: {  	[sflag:s5] =	ssyncadd.s32 $0xFFFFF000  }
0x24: {  	[tilespmem:s4], [sflag:$0x2] =	stream.linear.gather [hbm4b:s6+s4], $0x20, $0x38;
	[tilespmem:$0x2100] =	vst v63  }
0x25: {  	_ =	swait.ge [sflag:s5], $0x20  }
0x26: {  	[sflag:s5] =	ssyncset.done $0x0  }
0x27: {  	[sflag:s5] =	ssyncadd.s32 $0xFFFFFFE0  }
0x28: {  	v1 =	vld [tilespmem:$0x0]  }
0x29: {  	v2 =	vld [tilespmem:$0x10];
	_ =	sdelay $0x3  }
0x2a: {  	v1 =	vadd.s32 v0, v1  }
0x2b: {  	[tilespmem:$0x80] =	vst v1;
	v1 =	vadd.s32 v0, v2  }
0x2c: {  	[tilespmem:$0x90] =	vst v1  }
0x2d: {  	[tilespmem:s9], [sflag:$0x1] =	stream.indirect.gather [hbm4b:s2+s7], $0x80, s8, s7, $0xb8;
	[tilespmem:$0x2100] =	vst v63  }
0x2e: {  	_ =	swait.ge [sflag:s10], $0x1000  }
0x2f: {  	[sflag:s10] =	ssyncset.done $0x0  }
0x30: {  	[sflag:s10] =	ssyncadd.s32 $0xFFFFF000  }
0x31: {  	[tilespmem:s11], [sflag:$0x1] =	stream.indirect.gather [hbm4b:s3+s7], $0x80, s8, s7, $0xb8;
	[tilespmem:$0x2100] =	vst v63  }
0x32: {  	_ =	swait.ge [sflag:s10], $0x1000  }
0x33: {  	[sflag:s10] =	ssyncset.done $0x0  }
0x34: {  	[sflag:s10] =	ssyncadd.s32 $0xFFFFF000  }
0x35: {  	[hbm4b:s12+s4] =	stream.linear.scatter [tilespmem:s9], [sflag:$0x2], $0x1000, $0x38;
	[tilespmem:$0x2100] =	vst v63  }
.Ltmp1:
0x36: {  	_ =	swait.ge [sflag:s5], $0x1000;
	(pc) =	sbr.rel @p0 .LBB2_1-.Ltmp1, $4  }
0x37: {  	[sflag:s5] =	ssyncset.done $0x0  }
0x38: {  	[sflag:s5] =	ssyncadd.s32 $0xFFFFF000  }
0x39: {  	[hbm4b:s13+s4] =	stream.linear.scatter [tilespmem:s11], [sflag:$0x2], $0x1000, $0x38;
	[tilespmem:$0x2100] =	vst v63  }
0x3a: {  	_ =	swait.ge [sflag:s5], $0x1000  }
.LBB2_2:
0x3b: {  	[sflag:s5] =	ssyncset.done $0x0  }
0x3c: {  	[sflag:s5] =	ssyncadd.s32 $0xFFFFF000  }
0x3d: {  	_ =	sfence.sel $0x180000  }
0x3e: {  	[bflag:$0x0] =	sbarrier.arrive $0xFFFF  }
0x3f: {  	p0 =	sne.s32 s0, $0x0;
	_ =	strace $0x90000065  }
0x40: {  	s0 =	sadd.s32 @!p0 $0x100000, s1;
	[bflag:$0x2] =	sbarrier.arrive $0xFFFF  }
0x41: {  	[sflag:s0] =	ssyncadd.tile.s32 @!p0 $0x1;
	_ =	shalt  }
.Lfunc_end2:
_tile_overlayer_lowered:
.L_overlay_start_2:
0x42: {  	(tag) =	ssettag $0x2  }
0x43: {  	s0 =	rddreg [dreg:$0x0];
	s2 =	stileid.u32  }
0x44: {  	s1 =	rddreg [dreg:$0x1];
	p0 =	sne.s32 s2, $0x0  }
0x45: {  	s3 =	rddreg [dreg:$0x2];
	[bflag:$0x3] =	sbarrier.arrive $0xFFFF;
	s2 =	simm.s32 @!p0 $0x1C02  }
0x46: {  	[timem:s3], [sflag:s2] =	dma.local @!p0 [hbm:s0], s1  }
0x47: {  	s0 =	simm.s32 @!p0 $0x2  }
0x48: {  	_ =	swait.ge @!p0 [sflag:s0], s1  }
0x49: {  	s1 =	ssub.s32 @!p0 $0x0, s1;
	[sflag:s0] =	ssyncset.done @!p0 $0x0  }
0x4a: {  	[sflag:s0] =	ssyncadd.s32 @!p0 s1  }
0x4b: {  	[bflag:$0x3] =	sbarrier.arrive $0xFFFF  }
0x4c: {  	_ =	shalt  }

// kernel: run.59.cloned.1.call-start
scs
__scs_entry_jumppad:
0x0: {  	(pc) =	sbr.rel $0x88, $3  }
0x1: {  	(tag) =	ssettag $0x0;
	lr =	simm.s32 $0x1  }
0x2: {  	[smem:$0x3F9B] =	sst lr;
	_ =	strace $0xD0000000  }
0x3: {  	_ = 	snop  }
0x4: {  	_ = 	snop  }
0x5: {  	_ = 	snop  }
0x6: {  	_ = 	snop  }
0x7: {  	_ = 	snop  }
__scs_overlays_trampoline_lowered:
0x8: {  	[smem:$0x3FAA] =	sst s0  }
0x9: {  	[smem:$0x3FAB] =	sst s1  }
0xa: {  	[smem:$0x3FAC] =	sst s2  }
0xb: {  	[smem:$0x3FAD] =	sst s3  }
0xc: {  	[smem:$0x3FAE] =	sst s4  }
0xd: {  	[smem:$0x3FAF] =	sst s5  }
0xe: {  	[smem:$0x3FB0] =	sst s6  }
0xf: {  	[smem:$0x3FB1] =	sst s7  }
0x10: {  	[smem:$0x3FB2] =	sst s8  }
0x11: {  	[smem:$0x3FB3] =	sst s9;
	s0 =	simm.s32 @!p0 $0x0  }
0x12: {  	s1 =	sld [smem:$0x3F99];
	s0 =	simm.s32 @p0 $0x1  }
0x13: {  	[smem:$0x3FB4] =	sst s0;
	s0 =	simm.s32 @!p1 $0x0  }
0x14: {  	s2 =	sld [smem:$0x3F98];
	s0 =	simm.s32 @p1 $0x1  }
0x15: {  	[smem:$0x3FB5] =	sst s0;
	s0 =	simm.s32 @!p2 $0x0  }
0x16: {  	s3 =	sld [smem:$0x3FDB];
	s0 =	simm.s32 @p2 $0x1  }
0x17: {  	s4 =	simm.s32 $0x1BF5;
	[smem:$0x3FB7] =	sst s0  }
0x18: {  	s0 =	sld [smem:$0x3F9A];
	_ =	swait.ge [sflag:s4], $0x0  }
0x19: {  	s7 =	sld [smem:$0x3F9B]  }
0x1a: {  	s8 =	sadd.s32 $0xFFFFE003, lr  }
0x1b: {  	s9 =	sadd.s32 $0xFFFFFEF7, lr;
	s5 =	simm.s32 $0xFFFFFFFF;
	p2 =	slt.u32 s8, $0xFFFFF086  }
0x1c: {  	p1 =	slt.u32 s9, $0xF7A;
	s5 =	simm.s32 @!p2 $0x0  }
0x1d: {  	s5 =	simm.s32 @p1 $0x1;
	p0 =	seq.s32 s7, s2  }
0x1e: {  	s7 =	smul.u32 @!p0 $0xF7A, s2;
	p2 =	seq.s32 @!p0 s5, $0x0  }
0x1f: {  	s9 =	smul.u32 $0xF7A, s1;
	s8 =	simm.s32 @!p0 $0x1BF5;
	p2 =	por !p2, p0  }
0x20: {  	[sflag:s8] =	ssyncset.s32 @!p0 $0xFFFFF086;
	s6 =	sadd.s32 @!p0 s3, s7;
	s7 =	simm.s32 @!p0 $0x108  }
0x21: {  	s3 =	sadd.s32 s3, s9;
	s6 =	sadd.s32 @!p0 $0x88, s6;
	s7 =	simm.s32 @p2 $0x1082  }
0x22: {  	[simem:s7], [sflag:s8] =	dma.local @!p0 [hbm:s6], $0xF7A  }
0x23: {  	s9 =	sor.u32 $0xD0000000, s2;
	s6 =	simm.s32 $0x108;
	_ =	swait.ge @!p0 [sflag:s8], $0x0  }
0x24: {  	s3 =	sadd.s32 $0x88, s3;
	s6 =	simm.s32 @!p1 $0x1082;
	[sflag:s4] =	ssyncset.s32 $0xFFFFF086  }
0x25: {  	[simem:s6], [sflag:s4] =	dma.local [hbm:s3], $0xF7A  }
0x26: {  	[smem:$0x3F9B] =	sst s1;
	(tag) =	ssettag s2;
	_ =	strace s9  }
0x27: {  	s1 =	sld [smem:$0x3FAB]  }
0x28: {  	s2 =	sld [smem:$0x3FAC]  }
0x29: {  	s4 =	sld [smem:$0x3FAE]  }
0x2a: {  	p0 =	seq.s32 s5, $0x0;
	s5 =	sld [smem:$0x3FAF]  }
0x2b: {  	s6 =	sld [smem:$0x3FB0]  }
0x2c: {  	s7 =	sld [smem:$0x3FB1]  }
0x2d: {  	s3 =	simm.s32 $0x108;
	s8 =	sld [smem:$0x3FB2]  }
0x2e: {  	s3 =	simm.s32 @!p0 $0x1082;
	s9 =	sld [smem:$0x3FB3]  }
0x2f: {  	lr =	sadd.s32 s0, s3;
	s0 =	sld [smem:$0x3FAA]  }
0x30: {  	s3 =	sld [smem:$0x3FAD]  }
0x31: {  	[smem:$0x3FB6] =	sst s10  }
0x32: {  	s10 =	sld [smem:$0x3FB4];
	_ =	sdelay $0x3  }
0x33: {  	p0 =	seq.s32 s10, $0x1;
	s10 =	sld [smem:$0x3FB6];
	_ =	sdelay $0x3  }
0x34: {  	[smem:$0x3FB6] =	sst s10  }
0x35: {  	s10 =	sld [smem:$0x3FB5];
	_ =	sdelay $0x3  }
0x36: {  	p1 =	seq.s32 s10, $0x1;
	s10 =	sld [smem:$0x3FB6];
	_ =	sdelay $0x3  }
0x37: {  	[smem:$0x3FB6] =	sst s10  }
0x38: {  	s10 =	sld [smem:$0x3FB7]  }
0x39: {  	_ = 	snop;
	(pc) =	sbr.ind lr, $3  }
0x3a: {  	_ = 	snop  }
0x3b: {  	_ = 	snop  }
0x3c: {  	p2 =	seq.s32 s10, $0x1;
	s10 =	sld [smem:$0x3FB6]  }
0x3d: {  	_ =	shalt  }
0x3e: {  	_ =	shalt  }
0x3f: {  	_ =	shalt  }
0x40: {  	_ =	shalt  }
0x41: {  	_ =	shalt  }
0x42: {  	_ =	shalt  }
0x43: {  	_ =	shalt  }
0x44: {  	_ =	shalt  }
0x45: {  	_ =	shalt  }
0x46: {  	_ =	shalt  }
0x47: {  	_ =	shalt  }
0x48: {  	_ =	shalt  }
0x49: {  	_ =	shalt  }
0x4a: {  	_ =	shalt  }
0x4b: {  	_ =	shalt  }
0x4c: {  	_ =	shalt  }
0x4d: {  	_ =	shalt  }
0x4e: {  	_ =	shalt  }
0x4f: {  	_ =	shalt  }
0x50: {  	_ =	shalt  }
0x51: {  	_ =	shalt  }
0x52: {  	_ =	shalt  }
0x53: {  	_ =	shalt  }
0x54: {  	_ =	shalt  }
0x55: {  	_ =	shalt  }
0x56: {  	_ =	shalt  }
0x57: {  	_ =	shalt  }
0x58: {  	_ =	shalt  }
0x59: {  	_ =	shalt  }
0x5a: {  	_ =	shalt  }
0x5b: {  	_ =	shalt  }
0x5c: {  	_ =	shalt  }
0x5d: {  	_ =	shalt  }
0x5e: {  	_ =	shalt  }
0x5f: {  	_ =	shalt  }
0x60: {  	_ =	shalt  }
0x61: {  	_ =	shalt  }
0x62: {  	_ =	shalt  }
0x63: {  	_ =	shalt  }
0x64: {  	_ =	shalt  }
0x65: {  	_ =	shalt  }
0x66: {  	_ =	shalt  }
0x67: {  	_ =	shalt  }
0x68: {  	_ =	shalt  }
0x69: {  	_ =	shalt  }
0x6a: {  	_ =	shalt  }
0x6b: {  	_ =	shalt  }
0x6c: {  	_ =	shalt  }
0x6d: {  	_ =	shalt  }
0x6e: {  	_ =	shalt  }
0x6f: {  	_ =	shalt  }
0x70: {  	_ =	shalt  }
0x71: {  	_ =	shalt  }
0x72: {  	_ =	shalt  }
0x73: {  	_ =	shalt  }
0x74: {  	_ =	shalt  }
0x75: {  	_ =	shalt  }
0x76: {  	_ =	shalt  }
0x77: {  	_ =	shalt  }
0x78: {  	_ =	shalt  }
0x79: {  	_ =	shalt  }
0x7a: {  	_ =	shalt  }
0x7b: {  	_ =	shalt  }
0x7c: {  	_ =	shalt  }
0x7d: {  	_ =	shalt  }
0x7e: {  	_ =	shalt  }
0x7f: {  	_ =	shalt  }
0x80: {  	_ =	shalt  }
0x81: {  	_ =	shalt  }
0x82: {  	_ =	shalt  }
0x83: {  	_ =	shalt  }
0x84: {  	_ =	shalt  }
0x85: {  	_ =	shalt  }
0x86: {  	_ =	shalt  }
0x87: {  	_ =	shalt  }
.Lfunc_end0:
.L_simem_size_0:
called_computation.11_lowered:
.L_overlay_start_0:
0x88: {  	s2 =	sld [smem:$0x3FD9]  }
0x89: {  	s3 =	sld [smem:$0x3FFE];
	_ =	sdelay $0x1  }
0x8a: {  	s1 =	srdreg.scid  }
0x8b: {  	s0 =	sand.u32 $0x1, s1  }
0x8c: {  	s17 =	sshll.u32 s0, $0xA;
	s2 =	sadd.s32 s3, s2  }
0x8d: {  	s2 =	sadd.s32 s2, s17  }
0x8e: {  	[smem:$0x3FC2] =	sst s2  }
0x8f: {  	_ = 	snop  }
0x90: {  	s2 =	sld [smem:$0x3FD0];
	(tm) =	ssettm $0x1  }
0x91: {  	s18 =	sld [smem:$0x3FFB];
	_ =	sdelay $0x3  }
0x92: {  	_ =	strace s18  }
0x93: {  	s3 =	sld [smem:$0x3FFC];
	_ =	sdelay $0x3  }
0x94: {  	_ =	strace s3  }
0x95: {  	s3 =	sld [smem:$0x3FFD];
	_ =	sdelay $0x3  }
0x96: {  	_ =	strace s3  }
0x97: {  	_ =	strace $0x8FFFFFFF  }
0x98: {  	s19 =	sld [smem:$0x3FDB];
	_ =	sdelay $0x1  }
0x99: {  	s4 =	simm.s32 $_scs_section_size  }
0x9a: {  	s5 =	simm.s32 $_size__tile_overlayer_lowered;
	s6 =	simm.s32 $_tile_overlayer_lowered  }
0x9b: {  	s22 =	simm.s32 $0x1BFF;
	s21 =	sshll.u32 s6, $0x1;
	s3 =	sadd.s32 s4, s19  }
0x9c: {  	s7 =	simm.s32 $0x0;
	s20 =	sshll.u32 s5, $0x1;
	s5 =	sadd.s32 s21, s3  }
0x9d: {  	[timem:s7], [sflag:s22] =	dma.local [hbm:s5], s20  }
0x9e: {  	_ =	swait.ge [sflag:s22], s20  }
0x9f: {  	s4 =	ssub.s32 $0x0, s20;
	[sflag:s22] =	ssyncset.done $0x0  }
0xa0: {  	[sflag:s22] =	ssyncadd.s32 s4;
	_ =	sdelay $0x1  }
0xa1: {  	s23 =	simm.s32 $0x1B8B  }
0xa2: {  	_ =	swait.ge [sflag:s23], $0x1  }
0xa3: {  	[sflag:s23] =	ssyncset.done $0x0  }
0xa4: {  	s25 =	simm.s32 $0x1B8E;
	s24 =	sld [smem:$0x3FFE];
	[sflag:s23] =	ssyncadd.s32 $0xFFFFFFFF  }
0xa5: {  	s26 =	simm.s32 $execute0_lowered;
	[smem:$0x3FD2] =	sst s25  }
0xa6: {  	s5 =	sshll.u32 s26, $0x1;
	_ =	strace $0x80000067;
	[dreg:$0x1] =	wrdreg $0xFFFFFFFF  }
0xa7: {  	s28 =	simm.s32 $_size_execute0_lowered;
	s3 =	sadd.s32 s3, s5;
	[dreg:$0x0] =	wrdreg $0x0  }
0xa8: {  	s5 =	sshll.u32 s28, $0x1;
	[dreg:$0x2] =	wrdreg s3  }
0xa9: {  	[dreg:$0x3] =	wrdreg s5  }
0xaa: {  	[dreg:$0x4] =	wrdreg $0xC0  }
0xab: {  	_ =	task [dreg:s7], $0x5FFFF  }
0xac: {  	[dreg:$0x1] =	wrdreg $0xFFFFFFFF  }
0xad: {  	[dreg:$0x0] =	wrdreg $0x60  }
0xae: {  	[dreg:$0x2] =	wrdreg s24  }
0xaf: {  	[dreg:$0x3] =	wrdreg s2  }
0xb0: {  	[dreg:$0x4] =	wrdreg $0x9  }
0xb1: {  	_ =	task.clear_ibuf [dreg:s7], $0x5FFFF;
	_ =	strace $0x90000067  }
0xb2: {  	s29 =	simm.s32 $0x9;
	_ =	strace $0x80000069  }
0xb3: {  	_ =	swait.ge [sflag:s29], $0x1  }
0xb4: {  	[sflag:s29] =	ssyncadd.s32 $0xFFFFFFFF  }
0xb5: {  	_ =	strace $0x90000069  }
0xb6: {  	_ =	sfence  }
0xb7: {  	s30 =	sld [smem:$0x0];
	_ =	sdelay $0x2  }
0xb8: {  	s31 =	sshll.u32 s1, $0xD;
	s1 =	sshrl.u32 s1, $0x2  }
0xb9: {  	s3 =	sand.u32 $0x4000, s31;
	s1 =	sadd.s32 s1, s30  }
0xba: {  	s0 =	sor.u32 s3, s0;
	s1 =	sshll.u32 s1, $0x11  }
0xbb: {  	s0 =	sor.u32 s1, s0  }
0xbc: {  	s0 =	sadd.s32 $0x8F2B, s0  }
0xbd: {  	[sflag:s0] =	ssyncadd.remote.s32 $0x1  }
0xbe: {  	_ =	sfence.sel $0xFFFF  }
0xbf: {  	[dreg:$0x0] =	wrdreg $0xFFFFFFFF;
	(pc) =	sbr.abs _section_cstart, $3  }
0xc0: {  	[dreg:$0x1] =	wrdreg $0xFFFFFFFF  }
0xc1: {  	_ =	task.clear_ibuf [dreg:s7], $0x2FFFF;
	_ =	strace $0x9FFFFFFF  }
0xc2: {  	(tm) =	ssettm $0x7FFFFFFF  }
0xc3: {  	_ =	shalt  }
tec
execute0_lowered:
.L_overlay_start_1:
0x0: {  	(tag) =	ssettag $0x1  }
0x1: {  	s1 =	srdreg.scid;
	s0 =	stileid.u32  }
0x2: {  	s8 =	sand.u32 $0x1, s1;
	s30 =	sshll.u32 s0, $0x1  }
0x3: {  	s6 =	rddreg [dreg:$0x0];
	s7 =	sor.u32 s8, s30  }
0x4: {  	s2 =	rddreg [dreg:$0x1];
	s3 =	simm.s32 $0x0;
	s4 =	sshll.u32 s7, $0x2  }
0x5: {  	s5 =	simm.s32 $0x2;
	[smem:$0x7FF] =	sst s3;
	s4 =	sadd.s32 s4, s6  }
0x6: {  	s1 =	rddreg [dreg:$0x2];
	_ =	strace $0x80000068;
	s4 =	sadd.s32 $0x14400, s4  }
0x7: {  	[tilespmem:s3], [sflag:$0x2] =	stream.linear.gather [hbm4b:s4+s3], $0x20, $0x38;
	[tilespmem:$0x1100] =	vst v63  }
0x8: {  	s7 =	sshll.u32 s7, $0x9;
	_ =	swait.ge [sflag:s5], $0x20  }
0x9: {  	s6 =	sadd.s32 s7, s6;
	[sflag:s5] =	ssyncset.done $0x0  }
0xa: {  	s7 =	simm.s32 $0x100;
	s6 =	sadd.s32 $0xB400, s6;
	[sflag:s5] =	ssyncadd.s32 $0xFFFFFFE0  }
0xb: {  	[tilespmem:s7], [sflag:$0x2] =	stream.linear.gather [hbm4b:s6+s3], $0x1000, $0x38;
	[tilespmem:$0x1100] =	vst v63  }
0xc: {  	_ =	swait.ge [sflag:s5], $0x1000  }
0xd: {  	[sflag:s5] =	ssyncset.done $0x0  }
0xe: {  	[sflag:s5] =	ssyncadd.s32 $0xFFFFF000  }
0xf: {  	s8 =	ssub.s32 $0x2, s8;
	v1 =	vld [tilespmem:$0x0]  }
0x10: {  	s31 =	sshrl.u32 s8, $0x1;
	v2 =	vld [tilespmem:$0x10]  }
0x11: {  	s9 =	sshll.u32 s0, $0xA;
	s8 =	ssub.s32 s8, s31  }
0x12: {  	s9 =	sand.u32 $0x3800, s9;
	s11 =	smax.u32 s8, $0x1  }
0x13: {  	v0 =	vmov s9;
	p0 =	sne.s32 s11, $0x1  }
.Ltmp0:
0x14: {  	v1 =	vadd.s32 v0, v1;
	(pc) =	sbr.rel @!p0 .LBB2_2-.Ltmp0, $4  }
0x15: {  	[tilespmem:$0x80] =	vst v1;
	v1 =	vadd.s32 v0, v2  }
0x16: {  	s10 =	simm.s32 $0x1;
	s9 =	simm.s32 $0x80;
	s8 =	simm.s32 $0x20;
	[tilespmem:$0x90] =	vst v1  }
0x17: {  	[hbm4b:s2+s8] =	stream.indirect.scatter [tilespmem:s7], [sflag:$0x1], $0x80, s9, s8, $0xb8;
	[tilespmem:$0x1100] =	vst v63  }
0x18: {  	s11 =	sadd.s32 $0xFFFFFFFF, s11;
	_ =	swait.ge [sflag:s10], $0x1000  }
.LBB2_1:
0x19: {  	p0 =	sne.s32 s11, $0x1;
	s11 =	sadd.s32 $0xFFFFFFFF, s11;
	[sflag:s10] =	ssyncset.done $0x0  }
0x1a: {  	[sflag:s10] =	ssyncadd.s32 $0xFFFFF000  }
0x1b: {  	[tilespmem:s3], [sflag:$0x2] =	stream.linear.gather [hbm4b:s4+s3], $0x20, $0x38;
	[tilespmem:$0x1100] =	vst v63  }
0x1c: {  	_ =	swait.ge [sflag:s5], $0x20  }
0x1d: {  	[sflag:s5] =	ssyncset.done $0x0  }
0x1e: {  	[sflag:s5] =	ssyncadd.s32 $0xFFFFFFE0  }
0x1f: {  	[tilespmem:s7], [sflag:$0x2] =	stream.linear.gather [hbm4b:s6+s3], $0x1000, $0x38;
	[tilespmem:$0x1100] =	vst v63  }
0x20: {  	_ =	swait.ge [sflag:s5], $0x1000  }
0x21: {  	[sflag:s5] =	ssyncset.done $0x0  }
0x22: {  	[sflag:s5] =	ssyncadd.s32 $0xFFFFF000  }
0x23: {  	v1 =	vld [tilespmem:$0x0]  }
0x24: {  	v2 =	vld [tilespmem:$0x10];
	_ =	sdelay $0x3  }
.Ltmp1:
0x25: {  	v1 =	vadd.s32 v0, v1;
	(pc) =	sbr.rel @p0 .LBB2_1-.Ltmp1, $4  }
0x26: {  	[tilespmem:$0x80] =	vst v1;
	v1 =	vadd.s32 v0, v2  }
0x27: {  	[tilespmem:$0x90] =	vst v1  }
0x28: {  	[hbm4b:s2+s8] =	stream.indirect.scatter [tilespmem:s7], [sflag:$0x1], $0x80, s9, s8, $0xb8;
	[tilespmem:$0x1100] =	vst v63  }
0x29: {  	_ =	swait.ge [sflag:s10], $0x1000  }
.LBB2_2:
0x2a: {  	[sflag:s10] =	ssyncset.done $0x0  }
0x2b: {  	[sflag:s10] =	ssyncadd.s32 $0xFFFFF000  }
0x2c: {  	_ =	sfence.sel $0x180000  }
0x2d: {  	[bflag:$0x0] =	sbarrier.arrive $0xFFFF  }
0x2e: {  	p0 =	sne.s32 s0, $0x0;
	_ =	strace $0x90000068  }
0x2f: {  	s0 =	sadd.s32 @!p0 $0x100000, s1;
	[bflag:$0x2] =	sbarrier.arrive $0xFFFF  }
0x30: {  	[sflag:s0] =	ssyncadd.tile.s32 @!p0 $0x1;
	_ =	shalt  }
.Lfunc_end2:
_tile_overlayer_lowered:
.L_overlay_start_2:
0x31: {  	(tag) =	ssettag $0x2  }
0x32: {  	s0 =	rddreg [dreg:$0x0];
	s2 =	stileid.u32  }
0x33: {  	s1 =	rddreg [dreg:$0x1];
	p0 =	sne.s32 s2, $0x0  }
0x34: {  	s3 =	rddreg [dreg:$0x2];
	[bflag:$0x3] =	sbarrier.arrive $0xFFFF;
	s2 =	simm.s32 @!p0 $0x1C02  }
0x35: {  	[timem:s3], [sflag:s2] =	dma.local @!p0 [hbm:s0], s1  }
0x36: {  	s0 =	simm.s32 @!p0 $0x2  }
0x37: {  	_ =	swait.ge @!p0 [sflag:s0], s1  }
0x38: {  	s1 =	ssub.s32 @!p0 $0x0, s1;
	[sflag:s0] =	ssyncset.done @!p0 $0x0  }
0x39: {  	[sflag:s0] =	ssyncadd.s32 @!p0 s1  }
0x3a: {  	[bflag:$0x3] =	sbarrier.arrive $0xFFFF  }
0x3b: {  	_ =	shalt  }

// kernel: run.62.cloned.1.call-start
scs
__scs_entry_jumppad:
0x0: {  	(pc) =	sbr.rel $0x88, $3  }
0x1: {  	(tag) =	ssettag $0x0;
	lr =	simm.s32 $0x1  }
0x2: {  	[smem:$0x3F9B] =	sst lr;
	_ =	strace $0xD0000000  }
0x3: {  	_ = 	snop  }
0x4: {  	_ = 	snop  }
0x5: {  	_ = 	snop  }
0x6: {  	_ = 	snop  }
0x7: {  	_ = 	snop  }
__scs_overlays_trampoline_lowered:
0x8: {  	[smem:$0x3FAA] =	sst s0  }
0x9: {  	[smem:$0x3FAB] =	sst s1  }
0xa: {  	[smem:$0x3FAC] =	sst s2  }
0xb: {  	[smem:$0x3FAD] =	sst s3  }
0xc: {  	[smem:$0x3FAE] =	sst s4  }
0xd: {  	[smem:$0x3FAF] =	sst s5  }
0xe: {  	[smem:$0x3FB0] =	sst s6  }
0xf: {  	[smem:$0x3FB1] =	sst s7  }
0x10: {  	[smem:$0x3FB2] =	sst s8  }
0x11: {  	[smem:$0x3FB3] =	sst s9;
	s0 =	simm.s32 @!p0 $0x0  }
0x12: {  	s1 =	sld [smem:$0x3F99];
	s0 =	simm.s32 @p0 $0x1  }
0x13: {  	[smem:$0x3FB4] =	sst s0;
	s0 =	simm.s32 @!p1 $0x0  }
0x14: {  	s2 =	sld [smem:$0x3F98];
	s0 =	simm.s32 @p1 $0x1  }
0x15: {  	[smem:$0x3FB5] =	sst s0;
	s0 =	simm.s32 @!p2 $0x0  }
0x16: {  	s3 =	sld [smem:$0x3FDB];
	s0 =	simm.s32 @p2 $0x1  }
0x17: {  	s4 =	simm.s32 $0x1BF5;
	[smem:$0x3FB7] =	sst s0  }
0x18: {  	s0 =	sld [smem:$0x3F9A];
	_ =	swait.ge [sflag:s4], $0x0  }
0x19: {  	s7 =	sld [smem:$0x3F9B]  }
0x1a: {  	s8 =	sadd.s32 $0xFFFFE003, lr  }
0x1b: {  	s9 =	sadd.s32 $0xFFFFFEF7, lr;
	s5 =	simm.s32 $0xFFFFFFFF;
	p2 =	slt.u32 s8, $0xFFFFF086  }
0x1c: {  	p1 =	slt.u32 s9, $0xF7A;
	s5 =	simm.s32 @!p2 $0x0  }
0x1d: {  	s5 =	simm.s32 @p1 $0x1;
	p0 =	seq.s32 s7, s2  }
0x1e: {  	s7 =	smul.u32 @!p0 $0xF7A, s2;
	p2 =	seq.s32 @!p0 s5, $0x0  }
0x1f: {  	s9 =	smul.u32 $0xF7A, s1;
	s8 =	simm.s32 @!p0 $0x1BF5;
	p2 =	por !p2, p0  }
0x20: {  	[sflag:s8] =	ssyncset.s32 @!p0 $0xFFFFF086;
	s6 =	sadd.s32 @!p0 s3, s7;
	s7 =	simm.s32 @!p0 $0x108  }
0x21: {  	s3 =	sadd.s32 s3, s9;
	s6 =	sadd.s32 @!p0 $0x88, s6;
	s7 =	simm.s32 @p2 $0x1082  }
0x22: {  	[simem:s7], [sflag:s8] =	dma.local @!p0 [hbm:s6], $0xF7A  }
0x23: {  	s9 =	sor.u32 $0xD0000000, s2;
	s6 =	simm.s32 $0x108;
	_ =	swait.ge @!p0 [sflag:s8], $0x0  }
0x24: {  	s3 =	sadd.s32 $0x88, s3;
	s6 =	simm.s32 @!p1 $0x1082;
	[sflag:s4] =	ssyncset.s32 $0xFFFFF086  }
0x25: {  	[simem:s6], [sflag:s4] =	dma.local [hbm:s3], $0xF7A  }
0x26: {  	[smem:$0x3F9B] =	sst s1;
	(tag) =	ssettag s2;
	_ =	strace s9  }
0x27: {  	s1 =	sld [smem:$0x3FAB]  }
0x28: {  	s2 =	sld [smem:$0x3FAC]  }
0x29: {  	s4 =	sld [smem:$0x3FAE]  }
0x2a: {  	p0 =	seq.s32 s5, $0x0;
	s5 =	sld [smem:$0x3FAF]  }
0x2b: {  	s6 =	sld [smem:$0x3FB0]  }
0x2c: {  	s7 =	sld [smem:$0x3FB1]  }
0x2d: {  	s3 =	simm.s32 $0x108;
	s8 =	sld [smem:$0x3FB2]  }
0x2e: {  	s3 =	simm.s32 @!p0 $0x1082;
	s9 =	sld [smem:$0x3FB3]  }
0x2f: {  	lr =	sadd.s32 s0, s3;
	s0 =	sld [smem:$0x3FAA]  }
0x30: {  	s3 =	sld [smem:$0x3FAD]  }
0x31: {  	[smem:$0x3FB6] =	sst s10  }
0x32: {  	s10 =	sld [smem:$0x3FB4];
	_ =	sdelay $0x3  }
0x33: {  	p0 =	seq.s32 s10, $0x1;
	s10 =	sld [smem:$0x3FB6];
	_ =	sdelay $0x3  }
0x34: {  	[smem:$0x3FB6] =	sst s10  }
0x35: {  	s10 =	sld [smem:$0x3FB5];
	_ =	sdelay $0x3  }
0x36: {  	p1 =	seq.s32 s10, $0x1;
	s10 =	sld [smem:$0x3FB6];
	_ =	sdelay $0x3  }
0x37: {  	[smem:$0x3FB6] =	sst s10  }
0x38: {  	s10 =	sld [smem:$0x3FB7]  }
0x39: {  	_ = 	snop;
	(pc) =	sbr.ind lr, $3  }
0x3a: {  	_ = 	snop  }
0x3b: {  	_ = 	snop  }
0x3c: {  	p2 =	seq.s32 s10, $0x1;
	s10 =	sld [smem:$0x3FB6]  }
0x3d: {  	_ =	shalt  }
0x3e: {  	_ =	shalt  }
0x3f: {  	_ =	shalt  }
0x40: {  	_ =	shalt  }
0x41: {  	_ =	shalt  }
0x42: {  	_ =	shalt  }
0x43: {  	_ =	shalt  }
0x44: {  	_ =	shalt  }
0x45: {  	_ =	shalt  }
0x46: {  	_ =	shalt  }
0x47: {  	_ =	shalt  }
0x48: {  	_ =	shalt  }
0x49: {  	_ =	shalt  }
0x4a: {  	_ =	shalt  }
0x4b: {  	_ =	shalt  }
0x4c: {  	_ =	shalt  }
0x4d: {  	_ =	shalt  }
0x4e: {  	_ =	shalt  }
0x4f: {  	_ =	shalt  }
0x50: {  	_ =	shalt  }
0x51: {  	_ =	shalt  }
0x52: {  	_ =	shalt  }
0x53: {  	_ =	shalt  }
0x54: {  	_ =	shalt  }
0x55: {  	_ =	shalt  }
0x56: {  	_ =	shalt  }
0x57: {  	_ =	shalt  }
0x58: {  	_ =	shalt  }
0x59: {  	_ =	shalt  }
0x5a: {  	_ =	shalt  }
0x5b: {  	_ =	shalt  }
0x5c: {  	_ =	shalt  }
0x5d: {  	_ =	shalt  }
0x5e: {  	_ =	shalt  }
0x5f: {  	_ =	shalt  }
0x60: {  	_ =	shalt  }
0x61: {  	_ =	shalt  }
0x62: {  	_ =	shalt  }
0x63: {  	_ =	shalt  }
0x64: {  	_ =	shalt  }
0x65: {  	_ =	shalt  }
0x66: {  	_ =	shalt  }
0x67: {  	_ =	shalt  }
0x68: {  	_ =	shalt  }
0x69: {  	_ =	shalt  }
0x6a: {  	_ =	shalt  }
0x6b: {  	_ =	shalt  }
0x6c: {  	_ =	shalt  }
0x6d: {  	_ =	shalt  }
0x6e: {  	_ =	shalt  }
0x6f: {  	_ =	shalt  }
0x70: {  	_ =	shalt  }
0x71: {  	_ =	shalt  }
0x72: {  	_ =	shalt  }
0x73: {  	_ =	shalt  }
0x74: {  	_ =	shalt  }
0x75: {  	_ =	shalt  }
0x76: {  	_ =	shalt  }
0x77: {  	_ =	shalt  }
0x78: {  	_ =	shalt  }
0x79: {  	_ =	shalt  }
0x7a: {  	_ =	shalt  }
0x7b: {  	_ =	shalt  }
0x7c: {  	_ =	shalt  }
0x7d: {  	_ =	shalt  }
0x7e: {  	_ =	shalt  }
0x7f: {  	_ =	shalt  }
0x80: {  	_ =	shalt  }
0x81: {  	_ =	shalt  }
0x82: {  	_ =	shalt  }
0x83: {  	_ =	shalt  }
0x84: {  	_ =	shalt  }
0x85: {  	_ =	shalt  }
0x86: {  	_ =	shalt  }
0x87: {  	_ =	shalt  }
.Lfunc_end0:
.L_simem_size_0:
called_computation.12_lowered:
.L_overlay_start_0:
0x88: {  	s2 =	sld [smem:$0x3FD9]  }
0x89: {  	s3 =	sld [smem:$0x3FFE];
	_ =	sdelay $0x1  }
0x8a: {  	s1 =	srdreg.scid  }
0x8b: {  	s0 =	sand.u32 $0x1, s1  }
0x8c: {  	s17 =	sshll.u32 s0, $0xA;
	s2 =	sadd.s32 s3, s2  }
0x8d: {  	s2 =	sadd.s32 s2, s17  }
0x8e: {  	[smem:$0x3FC2] =	sst s2  }
0x8f: {  	_ = 	snop  }
0x90: {  	s2 =	sld [smem:$0x3FC8]  }
0x91: {  	s18 =	sld [smem:$0x3FD0];
	(tm) =	ssettm $0x1  }
0x92: {  	s4 =	sld [smem:$0x3FFB];
	_ =	sdelay $0x3  }
0x93: {  	_ =	strace s4  }
0x94: {  	s4 =	sld [smem:$0x3FFC];
	_ =	sdelay $0x3  }
0x95: {  	_ =	strace s4  }
0x96: {  	s4 =	sld [smem:$0x3FFD];
	_ =	sdelay $0x3  }
0x97: {  	_ =	strace s4  }
0x98: {  	_ =	strace $0x8FFFFFFF  }
0x99: {  	s19 =	sld [smem:$0x3FDB];
	_ =	sdelay $0x1  }
0x9a: {  	s5 =	simm.s32 $_scs_section_size  }
0x9b: {  	s6 =	simm.s32 $_size__tile_overlayer_lowered;
	s7 =	simm.s32 $_tile_overlayer_lowered  }
0x9c: {  	s22 =	simm.s32 $0x1BFF;
	s21 =	sshll.u32 s7, $0x1;
	s4 =	sadd.s32 s5, s19  }
0x9d: {  	s8 =	simm.s32 $0x0;
	s20 =	sshll.u32 s6, $0x1;
	s6 =	sadd.s32 s21, s4  }
0x9e: {  	[timem:s8], [sflag:s22] =	dma.local [hbm:s6], s20  }
0x9f: {  	_ =	swait.ge [sflag:s22], s20  }
0xa0: {  	s5 =	ssub.s32 $0x0, s20;
	[sflag:s22] =	ssyncset.done $0x0  }
0xa1: {  	[sflag:s22] =	ssyncadd.s32 s5;
	_ =	sdelay $0x1  }
0xa2: {  	s23 =	simm.s32 $0x1B8B  }
0xa3: {  	_ =	swait.ge [sflag:s23], $0x1  }
0xa4: {  	[sflag:s23] =	ssyncset.done $0x0  }
0xa5: {  	s25 =	simm.s32 $0x1B8E;
	s24 =	sld [smem:$0x3FFE];
	[sflag:s23] =	ssyncadd.s32 $0xFFFFFFFF  }
0xa6: {  	s26 =	simm.s32 $execute0_lowered;
	[smem:$0x3FD2] =	sst s25  }
0xa7: {  	s6 =	sshll.u32 s26, $0x1;
	_ =	strace $0x8000006A;
	[dreg:$0x1] =	wrdreg $0xFFFFFFFF  }
0xa8: {  	s28 =	simm.s32 $_size_execute0_lowered;
	s4 =	sadd.s32 s4, s6;
	[dreg:$0x0] =	wrdreg $0x0  }
0xa9: {  	s6 =	sshll.u32 s28, $0x1;
	[dreg:$0x2] =	wrdreg s4  }
0xaa: {  	[dreg:$0x3] =	wrdreg s6  }
0xab: {  	[dreg:$0x4] =	wrdreg $0xC0  }
0xac: {  	_ =	task [dreg:s8], $0x5FFFF  }
0xad: {  	[dreg:$0x1] =	wrdreg $0xFFFFFFFF  }
0xae: {  	[dreg:$0x0] =	wrdreg $0x60  }
0xaf: {  	[dreg:$0x2] =	wrdreg s24  }
0xb0: {  	[dreg:$0x3] =	wrdreg s2  }
0xb1: {  	[dreg:$0x4] =	wrdreg s18  }
0xb2: {  	[dreg:$0x5] =	wrdreg $0x9  }
0xb3: {  	_ =	task.clear_ibuf [dreg:s8], $0x6FFFF;
	_ =	strace $0x9000006A  }
0xb4: {  	s29 =	simm.s32 $0x9;
	_ =	strace $0x8000006C  }
0xb5: {  	_ =	swait.ge [sflag:s29], $0x1  }
0xb6: {  	[sflag:s29] =	ssyncadd.s32 $0xFFFFFFFF  }
0xb7: {  	_ =	strace $0x9000006C  }
0xb8: {  	_ =	sfence  }
0xb9: {  	s30 =	sld [smem:$0x0];
	_ =	sdelay $0x2  }
0xba: {  	s31 =	sshll.u32 s1, $0xD;
	s1 =	sshrl.u32 s1, $0x2  }
0xbb: {  	s3 =	sand.u32 $0x4000, s31;
	s1 =	sadd.s32 s1, s30  }
0xbc: {  	s0 =	sor.u32 s3, s0;
	s1 =	sshll.u32 s1, $0x11  }
0xbd: {  	s0 =	sor.u32 s1, s0  }
0xbe: {  	s0 =	sadd.s32 $0x8F2B, s0  }
0xbf: {  	[sflag:s0] =	ssyncadd.remote.s32 $0x1  }
0xc0: {  	_ =	sfence.sel $0xFFFF  }
0xc1: {  	[dreg:$0x0] =	wrdreg $0xFFFFFFFF;
	(pc) =	sbr.abs _section_cstart, $3  }
0xc2: {  	[dreg:$0x1] =	wrdreg $0xFFFFFFFF  }
0xc3: {  	_ =	task.clear_ibuf [dreg:s8], $0x2FFFF;
	_ =	strace $0x9FFFFFFF  }
0xc4: {  	(tm) =	ssettm $0x7FFFFFFF  }
0xc5: {  	_ =	shalt  }
tec
execute0_lowered:
.L_overlay_start_1:
0x0: {  	(tag) =	ssettag $0x1  }
0x1: {  	s12 =	rddreg [dreg:$0x0]  }
0x2: {  	s1 =	srdreg.scid;
	s0 =	stileid.u32  }
0x3: {  	s2 =	rddreg [dreg:$0x1];
	s13 =	sand.u32 $0x1, s1;
	s30 =	sshll.u32 s0, $0x1  }
0x4: {  	s3 =	rddreg [dreg:$0x2];
	s14 =	sor.u32 s13, s30  }
0x5: {  	s4 =	simm.s32 $0x0;
	s1 =	rddreg [dreg:$0x3];
	s5 =	sshll.u32 s14, $0x2  }
0x6: {  	[smem:$0x7FF] =	sst s4;
	s5 =	sadd.s32 s5, s12  }
0x7: {  	_ =	strace $0x8000006B;
	s6 =	sadd.s32 $0xB000, s5;
	s5 =	simm.s32 $0x2  }
0x8: {  	[tilespmem:s4], [sflag:$0x2] =	stream.linear.gather [hbm4b:s6+s4], $0x20, $0x38;
	[tilespmem:$0x2100] =	vst v63  }
0x9: {  	_ =	swait.ge [sflag:s5], $0x20  }
0xa: {  	[sflag:s5] =	ssyncset.done $0x0  }
0xb: {  	[sflag:s5] =	ssyncadd.s32 $0xFFFFFFE0  }
0xc: {  	v1 =	vld [tilespmem:$0x0]  }
0xd: {  	v2 =	vld [tilespmem:$0x10]  }
0xe: {  	s7 =	sshll.u32 s0, $0xA  }
0xf: {  	s7 =	sand.u32 $0x3800, s7  }
0x10: {  	v0 =	vmov s7  }
0x11: {  	v1 =	vadd.s32 v0, v1  }
0x12: {  	s8 =	simm.s32 $0x80;
	[tilespmem:$0x80] =	vst v1;
	v1 =	vadd.s32 v0, v2  }
0x13: {  	s9 =	simm.s32 $0x100;
	s10 =	simm.s32 $0x1;
	s7 =	simm.s32 $0x20;
	[tilespmem:$0x90] =	vst v1  }
0x14: {  	[tilespmem:s9], [sflag:$0x1] =	stream.indirect.gather [hbm4b:s2+s7], $0x80, s8, s7, $0xb8;
	[tilespmem:$0x2100] =	vst v63  }
0x15: {  	_ =	swait.ge [sflag:s10], $0x1000  }
0x16: {  	s13 =	ssub.s32 $0x2, s13;
	[sflag:s10] =	ssyncset.done $0x0  }
0x17: {  	s11 =	simm.s32 $0x1100;
	s15 =	sshrl.u32 s13, $0x1;
	[sflag:s10] =	ssyncadd.s32 $0xFFFFF000  }
0x18: {  	[tilespmem:s11], [sflag:$0x1] =	stream.indirect.gather [hbm4b:s3+s7], $0x80, s8, s7, $0xb8;
	[tilespmem:$0x2100] =	vst v63  }
0x19: {  	s14 =	sshll.u32 s14, $0x9;
	s15 =	ssub.s32 s13, s15;
	_ =	swait.ge [sflag:s10], $0x1000  }
0x1a: {  	s14 =	sadd.s32 s14, s12;
	s31 =	smax.u32 s15, $0x1;
	[sflag:s10] =	ssyncset.done $0x0  }
0x1b: {  	s12 =	sadd.s32 $0xB400, s14;
	p0 =	sne.s32 s31, $0x1;
	[sflag:s10] =	ssyncadd.s32 $0xFFFFF000  }
0x1c: {  	[hbm4b:s12+s4] =	stream.linear.scatter [tilespmem:s9], [sflag:$0x2], $0x1000, $0x38;
	[tilespmem:$0x2100] =	vst v63  }
.Ltmp0:
0x1d: {  	_ =	swait.ge [sflag:s5], $0x1000;
	(pc) =	sbr.rel @!p0 .LBB2_2-.Ltmp0, $4  }
0x1e: {  	[sflag:s5] =	ssyncset.done $0x0  }
0x1f: {  	s13 =	sadd.s32 $0xF400, s14;
	[sflag:s5] =	ssyncadd.s32 $0xFFFFF000  }
0x20: {  	[hbm4b:s13+s4] =	stream.linear.scatter [tilespmem:s11], [sflag:$0x2], $0x1000, $0x38;
	[tilespmem:$0x2100] =	vst v63  }
0x21: {  	s14 =	sadd.s32 $0xFFFFFFFF, s31;
	_ =	swait.ge [sflag:s5], $0x1000  }
.LBB2_1:
0x22: {  	p0 =	sne.s32 s14, $0x1;
	s14 =	sadd.s32 $0xFFFFFFFF, s14;
	[sflag:s5] =	ssyncset.done $0x0  }
0x23: {  	[sflag:s5] =	ssyncadd.s32 $0xFFFFF000  }
0x24: {  	[tilespmem:s4], [sflag:$0x2] =	stream.linear.gather [hbm4b:s6+s4], $0x20, $0x38;
	[tilespmem:$0x2100] =	vst v63  }
0x25: {  	_ =	swait.ge [sflag:s5], $0x20  }
0x26: {  	[sflag:s5] =	ssyncset.done $0x0  }
0x27: {  	[sflag:s5] =	ssyncadd.s32 $0xFFFFFFE0  }
0x28: {  	v1 =	vld [tilespmem:$0x0]  }
0x29: {  	v2 =	vld [tilespmem:$0x10];
	_ =	sdelay $0x3  }
0x2a: {  	v1 =	vadd.s32 v0, v1  }
0x2b: {  	[tilespmem:$0x80] =	vst v1;
	v1 =	vadd.s32 v0, v2  }
0x2c: {  	[tilespmem:$0x90] =	vst v1  }
0x2d: {  	[tilespmem:s9], [sflag:$0x1] =	stream.indirect.gather [hbm4b:s2+s7], $0x80, s8, s7, $0xb8;
	[tilespmem:$0x2100] =	vst v63  }
0x2e: {  	_ =	swait.ge [sflag:s10], $0x1000  }
0x2f: {  	[sflag:s10] =	ssyncset.done $0x0  }
0x30: {  	[sflag:s10] =	ssyncadd.s32 $0xFFFFF000  }
0x31: {  	[tilespmem:s11], [sflag:$0x1] =	stream.indirect.gather [hbm4b:s3+s7], $0x80, s8, s7, $0xb8;
	[tilespmem:$0x2100] =	vst v63  }
0x32: {  	_ =	swait.ge [sflag:s10], $0x1000  }
0x33: {  	[sflag:s10] =	ssyncset.done $0x0  }
0x34: {  	[sflag:s10] =	ssyncadd.s32 $0xFFFFF000  }
0x35: {  	[hbm4b:s12+s4] =	stream.linear.scatter [tilespmem:s9], [sflag:$0x2], $0x1000, $0x38;
	[tilespmem:$0x2100] =	vst v63  }
.Ltmp1:
0x36: {  	_ =	swait.ge [sflag:s5], $0x1000;
	(pc) =	sbr.rel @p0 .LBB2_1-.Ltmp1, $4  }
0x37: {  	[sflag:s5] =	ssyncset.done $0x0  }
0x38: {  	[sflag:s5] =	ssyncadd.s32 $0xFFFFF000  }
0x39: {  	[hbm4b:s13+s4] =	stream.linear.scatter [tilespmem:s11], [sflag:$0x2], $0x1000, $0x38;
	[tilespmem:$0x2100] =	vst v63  }
0x3a: {  	_ =	swait.ge [sflag:s5], $0x1000  }
.LBB2_2:
0x3b: {  	[sflag:s5] =	ssyncset.done $0x0  }
0x3c: {  	[sflag:s5] =	ssyncadd.s32 $0xFFFFF000  }
0x3d: {  	_ =	sfence.sel $0x180000  }
0x3e: {  	[bflag:$0x0] =	sbarrier.arrive $0xFFFF  }
0x3f: {  	p0 =	sne.s32 s0, $0x0;
	_ =	strace $0x9000006B  }
0x40: {  	s0 =	sadd.s32 @!p0 $0x100000, s1;
	[bflag:$0x2] =	sbarrier.arrive $0xFFFF  }
0x41: {  	[sflag:s0] =	ssyncadd.tile.s32 @!p0 $0x1;
	_ =	shalt  }
.Lfunc_end2:
_tile_overlayer_lowered:
.L_overlay_start_2:
0x42: {  	(tag) =	ssettag $0x2  }
0x43: {  	s0 =	rddreg [dreg:$0x0];
	s2 =	stileid.u32  }
0x44: {  	s1 =	rddreg [dreg:$0x1];
	p0 =	sne.s32 s2, $0x0  }
0x45: {  	s3 =	rddreg [dreg:$0x2];
	[bflag:$0x3] =	sbarrier.arrive $0xFFFF;
	s2 =	simm.s32 @!p0 $0x1C02  }
0x46: {  	[timem:s3], [sflag:s2] =	dma.local @!p0 [hbm:s0], s1  }
0x47: {  	s0 =	simm.s32 @!p0 $0x2  }
0x48: {  	_ =	swait.ge @!p0 [sflag:s0], s1  }
0x49: {  	s1 =	ssub.s32 @!p0 $0x0, s1;
	[sflag:s0] =	ssyncset.done @!p0 $0x0  }
0x4a: {  	[sflag:s0] =	ssyncadd.s32 @!p0 s1  }
0x4b: {  	[bflag:$0x3] =	sbarrier.arrive $0xFFFF  }
0x4c: {  	_ =	shalt  }

// kernel: run.65.cloned.1.call-start
scs
__scs_entry_jumppad:
0x0: {  	(pc) =	sbr.rel $0x88, $3  }
0x1: {  	(tag) =	ssettag $0x0;
	lr =	simm.s32 $0x1  }
0x2: {  	[smem:$0x3F9B] =	sst lr;
	_ =	strace $0xD0000000  }
0x3: {  	_ = 	snop  }
0x4: {  	_ = 	snop  }
0x5: {  	_ = 	snop  }
0x6: {  	_ = 	snop  }
0x7: {  	_ = 	snop  }
__scs_overlays_trampoline_lowered:
0x8: {  	[smem:$0x3FAA] =	sst s0  }
0x9: {  	[smem:$0x3FAB] =	sst s1  }
0xa: {  	[smem:$0x3FAC] =	sst s2  }
0xb: {  	[smem:$0x3FAD] =	sst s3  }
0xc: {  	[smem:$0x3FAE] =	sst s4  }
0xd: {  	[smem:$0x3FAF] =	sst s5  }
0xe: {  	[smem:$0x3FB0] =	sst s6  }
0xf: {  	[smem:$0x3FB1] =	sst s7  }
0x10: {  	[smem:$0x3FB2] =	sst s8  }
0x11: {  	[smem:$0x3FB3] =	sst s9;
	s0 =	simm.s32 @!p0 $0x0  }
0x12: {  	s1 =	sld [smem:$0x3F99];
	s0 =	simm.s32 @p0 $0x1  }
0x13: {  	[smem:$0x3FB4] =	sst s0;
	s0 =	simm.s32 @!p1 $0x0  }
0x14: {  	s2 =	sld [smem:$0x3F98];
	s0 =	simm.s32 @p1 $0x1  }
0x15: {  	[smem:$0x3FB5] =	sst s0;
	s0 =	simm.s32 @!p2 $0x0  }
0x16: {  	s3 =	sld [smem:$0x3FDB];
	s0 =	simm.s32 @p2 $0x1  }
0x17: {  	s4 =	simm.s32 $0x1BF5;
	[smem:$0x3FB7] =	sst s0  }
0x18: {  	s0 =	sld [smem:$0x3F9A];
	_ =	swait.ge [sflag:s4], $0x0  }
0x19: {  	s7 =	sld [smem:$0x3F9B]  }
0x1a: {  	s8 =	sadd.s32 $0xFFFFE003, lr  }
0x1b: {  	s9 =	sadd.s32 $0xFFFFFEF7, lr;
	s5 =	simm.s32 $0xFFFFFFFF;
	p2 =	slt.u32 s8, $0xFFFFF086  }
0x1c: {  	p1 =	slt.u32 s9, $0xF7A;
	s5 =	simm.s32 @!p2 $0x0  }
0x1d: {  	s5 =	simm.s32 @p1 $0x1;
	p0 =	seq.s32 s7, s2  }
0x1e: {  	s7 =	smul.u32 @!p0 $0xF7A, s2;
	p2 =	seq.s32 @!p0 s5, $0x0  }
0x1f: {  	s9 =	smul.u32 $0xF7A, s1;
	s8 =	simm.s32 @!p0 $0x1BF5;
	p2 =	por !p2, p0  }
0x20: {  	[sflag:s8] =	ssyncset.s32 @!p0 $0xFFFFF086;
	s6 =	sadd.s32 @!p0 s3, s7;
	s7 =	simm.s32 @!p0 $0x108  }
0x21: {  	s3 =	sadd.s32 s3, s9;
	s6 =	sadd.s32 @!p0 $0x88, s6;
	s7 =	simm.s32 @p2 $0x1082  }
0x22: {  	[simem:s7], [sflag:s8] =	dma.local @!p0 [hbm:s6], $0xF7A  }
0x23: {  	s9 =	sor.u32 $0xD0000000, s2;
	s6 =	simm.s32 $0x108;
	_ =	swait.ge @!p0 [sflag:s8], $0x0  }
0x24: {  	s3 =	sadd.s32 $0x88, s3;
	s6 =	simm.s32 @!p1 $0x1082;
	[sflag:s4] =	ssyncset.s32 $0xFFFFF086  }
0x25: {  	[simem:s6], [sflag:s4] =	dma.local [hbm:s3], $0xF7A  }
0x26: {  	[smem:$0x3F9B] =	sst s1;
	(tag) =	ssettag s2;
	_ =	strace s9  }
0x27: {  	s1 =	sld [smem:$0x3FAB]  }
0x28: {  	s2 =	sld [smem:$0x3FAC]  }
0x29: {  	s4 =	sld [smem:$0x3FAE]  }
0x2a: {  	p0 =	seq.s32 s5, $0x0;
	s5 =	sld [smem:$0x3FAF]  }
0x2b: {  	s6 =	sld [smem:$0x3FB0]  }
0x2c: {  	s7 =	sld [smem:$0x3FB1]  }
0x2d: {  	s3 =	simm.s32 $0x108;
	s8 =	sld [smem:$0x3FB2]  }
0x2e: {  	s3 =	simm.s32 @!p0 $0x1082;
	s9 =	sld [smem:$0x3FB3]  }
0x2f: {  	lr =	sadd.s32 s0, s3;
	s0 =	sld [smem:$0x3FAA]  }
0x30: {  	s3 =	sld [smem:$0x3FAD]  }
0x31: {  	[smem:$0x3FB6] =	sst s10  }
0x32: {  	s10 =	sld [smem:$0x3FB4];
	_ =	sdelay $0x3  }
0x33: {  	p0 =	seq.s32 s10, $0x1;
	s10 =	sld [smem:$0x3FB6];
	_ =	sdelay $0x3  }
0x34: {  	[smem:$0x3FB6] =	sst s10  }
0x35: {  	s10 =	sld [smem:$0x3FB5];
	_ =	sdelay $0x3  }
0x36: {  	p1 =	seq.s32 s10, $0x1;
	s10 =	sld [smem:$0x3FB6];
	_ =	sdelay $0x3  }
0x37: {  	[smem:$0x3FB6] =	sst s10  }
0x38: {  	s10 =	sld [smem:$0x3FB7]  }
0x39: {  	_ = 	snop;
	(pc) =	sbr.ind lr, $3  }
0x3a: {  	_ = 	snop  }
0x3b: {  	_ = 	snop  }
0x3c: {  	p2 =	seq.s32 s10, $0x1;
	s10 =	sld [smem:$0x3FB6]  }
0x3d: {  	_ =	shalt  }
0x3e: {  	_ =	shalt  }
0x3f: {  	_ =	shalt  }
0x40: {  	_ =	shalt  }
0x41: {  	_ =	shalt  }
0x42: {  	_ =	shalt  }
0x43: {  	_ =	shalt  }
0x44: {  	_ =	shalt  }
0x45: {  	_ =	shalt  }
0x46: {  	_ =	shalt  }
0x47: {  	_ =	shalt  }
0x48: {  	_ =	shalt  }
0x49: {  	_ =	shalt  }
0x4a: {  	_ =	shalt  }
0x4b: {  	_ =	shalt  }
0x4c: {  	_ =	shalt  }
0x4d: {  	_ =	shalt  }
0x4e: {  	_ =	shalt  }
0x4f: {  	_ =	shalt  }
0x50: {  	_ =	shalt  }
0x51: {  	_ =	shalt  }
0x52: {  	_ =	shalt  }
0x53: {  	_ =	shalt  }
0x54: {  	_ =	shalt  }
0x55: {  	_ =	shalt  }
0x56: {  	_ =	shalt  }
0x57: {  	_ =	shalt  }
0x58: {  	_ =	shalt  }
0x59: {  	_ =	shalt  }
0x5a: {  	_ =	shalt  }
0x5b: {  	_ =	shalt  }
0x5c: {  	_ =	shalt  }
0x5d: {  	_ =	shalt  }
0x5e: {  	_ =	shalt  }
0x5f: {  	_ =	shalt  }
0x60: {  	_ =	shalt  }
0x61: {  	_ =	shalt  }
0x62: {  	_ =	shalt  }
0x63: {  	_ =	shalt  }
0x64: {  	_ =	shalt  }
0x65: {  	_ =	shalt  }
0x66: {  	_ =	shalt  }
0x67: {  	_ =	shalt  }
0x68: {  	_ =	shalt  }
0x69: {  	_ =	shalt  }
0x6a: {  	_ =	shalt  }
0x6b: {  	_ =	shalt  }
0x6c: {  	_ =	shalt  }
0x6d: {  	_ =	shalt  }
0x6e: {  	_ =	shalt  }
0x6f: {  	_ =	shalt  }
0x70: {  	_ =	shalt  }
0x71: {  	_ =	shalt  }
0x72: {  	_ =	shalt  }
0x73: {  	_ =	shalt  }
0x74: {  	_ =	shalt  }
0x75: {  	_ =	shalt  }
0x76: {  	_ =	shalt  }
0x77: {  	_ =	shalt  }
0x78: {  	_ =	shalt  }
0x79: {  	_ =	shalt  }
0x7a: {  	_ =	shalt  }
0x7b: {  	_ =	shalt  }
0x7c: {  	_ =	shalt  }
0x7d: {  	_ =	shalt  }
0x7e: {  	_ =	shalt  }
0x7f: {  	_ =	shalt  }
0x80: {  	_ =	shalt  }
0x81: {  	_ =	shalt  }
0x82: {  	_ =	shalt  }
0x83: {  	_ =	shalt  }
0x84: {  	_ =	shalt  }
0x85: {  	_ =	shalt  }
0x86: {  	_ =	shalt  }
0x87: {  	_ =	shalt  }
.Lfunc_end0:
.L_simem_size_0:
called_computation.13_lowered:
.L_overlay_start_0:
0x88: {  	s2 =	sld [smem:$0x3FD9]  }
0x89: {  	s3 =	sld [smem:$0x3FFE];
	_ =	sdelay $0x1  }
0x8a: {  	s1 =	srdreg.scid  }
0x8b: {  	s0 =	sand.u32 $0x1, s1  }
0x8c: {  	s17 =	sshll.u32 s0, $0xA;
	s2 =	sadd.s32 s3, s2  }
0x8d: {  	s2 =	sadd.s32 s2, s17  }
0x8e: {  	[smem:$0x3FC2] =	sst s2  }
0x8f: {  	_ = 	snop  }
0x90: {  	s2 =	sld [smem:$0x3FD0];
	(tm) =	ssettm $0x1  }
0x91: {  	s18 =	sld [smem:$0x3FFB];
	_ =	sdelay $0x3  }
0x92: {  	_ =	strace s18  }
0x93: {  	s3 =	sld [smem:$0x3FFC];
	_ =	sdelay $0x3  }
0x94: {  	_ =	strace s3  }
0x95: {  	s3 =	sld [smem:$0x3FFD];
	_ =	sdelay $0x3  }
0x96: {  	_ =	strace s3  }
0x97: {  	_ =	strace $0x8FFFFFFF  }
0x98: {  	s19 =	sld [smem:$0x3FDB];
	_ =	sdelay $0x1  }
0x99: {  	s4 =	simm.s32 $_scs_section_size  }
0x9a: {  	s5 =	simm.s32 $_size__tile_overlayer_lowered;
	s6 =	simm.s32 $_tile_overlayer_lowered  }
0x9b: {  	s22 =	simm.s32 $0x1BFF;
	s21 =	sshll.u32 s6, $0x1;
	s3 =	sadd.s32 s4, s19  }
0x9c: {  	s7 =	simm.s32 $0x0;
	s20 =	sshll.u32 s5, $0x1;
	s5 =	sadd.s32 s21, s3  }
0x9d: {  	[timem:s7], [sflag:s22] =	dma.local [hbm:s5], s20  }
0x9e: {  	_ =	swait.ge [sflag:s22], s20  }
0x9f: {  	s4 =	ssub.s32 $0x0, s20;
	[sflag:s22] =	ssyncset.done $0x0  }
0xa0: {  	[sflag:s22] =	ssyncadd.s32 s4;
	_ =	sdelay $0x1  }
0xa1: {  	s23 =	simm.s32 $0x1B8B  }
0xa2: {  	_ =	swait.ge [sflag:s23], $0x1  }
0xa3: {  	[sflag:s23] =	ssyncset.done $0x0  }
0xa4: {  	s25 =	simm.s32 $0x1B8E;
	s24 =	sld [smem:$0x3FFE];
	[sflag:s23] =	ssyncadd.s32 $0xFFFFFFFF  }
0xa5: {  	s26 =	simm.s32 $execute0_lowered;
	[smem:$0x3FD2] =	sst s25  }
0xa6: {  	s5 =	sshll.u32 s26, $0x1;
	_ =	strace $0x8000006D;
	[dreg:$0x1] =	wrdreg $0xFFFFFFFF  }
0xa7: {  	s28 =	simm.s32 $_size_execute0_lowered;
	s3 =	sadd.s32 s3, s5;
	[dreg:$0x0] =	wrdreg $0x0  }
0xa8: {  	s5 =	sshll.u32 s28, $0x1;
	[dreg:$0x2] =	wrdreg s3  }
0xa9: {  	[dreg:$0x3] =	wrdreg s5  }
0xaa: {  	[dreg:$0x4] =	wrdreg $0xC0  }
0xab: {  	_ =	task [dreg:s7], $0x5FFFF  }
0xac: {  	[dreg:$0x1] =	wrdreg $0xFFFFFFFF  }
0xad: {  	[dreg:$0x0] =	wrdreg $0x60  }
0xae: {  	[dreg:$0x2] =	wrdreg s24  }
0xaf: {  	[dreg:$0x3] =	wrdreg s2  }
0xb0: {  	[dreg:$0x4] =	wrdreg $0x9  }
0xb1: {  	_ =	task.clear_ibuf [dreg:s7], $0x5FFFF;
	_ =	strace $0x9000006D  }
0xb2: {  	s29 =	simm.s32 $0x9;
	_ =	strace $0x8000006F  }
0xb3: {  	_ =	swait.ge [sflag:s29], $0x1  }
0xb4: {  	[sflag:s29] =	ssyncadd.s32 $0xFFFFFFFF  }
0xb5: {  	_ =	strace $0x9000006F  }
0xb6: {  	_ =	sfence  }
0xb7: {  	s30 =	sld [smem:$0x0];
	_ =	sdelay $0x2  }
0xb8: {  	s31 =	sshll.u32 s1, $0xD;
	s1 =	sshrl.u32 s1, $0x2  }
0xb9: {  	s3 =	sand.u32 $0x4000, s31;
	s1 =	sadd.s32 s1, s30  }
0xba: {  	s0 =	sor.u32 s3, s0;
	s1 =	sshll.u32 s1, $0x11  }
0xbb: {  	s0 =	sor.u32 s1, s0  }
0xbc: {  	s0 =	sadd.s32 $0x8F2B, s0  }
0xbd: {  	[sflag:s0] =	ssyncadd.remote.s32 $0x1  }
0xbe: {  	_ =	sfence.sel $0xFFFF  }
0xbf: {  	[dreg:$0x0] =	wrdreg $0xFFFFFFFF;
	(pc) =	sbr.abs _section_cstart, $3  }
0xc0: {  	[dreg:$0x1] =	wrdreg $0xFFFFFFFF  }
0xc1: {  	_ =	task.clear_ibuf [dreg:s7], $0x2FFFF;
	_ =	strace $0x9FFFFFFF  }
0xc2: {  	(tm) =	ssettm $0x7FFFFFFF  }
0xc3: {  	_ =	shalt  }
tec
execute0_lowered:
.L_overlay_start_1:
0x0: {  	(tag) =	ssettag $0x1  }
0x1: {  	s1 =	srdreg.scid;
	s0 =	stileid.u32  }
0x2: {  	s8 =	sand.u32 $0x1, s1;
	s30 =	sshll.u32 s0, $0x1  }
0x3: {  	s6 =	rddreg [dreg:$0x0];
	s7 =	sor.u32 s8, s30  }
0x4: {  	s2 =	rddreg [dreg:$0x1];
	s3 =	simm.s32 $0x0;
	s4 =	sshll.u32 s7, $0x2  }
0x5: {  	s5 =	simm.s32 $0x2;
	[smem:$0x7FF] =	sst s3;
	s4 =	sadd.s32 s4, s6  }
0x6: {  	s1 =	rddreg [dreg:$0x2];
	_ =	strace $0x8000006E;
	s4 =	sadd.s32 $0x14600, s4  }
0x7: {  	[tilespmem:s3], [sflag:$0x2] =	stream.linear.gather [hbm4b:s4+s3], $0x20, $0x38;
	[tilespmem:$0x1100] =	vst v63  }
0x8: {  	s7 =	sshll.u32 s7, $0x9;
	_ =	swait.ge [sflag:s5], $0x20  }
0x9: {  	s6 =	sadd.s32 s7, s6;
	[sflag:s5] =	ssyncset.done $0x0  }
0xa: {  	s7 =	simm.s32 $0x100;
	s6 =	sadd.s32 $0xB400, s6;
	[sflag:s5] =	ssyncadd.s32 $0xFFFFFFE0  }
0xb: {  	[tilespmem:s7], [sflag:$0x2] =	stream.linear.gather [hbm4b:s6+s3], $0x1000, $0x38;
	[tilespmem:$0x1100] =	vst v63  }
0xc: {  	_ =	swait.ge [sflag:s5], $0x1000  }
0xd: {  	[sflag:s5] =	ssyncset.done $0x0  }
0xe: {  	[sflag:s5] =	ssyncadd.s32 $0xFFFFF000  }
0xf: {  	s8 =	ssub.s32 $0x2, s8;
	v1 =	vld [tilespmem:$0x0]  }
0x10: {  	s31 =	sshrl.u32 s8, $0x1;
	v2 =	vld [tilespmem:$0x10]  }
0x11: {  	s9 =	sshll.u32 s0, $0xA;
	s8 =	ssub.s32 s8, s31  }
0x12: {  	s9 =	sand.u32 $0x3800, s9;
	s11 =	smax.u32 s8, $0x1  }
0x13: {  	v0 =	vmov s9;
	p0 =	sne.s32 s11, $0x1  }
.Ltmp0:
0x14: {  	v1 =	vadd.s32 v0, v1;
	(pc) =	sbr.rel @!p0 .LBB2_2-.Ltmp0, $4  }
0x15: {  	[tilespmem:$0x80] =	vst v1;
	v1 =	vadd.s32 v0, v2  }
0x16: {  	s10 =	simm.s32 $0x1;
	s9 =	simm.s32 $0x80;
	s8 =	simm.s32 $0x20;
	[tilespmem:$0x90] =	vst v1  }
0x17: {  	[hbm4b:s2+s8] =	stream.indirect.scatter [tilespmem:s7], [sflag:$0x1], $0x80, s9, s8, $0xb8;
	[tilespmem:$0x1100] =	vst v63  }
0x18: {  	s11 =	sadd.s32 $0xFFFFFFFF, s11;
	_ =	swait.ge [sflag:s10], $0x1000  }
.LBB2_1:
0x19: {  	p0 =	sne.s32 s11, $0x1;
	s11 =	sadd.s32 $0xFFFFFFFF, s11;
	[sflag:s10] =	ssyncset.done $0x0  }
0x1a: {  	[sflag:s10] =	ssyncadd.s32 $0xFFFFF000  }
0x1b: {  	[tilespmem:s3], [sflag:$0x2] =	stream.linear.gather [hbm4b:s4+s3], $0x20, $0x38;
	[tilespmem:$0x1100] =	vst v63  }
0x1c: {  	_ =	swait.ge [sflag:s5], $0x20  }
0x1d: {  	[sflag:s5] =	ssyncset.done $0x0  }
0x1e: {  	[sflag:s5] =	ssyncadd.s32 $0xFFFFFFE0  }
0x1f: {  	[tilespmem:s7], [sflag:$0x2] =	stream.linear.gather [hbm4b:s6+s3], $0x1000, $0x38;
	[tilespmem:$0x1100] =	vst v63  }
0x20: {  	_ =	swait.ge [sflag:s5], $0x1000  }
0x21: {  	[sflag:s5] =	ssyncset.done $0x0  }
0x22: {  	[sflag:s5] =	ssyncadd.s32 $0xFFFFF000  }
0x23: {  	v1 =	vld [tilespmem:$0x0]  }
0x24: {  	v2 =	vld [tilespmem:$0x10];
	_ =	sdelay $0x3  }
.Ltmp1:
0x25: {  	v1 =	vadd.s32 v0, v1;
	(pc) =	sbr.rel @p0 .LBB2_1-.Ltmp1, $4  }
0x26: {  	[tilespmem:$0x80] =	vst v1;
	v1 =	vadd.s32 v0, v2  }
0x27: {  	[tilespmem:$0x90] =	vst v1  }
0x28: {  	[hbm4b:s2+s8] =	stream.indirect.scatter [tilespmem:s7], [sflag:$0x1], $0x80, s9, s8, $0xb8;
	[tilespmem:$0x1100] =	vst v63  }
0x29: {  	_ =	swait.ge [sflag:s10], $0x1000  }
.LBB2_2:
0x2a: {  	[sflag:s10] =	ssyncset.done $0x0  }
0x2b: {  	[sflag:s10] =	ssyncadd.s32 $0xFFFFF000  }
0x2c: {  	_ =	sfence.sel $0x180000  }
0x2d: {  	[bflag:$0x0] =	sbarrier.arrive $0xFFFF  }
0x2e: {  	p0 =	sne.s32 s0, $0x0;
	_ =	strace $0x9000006E  }
0x2f: {  	s0 =	sadd.s32 @!p0 $0x100000, s1;
	[bflag:$0x2] =	sbarrier.arrive $0xFFFF  }
0x30: {  	[sflag:s0] =	ssyncadd.tile.s32 @!p0 $0x1;
	_ =	shalt  }
.Lfunc_end2:
_tile_overlayer_lowered:
.L_overlay_start_2:
0x31: {  	(tag) =	ssettag $0x2  }
0x32: {  	s0 =	rddreg [dreg:$0x0];
	s2 =	stileid.u32  }
0x33: {  	s1 =	rddreg [dreg:$0x1];
	p0 =	sne.s32 s2, $0x0  }
0x34: {  	s3 =	rddreg [dreg:$0x2];
	[bflag:$0x3] =	sbarrier.arrive $0xFFFF;
	s2 =	simm.s32 @!p0 $0x1C02  }
0x35: {  	[timem:s3], [sflag:s2] =	dma.local @!p0 [hbm:s0], s1  }
0x36: {  	s0 =	simm.s32 @!p0 $0x2  }
0x37: {  	_ =	swait.ge @!p0 [sflag:s0], s1  }
0x38: {  	s1 =	ssub.s32 @!p0 $0x0, s1;
	[sflag:s0] =	ssyncset.done @!p0 $0x0  }
0x39: {  	[sflag:s0] =	ssyncadd.s32 @!p0 s1  }
0x3a: {  	[bflag:$0x3] =	sbarrier.arrive $0xFFFF  }
0x3b: {  	_ =	shalt  }

// kernel: run.68.cloned.1.call-start
scs
__scs_entry_jumppad:
0x0: {  	(pc) =	sbr.rel $0x88, $3  }
0x1: {  	(tag) =	ssettag $0x0;
	lr =	simm.s32 $0x1  }
0x2: {  	[smem:$0x3F9B] =	sst lr;
	_ =	strace $0xD0000000  }
0x3: {  	_ = 	snop  }
0x4: {  	_ = 	snop  }
0x5: {  	_ = 	snop  }
0x6: {  	_ = 	snop  }
0x7: {  	_ = 	snop  }
__scs_overlays_trampoline_lowered:
0x8: {  	[smem:$0x3FAA] =	sst s0  }
0x9: {  	[smem:$0x3FAB] =	sst s1  }
0xa: {  	[smem:$0x3FAC] =	sst s2  }
0xb: {  	[smem:$0x3FAD] =	sst s3  }
0xc: {  	[smem:$0x3FAE] =	sst s4  }
0xd: {  	[smem:$0x3FAF] =	sst s5  }
0xe: {  	[smem:$0x3FB0] =	sst s6  }
0xf: {  	[smem:$0x3FB1] =	sst s7  }
0x10: {  	[smem:$0x3FB2] =	sst s8  }
0x11: {  	[smem:$0x3FB3] =	sst s9;
	s0 =	simm.s32 @!p0 $0x0  }
0x12: {  	s1 =	sld [smem:$0x3F99];
	s0 =	simm.s32 @p0 $0x1  }
0x13: {  	[smem:$0x3FB4] =	sst s0;
	s0 =	simm.s32 @!p1 $0x0  }
0x14: {  	s2 =	sld [smem:$0x3F98];
	s0 =	simm.s32 @p1 $0x1  }
0x15: {  	[smem:$0x3FB5] =	sst s0;
	s0 =	simm.s32 @!p2 $0x0  }
0x16: {  	s3 =	sld [smem:$0x3FDB];
	s0 =	simm.s32 @p2 $0x1  }
0x17: {  	s4 =	simm.s32 $0x1BF5;
	[smem:$0x3FB7] =	sst s0  }
0x18: {  	s0 =	sld [smem:$0x3F9A];
	_ =	swait.ge [sflag:s4], $0x0  }
0x19: {  	s7 =	sld [smem:$0x3F9B]  }
0x1a: {  	s8 =	sadd.s32 $0xFFFFE003, lr  }
0x1b: {  	s9 =	sadd.s32 $0xFFFFFEF7, lr;
	s5 =	simm.s32 $0xFFFFFFFF;
	p2 =	slt.u32 s8, $0xFFFFF086  }
0x1c: {  	p1 =	slt.u32 s9, $0xF7A;
	s5 =	simm.s32 @!p2 $0x0  }
0x1d: {  	s5 =	simm.s32 @p1 $0x1;
	p0 =	seq.s32 s7, s2  }
0x1e: {  	s7 =	smul.u32 @!p0 $0xF7A, s2;
	p2 =	seq.s32 @!p0 s5, $0x0  }
0x1f: {  	s9 =	smul.u32 $0xF7A, s1;
	s8 =	simm.s32 @!p0 $0x1BF5;
	p2 =	por !p2, p0  }
0x20: {  	[sflag:s8] =	ssyncset.s32 @!p0 $0xFFFFF086;
	s6 =	sadd.s32 @!p0 s3, s7;
	s7 =	simm.s32 @!p0 $0x108  }
0x21: {  	s3 =	sadd.s32 s3, s9;
	s6 =	sadd.s32 @!p0 $0x88, s6;
	s7 =	simm.s32 @p2 $0x1082  }
0x22: {  	[simem:s7], [sflag:s8] =	dma.local @!p0 [hbm:s6], $0xF7A  }
0x23: {  	s9 =	sor.u32 $0xD0000000, s2;
	s6 =	simm.s32 $0x108;
	_ =	swait.ge @!p0 [sflag:s8], $0x0  }
0x24: {  	s3 =	sadd.s32 $0x88, s3;
	s6 =	simm.s32 @!p1 $0x1082;
	[sflag:s4] =	ssyncset.s32 $0xFFFFF086  }
0x25: {  	[simem:s6], [sflag:s4] =	dma.local [hbm:s3], $0xF7A  }
0x26: {  	[smem:$0x3F9B] =	sst s1;
	(tag) =	ssettag s2;
	_ =	strace s9  }
0x27: {  	s1 =	sld [smem:$0x3FAB]  }
0x28: {  	s2 =	sld [smem:$0x3FAC]  }
0x29: {  	s4 =	sld [smem:$0x3FAE]  }
0x2a: {  	p0 =	seq.s32 s5, $0x0;
	s5 =	sld [smem:$0x3FAF]  }
0x2b: {  	s6 =	sld [smem:$0x3FB0]  }
0x2c: {  	s7 =	sld [smem:$0x3FB1]  }
0x2d: {  	s3 =	simm.s32 $0x108;
	s8 =	sld [smem:$0x3FB2]  }
0x2e: {  	s3 =	simm.s32 @!p0 $0x1082;
	s9 =	sld [smem:$0x3FB3]  }
0x2f: {  	lr =	sadd.s32 s0, s3;
	s0 =	sld [smem:$0x3FAA]  }
0x30: {  	s3 =	sld [smem:$0x3FAD]  }
0x31: {  	[smem:$0x3FB6] =	sst s10  }
0x32: {  	s10 =	sld [smem:$0x3FB4];
	_ =	sdelay $0x3  }
0x33: {  	p0 =	seq.s32 s10, $0x1;
	s10 =	sld [smem:$0x3FB6];
	_ =	sdelay $0x3  }
0x34: {  	[smem:$0x3FB6] =	sst s10  }
0x35: {  	s10 =	sld [smem:$0x3FB5];
	_ =	sdelay $0x3  }
0x36: {  	p1 =	seq.s32 s10, $0x1;
	s10 =	sld [smem:$0x3FB6];
	_ =	sdelay $0x3  }
0x37: {  	[smem:$0x3FB6] =	sst s10  }
0x38: {  	s10 =	sld [smem:$0x3FB7]  }
0x39: {  	_ = 	snop;
	(pc) =	sbr.ind lr, $3  }
0x3a: {  	_ = 	snop  }
0x3b: {  	_ = 	snop  }
0x3c: {  	p2 =	seq.s32 s10, $0x1;
	s10 =	sld [smem:$0x3FB6]  }
0x3d: {  	_ =	shalt  }
0x3e: {  	_ =	shalt  }
0x3f: {  	_ =	shalt  }
0x40: {  	_ =	shalt  }
0x41: {  	_ =	shalt  }
0x42: {  	_ =	shalt  }
0x43: {  	_ =	shalt  }
0x44: {  	_ =	shalt  }
0x45: {  	_ =	shalt  }
0x46: {  	_ =	shalt  }
0x47: {  	_ =	shalt  }
0x48: {  	_ =	shalt  }
0x49: {  	_ =	shalt  }
0x4a: {  	_ =	shalt  }
0x4b: {  	_ =	shalt  }
0x4c: {  	_ =	shalt  }
0x4d: {  	_ =	shalt  }
0x4e: {  	_ =	shalt  }
0x4f: {  	_ =	shalt  }
0x50: {  	_ =	shalt  }
0x51: {  	_ =	shalt  }
0x52: {  	_ =	shalt  }
0x53: {  	_ =	shalt  }
0x54: {  	_ =	shalt  }
0x55: {  	_ =	shalt  }
0x56: {  	_ =	shalt  }
0x57: {  	_ =	shalt  }
0x58: {  	_ =	shalt  }
0x59: {  	_ =	shalt  }
0x5a: {  	_ =	shalt  }
0x5b: {  	_ =	shalt  }
0x5c: {  	_ =	shalt  }
0x5d: {  	_ =	shalt  }
0x5e: {  	_ =	shalt  }
0x5f: {  	_ =	shalt  }
0x60: {  	_ =	shalt  }
0x61: {  	_ =	shalt  }
0x62: {  	_ =	shalt  }
0x63: {  	_ =	shalt  }
0x64: {  	_ =	shalt  }
0x65: {  	_ =	shalt  }
0x66: {  	_ =	shalt  }
0x67: {  	_ =	shalt  }
0x68: {  	_ =	shalt  }
0x69: {  	_ =	shalt  }
0x6a: {  	_ =	shalt  }
0x6b: {  	_ =	shalt  }
0x6c: {  	_ =	shalt  }
0x6d: {  	_ =	shalt  }
0x6e: {  	_ =	shalt  }
0x6f: {  	_ =	shalt  }
0x70: {  	_ =	shalt  }
0x71: {  	_ =	shalt  }
0x72: {  	_ =	shalt  }
0x73: {  	_ =	shalt  }
0x74: {  	_ =	shalt  }
0x75: {  	_ =	shalt  }
0x76: {  	_ =	shalt  }
0x77: {  	_ =	shalt  }
0x78: {  	_ =	shalt  }
0x79: {  	_ =	shalt  }
0x7a: {  	_ =	shalt  }
0x7b: {  	_ =	shalt  }
0x7c: {  	_ =	shalt  }
0x7d: {  	_ =	shalt  }
0x7e: {  	_ =	shalt  }
0x7f: {  	_ =	shalt  }
0x80: {  	_ =	shalt  }
0x81: {  	_ =	shalt  }
0x82: {  	_ =	shalt  }
0x83: {  	_ =	shalt  }
0x84: {  	_ =	shalt  }
0x85: {  	_ =	shalt  }
0x86: {  	_ =	shalt  }
0x87: {  	_ =	shalt  }
.Lfunc_end0:
.L_simem_size_0:
called_computation.14_lowered:
.L_overlay_start_0:
0x88: {  	s2 =	sld [smem:$0x3FD9]  }
0x89: {  	s3 =	sld [smem:$0x3FFE];
	_ =	sdelay $0x1  }
0x8a: {  	s1 =	srdreg.scid  }
0x8b: {  	s0 =	sand.u32 $0x1, s1  }
0x8c: {  	s17 =	sshll.u32 s0, $0xA;
	s2 =	sadd.s32 s3, s2  }
0x8d: {  	s2 =	sadd.s32 s2, s17  }
0x8e: {  	[smem:$0x3FC2] =	sst s2  }
0x8f: {  	_ = 	snop  }
0x90: {  	s2 =	sld [smem:$0x3FC8]  }
0x91: {  	s18 =	sld [smem:$0x3FD0];
	(tm) =	ssettm $0x1  }
0x92: {  	s4 =	sld [smem:$0x3FFB];
	_ =	sdelay $0x3  }
0x93: {  	_ =	strace s4  }
0x94: {  	s4 =	sld [smem:$0x3FFC];
	_ =	sdelay $0x3  }
0x95: {  	_ =	strace s4  }
0x96: {  	s4 =	sld [smem:$0x3FFD];
	_ =	sdelay $0x3  }
0x97: {  	_ =	strace s4  }
0x98: {  	_ =	strace $0x8FFFFFFF  }
0x99: {  	s19 =	sld [smem:$0x3FDB];
	_ =	sdelay $0x1  }
0x9a: {  	s5 =	simm.s32 $_scs_section_size  }
0x9b: {  	s6 =	simm.s32 $_size__tile_overlayer_lowered;
	s7 =	simm.s32 $_tile_overlayer_lowered  }
0x9c: {  	s22 =	simm.s32 $0x1BFF;
	s21 =	sshll.u32 s7, $0x1;
	s4 =	sadd.s32 s5, s19  }
0x9d: {  	s8 =	simm.s32 $0x0;
	s20 =	sshll.u32 s6, $0x1;
	s6 =	sadd.s32 s21, s4  }
0x9e: {  	[timem:s8], [sflag:s22] =	dma.local [hbm:s6], s20  }
0x9f: {  	_ =	swait.ge [sflag:s22], s20  }
0xa0: {  	s5 =	ssub.s32 $0x0, s20;
	[sflag:s22] =	ssyncset.done $0x0  }
0xa1: {  	[sflag:s22] =	ssyncadd.s32 s5;
	_ =	sdelay $0x1  }
0xa2: {  	s23 =	simm.s32 $0x1B8B  }
0xa3: {  	_ =	swait.ge [sflag:s23], $0x1  }
0xa4: {  	[sflag:s23] =	ssyncset.done $0x0  }
0xa5: {  	s25 =	simm.s32 $0x1B8E;
	s24 =	sld [smem:$0x3FFE];
	[sflag:s23] =	ssyncadd.s32 $0xFFFFFFFF  }
0xa6: {  	s26 =	simm.s32 $execute0_lowered;
	[smem:$0x3FD2] =	sst s25  }
0xa7: {  	s6 =	sshll.u32 s26, $0x1;
	_ =	strace $0x80000070;
	[dreg:$0x1] =	wrdreg $0xFFFFFFFF  }
0xa8: {  	s28 =	simm.s32 $_size_execute0_lowered;
	s4 =	sadd.s32 s4, s6;
	[dreg:$0x0] =	wrdreg $0x0  }
0xa9: {  	s6 =	sshll.u32 s28, $0x1;
	[dreg:$0x2] =	wrdreg s4  }
0xaa: {  	[dreg:$0x3] =	wrdreg s6  }
0xab: {  	[dreg:$0x4] =	wrdreg $0xC0  }
0xac: {  	_ =	task [dreg:s8], $0x5FFFF  }
0xad: {  	[dreg:$0x1] =	wrdreg $0xFFFFFFFF  }
0xae: {  	[dreg:$0x0] =	wrdreg $0x60  }
0xaf: {  	[dreg:$0x2] =	wrdreg s24  }
0xb0: {  	[dreg:$0x3] =	wrdreg s2  }
0xb1: {  	[dreg:$0x4] =	wrdreg s18  }
0xb2: {  	[dreg:$0x5] =	wrdreg $0x9  }
0xb3: {  	_ =	task.clear_ibuf [dreg:s8], $0x6FFFF;
	_ =	strace $0x90000070  }
0xb4: {  	s29 =	simm.s32 $0x9;
	_ =	strace $0x80000072  }
0xb5: {  	_ =	swait.ge [sflag:s29], $0x1  }
0xb6: {  	[sflag:s29] =	ssyncadd.s32 $0xFFFFFFFF  }
0xb7: {  	_ =	strace $0x90000072  }
0xb8: {  	_ =	sfence  }
0xb9: {  	s30 =	sld [smem:$0x0];
	_ =	sdelay $0x2  }
0xba: {  	s31 =	sshll.u32 s1, $0xD;
	s1 =	sshrl.u32 s1, $0x2  }
0xbb: {  	s3 =	sand.u32 $0x4000, s31;
	s1 =	sadd.s32 s1, s30  }
0xbc: {  	s0 =	sor.u32 s3, s0;
	s1 =	sshll.u32 s1, $0x11  }
0xbd: {  	s0 =	sor.u32 s1, s0  }
0xbe: {  	s0 =	sadd.s32 $0x8F2B, s0  }
0xbf: {  	[sflag:s0] =	ssyncadd.remote.s32 $0x1  }
0xc0: {  	_ =	sfence.sel $0xFFFF  }
0xc1: {  	[dreg:$0x0] =	wrdreg $0xFFFFFFFF;
	(pc) =	sbr.abs _section_cstart, $3  }
0xc2: {  	[dreg:$0x1] =	wrdreg $0xFFFFFFFF  }
0xc3: {  	_ =	task.clear_ibuf [dreg:s8], $0x2FFFF;
	_ =	strace $0x9FFFFFFF  }
0xc4: {  	(tm) =	ssettm $0x7FFFFFFF  }
0xc5: {  	_ =	shalt  }
tec
execute0_lowered:
.L_overlay_start_1:
0x0: {  	(tag) =	ssettag $0x1  }
0x1: {  	s12 =	rddreg [dreg:$0x0]  }
0x2: {  	s1 =	srdreg.scid;
	s0 =	stileid.u32  }
0x3: {  	s2 =	rddreg [dreg:$0x1];
	s13 =	sand.u32 $0x1, s1;
	s30 =	sshll.u32 s0, $0x1  }
0x4: {  	s3 =	rddreg [dreg:$0x2];
	s14 =	sor.u32 s13, s30  }
0x5: {  	s4 =	simm.s32 $0x0;
	s1 =	rddreg [dreg:$0x3];
	s5 =	sshll.u32 s14, $0x2  }
0x6: {  	[smem:$0x7FF] =	sst s4;
	s5 =	sadd.s32 s5, s12  }
0x7: {  	_ =	strace $0x80000071;
	s6 =	sadd.s32 $0xB200, s5;
	s5 =	simm.s32 $0x2  }
0x8: {  	[tilespmem:s4], [sflag:$0x2] =	stream.linear.gather [hbm4b:s6+s4], $0x20, $0x38;
	[tilespmem:$0x2100] =	vst v63  }
0x9: {  	_ =	swait.ge [sflag:s5], $0x20  }
0xa: {  	[sflag:s5] =	ssyncset.done $0x0  }
0xb: {  	[sflag:s5] =	ssyncadd.s32 $0xFFFFFFE0  }
0xc: {  	v1 =	vld [tilespmem:$0x0]  }
0xd: {  	v2 =	vld [tilespmem:$0x10]  }
0xe: {  	s7 =	sshll.u32 s0, $0xA  }
0xf: {  	s7 =	sand.u32 $0x3800, s7  }
0x10: {  	v0 =	vmov s7  }
0x11: {  	v1 =	vadd.s32 v0, v1  }
0x12: {  	s8 =	simm.s32 $0x80;
	[tilespmem:$0x80] =	vst v1;
	v1 =	vadd.s32 v0, v2  }
0x13: {  	s9 =	simm.s32 $0x100;
	s10 =	simm.s32 $0x1;
	s7 =	simm.s32 $0x20;
	[tilespmem:$0x90] =	vst v1  }
0x14: {  	[tilespmem:s9], [sflag:$0x1] =	stream.indirect.gather [hbm4b:s2+s7], $0x80, s8, s7, $0xb8;
	[tilespmem:$0x2100] =	vst v63  }
0x15: {  	_ =	swait.ge [sflag:s10], $0x1000  }
0x16: {  	s13 =	ssub.s32 $0x2, s13;
	[sflag:s10] =	ssyncset.done $0x0  }
0x17: {  	s11 =	simm.s32 $0x1100;
	s15 =	sshrl.u32 s13, $0x1;
	[sflag:s10] =	ssyncadd.s32 $0xFFFFF000  }
0x18: {  	[tilespmem:s11], [sflag:$0x1] =	stream.indirect.gather [hbm4b:s3+s7], $0x80, s8, s7, $0xb8;
	[tilespmem:$0x2100] =	vst v63  }
0x19: {  	s14 =	sshll.u32 s14, $0x9;
	s15 =	ssub.s32 s13, s15;
	_ =	swait.ge [sflag:s10], $0x1000  }
0x1a: {  	s14 =	sadd.s32 s14, s12;
	s31 =	smax.u32 s15, $0x1;
	[sflag:s10] =	ssyncset.done $0x0  }
0x1b: {  	s12 =	sadd.s32 $0xB400, s14;
	p0 =	sne.s32 s31, $0x1;
	[sflag:s10] =	ssyncadd.s32 $0xFFFFF000  }
0x1c: {  	[hbm4b:s12+s4] =	stream.linear.scatter [tilespmem:s9], [sflag:$0x2], $0x1000, $0x38;
	[tilespmem:$0x2100] =	vst v63  }
.Ltmp0:
0x1d: {  	_ =	swait.ge [sflag:s5], $0x1000;
	(pc) =	sbr.rel @!p0 .LBB2_2-.Ltmp0, $4  }
0x1e: {  	[sflag:s5] =	ssyncset.done $0x0  }
0x1f: {  	s13 =	sadd.s32 $0xF400, s14;
	[sflag:s5] =	ssyncadd.s32 $0xFFFFF000  }
0x20: {  	[hbm4b:s13+s4] =	stream.linear.scatter [tilespmem:s11], [sflag:$0x2], $0x1000, $0x38;
	[tilespmem:$0x2100] =	vst v63  }
0x21: {  	s14 =	sadd.s32 $0xFFFFFFFF, s31;
	_ =	swait.ge [sflag:s5], $0x1000  }
.LBB2_1:
0x22: {  	p0 =	sne.s32 s14, $0x1;
	s14 =	sadd.s32 $0xFFFFFFFF, s14;
	[sflag:s5] =	ssyncset.done $0x0  }
0x23: {  	[sflag:s5] =	ssyncadd.s32 $0xFFFFF000  }
0x24: {  	[tilespmem:s4], [sflag:$0x2] =	stream.linear.gather [hbm4b:s6+s4], $0x20, $0x38;
	[tilespmem:$0x2100] =	vst v63  }
0x25: {  	_ =	swait.ge [sflag:s5], $0x20  }
0x26: {  	[sflag:s5] =	ssyncset.done $0x0  }
0x27: {  	[sflag:s5] =	ssyncadd.s32 $0xFFFFFFE0  }
0x28: {  	v1 =	vld [tilespmem:$0x0]  }
0x29: {  	v2 =	vld [tilespmem:$0x10];
	_ =	sdelay $0x3  }
0x2a: {  	v1 =	vadd.s32 v0, v1  }
0x2b: {  	[tilespmem:$0x80] =	vst v1;
	v1 =	vadd.s32 v0, v2  }
0x2c: {  	[tilespmem:$0x90] =	vst v1  }
0x2d: {  	[tilespmem:s9], [sflag:$0x1] =	stream.indirect.gather [hbm4b:s2+s7], $0x80, s8, s7, $0xb8;
	[tilespmem:$0x2100] =	vst v63  }
0x2e: {  	_ =	swait.ge [sflag:s10], $0x1000  }
0x2f: {  	[sflag:s10] =	ssyncset.done $0x0  }
0x30: {  	[sflag:s10] =	ssyncadd.s32 $0xFFFFF000  }
0x31: {  	[tilespmem:s11], [sflag:$0x1] =	stream.indirect.gather [hbm4b:s3+s7], $0x80, s8, s7, $0xb8;
	[tilespmem:$0x2100] =	vst v63  }
0x32: {  	_ =	swait.ge [sflag:s10], $0x1000  }
0x33: {  	[sflag:s10] =	ssyncset.done $0x0  }
0x34: {  	[sflag:s10] =	ssyncadd.s32 $0xFFFFF000  }
0x35: {  	[hbm4b:s12+s4] =	stream.linear.scatter [tilespmem:s9], [sflag:$0x2], $0x1000, $0x38;
	[tilespmem:$0x2100] =	vst v63  }
.Ltmp1:
0x36: {  	_ =	swait.ge [sflag:s5], $0x1000;
	(pc) =	sbr.rel @p0 .LBB2_1-.Ltmp1, $4  }
0x37: {  	[sflag:s5] =	ssyncset.done $0x0  }
0x38: {  	[sflag:s5] =	ssyncadd.s32 $0xFFFFF000  }
0x39: {  	[hbm4b:s13+s4] =	stream.linear.scatter [tilespmem:s11], [sflag:$0x2], $0x1000, $0x38;
	[tilespmem:$0x2100] =	vst v63  }
0x3a: {  	_ =	swait.ge [sflag:s5], $0x1000  }
.LBB2_2:
0x3b: {  	[sflag:s5] =	ssyncset.done $0x0  }
0x3c: {  	[sflag:s5] =	ssyncadd.s32 $0xFFFFF000  }
0x3d: {  	_ =	sfence.sel $0x180000  }
0x3e: {  	[bflag:$0x0] =	sbarrier.arrive $0xFFFF  }
0x3f: {  	p0 =	sne.s32 s0, $0x0;
	_ =	strace $0x90000071  }
0x40: {  	s0 =	sadd.s32 @!p0 $0x100000, s1;
	[bflag:$0x2] =	sbarrier.arrive $0xFFFF  }
0x41: {  	[sflag:s0] =	ssyncadd.tile.s32 @!p0 $0x1;
	_ =	shalt  }
.Lfunc_end2:
_tile_overlayer_lowered:
.L_overlay_start_2:
0x42: {  	(tag) =	ssettag $0x2  }
0x43: {  	s0 =	rddreg [dreg:$0x0];
	s2 =	stileid.u32  }
0x44: {  	s1 =	rddreg [dreg:$0x1];
	p0 =	sne.s32 s2, $0x0  }
0x45: {  	s3 =	rddreg [dreg:$0x2];
	[bflag:$0x3] =	sbarrier.arrive $0xFFFF;
	s2 =	simm.s32 @!p0 $0x1C02  }
0x46: {  	[timem:s3], [sflag:s2] =	dma.local @!p0 [hbm:s0], s1  }
0x47: {  	s0 =	simm.s32 @!p0 $0x2  }
0x48: {  	_ =	swait.ge @!p0 [sflag:s0], s1  }
0x49: {  	s1 =	ssub.s32 @!p0 $0x0, s1;
	[sflag:s0] =	ssyncset.done @!p0 $0x0  }
0x4a: {  	[sflag:s0] =	ssyncadd.s32 @!p0 s1  }
0x4b: {  	[bflag:$0x3] =	sbarrier.arrive $0xFFFF  }
0x4c: {  	_ =	shalt  }

// kernel: run.71.cloned.1.call-start
scs
__scs_entry_jumppad:
0x0: {  	(pc) =	sbr.rel $0x88, $3  }
0x1: {  	(tag) =	ssettag $0x0;
	lr =	simm.s32 $0x1  }
0x2: {  	[smem:$0x3F9B] =	sst lr;
	_ =	strace $0xD0000000  }
0x3: {  	_ = 	snop  }
0x4: {  	_ = 	snop  }
0x5: {  	_ = 	snop  }
0x6: {  	_ = 	snop  }
0x7: {  	_ = 	snop  }
__scs_overlays_trampoline_lowered:
0x8: {  	[smem:$0x3FAA] =	sst s0  }
0x9: {  	[smem:$0x3FAB] =	sst s1  }
0xa: {  	[smem:$0x3FAC] =	sst s2  }
0xb: {  	[smem:$0x3FAD] =	sst s3  }
0xc: {  	[smem:$0x3FAE] =	sst s4  }
0xd: {  	[smem:$0x3FAF] =	sst s5  }
0xe: {  	[smem:$0x3FB0] =	sst s6  }
0xf: {  	[smem:$0x3FB1] =	sst s7  }
0x10: {  	[smem:$0x3FB2] =	sst s8  }
0x11: {  	[smem:$0x3FB3] =	sst s9;
	s0 =	simm.s32 @!p0 $0x0  }
0x12: {  	s1 =	sld [smem:$0x3F99];
	s0 =	simm.s32 @p0 $0x1  }
0x13: {  	[smem:$0x3FB4] =	sst s0;
	s0 =	simm.s32 @!p1 $0x0  }
0x14: {  	s2 =	sld [smem:$0x3F98];
	s0 =	simm.s32 @p1 $0x1  }
0x15: {  	[smem:$0x3FB5] =	sst s0;
	s0 =	simm.s32 @!p2 $0x0  }
0x16: {  	s3 =	sld [smem:$0x3FDB];
	s0 =	simm.s32 @p2 $0x1  }
0x17: {  	s4 =	simm.s32 $0x1BF5;
	[smem:$0x3FB7] =	sst s0  }
0x18: {  	s0 =	sld [smem:$0x3F9A];
	_ =	swait.ge [sflag:s4], $0x0  }
0x19: {  	s7 =	sld [smem:$0x3F9B]  }
0x1a: {  	s8 =	sadd.s32 $0xFFFFE003, lr  }
0x1b: {  	s9 =	sadd.s32 $0xFFFFFEF7, lr;
	s5 =	simm.s32 $0xFFFFFFFF;
	p2 =	slt.u32 s8, $0xFFFFF086  }
0x1c: {  	p1 =	slt.u32 s9, $0xF7A;
	s5 =	simm.s32 @!p2 $0x0  }
0x1d: {  	s5 =	simm.s32 @p1 $0x1;
	p0 =	seq.s32 s7, s2  }
0x1e: {  	s7 =	smul.u32 @!p0 $0xF7A, s2;
	p2 =	seq.s32 @!p0 s5, $0x0  }
0x1f: {  	s9 =	smul.u32 $0xF7A, s1;
	s8 =	simm.s32 @!p0 $0x1BF5;
	p2 =	por !p2, p0  }
0x20: {  	[sflag:s8] =	ssyncset.s32 @!p0 $0xFFFFF086;
	s6 =	sadd.s32 @!p0 s3, s7;
	s7 =	simm.s32 @!p0 $0x108  }
0x21: {  	s3 =	sadd.s32 s3, s9;
	s6 =	sadd.s32 @!p0 $0x88, s6;
	s7 =	simm.s32 @p2 $0x1082  }
0x22: {  	[simem:s7], [sflag:s8] =	dma.local @!p0 [hbm:s6], $0xF7A  }
0x23: {  	s9 =	sor.u32 $0xD0000000, s2;
	s6 =	simm.s32 $0x108;
	_ =	swait.ge @!p0 [sflag:s8], $0x0  }
0x24: {  	s3 =	sadd.s32 $0x88, s3;
	s6 =	simm.s32 @!p1 $0x1082;
	[sflag:s4] =	ssyncset.s32 $0xFFFFF086  }
0x25: {  	[simem:s6], [sflag:s4] =	dma.local [hbm:s3], $0xF7A  }
0x26: {  	[smem:$0x3F9B] =	sst s1;
	(tag) =	ssettag s2;
	_ =	strace s9  }
0x27: {  	s1 =	sld [smem:$0x3FAB]  }
0x28: {  	s2 =	sld [smem:$0x3FAC]  }
0x29: {  	s4 =	sld [smem:$0x3FAE]  }
0x2a: {  	p0 =	seq.s32 s5, $0x0;
	s5 =	sld [smem:$0x3FAF]  }
0x2b: {  	s6 =	sld [smem:$0x3FB0]  }
0x2c: {  	s7 =	sld [smem:$0x3FB1]  }
0x2d: {  	s3 =	simm.s32 $0x108;
	s8 =	sld [smem:$0x3FB2]  }
0x2e: {  	s3 =	simm.s32 @!p0 $0x1082;
	s9 =	sld [smem:$0x3FB3]  }
0x2f: {  	lr =	sadd.s32 s0, s3;
	s0 =	sld [smem:$0x3FAA]  }
0x30: {  	s3 =	sld [smem:$0x3FAD]  }
0x31: {  	[smem:$0x3FB6] =	sst s10  }
0x32: {  	s10 =	sld [smem:$0x3FB4];
	_ =	sdelay $0x3  }
0x33: {  	p0 =	seq.s32 s10, $0x1;
	s10 =	sld [smem:$0x3FB6];
	_ =	sdelay $0x3  }
0x34: {  	[smem:$0x3FB6] =	sst s10  }
0x35: {  	s10 =	sld [smem:$0x3FB5];
	_ =	sdelay $0x3  }
0x36: {  	p1 =	seq.s32 s10, $0x1;
	s10 =	sld [smem:$0x3FB6];
	_ =	sdelay $0x3  }
0x37: {  	[smem:$0x3FB6] =	sst s10  }
0x38: {  	s10 =	sld [smem:$0x3FB7]  }
0x39: {  	_ = 	snop;
	(pc) =	sbr.ind lr, $3  }
0x3a: {  	_ = 	snop  }
0x3b: {  	_ = 	snop  }
0x3c: {  	p2 =	seq.s32 s10, $0x1;
	s10 =	sld [smem:$0x3FB6]  }
0x3d: {  	_ =	shalt  }
0x3e: {  	_ =	shalt  }
0x3f: {  	_ =	shalt  }
0x40: {  	_ =	shalt  }
0x41: {  	_ =	shalt  }
0x42: {  	_ =	shalt  }
0x43: {  	_ =	shalt  }
0x44: {  	_ =	shalt  }
0x45: {  	_ =	shalt  }
0x46: {  	_ =	shalt  }
0x47: {  	_ =	shalt  }
0x48: {  	_ =	shalt  }
0x49: {  	_ =	shalt  }
0x4a: {  	_ =	shalt  }
0x4b: {  	_ =	shalt  }
0x4c: {  	_ =	shalt  }
0x4d: {  	_ =	shalt  }
0x4e: {  	_ =	shalt  }
0x4f: {  	_ =	shalt  }
0x50: {  	_ =	shalt  }
0x51: {  	_ =	shalt  }
0x52: {  	_ =	shalt  }
0x53: {  	_ =	shalt  }
0x54: {  	_ =	shalt  }
0x55: {  	_ =	shalt  }
0x56: {  	_ =	shalt  }
0x57: {  	_ =	shalt  }
0x58: {  	_ =	shalt  }
0x59: {  	_ =	shalt  }
0x5a: {  	_ =	shalt  }
0x5b: {  	_ =	shalt  }
0x5c: {  	_ =	shalt  }
0x5d: {  	_ =	shalt  }
0x5e: {  	_ =	shalt  }
0x5f: {  	_ =	shalt  }
0x60: {  	_ =	shalt  }
0x61: {  	_ =	shalt  }
0x62: {  	_ =	shalt  }
0x63: {  	_ =	shalt  }
0x64: {  	_ =	shalt  }
0x65: {  	_ =	shalt  }
0x66: {  	_ =	shalt  }
0x67: {  	_ =	shalt  }
0x68: {  	_ =	shalt  }
0x69: {  	_ =	shalt  }
0x6a: {  	_ =	shalt  }
0x6b: {  	_ =	shalt  }
0x6c: {  	_ =	shalt  }
0x6d: {  	_ =	shalt  }
0x6e: {  	_ =	shalt  }
0x6f: {  	_ =	shalt  }
0x70: {  	_ =	shalt  }
0x71: {  	_ =	shalt  }
0x72: {  	_ =	shalt  }
0x73: {  	_ =	shalt  }
0x74: {  	_ =	shalt  }
0x75: {  	_ =	shalt  }
0x76: {  	_ =	shalt  }
0x77: {  	_ =	shalt  }
0x78: {  	_ =	shalt  }
0x79: {  	_ =	shalt  }
0x7a: {  	_ =	shalt  }
0x7b: {  	_ =	shalt  }
0x7c: {  	_ =	shalt  }
0x7d: {  	_ =	shalt  }
0x7e: {  	_ =	shalt  }
0x7f: {  	_ =	shalt  }
0x80: {  	_ =	shalt  }
0x81: {  	_ =	shalt  }
0x82: {  	_ =	shalt  }
0x83: {  	_ =	shalt  }
0x84: {  	_ =	shalt  }
0x85: {  	_ =	shalt  }
0x86: {  	_ =	shalt  }
0x87: {  	_ =	shalt  }
.Lfunc_end0:
.L_simem_size_0:
called_computation.15_lowered:
.L_overlay_start_0:
0x88: {  	s2 =	sld [smem:$0x3FD9]  }
0x89: {  	s3 =	sld [smem:$0x3FFE];
	_ =	sdelay $0x1  }
0x8a: {  	s1 =	srdreg.scid  }
0x8b: {  	s0 =	sand.u32 $0x1, s1  }
0x8c: {  	s17 =	sshll.u32 s0, $0xA;
	s2 =	sadd.s32 s3, s2  }
0x8d: {  	s2 =	sadd.s32 s2, s17  }
0x8e: {  	[smem:$0x3FC2] =	sst s2  }
0x8f: {  	_ = 	snop  }
0x90: {  	s2 =	sld [smem:$0x3FD0];
	(tm) =	ssettm $0x1  }
0x91: {  	s18 =	sld [smem:$0x3FFB];
	_ =	sdelay $0x3  }
0x92: {  	_ =	strace s18  }
0x93: {  	s3 =	sld [smem:$0x3FFC];
	_ =	sdelay $0x3  }
0x94: {  	_ =	strace s3  }
0x95: {  	s3 =	sld [smem:$0x3FFD];
	_ =	sdelay $0x3  }
0x96: {  	_ =	strace s3  }
0x97: {  	_ =	strace $0x8FFFFFFF  }
0x98: {  	s19 =	sld [smem:$0x3FDB];
	_ =	sdelay $0x1  }
0x99: {  	s4 =	simm.s32 $_scs_section_size  }
0x9a: {  	s5 =	simm.s32 $_size__tile_overlayer_lowered;
	s6 =	simm.s32 $_tile_overlayer_lowered  }
0x9b: {  	s22 =	simm.s32 $0x1BFF;
	s21 =	sshll.u32 s6, $0x1;
	s3 =	sadd.s32 s4, s19  }
0x9c: {  	s7 =	simm.s32 $0x0;
	s20 =	sshll.u32 s5, $0x1;
	s5 =	sadd.s32 s21, s3  }
0x9d: {  	[timem:s7], [sflag:s22] =	dma.local [hbm:s5], s20  }
0x9e: {  	_ =	swait.ge [sflag:s22], s20  }
0x9f: {  	s4 =	ssub.s32 $0x0, s20;
	[sflag:s22] =	ssyncset.done $0x0  }
0xa0: {  	[sflag:s22] =	ssyncadd.s32 s4;
	_ =	sdelay $0x1  }
0xa1: {  	s23 =	simm.s32 $0x1B8B  }
0xa2: {  	_ =	swait.ge [sflag:s23], $0x1  }
0xa3: {  	[sflag:s23] =	ssyncset.done $0x0  }
0xa4: {  	s25 =	simm.s32 $0x1B8E;
	s24 =	sld [smem:$0x3FFE];
	[sflag:s23] =	ssyncadd.s32 $0xFFFFFFFF  }
0xa5: {  	s26 =	simm.s32 $execute0_lowered;
	[smem:$0x3FD2] =	sst s25  }
0xa6: {  	s5 =	sshll.u32 s26, $0x1;
	_ =	strace $0x80000073;
	[dreg:$0x1] =	wrdreg $0xFFFFFFFF  }
0xa7: {  	s28 =	simm.s32 $_size_execute0_lowered;
	s3 =	sadd.s32 s3, s5;
	[dreg:$0x0] =	wrdreg $0x0  }
0xa8: {  	s5 =	sshll.u32 s28, $0x1;
	[dreg:$0x2] =	wrdreg s3  }
0xa9: {  	[dreg:$0x3] =	wrdreg s5  }
0xaa: {  	[dreg:$0x4] =	wrdreg $0xC0  }
0xab: {  	_ =	task [dreg:s7], $0x5FFFF  }
0xac: {  	[dreg:$0x1] =	wrdreg $0xFFFFFFFF  }
0xad: {  	[dreg:$0x0] =	wrdreg $0x60  }
0xae: {  	[dreg:$0x2] =	wrdreg s24  }
0xaf: {  	[dreg:$0x3] =	wrdreg s2  }
0xb0: {  	[dreg:$0x4] =	wrdreg $0x9  }
0xb1: {  	_ =	task.clear_ibuf [dreg:s7], $0x5FFFF;
	_ =	strace $0x90000073  }
0xb2: {  	s29 =	simm.s32 $0x9;
	_ =	strace $0x80000075  }
0xb3: {  	_ =	swait.ge [sflag:s29], $0x1  }
0xb4: {  	[sflag:s29] =	ssyncadd.s32 $0xFFFFFFFF  }
0xb5: {  	_ =	strace $0x90000075  }
0xb6: {  	_ =	sfence  }
0xb7: {  	s30 =	sld [smem:$0x0];
	_ =	sdelay $0x2  }
0xb8: {  	s31 =	sshll.u32 s1, $0xD;
	s1 =	sshrl.u32 s1, $0x2  }
0xb9: {  	s3 =	sand.u32 $0x4000, s31;
	s1 =	sadd.s32 s1, s30  }
0xba: {  	s0 =	sor.u32 s3, s0;
	s1 =	sshll.u32 s1, $0x11  }
0xbb: {  	s0 =	sor.u32 s1, s0  }
0xbc: {  	s0 =	sadd.s32 $0x8F2B, s0  }
0xbd: {  	[sflag:s0] =	ssyncadd.remote.s32 $0x1  }
0xbe: {  	_ =	sfence.sel $0xFFFF  }
0xbf: {  	[dreg:$0x0] =	wrdreg $0xFFFFFFFF;
	(pc) =	sbr.abs _section_cstart, $3  }
0xc0: {  	[dreg:$0x1] =	wrdreg $0xFFFFFFFF  }
0xc1: {  	_ =	task.clear_ibuf [dreg:s7], $0x2FFFF;
	_ =	strace $0x9FFFFFFF  }
0xc2: {  	(tm) =	ssettm $0x7FFFFFFF  }
0xc3: {  	_ =	shalt  }
tec
execute0_lowered:
.L_overlay_start_1:
0x0: {  	(tag) =	ssettag $0x1  }
0x1: {  	s1 =	srdreg.scid;
	s0 =	stileid.u32  }
0x2: {  	s8 =	sand.u32 $0x1, s1;
	s30 =	sshll.u32 s0, $0x1  }
0x3: {  	s6 =	rddreg [dreg:$0x0];
	s7 =	sor.u32 s8, s30  }
0x4: {  	s2 =	rddreg [dreg:$0x1];
	s3 =	simm.s32 $0x0;
	s4 =	sshll.u32 s7, $0x2  }
0x5: {  	s5 =	simm.s32 $0x2;
	[smem:$0x7FF] =	sst s3;
	s4 =	sadd.s32 s4, s6  }
0x6: {  	s1 =	rddreg [dreg:$0x2];
	_ =	strace $0x80000074;
	s4 =	sadd.s32 $0x14800, s4  }
0x7: {  	[tilespmem:s3], [sflag:$0x2] =	stream.linear.gather [hbm4b:s4+s3], $0x20, $0x38;
	[tilespmem:$0x1100] =	vst v63  }
0x8: {  	s7 =	sshll.u32 s7, $0x9;
	_ =	swait.ge [sflag:s5], $0x20  }
0x9: {  	s6 =	sadd.s32 s7, s6;
	[sflag:s5] =	ssyncset.done $0x0  }
0xa: {  	s7 =	simm.s32 $0x100;
	s6 =	sadd.s32 $0xA400, s6;
	[sflag:s5] =	ssyncadd.s32 $0xFFFFFFE0  }
0xb: {  	[tilespmem:s7], [sflag:$0x2] =	stream.linear.gather [hbm4b:s6+s3], $0x1000, $0x38;
	[tilespmem:$0x1100] =	vst v63  }
0xc: {  	_ =	swait.ge [sflag:s5], $0x1000  }
0xd: {  	[sflag:s5] =	ssyncset.done $0x0  }
0xe: {  	[sflag:s5] =	ssyncadd.s32 $0xFFFFF000  }
0xf: {  	s8 =	ssub.s32 $0x2, s8;
	v1 =	vld [tilespmem:$0x0]  }
0x10: {  	s31 =	sshrl.u32 s8, $0x1;
	v2 =	vld [tilespmem:$0x10]  }
0x11: {  	s9 =	sshll.u32 s0, $0xA;
	s8 =	ssub.s32 s8, s31  }
0x12: {  	s9 =	sand.u32 $0x3800, s9;
	s11 =	smax.u32 s8, $0x1  }
0x13: {  	v0 =	vmov s9;
	p0 =	sne.s32 s11, $0x1  }
.Ltmp0:
0x14: {  	v1 =	vadd.s32 v0, v1;
	(pc) =	sbr.rel @!p0 .LBB2_2-.Ltmp0, $4  }
0x15: {  	[tilespmem:$0x80] =	vst v1;
	v1 =	vadd.s32 v0, v2  }
0x16: {  	s10 =	simm.s32 $0x1;
	s9 =	simm.s32 $0x80;
	s8 =	simm.s32 $0x20;
	[tilespmem:$0x90] =	vst v1  }
0x17: {  	[hbm4b:s2+s8] =	stream.indirect.scatter [tilespmem:s7], [sflag:$0x1], $0x80, s9, s8, $0xb8;
	[tilespmem:$0x1100] =	vst v63  }
0x18: {  	s11 =	sadd.s32 $0xFFFFFFFF, s11;
	_ =	swait.ge [sflag:s10], $0x1000  }
.LBB2_1:
0x19: {  	p0 =	sne.s32 s11, $0x1;
	s11 =	sadd.s32 $0xFFFFFFFF, s11;
	[sflag:s10] =	ssyncset.done $0x0  }
0x1a: {  	[sflag:s10] =	ssyncadd.s32 $0xFFFFF000  }
0x1b: {  	[tilespmem:s3], [sflag:$0x2] =	stream.linear.gather [hbm4b:s4+s3], $0x20, $0x38;
	[tilespmem:$0x1100] =	vst v63  }
0x1c: {  	_ =	swait.ge [sflag:s5], $0x20  }
0x1d: {  	[sflag:s5] =	ssyncset.done $0x0  }
0x1e: {  	[sflag:s5] =	ssyncadd.s32 $0xFFFFFFE0  }
0x1f: {  	[tilespmem:s7], [sflag:$0x2] =	stream.linear.gather [hbm4b:s6+s3], $0x1000, $0x38;
	[tilespmem:$0x1100] =	vst v63  }
0x20: {  	_ =	swait.ge [sflag:s5], $0x1000  }
0x21: {  	[sflag:s5] =	ssyncset.done $0x0  }
0x22: {  	[sflag:s5] =	ssyncadd.s32 $0xFFFFF000  }
0x23: {  	v1 =	vld [tilespmem:$0x0]  }
0x24: {  	v2 =	vld [tilespmem:$0x10];
	_ =	sdelay $0x3  }
.Ltmp1:
0x25: {  	v1 =	vadd.s32 v0, v1;
	(pc) =	sbr.rel @p0 .LBB2_1-.Ltmp1, $4  }
0x26: {  	[tilespmem:$0x80] =	vst v1;
	v1 =	vadd.s32 v0, v2  }
0x27: {  	[tilespmem:$0x90] =	vst v1  }
0x28: {  	[hbm4b:s2+s8] =	stream.indirect.scatter [tilespmem:s7], [sflag:$0x1], $0x80, s9, s8, $0xb8;
	[tilespmem:$0x1100] =	vst v63  }
0x29: {  	_ =	swait.ge [sflag:s10], $0x1000  }
.LBB2_2:
0x2a: {  	[sflag:s10] =	ssyncset.done $0x0  }
0x2b: {  	[sflag:s10] =	ssyncadd.s32 $0xFFFFF000  }
0x2c: {  	_ =	sfence.sel $0x180000  }
0x2d: {  	[bflag:$0x0] =	sbarrier.arrive $0xFFFF  }
0x2e: {  	p0 =	sne.s32 s0, $0x0;
	_ =	strace $0x90000074  }
0x2f: {  	s0 =	sadd.s32 @!p0 $0x100000, s1;
	[bflag:$0x2] =	sbarrier.arrive $0xFFFF  }
0x30: {  	[sflag:s0] =	ssyncadd.tile.s32 @!p0 $0x1;
	_ =	shalt  }
.Lfunc_end2:
_tile_overlayer_lowered:
.L_overlay_start_2:
0x31: {  	(tag) =	ssettag $0x2  }
0x32: {  	s0 =	rddreg [dreg:$0x0];
	s2 =	stileid.u32  }
0x33: {  	s1 =	rddreg [dreg:$0x1];
	p0 =	sne.s32 s2, $0x0  }
0x34: {  	s3 =	rddreg [dreg:$0x2];
	[bflag:$0x3] =	sbarrier.arrive $0xFFFF;
	s2 =	simm.s32 @!p0 $0x1C02  }
0x35: {  	[timem:s3], [sflag:s2] =	dma.local @!p0 [hbm:s0], s1  }
0x36: {  	s0 =	simm.s32 @!p0 $0x2  }
0x37: {  	_ =	swait.ge @!p0 [sflag:s0], s1  }
0x38: {  	s1 =	ssub.s32 @!p0 $0x0, s1;
	[sflag:s0] =	ssyncset.done @!p0 $0x0  }
0x39: {  	[sflag:s0] =	ssyncadd.s32 @!p0 s1  }
0x3a: {  	[bflag:$0x3] =	sbarrier.arrive $0xFFFF  }
0x3b: {  	_ =	shalt  }

</sc_bundles>
